<compile_context>
chip_gen: v7x
topology: tpu7x:2x2x1
jax: 0.10.2.dev20260603
libtpu: 0.0.44.dev20260713+nightly
codegen_flags: <defaults>
</compile_context>

<pallas_src>
import dataclasses
import functools

import jax
import jax.numpy as jnp
import numpy as np
from jax import lax
from jax.experimental import pallas as pl
from jax.experimental.pallas import tpu as pltpu
from jax.experimental.pallas import tpu_sc as plsc

N_NODES_C = 10000
D = 128
NC = 2
NS = 16
NW = NC * NS
CH = 64
GRP = 16
NB = 3
LANES = 16
R_ACC = 10240
ROWS_PER_TILE = R_ACC // NS


_PERM = np.empty((D,), np.int32)
for _g in range(D // 32):
    for _j in range(16):
        _PERM[_g * 32 + 2 * _j] = _g * 32 + _j
        _PERM[_g * 32 + 2 * _j + 1] = _g * 32 + 16 + _j


def _gather16(x, idx):
    return lax.gather(
        x, idx[:, None],
        lax.GatherDimensionNumbers(offset_dims=(), collapsed_slice_dims=(0,),
                                   start_index_map=(0,)),
        (1,), mode=lax.GatherScatterMode.PROMISE_IN_BOUNDS)


def _sc_segment_sum(feature, src3d, dst3d, zacc, per_w):
    mesh = plsc.VectorSubcoreMesh(core_axis_name="c", subcore_axis_name="s")
    cp = pltpu.CompilerParams()
    if "needs_layout_passes" in pltpu.CompilerParams.__dataclass_fields__:
        cp = dataclasses.replace(cp, needs_layout_passes=False)
    if "use_tc_tiling_on_sc" in pltpu.CompilerParams.__dataclass_fields__:
        cp = dataclasses.replace(cp, use_tc_tiling_on_sc=False)

    @functools.partial(
        pl.kernel,
        compiler_params=cp,
        out_type=(
            jax.ShapeDtypeStruct((NC, R_ACC, D), jnp.float32),
            jax.ShapeDtypeStruct((NW, R_ACC), jnp.float32),
        ),
        mesh=mesh,
        scratch_types=[
            pltpu.VMEM((GRP, CH), jnp.int32),
            pltpu.VMEM((GRP // 2, 2 * CH), jnp.int32),
            pltpu.VMEM((CH, D), jnp.bfloat16),
            pltpu.VMEM((CH, D), jnp.bfloat16),
            pltpu.VMEM((CH, D), jnp.bfloat16),
            pltpu.VMEM((2 * CH, D), jnp.float32),
            pltpu.VMEM((R_ACC,), jnp.float32),
            pltpu.VMEM_SHARED((R_ACC, D), jnp.float32),
            pltpu.SemaphoreType.DMA,
            pltpu.SemaphoreType.DMA,
        ],
    )
    def sc_kernel(feat_hbm, src_hbm, dst2_hbm, zacc_hbm,
                  acc_out, deg_out,
                  src_v, dst2_v, rows_a, rows_b, rows_c, conv_v,
                  hist_v, acc_sp, sem_g, sem_s):
        c = lax.axis_index("c")
        s = lax.axis_index("s")
        wid = c * NS + s
        r0 = s * ROWS_PER_TILE
        rows = (rows_a, rows_b, rows_c)

        pltpu.sync_copy(zacc_hbm.at[pl.ds(r0, ROWS_PER_TILE)],
                        acc_sp.at[pl.ds(r0, ROWS_PER_TILE)])

        z16 = jnp.zeros((LANES,), jnp.float32)

        @pl.loop(0, R_ACC // LANES)
        def _(i):
            hist_v[pl.ds(i * LANES, LANES)] = z16

        plsc.subcore_barrier()

        ones16 = jnp.ones((LANES,), jnp.float32)
        lane_iota = lax.iota(jnp.int32, LANES)

        @pl.loop(0, per_w // GRP)
        def _(jo):
            pltpu.sync_copy(dst2_hbm.at[wid, pl.ds(jo * GRP // 2, GRP // 2)],
                            dst2_v)
            pltpu.sync_copy(src_hbm.at[wid, pl.ds(jo * GRP, GRP)], src_v)

            @pl.loop(0, GRP // 2)
            def _(k):
                for g in range(2 * CH // LANES):
                    idx = dst2_v[k, pl.ds(g * LANES, LANES)]
                    sk, _ = plsc.sort_key_val(idx, idx)
                    prev = _gather16(sk, jnp.maximum(lane_iota - 1, 0))
                    first = (lane_iota == 0) | (sk != prev)
                    t = jnp.where(first, lane_iota, LANES)
                    tp1 = _gather16(t, jnp.minimum(lane_iota + 1, LANES - 1))
                    tp1 = jnp.where(lane_iota == LANES - 1, LANES, tp1)
                    sfx = -lax.rev(plsc.cummax(lax.rev(-tp1, (0,))), (0,))
                    cnt = (sfx - lane_iota).astype(jnp.float32)
                    plsc.addupdate_scatter(hist_v, [sk], cnt, mask=first)

            g = [None] * NB
            for k in range(NB - 1):
                g[k] = pltpu.async_copy(feat_hbm.at[src_v.at[k]],
                                        rows[k], sem_g)
            for k in range(GRP):
                b = k % NB
                g[b].wait()
                if k + NB - 1 < GRP:
                    nb = (k + NB - 1) % NB
                    g[nb] = pltpu.async_copy(
                        feat_hbm.at[src_v.at[k + NB - 1]], rows[nb], sem_g)

                rb = rows[b]
                hmask = jnp.uint32(0xFFFF0000)
                half = (k % 2) * CH

                @pl.loop(0, CH)
                def _(r):
                    for g2 in range(D // 32):
                        v = rb[r, pl.ds(g2 * 32, 32)]
                        u = plsc.bitcast(v, jnp.uint32)
                        lo = plsc.bitcast(u << 16, jnp.float32)
                        hi = plsc.bitcast(u & hmask, jnp.float32)
                        conv_v[half + r, pl.ds(g2 * 32, LANES)] = lo
                        conv_v[half + r, pl.ds(g2 * 32 + LANES, LANES)] = hi

                if k % 2 == 1:
                    pltpu.sync_copy(conv_v, acc_sp.at[dst2_v.at[k // 2]],
                                    add=True)

        plsc.subcore_barrier()
        pltpu.sync_copy(acc_sp.at[pl.ds(r0, ROWS_PER_TILE)],
                        acc_out.at[c, pl.ds(r0, ROWS_PER_TILE)])
        pltpu.sync_copy(hist_v, deg_out.at[wid])

    return sc_kernel(feature, src3d,
                     dst3d.reshape(NW, per_w // 2, 2 * CH), zacc)


def _tc_finish_body(acc_ref, deg_ref, feat_ref, w_ref, b_ref, out_ref):
    summed = acc_ref[0] + acc_ref[1]
    deg = lax.dot_general(deg_ref[...], jnp.ones((NW, 1), jnp.float32),
                          (((0,), (0,)), ((), ())),
                          preferred_element_type=jnp.float32)
    mean = summed / jnp.maximum(deg, 1.0)
    h = jnp.where(deg > 0.0, mean, feat_ref[...])
    y = lax.dot_general(h, w_ref[...], (((1,), (1,)), ((), ())),
                        preferred_element_type=jnp.float32)
    out_ref[...] = jnp.maximum(y + b_ref[...], 0.0)


def _tc_finish(acc_p, deg_p, feature, W, b2):
    blk = 1024
    grid = (R_ACC // blk,)
    return pl.pallas_call(
        _tc_finish_body,
        grid=grid,
        in_specs=[
            pl.BlockSpec((NC, blk, D), lambda i: (0, i, 0)),
            pl.BlockSpec((NW, blk), lambda i: (0, i)),
            pl.BlockSpec((blk, D), lambda i: (i, 0)),
            pl.BlockSpec((D, D), lambda i: (0, 0)),
            pl.BlockSpec((1, D), lambda i: (0, 0)),
        ],
        out_specs=pl.BlockSpec((blk, D), lambda i: (i, 0)),
        out_shape=jax.ShapeDtypeStruct((R_ACC, D), jnp.float32),
    )(acc_p, deg_p, feature, W, b2)


def kernel(feature, edge_index, W, b):
    n_edges = edge_index.shape[1]
    per_w = -(-n_edges // (NW * CH))
    per_w = -(-per_w // GRP) * GRP
    e_pad = NW * CH * per_w
    pad = e_pad - n_edges

    src = edge_index[0]
    dst = edge_index[1]
    if pad:
        src = jnp.concatenate([src, jnp.zeros((pad,), jnp.int32)])
        dst = jnp.concatenate([dst, jnp.full((pad,), N_NODES_C, jnp.int32)])
    src3d = src.reshape(NW, per_w, CH)
    dst3d = dst.reshape(NW, per_w, CH)

    zacc = jnp.zeros((R_ACC, D), jnp.float32)
    feat_tab = feature[:, _PERM].astype(jnp.bfloat16)

    acc_p, deg_p = _sc_segment_sum(feat_tab, src3d, dst3d, zacc, per_w)
    out = _tc_finish(acc_p, deg_p, feature, W, b.reshape(1, D))
    return out[:N_NODES_C]

# --- scband reference (transcript-rebuilt; emitter-appended) ---
"""Pipeline reference for scband-gcn-20615843021391 (READ-ONLY COPY).

The authoritative reference and input builder live on the scoring server;
editing this copy changes nothing except your own understanding.
"""

import jax, jax.numpy as jnp
import numpy as np

N_NODES = 10000
N_EDGES = 320000
D_FEAT = 128
D_OUT = 128


def setup_inputs(seed: int = 0) -> dict:
    key = jax.random.key(seed)
    k1, k2, k3, k4 = jax.random.split(key, 4)
    feature = jax.random.normal(k1, (N_NODES, D_FEAT), dtype=jnp.float32)
    edge_index = jax.random.randint(k2, (2, N_EDGES), 0, N_NODES, dtype=jnp.int32)
    # Linear layer params (torch nn.Linear: out = x @ W.T + b)
    bound = 1.0 / np.sqrt(D_FEAT)
    W = jax.random.uniform(k3, (D_OUT, D_FEAT), dtype=jnp.float32, minval=-bound, maxval=bound)
    b = jax.random.uniform(k4, (D_OUT,), dtype=jnp.float32, minval=-bound, maxval=bound)
    return {"feature": feature, "edge_index": edge_index, "W": W, "b": b}


def reference(feature, edge_index, W, b):
    # DGL: msg = copy_src('h'), reduce = mean over mailbox, then apply ReLU(W h + b)
    src = edge_index[0]
    dst = edge_index[1]
    # gather source node features along edges
    m = jnp.take(feature, src, axis=0)
    # mean-reduce messages per destination node
    summed = jax.ops.segment_sum(m, dst, num_segments=N_NODES)
    deg = jax.ops.segment_sum(jnp.ones((N_EDGES,), jnp.float32), dst, num_segments=N_NODES)
    mean_msg = summed / jnp.maximum(deg, 1.0)[:, None]
    # DGL update_all only overwrites nodes that received messages; zero-in-degree nodes keep h
    h = jnp.where((deg > 0)[:, None], mean_msg, feature)
    # apply_nodes: ReLU(Linear(h))
    out = jax.nn.relu(h @ W.T + b)
    return out

if __name__ == "__main__":
    import jax
    _d = setup_inputs()
    print(jax.jit(kernel)(*tuple(_d.values())))

</pallas_src>

<mosaic_0001>
#map = affine_map<(d0, d1) -> (0, 0)>
#map1 = affine_map<(d0, d1) -> (0, 0, 0)>
module attributes {stable_mosaic.version = 14 : i64} {
  func.func @sc_kernel(%arg0: i32, %arg1: i32, %arg2: memref<10000x128xbf16, #tpu.memory_space<hbm>>, %arg3: memref<32x160x64xi32, #tpu.memory_space<hbm>>, %arg4: memref<32x80x128xi32, #tpu.memory_space<hbm>>, %arg5: memref<10240x128xf32, #tpu.memory_space<hbm>>, %arg6: memref<2x10240x128xf32, #tpu.memory_space<hbm>>, %arg7: memref<32x10240xf32, #tpu.memory_space<hbm>>, %arg8: memref<16x64xi32, #tpu.memory_space<vmem>>, %arg9: memref<8x128xi32, #tpu.memory_space<vmem>>, %arg10: memref<64x128xbf16, #tpu.memory_space<vmem>>, %arg11: memref<64x128xbf16, #tpu.memory_space<vmem>>, %arg12: memref<64x128xbf16, #tpu.memory_space<vmem>>, %arg13: memref<128x128xf32, #tpu.memory_space<vmem>>, %arg14: memref<10240xf32, #tpu.memory_space<vmem>>, %arg15: memref<10240x128xf32, #tpu.memory_space<vmem_shared>>, %arg16: memref<!tpu.dma_semaphore, #tpu.memory_space<semaphore_mem>>, %arg17: memref<!tpu.dma_semaphore, #tpu.memory_space<semaphore_mem>>) attributes {dimension_semantics = [#tpu.dimension_semantics<core_parallel>, #tpu.dimension_semantics<subcore_parallel>], iteration_bounds = array<i64: 2, 16>, scalar_prefetch = 0 : i64, scratch_operands = 10 : i64, tpu.core_type = #tpu.core_type<sc_vector_subcore>, window_params = [{transform_indices = #map}, {transform_indices = #map1}, {transform_indices = #map1}, {transform_indices = #map}, {transform_indices = #map1}, {transform_indices = #map}]} {
    %mul3A = arith.constant 16 : i32
    %mul3A_0 = arith.muli %arg0, %mul3A : i32
    %add3A = arith.addi %mul3A_0, %arg1 : i32
    %mul3A_1 = arith.constant 640 : i32
    %mul3A_2 = arith.muli %arg1, %mul3A_1 : i32
    "tpu.region"() ({
      %run_scoped3A = tpu.sem_alloc : memref<!tpu.dma_semaphore, #tpu.memory_space<semaphore_mem>>
      %dma_start3A = arith.constant 0 : i32
      %dma_start3A_16 = tpu.memref_slice %arg15[%mul3A_2, %dma_start3A] : memref<10240x128xf32, #tpu.memory_space<vmem_shared>> -> memref<640x128xf32, #tpu.memory_space<vmem_shared>>
      %dma_start3A_17 = arith.constant 0 : i32
      %dma_start3A_18 = tpu.memref_slice %arg5[%mul3A_2, %dma_start3A_17] : memref<10240x128xf32, #tpu.memory_space<hbm>> -> memref<640x128xf32, #tpu.memory_space<hbm>>
      tpu.enqueue_dma source(%dma_start3A_18 : memref<640x128xf32, #tpu.memory_space<hbm>>) target(%dma_start3A_16 : memref<640x128xf32, #tpu.memory_space<vmem_shared>>) target_semaphore(%run_scoped3A : memref<!tpu.dma_semaphore, #tpu.memory_space<semaphore_mem>>)
      %dma_wait3A = arith.constant 0 : i32
      %dma_wait3A_19 = tpu.memref_slice %arg15[%mul3A_2, %dma_wait3A] : memref<10240x128xf32, #tpu.memory_space<vmem_shared>> -> memref<640x128xf32, #tpu.memory_space<vmem_shared>>
      %dma_wait3A_20 = arith.constant 0 : i32
      %dma_wait3A_21 = tpu.memref_slice %arg5[%mul3A_2, %dma_wait3A_20] : memref<10240x128xf32, #tpu.memory_space<hbm>> -> memref<640x128xf32, #tpu.memory_space<hbm>>
      tpu.wait_dma2 semaphore(%run_scoped3A : memref<!tpu.dma_semaphore, #tpu.memory_space<semaphore_mem>>) src(%dma_wait3A_21 : memref<640x128xf32, #tpu.memory_space<hbm>>) dst(%dma_wait3A_19 : memref<640x128xf32, #tpu.memory_space<vmem_shared>>)
      tpu.yield
    }) : () -> ()
    %broadcast_in_dim3A = arith.constant 0.000000e+00 : f32
    %broadcast_in_dim3A_3 = vector.broadcast %broadcast_in_dim3A : f32 to vector<16xf32>
    %scan3A = arith.constant 0 : i32
    %scan3A_4 = arith.constant 640 : i32
    %scan3A_5 = arith.addi %scan3A, %scan3A_4 : i32
    %scan3A_6 = arith.constant 1 : i32
    scf.for %scan3A_16 = %scan3A to %scan3A_5 step %scan3A_6  : i32 {
      %mul3A_17 = arith.constant 1 : i32
      %mul3A_18 = arith.muli %scan3A_16, %mul3A_17 : i32
      %add3A_19 = arith.constant 0 : i32
      %add3A_20 = arith.addi %add3A_19, %mul3A_18 : i32
      %mul3A_21 = arith.constant 16 : i32
      %mul3A_22 = arith.muli %add3A_20, %mul3A_21 : i32
      %swap3A = arith.index_cast %mul3A_22 : i32 to index
      %swap3A_23 = tpu.vector_load %arg14[%swap3A] {strides = array<i32>} : memref<10240xf32, #tpu.memory_space<vmem>>, vector<16xf32>,
      tpu.vector_store %arg14[%swap3A], %broadcast_in_dim3A_3 {strides = array<i32>} : memref<10240xf32, #tpu.memory_space<vmem>>, vector<16xf32>,
    }
    %scan3A_7 = arith.constant 640 : i32
    %barrier3A = arith.constant 0 : index
    tpu.barrier barrier_id(%barrier3A)
    %broadcast_in_dim3A_8 = arith.constant 1.000000e+00 : f32
    %broadcast_in_dim3A_9 = vector.broadcast %broadcast_in_dim3A_8 : f32 to vector<16xf32>
    %iota3A = tpu.iota {dimensions = array<i32: 0>} : vector<16xi32>
    %scan3A_10 = arith.constant 0 : i32
    %scan3A_11 = arith.constant 10 : i32
    %scan3A_12 = arith.addi %scan3A_10, %scan3A_11 : i32
    %scan3A_13 = arith.constant 1 : i32
    scf.for %scan3A_16 = %scan3A_10 to %scan3A_12 step %scan3A_13  : i32 {
      %mul3A_17 = arith.constant 1 : i32
      %mul3A_18 = arith.muli %scan3A_16, %mul3A_17 : i32
      %add3A_19 = arith.constant 0 : i32
      %add3A_20 = arith.addi %add3A_19, %mul3A_18 : i32
      %mul3A_21 = arith.constant 16 : i32
      %mul3A_22 = arith.muli %add3A_20, %mul3A_21 : i32
      %jit3A = arith.constant 2 : i32
      %div3A = arith.divsi %mul3A_22, %jit3A : i32
      %sign3A = arith.constant 0 : i32
      %sign3A_23 = arith.cmpi sgt, %mul3A_22, %sign3A : i32
      %sign3A_24 = arith.extui %sign3A_23 : i1 to i32
      %sign3A_25 = arith.constant 0 : i32
      %sign3A_26 = arith.cmpi slt, %mul3A_22, %sign3A_25 : i32
      %sign3A_27 = arith.extui %sign3A_26 : i1 to i32
      %sign3A_28 = arith.subi %sign3A_24, %sign3A_27 : i32
      %sign3A_29 = arith.constant 0 : i32
      %sign3A_30 = arith.cmpi sgt, %jit3A, %sign3A_29 : i32
      %sign3A_31 = arith.extui %sign3A_30 : i1 to i32
      %sign3A_32 = arith.constant 0 : i32
      %sign3A_33 = arith.cmpi slt, %jit3A, %sign3A_32 : i32
      %sign3A_34 = arith.extui %sign3A_33 : i1 to i32
      %sign3A_35 = arith.subi %sign3A_31, %sign3A_34 : i32
      %ne3A = arith.cmpi ne, %sign3A_28, %sign3A_35 : i32
      %rem3A = arith.remsi %mul3A_22, %jit3A : i32
      %ne3A_36 = arith.constant 0 : i32
      %ne3A_37 = arith.cmpi ne, %rem3A, %ne3A_36 : i32
      %and3A = arith.andi %ne3A, %ne3A_37 : i1
      %sub3A = arith.constant 1 : i32
      %sub3A_38 = arith.subi %div3A, %sub3A : i32
      %select_n3A = arith.select %and3A, %sub3A_38, %div3A : i32
      "tpu.region"() ({
        %run_scoped3A_371 = tpu.sem_alloc : memref<!tpu.dma_semaphore, #tpu.memory_space<semaphore_mem>>
        %dma_start3A_372 = arith.constant 0 : i32
        %dma_start3A_373 = tpu.memref_slice %arg4[%add3A, %select_n3A, %dma_start3A_372] : memref<32x80x128xi32, #tpu.memory_space<hbm>> -> memref<1x8x128xi32, #tpu.memory_space<hbm>>
        %dma_start3A_374 = tpu.memref_squeeze %dma_start3A_373 : memref<1x8x128xi32, #tpu.memory_space<hbm>> -> memref<8x128xi32, #tpu.memory_space<hbm>>
        %dma_start3A_375 = arith.constant 0 : i32
        %dma_start3A_376 = tpu.memref_slice %arg4[%add3A, %select_n3A, %dma_start3A_375] : memref<32x80x128xi32, #tpu.memory_space<hbm>> -> memref<1x8x128xi32, #tpu.memory_space<hbm>>
        %dma_start3A_377 = tpu.memref_squeeze %dma_start3A_376 : memref<1x8x128xi32, #tpu.memory_space<hbm>> -> memref<8x128xi32, #tpu.memory_space<hbm>>
        tpu.enqueue_dma source(%dma_start3A_377 : memref<8x128xi32, #tpu.memory_space<hbm>>) target(%arg9 : memref<8x128xi32, #tpu.memory_space<vmem>>) target_semaphore(%run_scoped3A_371 : memref<!tpu.dma_semaphore, #tpu.memory_space<semaphore_mem>>)
        %dma_wait3A_378 = arith.constant 0 : i32
        %dma_wait3A_379 = tpu.memref_slice %arg4[%add3A, %select_n3A, %dma_wait3A_378] : memref<32x80x128xi32, #tpu.memory_space<hbm>> -> memref<1x8x128xi32, #tpu.memory_space<hbm>>
        %dma_wait3A_380 = tpu.memref_squeeze %dma_wait3A_379 : memref<1x8x128xi32, #tpu.memory_space<hbm>> -> memref<8x128xi32, #tpu.memory_space<hbm>>
        %dma_wait3A_381 = arith.constant 0 : i32
        %dma_wait3A_382 = tpu.memref_slice %arg4[%add3A, %select_n3A, %dma_wait3A_381] : memref<32x80x128xi32, #tpu.memory_space<hbm>> -> memref<1x8x128xi32, #tpu.memory_space<hbm>>
        %dma_wait3A_383 = tpu.memref_squeeze %dma_wait3A_382 : memref<1x8x128xi32, #tpu.memory_space<hbm>> -> memref<8x128xi32, #tpu.memory_space<hbm>>
        tpu.wait_dma2 semaphore(%run_scoped3A_371 : memref<!tpu.dma_semaphore, #tpu.memory_space<semaphore_mem>>) src(%dma_wait3A_383 : memref<8x128xi32, #tpu.memory_space<hbm>>) dst(%arg9 : memref<8x128xi32, #tpu.memory_space<vmem>>)
        tpu.yield
      }) : () -> ()
      %mul3A_39 = arith.constant 16 : i32
      %mul3A_40 = arith.muli %add3A_20, %mul3A_39 : i32
      "tpu.region"() ({
        %run_scoped3A_371 = tpu.sem_alloc : memref<!tpu.dma_semaphore, #tpu.memory_space<semaphore_mem>>
        %dma_start3A_372 = arith.constant 0 : i32
        %dma_start3A_373 = tpu.memref_slice %arg3[%add3A, %mul3A_40, %dma_start3A_372] : memref<32x160x64xi32, #tpu.memory_space<hbm>> -> memref<1x16x64xi32, #tpu.memory_space<hbm>>
        %dma_start3A_374 = tpu.memref_squeeze %dma_start3A_373 : memref<1x16x64xi32, #tpu.memory_space<hbm>> -> memref<16x64xi32, #tpu.memory_space<hbm>>
        %dma_start3A_375 = arith.constant 0 : i32
        %dma_start3A_376 = tpu.memref_slice %arg3[%add3A, %mul3A_40, %dma_start3A_375] : memref<32x160x64xi32, #tpu.memory_space<hbm>> -> memref<1x16x64xi32, #tpu.memory_space<hbm>>
        %dma_start3A_377 = tpu.memref_squeeze %dma_start3A_376 : memref<1x16x64xi32, #tpu.memory_space<hbm>> -> memref<16x64xi32, #tpu.memory_space<hbm>>
        tpu.enqueue_dma source(%dma_start3A_377 : memref<16x64xi32, #tpu.memory_space<hbm>>) target(%arg8 : memref<16x64xi32, #tpu.memory_space<vmem>>) target_semaphore(%run_scoped3A_371 : memref<!tpu.dma_semaphore, #tpu.memory_space<semaphore_mem>>)
        %dma_wait3A_378 = arith.constant 0 : i32
        %dma_wait3A_379 = tpu.memref_slice %arg3[%add3A, %mul3A_40, %dma_wait3A_378] : memref<32x160x64xi32, #tpu.memory_space<hbm>> -> memref<1x16x64xi32, #tpu.memory_space<hbm>>
        %dma_wait3A_380 = tpu.memref_squeeze %dma_wait3A_379 : memref<1x16x64xi32, #tpu.memory_space<hbm>> -> memref<16x64xi32, #tpu.memory_space<hbm>>
        %dma_wait3A_381 = arith.constant 0 : i32
        %dma_wait3A_382 = tpu.memref_slice %arg3[%add3A, %mul3A_40, %dma_wait3A_381] : memref<32x160x64xi32, #tpu.memory_space<hbm>> -> memref<1x16x64xi32, #tpu.memory_space<hbm>>
        %dma_wait3A_383 = tpu.memref_squeeze %dma_wait3A_382 : memref<1x16x64xi32, #tpu.memory_space<hbm>> -> memref<16x64xi32, #tpu.memory_space<hbm>>
        tpu.wait_dma2 semaphore(%run_scoped3A_371 : memref<!tpu.dma_semaphore, #tpu.memory_space<semaphore_mem>>) src(%dma_wait3A_383 : memref<16x64xi32, #tpu.memory_space<hbm>>) dst(%arg8 : memref<16x64xi32, #tpu.memory_space<vmem>>)
        tpu.yield
      }) : () -> ()
      %scan3A_41 = arith.constant 0 : i32
      %scan3A_42 = arith.constant 8 : i32
      %scan3A_43 = arith.addi %scan3A_41, %scan3A_42 : i32
      %scan3A_44 = arith.constant 1 : i32
      scf.for %scan3A_371 = %scan3A_41 to %scan3A_43 step %scan3A_44  : i32 {
        %mul3A_372 = arith.constant 1 : i32
        %mul3A_373 = arith.muli %scan3A_371, %mul3A_372 : i32
        %add3A_374 = arith.constant 0 : i32
        %add3A_375 = arith.addi %add3A_374, %mul3A_373 : i32
        %get3A = arith.index_cast %add3A_375 : i32 to index
        %get3A_376 = arith.constant 0 : index
        %get3A_377 = tpu.vector_load %arg9[%get3A, %get3A_376] {strides = array<i32>} : memref<8x128xi32, #tpu.memory_space<vmem>>, vector<16xi32>,
        %masked_sort3A = arith.constant dense<true> : vector<16xi1>
        %masked_sort3A_378 = arith.constant -2147483648 : i32
        %masked_sort3A_379 = vector.broadcast %masked_sort3A_378 : i32 to vector<16xi32>
        %masked_sort3A_380 = arith.xori %get3A_377, %masked_sort3A_379 : vector<16xi32>
        %masked_sort3A_381, %masked_sort3A_382, %masked_sort3A_383 = tpu.sort %masked_sort3A_380, %get3A_377 masked %masked_sort3A : (vector<16xi32>, vector<16xi32>, vector<16xi1>) -> (vector<16xi1>, vector<16xi32>, vector<16xi32>)
        %masked_sort3A_384 = arith.xori %masked_sort3A_382, %masked_sort3A_379 : vector<16xi32>
        %sub3A_385 = arith.constant 1 : i32
        %sub3A_386 = vector.broadcast %sub3A_385 : i32 to vector<16xi32>
        %sub3A_387 = arith.subi %iota3A, %sub3A_386 : vector<16xi32>
        %max3A = arith.constant 0 : i32
        %max3A_388 = vector.broadcast %max3A : i32 to vector<16xi32>
        %max3A_389 = arith.maxsi %sub3A_387, %max3A_388 : vector<16xi32>
        %broadcast_in_dim3A_390 = vector.shape_cast %max3A_389 : vector<16xi32> to vector<16x1xi32>
        %gather3A = vector.shape_cast %broadcast_in_dim3A_390 : vector<16x1xi32> to vector<16xi32>
        %gather3A_391 = tpu.dynamic_gather %masked_sort3A_384[%gather3A] in [0] : vector<16xi32>, vector<16xi32> -> vector<16xi32>
        %eq3A = arith.constant 0 : i32
        %eq3A_392 = vector.broadcast %eq3A : i32 to vector<16xi32>
        %eq3A_393 = arith.cmpi eq, %iota3A, %eq3A_392 : vector<16xi32>
        %ne3A_394 = arith.cmpi ne, %masked_sort3A_384, %gather3A_391 : vector<16xi32>
        %or3A = arith.ori %eq3A_393, %ne3A_394 : vector<16xi1>
        %jit3A_395 = arith.constant 16 : i32
        %broadcast_in_dim3A_396 = vector.broadcast %jit3A_395 : i32 to vector<16xi32>
        %select_n3A_397 = arith.select %or3A, %iota3A, %broadcast_in_dim3A_396 : vector<16xi1>, vector<16xi32>
        %add3A_398 = arith.constant 1 : i32
        %add3A_399 = vector.broadcast %add3A_398 : i32 to vector<16xi32>
        %add3A_400 = arith.addi %iota3A, %add3A_399 : vector<16xi32>
        %min3A = arith.constant 15 : i32
        %min3A_401 = vector.broadcast %min3A : i32 to vector<16xi32>
        %min3A_402 = arith.minsi %add3A_400, %min3A_401 : vector<16xi32>
        %broadcast_in_dim3A_403 = vector.shape_cast %min3A_402 : vector<16xi32> to vector<16x1xi32>
        %gather3A_404 = vector.shape_cast %broadcast_in_dim3A_403 : vector<16x1xi32> to vector<16xi32>
        %gather3A_405 = tpu.dynamic_gather %select_n3A_397[%gather3A_404] in [0] : vector<16xi32>, vector<16xi32> -> vector<16xi32>
        %eq3A_406 = arith.constant 15 : i32
        %eq3A_407 = vector.broadcast %eq3A_406 : i32 to vector<16xi32>
        %eq3A_408 = arith.cmpi eq, %iota3A, %eq3A_407 : vector<16xi32>
        %jit3A_409 = arith.constant 16 : i32
        %broadcast_in_dim3A_410 = vector.broadcast %jit3A_409 : i32 to vector<16xi32>
        %select_n3A_411 = arith.select %eq3A_408, %broadcast_in_dim3A_410, %gather3A_405 : vector<16xi1>, vector<16xi32>
        %neg3A = arith.constant 0 : i32
        %neg3A_412 = vector.broadcast %neg3A : i32 to vector<16xi32>
        %neg3A_413 = arith.subi %neg3A_412, %select_n3A_411 : vector<16xi32>
        %rev3A = arith.constant 15 : i32
        %rev3A_414 = vector.broadcast %rev3A : i32 to vector<16xi32>
        %rev3A_415 = tpu.iota {dimensions = array<i32: 0>} : vector<16xi32>
        %rev3A_416 = arith.subi %rev3A_414, %rev3A_415 : vector<16xi32>
        %rev3A_417 = tpu.dynamic_gather %neg3A_413[%rev3A_416] in [0] : vector<16xi32>, vector<16xi32> -> vector<16xi32>
        %broadcast_in_dim3A_418 = arith.constant true
        %broadcast_in_dim3A_419 = vector.broadcast %broadcast_in_dim3A_418 : i1 to vector<16xi1>
        %masked_cummax3A = arith.constant -2147483648 : i32
        %masked_cummax3A_420 = vector.broadcast %masked_cummax3A : i32 to vector<16xi32>
        %masked_cummax3A_421 = arith.xori %rev3A_417, %masked_cummax3A_420 : vector<16xi32>
        %masked_cummax3A_422 = tpu.scan <max>, %masked_cummax3A_421 masked %broadcast_in_dim3A_419 : vector<16xi32>, vector<16xi1> -> vector<16xi32>
        %masked_cummax3A_423 = arith.xori %masked_cummax3A_422, %masked_cummax3A_420 : vector<16xi32>
        %rev3A_424 = arith.constant 15 : i32
        %rev3A_425 = vector.broadcast %rev3A_424 : i32 to vector<16xi32>
        %rev3A_426 = tpu.iota {dimensions = array<i32: 0>} : vector<16xi32>
        %rev3A_427 = arith.subi %rev3A_425, %rev3A_426 : vector<16xi32>
        %rev3A_428 = tpu.dynamic_gather %masked_cummax3A_423[%rev3A_427] in [0] : vector<16xi32>, vector<16xi32> -> vector<16xi32>
        %neg3A_429 = arith.constant 0 : i32
        %neg3A_430 = vector.broadcast %neg3A_429 : i32 to vector<16xi32>
        %neg3A_431 = arith.subi %neg3A_430, %rev3A_428 : vector<16xi32>
        %sub3A_432 = arith.subi %neg3A_431, %iota3A : vector<16xi32>
        %convert_element_type3A = arith.sitofp %sub3A_432 : vector<16xi32> to vector<16xf32>
        tpu.vector_store_idx %arg14[%masked_sort3A_384], %convert_element_type3A masked %or3A {add = true} : memref<10240xf32, #tpu.memory_space<vmem>>[vector<16xi32>], vector<16xf32>, vector<16xi1>
        %get3A_433 = arith.index_cast %add3A_375 : i32 to index
        %get3A_434 = arith.constant 16 : index
        %get3A_435 = tpu.vector_load %arg9[%get3A_433, %get3A_434] {strides = array<i32>} : memref<8x128xi32, #tpu.memory_space<vmem>>, vector<16xi32>,
        %masked_sort3A_436 = arith.constant dense<true> : vector<16xi1>
        %masked_sort3A_437 = arith.constant -2147483648 : i32
        %masked_sort3A_438 = vector.broadcast %masked_sort3A_437 : i32 to vector<16xi32>
        %masked_sort3A_439 = arith.xori %get3A_435, %masked_sort3A_438 : vector<16xi32>
        %masked_sort3A_440, %masked_sort3A_441, %masked_sort3A_442 = tpu.sort %masked_sort3A_439, %get3A_435 masked %masked_sort3A_436 : (vector<16xi32>, vector<16xi32>, vector<16xi1>) -> (vector<16xi1>, vector<16xi32>, vector<16xi32>)
        %masked_sort3A_443 = arith.xori %masked_sort3A_441, %masked_sort3A_438 : vector<16xi32>
        %sub3A_444 = arith.constant 1 : i32
        %sub3A_445 = vector.broadcast %sub3A_444 : i32 to vector<16xi32>
        %sub3A_446 = arith.subi %iota3A, %sub3A_445 : vector<16xi32>
        %max3A_447 = arith.constant 0 : i32
        %max3A_448 = vector.broadcast %max3A_447 : i32 to vector<16xi32>
        %max3A_449 = arith.maxsi %sub3A_446, %max3A_448 : vector<16xi32>
        %broadcast_in_dim3A_450 = vector.shape_cast %max3A_449 : vector<16xi32> to vector<16x1xi32>
        %gather3A_451 = vector.shape_cast %broadcast_in_dim3A_450 : vector<16x1xi32> to vector<16xi32>
        %gather3A_452 = tpu.dynamic_gather %masked_sort3A_443[%gather3A_451] in [0] : vector<16xi32>, vector<16xi32> -> vector<16xi32>
        %eq3A_453 = arith.constant 0 : i32
        %eq3A_454 = vector.broadcast %eq3A_453 : i32 to vector<16xi32>
        %eq3A_455 = arith.cmpi eq, %iota3A, %eq3A_454 : vector<16xi32>
        %ne3A_456 = arith.cmpi ne, %masked_sort3A_443, %gather3A_452 : vector<16xi32>
        %or3A_457 = arith.ori %eq3A_455, %ne3A_456 : vector<16xi1>
        %jit3A_458 = arith.constant 16 : i32
        %broadcast_in_dim3A_459 = vector.broadcast %jit3A_458 : i32 to vector<16xi32>
        %select_n3A_460 = arith.select %or3A_457, %iota3A, %broadcast_in_dim3A_459 : vector<16xi1>, vector<16xi32>
        %add3A_461 = arith.constant 1 : i32
        %add3A_462 = vector.broadcast %add3A_461 : i32 to vector<16xi32>
        %add3A_463 = arith.addi %iota3A, %add3A_462 : vector<16xi32>
        %min3A_464 = arith.constant 15 : i32
        %min3A_465 = vector.broadcast %min3A_464 : i32 to vector<16xi32>
        %min3A_466 = arith.minsi %add3A_463, %min3A_465 : vector<16xi32>
        %broadcast_in_dim3A_467 = vector.shape_cast %min3A_466 : vector<16xi32> to vector<16x1xi32>
        %gather3A_468 = vector.shape_cast %broadcast_in_dim3A_467 : vector<16x1xi32> to vector<16xi32>
        %gather3A_469 = tpu.dynamic_gather %select_n3A_460[%gather3A_468] in [0] : vector<16xi32>, vector<16xi32> -> vector<16xi32>
        %eq3A_470 = arith.constant 15 : i32
        %eq3A_471 = vector.broadcast %eq3A_470 : i32 to vector<16xi32>
        %eq3A_472 = arith.cmpi eq, %iota3A, %eq3A_471 : vector<16xi32>
        %jit3A_473 = arith.constant 16 : i32
        %broadcast_in_dim3A_474 = vector.broadcast %jit3A_473 : i32 to vector<16xi32>
        %select_n3A_475 = arith.select %eq3A_472, %broadcast_in_dim3A_474, %gather3A_469 : vector<16xi1>, vector<16xi32>
        %neg3A_476 = arith.constant 0 : i32
        %neg3A_477 = vector.broadcast %neg3A_476 : i32 to vector<16xi32>
        %neg3A_478 = arith.subi %neg3A_477, %select_n3A_475 : vector<16xi32>
        %rev3A_479 = arith.constant 15 : i32
        %rev3A_480 = vector.broadcast %rev3A_479 : i32 to vector<16xi32>
        %rev3A_481 = tpu.iota {dimensions = array<i32: 0>} : vector<16xi32>
        %rev3A_482 = arith.subi %rev3A_480, %rev3A_481 : vector<16xi32>
        %rev3A_483 = tpu.dynamic_gather %neg3A_478[%rev3A_482] in [0] : vector<16xi32>, vector<16xi32> -> vector<16xi32>
        %broadcast_in_dim3A_484 = arith.constant true
        %broadcast_in_dim3A_485 = vector.broadcast %broadcast_in_dim3A_484 : i1 to vector<16xi1>
        %masked_cummax3A_486 = arith.constant -2147483648 : i32
        %masked_cummax3A_487 = vector.broadcast %masked_cummax3A_486 : i32 to vector<16xi32>
        %masked_cummax3A_488 = arith.xori %rev3A_483, %masked_cummax3A_487 : vector<16xi32>
        %masked_cummax3A_489 = tpu.scan <max>, %masked_cummax3A_488 masked %broadcast_in_dim3A_485 : vector<16xi32>, vector<16xi1> -> vector<16xi32>
        %masked_cummax3A_490 = arith.xori %masked_cummax3A_489, %masked_cummax3A_487 : vector<16xi32>
        %rev3A_491 = arith.constant 15 : i32
        %rev3A_492 = vector.broadcast %rev3A_491 : i32 to vector<16xi32>
        %rev3A_493 = tpu.iota {dimensions = array<i32: 0>} : vector<16xi32>
        %rev3A_494 = arith.subi %rev3A_492, %rev3A_493 : vector<16xi32>
        %rev3A_495 = tpu.dynamic_gather %masked_cummax3A_490[%rev3A_494] in [0] : vector<16xi32>, vector<16xi32> -> vector<16xi32>
        %neg3A_496 = arith.constant 0 : i32
        %neg3A_497 = vector.broadcast %neg3A_496 : i32 to vector<16xi32>
        %neg3A_498 = arith.subi %neg3A_497, %rev3A_495 : vector<16xi32>
        %sub3A_499 = arith.subi %neg3A_498, %iota3A : vector<16xi32>
        %convert_element_type3A_500 = arith.sitofp %sub3A_499 : vector<16xi32> to vector<16xf32>
        tpu.vector_store_idx %arg14[%masked_sort3A_443], %convert_element_type3A_500 masked %or3A_457 {add = true} : memref<10240xf32, #tpu.memory_space<vmem>>[vector<16xi32>], vector<16xf32>, vector<16xi1>
        %get3A_501 = arith.index_cast %add3A_375 : i32 to index
        %get3A_502 = arith.constant 32 : index
        %get3A_503 = tpu.vector_load %arg9[%get3A_501, %get3A_502] {strides = array<i32>} : memref<8x128xi32, #tpu.memory_space<vmem>>, vector<16xi32>,
        %masked_sort3A_504 = arith.constant dense<true> : vector<16xi1>
        %masked_sort3A_505 = arith.constant -2147483648 : i32
        %masked_sort3A_506 = vector.broadcast %masked_sort3A_505 : i32 to vector<16xi32>
        %masked_sort3A_507 = arith.xori %get3A_503, %masked_sort3A_506 : vector<16xi32>
        %masked_sort3A_508, %masked_sort3A_509, %masked_sort3A_510 = tpu.sort %masked_sort3A_507, %get3A_503 masked %masked_sort3A_504 : (vector<16xi32>, vector<16xi32>, vector<16xi1>) -> (vector<16xi1>, vector<16xi32>, vector<16xi32>)
        %masked_sort3A_511 = arith.xori %masked_sort3A_509, %masked_sort3A_506 : vector<16xi32>
        %sub3A_512 = arith.constant 1 : i32
        %sub3A_513 = vector.broadcast %sub3A_512 : i32 to vector<16xi32>
        %sub3A_514 = arith.subi %iota3A, %sub3A_513 : vector<16xi32>
        %max3A_515 = arith.constant 0 : i32
        %max3A_516 = vector.broadcast %max3A_515 : i32 to vector<16xi32>
        %max3A_517 = arith.maxsi %sub3A_514, %max3A_516 : vector<16xi32>
        %broadcast_in_dim3A_518 = vector.shape_cast %max3A_517 : vector<16xi32> to vector<16x1xi32>
        %gather3A_519 = vector.shape_cast %broadcast_in_dim3A_518 : vector<16x1xi32> to vector<16xi32>
        %gather3A_520 = tpu.dynamic_gather %masked_sort3A_511[%gather3A_519] in [0] : vector<16xi32>, vector<16xi32> -> vector<16xi32>
        %eq3A_521 = arith.constant 0 : i32
        %eq3A_522 = vector.broadcast %eq3A_521 : i32 to vector<16xi32>
        %eq3A_523 = arith.cmpi eq, %iota3A, %eq3A_522 : vector<16xi32>
        %ne3A_524 = arith.cmpi ne, %masked_sort3A_511, %gather3A_520 : vector<16xi32>
        %or3A_525 = arith.ori %eq3A_523, %ne3A_524 : vector<16xi1>
        %jit3A_526 = arith.constant 16 : i32
        %broadcast_in_dim3A_527 = vector.broadcast %jit3A_526 : i32 to vector<16xi32>
        %select_n3A_528 = arith.select %or3A_525, %iota3A, %broadcast_in_dim3A_527 : vector<16xi1>, vector<16xi32>
        %add3A_529 = arith.constant 1 : i32
        %add3A_530 = vector.broadcast %add3A_529 : i32 to vector<16xi32>
        %add3A_531 = arith.addi %iota3A, %add3A_530 : vector<16xi32>
        %min3A_532 = arith.constant 15 : i32
        %min3A_533 = vector.broadcast %min3A_532 : i32 to vector<16xi32>
        %min3A_534 = arith.minsi %add3A_531, %min3A_533 : vector<16xi32>
        %broadcast_in_dim3A_535 = vector.shape_cast %min3A_534 : vector<16xi32> to vector<16x1xi32>
        %gather3A_536 = vector.shape_cast %broadcast_in_dim3A_535 : vector<16x1xi32> to vector<16xi32>
        %gather3A_537 = tpu.dynamic_gather %select_n3A_528[%gather3A_536] in [0] : vector<16xi32>, vector<16xi32> -> vector<16xi32>
        %eq3A_538 = arith.constant 15 : i32
        %eq3A_539 = vector.broadcast %eq3A_538 : i32 to vector<16xi32>
        %eq3A_540 = arith.cmpi eq, %iota3A, %eq3A_539 : vector<16xi32>
        %jit3A_541 = arith.constant 16 : i32
        %broadcast_in_dim3A_542 = vector.broadcast %jit3A_541 : i32 to vector<16xi32>
        %select_n3A_543 = arith.select %eq3A_540, %broadcast_in_dim3A_542, %gather3A_537 : vector<16xi1>, vector<16xi32>
        %neg3A_544 = arith.constant 0 : i32
        %neg3A_545 = vector.broadcast %neg3A_544 : i32 to vector<16xi32>
        %neg3A_546 = arith.subi %neg3A_545, %select_n3A_543 : vector<16xi32>
        %rev3A_547 = arith.constant 15 : i32
        %rev3A_548 = vector.broadcast %rev3A_547 : i32 to vector<16xi32>
        %rev3A_549 = tpu.iota {dimensions = array<i32: 0>} : vector<16xi32>
        %rev3A_550 = arith.subi %rev3A_548, %rev3A_549 : vector<16xi32>
        %rev3A_551 = tpu.dynamic_gather %neg3A_546[%rev3A_550] in [0] : vector<16xi32>, vector<16xi32> -> vector<16xi32>
        %broadcast_in_dim3A_552 = arith.constant true
        %broadcast_in_dim3A_553 = vector.broadcast %broadcast_in_dim3A_552 : i1 to vector<16xi1>
        %masked_cummax3A_554 = arith.constant -2147483648 : i32
        %masked_cummax3A_555 = vector.broadcast %masked_cummax3A_554 : i32 to vector<16xi32>
        %masked_cummax3A_556 = arith.xori %rev3A_551, %masked_cummax3A_555 : vector<16xi32>
        %masked_cummax3A_557 = tpu.scan <max>, %masked_cummax3A_556 masked %broadcast_in_dim3A_553 : vector<16xi32>, vector<16xi1> -> vector<16xi32>
        %masked_cummax3A_558 = arith.xori %masked_cummax3A_557, %masked_cummax3A_555 : vector<16xi32>
        %rev3A_559 = arith.constant 15 : i32
        %rev3A_560 = vector.broadcast %rev3A_559 : i32 to vector<16xi32>
        %rev3A_561 = tpu.iota {dimensions = array<i32: 0>} : vector<16xi32>
        %rev3A_562 = arith.subi %rev3A_560, %rev3A_561 : vector<16xi32>
        %rev3A_563 = tpu.dynamic_gather %masked_cummax3A_558[%rev3A_562] in [0] : vector<16xi32>, vector<16xi32> -> vector<16xi32>
        %neg3A_564 = arith.constant 0 : i32
        %neg3A_565 = vector.broadcast %neg3A_564 : i32 to vector<16xi32>
        %neg3A_566 = arith.subi %neg3A_565, %rev3A_563 : vector<16xi32>
        %sub3A_567 = arith.subi %neg3A_566, %iota3A : vector<16xi32>
        %convert_element_type3A_568 = arith.sitofp %sub3A_567 : vector<16xi32> to vector<16xf32>
        tpu.vector_store_idx %arg14[%masked_sort3A_511], %convert_element_type3A_568 masked %or3A_525 {add = true} : memref<10240xf32, #tpu.memory_space<vmem>>[vector<16xi32>], vector<16xf32>, vector<16xi1>
        %get3A_569 = arith.index_cast %add3A_375 : i32 to index
        %get3A_570 = arith.constant 48 : index
        %get3A_571 = tpu.vector_load %arg9[%get3A_569, %get3A_570] {strides = array<i32>} : memref<8x128xi32, #tpu.memory_space<vmem>>, vector<16xi32>,
        %masked_sort3A_572 = arith.constant dense<true> : vector<16xi1>
        %masked_sort3A_573 = arith.constant -2147483648 : i32
        %masked_sort3A_574 = vector.broadcast %masked_sort3A_573 : i32 to vector<16xi32>
        %masked_sort3A_575 = arith.xori %get3A_571, %masked_sort3A_574 : vector<16xi32>
        %masked_sort3A_576, %masked_sort3A_577, %masked_sort3A_578 = tpu.sort %masked_sort3A_575, %get3A_571 masked %masked_sort3A_572 : (vector<16xi32>, vector<16xi32>, vector<16xi1>) -> (vector<16xi1>, vector<16xi32>, vector<16xi32>)
        %masked_sort3A_579 = arith.xori %masked_sort3A_577, %masked_sort3A_574 : vector<16xi32>
        %sub3A_580 = arith.constant 1 : i32
        %sub3A_581 = vector.broadcast %sub3A_580 : i32 to vector<16xi32>
        %sub3A_582 = arith.subi %iota3A, %sub3A_581 : vector<16xi32>
        %max3A_583 = arith.constant 0 : i32
        %max3A_584 = vector.broadcast %max3A_583 : i32 to vector<16xi32>
        %max3A_585 = arith.maxsi %sub3A_582, %max3A_584 : vector<16xi32>
        %broadcast_in_dim3A_586 = vector.shape_cast %max3A_585 : vector<16xi32> to vector<16x1xi32>
        %gather3A_587 = vector.shape_cast %broadcast_in_dim3A_586 : vector<16x1xi32> to vector<16xi32>
        %gather3A_588 = tpu.dynamic_gather %masked_sort3A_579[%gather3A_587] in [0] : vector<16xi32>, vector<16xi32> -> vector<16xi32>
        %eq3A_589 = arith.constant 0 : i32
        %eq3A_590 = vector.broadcast %eq3A_589 : i32 to vector<16xi32>
        %eq3A_591 = arith.cmpi eq, %iota3A, %eq3A_590 : vector<16xi32>
        %ne3A_592 = arith.cmpi ne, %masked_sort3A_579, %gather3A_588 : vector<16xi32>
        %or3A_593 = arith.ori %eq3A_591, %ne3A_592 : vector<16xi1>
        %jit3A_594 = arith.constant 16 : i32
        %broadcast_in_dim3A_595 = vector.broadcast %jit3A_594 : i32 to vector<16xi32>
        %select_n3A_596 = arith.select %or3A_593, %iota3A, %broadcast_in_dim3A_595 : vector<16xi1>, vector<16xi32>
        %add3A_597 = arith.constant 1 : i32
        %add3A_598 = vector.broadcast %add3A_597 : i32 to vector<16xi32>
        %add3A_599 = arith.addi %iota3A, %add3A_598 : vector<16xi32>
        %min3A_600 = arith.constant 15 : i32
        %min3A_601 = vector.broadcast %min3A_600 : i32 to vector<16xi32>
        %min3A_602 = arith.minsi %add3A_599, %min3A_601 : vector<16xi32>
        %broadcast_in_dim3A_603 = vector.shape_cast %min3A_602 : vector<16xi32> to vector<16x1xi32>
        %gather3A_604 = vector.shape_cast %broadcast_in_dim3A_603 : vector<16x1xi32> to vector<16xi32>
        %gather3A_605 = tpu.dynamic_gather %select_n3A_596[%gather3A_604] in [0] : vector<16xi32>, vector<16xi32> -> vector<16xi32>
        %eq3A_606 = arith.constant 15 : i32
        %eq3A_607 = vector.broadcast %eq3A_606 : i32 to vector<16xi32>
        %eq3A_608 = arith.cmpi eq, %iota3A, %eq3A_607 : vector<16xi32>
        %jit3A_609 = arith.constant 16 : i32
        %broadcast_in_dim3A_610 = vector.broadcast %jit3A_609 : i32 to vector<16xi32>
        %select_n3A_611 = arith.select %eq3A_608, %broadcast_in_dim3A_610, %gather3A_605 : vector<16xi1>, vector<16xi32>
        %neg3A_612 = arith.constant 0 : i32
        %neg3A_613 = vector.broadcast %neg3A_612 : i32 to vector<16xi32>
        %neg3A_614 = arith.subi %neg3A_613, %select_n3A_611 : vector<16xi32>
        %rev3A_615 = arith.constant 15 : i32
        %rev3A_616 = vector.broadcast %rev3A_615 : i32 to vector<16xi32>
        %rev3A_617 = tpu.iota {dimensions = array<i32: 0>} : vector<16xi32>
        %rev3A_618 = arith.subi %rev3A_616, %rev3A_617 : vector<16xi32>
        %rev3A_619 = tpu.dynamic_gather %neg3A_614[%rev3A_618] in [0] : vector<16xi32>, vector<16xi32> -> vector<16xi32>
        %broadcast_in_dim3A_620 = arith.constant true
        %broadcast_in_dim3A_621 = vector.broadcast %broadcast_in_dim3A_620 : i1 to vector<16xi1>
        %masked_cummax3A_622 = arith.constant -2147483648 : i32
        %masked_cummax3A_623 = vector.broadcast %masked_cummax3A_622 : i32 to vector<16xi32>
        %masked_cummax3A_624 = arith.xori %rev3A_619, %masked_cummax3A_623 : vector<16xi32>
        %masked_cummax3A_625 = tpu.scan <max>, %masked_cummax3A_624 masked %broadcast_in_dim3A_621 : vector<16xi32>, vector<16xi1> -> vector<16xi32>
        %masked_cummax3A_626 = arith.xori %masked_cummax3A_625, %masked_cummax3A_623 : vector<16xi32>
        %rev3A_627 = arith.constant 15 : i32
        %rev3A_628 = vector.broadcast %rev3A_627 : i32 to vector<16xi32>
        %rev3A_629 = tpu.iota {dimensions = array<i32: 0>} : vector<16xi32>
        %rev3A_630 = arith.subi %rev3A_628, %rev3A_629 : vector<16xi32>
        %rev3A_631 = tpu.dynamic_gather %masked_cummax3A_626[%rev3A_630] in [0] : vector<16xi32>, vector<16xi32> -> vector<16xi32>
        %neg3A_632 = arith.constant 0 : i32
        %neg3A_633 = vector.broadcast %neg3A_632 : i32 to vector<16xi32>
        %neg3A_634 = arith.subi %neg3A_633, %rev3A_631 : vector<16xi32>
        %sub3A_635 = arith.subi %neg3A_634, %iota3A : vector<16xi32>
        %convert_element_type3A_636 = arith.sitofp %sub3A_635 : vector<16xi32> to vector<16xf32>
        tpu.vector_store_idx %arg14[%masked_sort3A_579], %convert_element_type3A_636 masked %or3A_593 {add = true} : memref<10240xf32, #tpu.memory_space<vmem>>[vector<16xi32>], vector<16xf32>, vector<16xi1>
        %get3A_637 = arith.index_cast %add3A_375 : i32 to index
        %get3A_638 = arith.constant 64 : index
        %get3A_639 = tpu.vector_load %arg9[%get3A_637, %get3A_638] {strides = array<i32>} : memref<8x128xi32, #tpu.memory_space<vmem>>, vector<16xi32>,
        %masked_sort3A_640 = arith.constant dense<true> : vector<16xi1>
        %masked_sort3A_641 = arith.constant -2147483648 : i32
        %masked_sort3A_642 = vector.broadcast %masked_sort3A_641 : i32 to vector<16xi32>
        %masked_sort3A_643 = arith.xori %get3A_639, %masked_sort3A_642 : vector<16xi32>
        %masked_sort3A_644, %masked_sort3A_645, %masked_sort3A_646 = tpu.sort %masked_sort3A_643, %get3A_639 masked %masked_sort3A_640 : (vector<16xi32>, vector<16xi32>, vector<16xi1>) -> (vector<16xi1>, vector<16xi32>, vector<16xi32>)
        %masked_sort3A_647 = arith.xori %masked_sort3A_645, %masked_sort3A_642 : vector<16xi32>
        %sub3A_648 = arith.constant 1 : i32
        %sub3A_649 = vector.broadcast %sub3A_648 : i32 to vector<16xi32>
        %sub3A_650 = arith.subi %iota3A, %sub3A_649 : vector<16xi32>
        %max3A_651 = arith.constant 0 : i32
        %max3A_652 = vector.broadcast %max3A_651 : i32 to vector<16xi32>
        %max3A_653 = arith.maxsi %sub3A_650, %max3A_652 : vector<16xi32>
        %broadcast_in_dim3A_654 = vector.shape_cast %max3A_653 : vector<16xi32> to vector<16x1xi32>
        %gather3A_655 = vector.shape_cast %broadcast_in_dim3A_654 : vector<16x1xi32> to vector<16xi32>
        %gather3A_656 = tpu.dynamic_gather %masked_sort3A_647[%gather3A_655] in [0] : vector<16xi32>, vector<16xi32> -> vector<16xi32>
        %eq3A_657 = arith.constant 0 : i32
        %eq3A_658 = vector.broadcast %eq3A_657 : i32 to vector<16xi32>
        %eq3A_659 = arith.cmpi eq, %iota3A, %eq3A_658 : vector<16xi32>
        %ne3A_660 = arith.cmpi ne, %masked_sort3A_647, %gather3A_656 : vector<16xi32>
        %or3A_661 = arith.ori %eq3A_659, %ne3A_660 : vector<16xi1>
        %jit3A_662 = arith.constant 16 : i32
        %broadcast_in_dim3A_663 = vector.broadcast %jit3A_662 : i32 to vector<16xi32>
        %select_n3A_664 = arith.select %or3A_661, %iota3A, %broadcast_in_dim3A_663 : vector<16xi1>, vector<16xi32>
        %add3A_665 = arith.constant 1 : i32
        %add3A_666 = vector.broadcast %add3A_665 : i32 to vector<16xi32>
        %add3A_667 = arith.addi %iota3A, %add3A_666 : vector<16xi32>
        %min3A_668 = arith.constant 15 : i32
        %min3A_669 = vector.broadcast %min3A_668 : i32 to vector<16xi32>
        %min3A_670 = arith.minsi %add3A_667, %min3A_669 : vector<16xi32>
        %broadcast_in_dim3A_671 = vector.shape_cast %min3A_670 : vector<16xi32> to vector<16x1xi32>
        %gather3A_672 = vector.shape_cast %broadcast_in_dim3A_671 : vector<16x1xi32> to vector<16xi32>
        %gather3A_673 = tpu.dynamic_gather %select_n3A_664[%gather3A_672] in [0] : vector<16xi32>, vector<16xi32> -> vector<16xi32>
        %eq3A_674 = arith.constant 15 : i32
        %eq3A_675 = vector.broadcast %eq3A_674 : i32 to vector<16xi32>
        %eq3A_676 = arith.cmpi eq, %iota3A, %eq3A_675 : vector<16xi32>
        %jit3A_677 = arith.constant 16 : i32
        %broadcast_in_dim3A_678 = vector.broadcast %jit3A_677 : i32 to vector<16xi32>
        %select_n3A_679 = arith.select %eq3A_676, %broadcast_in_dim3A_678, %gather3A_673 : vector<16xi1>, vector<16xi32>
        %neg3A_680 = arith.constant 0 : i32
        %neg3A_681 = vector.broadcast %neg3A_680 : i32 to vector<16xi32>
        %neg3A_682 = arith.subi %neg3A_681, %select_n3A_679 : vector<16xi32>
        %rev3A_683 = arith.constant 15 : i32
        %rev3A_684 = vector.broadcast %rev3A_683 : i32 to vector<16xi32>
        %rev3A_685 = tpu.iota {dimensions = array<i32: 0>} : vector<16xi32>
        %rev3A_686 = arith.subi %rev3A_684, %rev3A_685 : vector<16xi32>
        %rev3A_687 = tpu.dynamic_gather %neg3A_682[%rev3A_686] in [0] : vector<16xi32>, vector<16xi32> -> vector<16xi32>
        %broadcast_in_dim3A_688 = arith.constant true
        %broadcast_in_dim3A_689 = vector.broadcast %broadcast_in_dim3A_688 : i1 to vector<16xi1>
        %masked_cummax3A_690 = arith.constant -2147483648 : i32
        %masked_cummax3A_691 = vector.broadcast %masked_cummax3A_690 : i32 to vector<16xi32>
        %masked_cummax3A_692 = arith.xori %rev3A_687, %masked_cummax3A_691 : vector<16xi32>
        %masked_cummax3A_693 = tpu.scan <max>, %masked_cummax3A_692 masked %broadcast_in_dim3A_689 : vector<16xi32>, vector<16xi1> -> vector<16xi32>
        %masked_cummax3A_694 = arith.xori %masked_cummax3A_693, %masked_cummax3A_691 : vector<16xi32>
        %rev3A_695 = arith.constant 15 : i32
        %rev3A_696 = vector.broadcast %rev3A_695 : i32 to vector<16xi32>
        %rev3A_697 = tpu.iota {dimensions = array<i32: 0>} : vector<16xi32>
        %rev3A_698 = arith.subi %rev3A_696, %rev3A_697 : vector<16xi32>
        %rev3A_699 = tpu.dynamic_gather %masked_cummax3A_694[%rev3A_698] in [0] : vector<16xi32>, vector<16xi32> -> vector<16xi32>
        %neg3A_700 = arith.constant 0 : i32
        %neg3A_701 = vector.broadcast %neg3A_700 : i32 to vector<16xi32>
        %neg3A_702 = arith.subi %neg3A_701, %rev3A_699 : vector<16xi32>
        %sub3A_703 = arith.subi %neg3A_702, %iota3A : vector<16xi32>
        %convert_element_type3A_704 = arith.sitofp %sub3A_703 : vector<16xi32> to vector<16xf32>
        tpu.vector_store_idx %arg14[%masked_sort3A_647], %convert_element_type3A_704 masked %or3A_661 {add = true} : memref<10240xf32, #tpu.memory_space<vmem>>[vector<16xi32>], vector<16xf32>, vector<16xi1>
        %get3A_705 = arith.index_cast %add3A_375 : i32 to index
        %get3A_706 = arith.constant 80 : index
        %get3A_707 = tpu.vector_load %arg9[%get3A_705, %get3A_706] {strides = array<i32>} : memref<8x128xi32, #tpu.memory_space<vmem>>, vector<16xi32>,
        %masked_sort3A_708 = arith.constant dense<true> : vector<16xi1>
        %masked_sort3A_709 = arith.constant -2147483648 : i32
        %masked_sort3A_710 = vector.broadcast %masked_sort3A_709 : i32 to vector<16xi32>
        %masked_sort3A_711 = arith.xori %get3A_707, %masked_sort3A_710 : vector<16xi32>
        %masked_sort3A_712, %masked_sort3A_713, %masked_sort3A_714 = tpu.sort %masked_sort3A_711, %get3A_707 masked %masked_sort3A_708 : (vector<16xi32>, vector<16xi32>, vector<16xi1>) -> (vector<16xi1>, vector<16xi32>, vector<16xi32>)
        %masked_sort3A_715 = arith.xori %masked_sort3A_713, %masked_sort3A_710 : vector<16xi32>
        %sub3A_716 = arith.constant 1 : i32
        %sub3A_717 = vector.broadcast %sub3A_716 : i32 to vector<16xi32>
        %sub3A_718 = arith.subi %iota3A, %sub3A_717 : vector<16xi32>
        %max3A_719 = arith.constant 0 : i32
        %max3A_720 = vector.broadcast %max3A_719 : i32 to vector<16xi32>
        %max3A_721 = arith.maxsi %sub3A_718, %max3A_720 : vector<16xi32>
        %broadcast_in_dim3A_722 = vector.shape_cast %max3A_721 : vector<16xi32> to vector<16x1xi32>
        %gather3A_723 = vector.shape_cast %broadcast_in_dim3A_722 : vector<16x1xi32> to vector<16xi32>
        %gather3A_724 = tpu.dynamic_gather %masked_sort3A_715[%gather3A_723] in [0] : vector<16xi32>, vector<16xi32> -> vector<16xi32>
        %eq3A_725 = arith.constant 0 : i32
        %eq3A_726 = vector.broadcast %eq3A_725 : i32 to vector<16xi32>
        %eq3A_727 = arith.cmpi eq, %iota3A, %eq3A_726 : vector<16xi32>
        %ne3A_728 = arith.cmpi ne, %masked_sort3A_715, %gather3A_724 : vector<16xi32>
        %or3A_729 = arith.ori %eq3A_727, %ne3A_728 : vector<16xi1>
        %jit3A_730 = arith.constant 16 : i32
        %broadcast_in_dim3A_731 = vector.broadcast %jit3A_730 : i32 to vector<16xi32>
        %select_n3A_732 = arith.select %or3A_729, %iota3A, %broadcast_in_dim3A_731 : vector<16xi1>, vector<16xi32>
        %add3A_733 = arith.constant 1 : i32
        %add3A_734 = vector.broadcast %add3A_733 : i32 to vector<16xi32>
        %add3A_735 = arith.addi %iota3A, %add3A_734 : vector<16xi32>
        %min3A_736 = arith.constant 15 : i32
        %min3A_737 = vector.broadcast %min3A_736 : i32 to vector<16xi32>
        %min3A_738 = arith.minsi %add3A_735, %min3A_737 : vector<16xi32>
        %broadcast_in_dim3A_739 = vector.shape_cast %min3A_738 : vector<16xi32> to vector<16x1xi32>
        %gather3A_740 = vector.shape_cast %broadcast_in_dim3A_739 : vector<16x1xi32> to vector<16xi32>
        %gather3A_741 = tpu.dynamic_gather %select_n3A_732[%gather3A_740] in [0] : vector<16xi32>, vector<16xi32> -> vector<16xi32>
        %eq3A_742 = arith.constant 15 : i32
        %eq3A_743 = vector.broadcast %eq3A_742 : i32 to vector<16xi32>
        %eq3A_744 = arith.cmpi eq, %iota3A, %eq3A_743 : vector<16xi32>
        %jit3A_745 = arith.constant 16 : i32
        %broadcast_in_dim3A_746 = vector.broadcast %jit3A_745 : i32 to vector<16xi32>
        %select_n3A_747 = arith.select %eq3A_744, %broadcast_in_dim3A_746, %gather3A_741 : vector<16xi1>, vector<16xi32>
        %neg3A_748 = arith.constant 0 : i32
        %neg3A_749 = vector.broadcast %neg3A_748 : i32 to vector<16xi32>
        %neg3A_750 = arith.subi %neg3A_749, %select_n3A_747 : vector<16xi32>
        %rev3A_751 = arith.constant 15 : i32
        %rev3A_752 = vector.broadcast %rev3A_751 : i32 to vector<16xi32>
        %rev3A_753 = tpu.iota {dimensions = array<i32: 0>} : vector<16xi32>
        %rev3A_754 = arith.subi %rev3A_752, %rev3A_753 : vector<16xi32>
        %rev3A_755 = tpu.dynamic_gather %neg3A_750[%rev3A_754] in [0] : vector<16xi32>, vector<16xi32> -> vector<16xi32>
        %broadcast_in_dim3A_756 = arith.constant true
        %broadcast_in_dim3A_757 = vector.broadcast %broadcast_in_dim3A_756 : i1 to vector<16xi1>
        %masked_cummax3A_758 = arith.constant -2147483648 : i32
        %masked_cummax3A_759 = vector.broadcast %masked_cummax3A_758 : i32 to vector<16xi32>
        %masked_cummax3A_760 = arith.xori %rev3A_755, %masked_cummax3A_759 : vector<16xi32>
        %masked_cummax3A_761 = tpu.scan <max>, %masked_cummax3A_760 masked %broadcast_in_dim3A_757 : vector<16xi32>, vector<16xi1> -> vector<16xi32>
        %masked_cummax3A_762 = arith.xori %masked_cummax3A_761, %masked_cummax3A_759 : vector<16xi32>
        %rev3A_763 = arith.constant 15 : i32
        %rev3A_764 = vector.broadcast %rev3A_763 : i32 to vector<16xi32>
        %rev3A_765 = tpu.iota {dimensions = array<i32: 0>} : vector<16xi32>
        %rev3A_766 = arith.subi %rev3A_764, %rev3A_765 : vector<16xi32>
        %rev3A_767 = tpu.dynamic_gather %masked_cummax3A_762[%rev3A_766] in [0] : vector<16xi32>, vector<16xi32> -> vector<16xi32>
        %neg3A_768 = arith.constant 0 : i32
        %neg3A_769 = vector.broadcast %neg3A_768 : i32 to vector<16xi32>
        %neg3A_770 = arith.subi %neg3A_769, %rev3A_767 : vector<16xi32>
        %sub3A_771 = arith.subi %neg3A_770, %iota3A : vector<16xi32>
        %convert_element_type3A_772 = arith.sitofp %sub3A_771 : vector<16xi32> to vector<16xf32>
        tpu.vector_store_idx %arg14[%masked_sort3A_715], %convert_element_type3A_772 masked %or3A_729 {add = true} : memref<10240xf32, #tpu.memory_space<vmem>>[vector<16xi32>], vector<16xf32>, vector<16xi1>
        %get3A_773 = arith.index_cast %add3A_375 : i32 to index
        %get3A_774 = arith.constant 96 : index
        %get3A_775 = tpu.vector_load %arg9[%get3A_773, %get3A_774] {strides = array<i32>} : memref<8x128xi32, #tpu.memory_space<vmem>>, vector<16xi32>,
        %masked_sort3A_776 = arith.constant dense<true> : vector<16xi1>
        %masked_sort3A_777 = arith.constant -2147483648 : i32
        %masked_sort3A_778 = vector.broadcast %masked_sort3A_777 : i32 to vector<16xi32>
        %masked_sort3A_779 = arith.xori %get3A_775, %masked_sort3A_778 : vector<16xi32>
        %masked_sort3A_780, %masked_sort3A_781, %masked_sort3A_782 = tpu.sort %masked_sort3A_779, %get3A_775 masked %masked_sort3A_776 : (vector<16xi32>, vector<16xi32>, vector<16xi1>) -> (vector<16xi1>, vector<16xi32>, vector<16xi32>)
        %masked_sort3A_783 = arith.xori %masked_sort3A_781, %masked_sort3A_778 : vector<16xi32>
        %sub3A_784 = arith.constant 1 : i32
        %sub3A_785 = vector.broadcast %sub3A_784 : i32 to vector<16xi32>
        %sub3A_786 = arith.subi %iota3A, %sub3A_785 : vector<16xi32>
        %max3A_787 = arith.constant 0 : i32
        %max3A_788 = vector.broadcast %max3A_787 : i32 to vector<16xi32>
        %max3A_789 = arith.maxsi %sub3A_786, %max3A_788 : vector<16xi32>
        %broadcast_in_dim3A_790 = vector.shape_cast %max3A_789 : vector<16xi32> to vector<16x1xi32>
        %gather3A_791 = vector.shape_cast %broadcast_in_dim3A_790 : vector<16x1xi32> to vector<16xi32>
        %gather3A_792 = tpu.dynamic_gather %masked_sort3A_783[%gather3A_791] in [0] : vector<16xi32>, vector<16xi32> -> vector<16xi32>
        %eq3A_793 = arith.constant 0 : i32
        %eq3A_794 = vector.broadcast %eq3A_793 : i32 to vector<16xi32>
        %eq3A_795 = arith.cmpi eq, %iota3A, %eq3A_794 : vector<16xi32>
        %ne3A_796 = arith.cmpi ne, %masked_sort3A_783, %gather3A_792 : vector<16xi32>
        %or3A_797 = arith.ori %eq3A_795, %ne3A_796 : vector<16xi1>
        %jit3A_798 = arith.constant 16 : i32
        %broadcast_in_dim3A_799 = vector.broadcast %jit3A_798 : i32 to vector<16xi32>
        %select_n3A_800 = arith.select %or3A_797, %iota3A, %broadcast_in_dim3A_799 : vector<16xi1>, vector<16xi32>
        %add3A_801 = arith.constant 1 : i32
        %add3A_802 = vector.broadcast %add3A_801 : i32 to vector<16xi32>
        %add3A_803 = arith.addi %iota3A, %add3A_802 : vector<16xi32>
        %min3A_804 = arith.constant 15 : i32
        %min3A_805 = vector.broadcast %min3A_804 : i32 to vector<16xi32>
        %min3A_806 = arith.minsi %add3A_803, %min3A_805 : vector<16xi32>
        %broadcast_in_dim3A_807 = vector.shape_cast %min3A_806 : vector<16xi32> to vector<16x1xi32>
        %gather3A_808 = vector.shape_cast %broadcast_in_dim3A_807 : vector<16x1xi32> to vector<16xi32>
        %gather3A_809 = tpu.dynamic_gather %select_n3A_800[%gather3A_808] in [0] : vector<16xi32>, vector<16xi32> -> vector<16xi32>
        %eq3A_810 = arith.constant 15 : i32
        %eq3A_811 = vector.broadcast %eq3A_810 : i32 to vector<16xi32>
        %eq3A_812 = arith.cmpi eq, %iota3A, %eq3A_811 : vector<16xi32>
        %jit3A_813 = arith.constant 16 : i32
        %broadcast_in_dim3A_814 = vector.broadcast %jit3A_813 : i32 to vector<16xi32>
        %select_n3A_815 = arith.select %eq3A_812, %broadcast_in_dim3A_814, %gather3A_809 : vector<16xi1>, vector<16xi32>
        %neg3A_816 = arith.constant 0 : i32
        %neg3A_817 = vector.broadcast %neg3A_816 : i32 to vector<16xi32>
        %neg3A_818 = arith.subi %neg3A_817, %select_n3A_815 : vector<16xi32>
        %rev3A_819 = arith.constant 15 : i32
        %rev3A_820 = vector.broadcast %rev3A_819 : i32 to vector<16xi32>
        %rev3A_821 = tpu.iota {dimensions = array<i32: 0>} : vector<16xi32>
        %rev3A_822 = arith.subi %rev3A_820, %rev3A_821 : vector<16xi32>
        %rev3A_823 = tpu.dynamic_gather %neg3A_818[%rev3A_822] in [0] : vector<16xi32>, vector<16xi32> -> vector<16xi32>
        %broadcast_in_dim3A_824 = arith.constant true
        %broadcast_in_dim3A_825 = vector.broadcast %broadcast_in_dim3A_824 : i1 to vector<16xi1>
        %masked_cummax3A_826 = arith.constant -2147483648 : i32
        %masked_cummax3A_827 = vector.broadcast %masked_cummax3A_826 : i32 to vector<16xi32>
        %masked_cummax3A_828 = arith.xori %rev3A_823, %masked_cummax3A_827 : vector<16xi32>
        %masked_cummax3A_829 = tpu.scan <max>, %masked_cummax3A_828 masked %broadcast_in_dim3A_825 : vector<16xi32>, vector<16xi1> -> vector<16xi32>
        %masked_cummax3A_830 = arith.xori %masked_cummax3A_829, %masked_cummax3A_827 : vector<16xi32>
        %rev3A_831 = arith.constant 15 : i32
        %rev3A_832 = vector.broadcast %rev3A_831 : i32 to vector<16xi32>
        %rev3A_833 = tpu.iota {dimensions = array<i32: 0>} : vector<16xi32>
        %rev3A_834 = arith.subi %rev3A_832, %rev3A_833 : vector<16xi32>
        %rev3A_835 = tpu.dynamic_gather %masked_cummax3A_830[%rev3A_834] in [0] : vector<16xi32>, vector<16xi32> -> vector<16xi32>
        %neg3A_836 = arith.constant 0 : i32
        %neg3A_837 = vector.broadcast %neg3A_836 : i32 to vector<16xi32>
        %neg3A_838 = arith.subi %neg3A_837, %rev3A_835 : vector<16xi32>
        %sub3A_839 = arith.subi %neg3A_838, %iota3A : vector<16xi32>
        %convert_element_type3A_840 = arith.sitofp %sub3A_839 : vector<16xi32> to vector<16xf32>
        tpu.vector_store_idx %arg14[%masked_sort3A_783], %convert_element_type3A_840 masked %or3A_797 {add = true} : memref<10240xf32, #tpu.memory_space<vmem>>[vector<16xi32>], vector<16xf32>, vector<16xi1>
        %get3A_841 = arith.index_cast %add3A_375 : i32 to index
        %get3A_842 = arith.constant 112 : index
        %get3A_843 = tpu.vector_load %arg9[%get3A_841, %get3A_842] {strides = array<i32>} : memref<8x128xi32, #tpu.memory_space<vmem>>, vector<16xi32>,
        %masked_sort3A_844 = arith.constant dense<true> : vector<16xi1>
        %masked_sort3A_845 = arith.constant -2147483648 : i32
        %masked_sort3A_846 = vector.broadcast %masked_sort3A_845 : i32 to vector<16xi32>
        %masked_sort3A_847 = arith.xori %get3A_843, %masked_sort3A_846 : vector<16xi32>
        %masked_sort3A_848, %masked_sort3A_849, %masked_sort3A_850 = tpu.sort %masked_sort3A_847, %get3A_843 masked %masked_sort3A_844 : (vector<16xi32>, vector<16xi32>, vector<16xi1>) -> (vector<16xi1>, vector<16xi32>, vector<16xi32>)
        %masked_sort3A_851 = arith.xori %masked_sort3A_849, %masked_sort3A_846 : vector<16xi32>
        %sub3A_852 = arith.constant 1 : i32
        %sub3A_853 = vector.broadcast %sub3A_852 : i32 to vector<16xi32>
        %sub3A_854 = arith.subi %iota3A, %sub3A_853 : vector<16xi32>
        %max3A_855 = arith.constant 0 : i32
        %max3A_856 = vector.broadcast %max3A_855 : i32 to vector<16xi32>
        %max3A_857 = arith.maxsi %sub3A_854, %max3A_856 : vector<16xi32>
        %broadcast_in_dim3A_858 = vector.shape_cast %max3A_857 : vector<16xi32> to vector<16x1xi32>
        %gather3A_859 = vector.shape_cast %broadcast_in_dim3A_858 : vector<16x1xi32> to vector<16xi32>
        %gather3A_860 = tpu.dynamic_gather %masked_sort3A_851[%gather3A_859] in [0] : vector<16xi32>, vector<16xi32> -> vector<16xi32>
        %eq3A_861 = arith.constant 0 : i32
        %eq3A_862 = vector.broadcast %eq3A_861 : i32 to vector<16xi32>
        %eq3A_863 = arith.cmpi eq, %iota3A, %eq3A_862 : vector<16xi32>
        %ne3A_864 = arith.cmpi ne, %masked_sort3A_851, %gather3A_860 : vector<16xi32>
        %or3A_865 = arith.ori %eq3A_863, %ne3A_864 : vector<16xi1>
        %jit3A_866 = arith.constant 16 : i32
        %broadcast_in_dim3A_867 = vector.broadcast %jit3A_866 : i32 to vector<16xi32>
        %select_n3A_868 = arith.select %or3A_865, %iota3A, %broadcast_in_dim3A_867 : vector<16xi1>, vector<16xi32>
        %add3A_869 = arith.constant 1 : i32
        %add3A_870 = vector.broadcast %add3A_869 : i32 to vector<16xi32>
        %add3A_871 = arith.addi %iota3A, %add3A_870 : vector<16xi32>
        %min3A_872 = arith.constant 15 : i32
        %min3A_873 = vector.broadcast %min3A_872 : i32 to vector<16xi32>
        %min3A_874 = arith.minsi %add3A_871, %min3A_873 : vector<16xi32>
        %broadcast_in_dim3A_875 = vector.shape_cast %min3A_874 : vector<16xi32> to vector<16x1xi32>
        %gather3A_876 = vector.shape_cast %broadcast_in_dim3A_875 : vector<16x1xi32> to vector<16xi32>
        %gather3A_877 = tpu.dynamic_gather %select_n3A_868[%gather3A_876] in [0] : vector<16xi32>, vector<16xi32> -> vector<16xi32>
        %eq3A_878 = arith.constant 15 : i32
        %eq3A_879 = vector.broadcast %eq3A_878 : i32 to vector<16xi32>
        %eq3A_880 = arith.cmpi eq, %iota3A, %eq3A_879 : vector<16xi32>
        %jit3A_881 = arith.constant 16 : i32
        %broadcast_in_dim3A_882 = vector.broadcast %jit3A_881 : i32 to vector<16xi32>
        %select_n3A_883 = arith.select %eq3A_880, %broadcast_in_dim3A_882, %gather3A_877 : vector<16xi1>, vector<16xi32>
        %neg3A_884 = arith.constant 0 : i32
        %neg3A_885 = vector.broadcast %neg3A_884 : i32 to vector<16xi32>
        %neg3A_886 = arith.subi %neg3A_885, %select_n3A_883 : vector<16xi32>
        %rev3A_887 = arith.constant 15 : i32
        %rev3A_888 = vector.broadcast %rev3A_887 : i32 to vector<16xi32>
        %rev3A_889 = tpu.iota {dimensions = array<i32: 0>} : vector<16xi32>
        %rev3A_890 = arith.subi %rev3A_888, %rev3A_889 : vector<16xi32>
        %rev3A_891 = tpu.dynamic_gather %neg3A_886[%rev3A_890] in [0] : vector<16xi32>, vector<16xi32> -> vector<16xi32>
        %broadcast_in_dim3A_892 = arith.constant true
        %broadcast_in_dim3A_893 = vector.broadcast %broadcast_in_dim3A_892 : i1 to vector<16xi1>
        %masked_cummax3A_894 = arith.constant -2147483648 : i32
        %masked_cummax3A_895 = vector.broadcast %masked_cummax3A_894 : i32 to vector<16xi32>
        %masked_cummax3A_896 = arith.xori %rev3A_891, %masked_cummax3A_895 : vector<16xi32>
        %masked_cummax3A_897 = tpu.scan <max>, %masked_cummax3A_896 masked %broadcast_in_dim3A_893 : vector<16xi32>, vector<16xi1> -> vector<16xi32>
        %masked_cummax3A_898 = arith.xori %masked_cummax3A_897, %masked_cummax3A_895 : vector<16xi32>
        %rev3A_899 = arith.constant 15 : i32
        %rev3A_900 = vector.broadcast %rev3A_899 : i32 to vector<16xi32>
        %rev3A_901 = tpu.iota {dimensions = array<i32: 0>} : vector<16xi32>
        %rev3A_902 = arith.subi %rev3A_900, %rev3A_901 : vector<16xi32>
        %rev3A_903 = tpu.dynamic_gather %masked_cummax3A_898[%rev3A_902] in [0] : vector<16xi32>, vector<16xi32> -> vector<16xi32>
        %neg3A_904 = arith.constant 0 : i32
        %neg3A_905 = vector.broadcast %neg3A_904 : i32 to vector<16xi32>
        %neg3A_906 = arith.subi %neg3A_905, %rev3A_903 : vector<16xi32>
        %sub3A_907 = arith.subi %neg3A_906, %iota3A : vector<16xi32>
        %convert_element_type3A_908 = arith.sitofp %sub3A_907 : vector<16xi32> to vector<16xf32>
        tpu.vector_store_idx %arg14[%masked_sort3A_851], %convert_element_type3A_908 masked %or3A_865 {add = true} : memref<10240xf32, #tpu.memory_space<vmem>>[vector<16xi32>], vector<16xf32>, vector<16xi1>
      }
      %scan3A_45 = arith.constant 8 : i32
      %dma_start3A = arith.constant 0 : i32
      %dma_start3A_46 = arith.constant 0 : i32
      %dma_start3A_47 = tpu.memref_slice %arg8[%dma_start3A, %dma_start3A_46] : memref<16x64xi32, #tpu.memory_space<vmem>> -> memref<1x64xi32, #tpu.memory_space<vmem>>
      %dma_start3A_48 = tpu.memref_squeeze %dma_start3A_47 : memref<1x64xi32, #tpu.memory_space<vmem>> -> memref<64xi32, #tpu.memory_space<vmem>>
      %dma_start3A_49 = arith.constant 0 : i32
      %dma_start3A_50 = arith.constant 0 : i32
      %dma_start3A_51 = tpu.memref_slice %arg2[%dma_start3A_49, %dma_start3A_50] : memref<10000x128xbf16, #tpu.memory_space<hbm>> -> memref<10000x128xbf16, #tpu.memory_space<hbm>>
      tpu.enqueue_indirect_dma source(%dma_start3A_51 : memref<10000x128xbf16, #tpu.memory_space<hbm>>) target(%arg10 : memref<64x128xbf16, #tpu.memory_space<vmem>>) offsets(%dma_start3A_48 : memref<64xi32, #tpu.memory_space<vmem>>) semaphore(%arg16 : memref<!tpu.dma_semaphore, #tpu.memory_space<semaphore_mem>>)
      %dma_start3A_52 = arith.constant 1 : i32
      %dma_start3A_53 = arith.constant 0 : i32
      %dma_start3A_54 = tpu.memref_slice %arg8[%dma_start3A_52, %dma_start3A_53] : memref<16x64xi32, #tpu.memory_space<vmem>> -> memref<1x64xi32, #tpu.memory_space<vmem>>
      %dma_start3A_55 = tpu.memref_squeeze %dma_start3A_54 : memref<1x64xi32, #tpu.memory_space<vmem>> -> memref<64xi32, #tpu.memory_space<vmem>>
      %dma_start3A_56 = arith.constant 0 : i32
      %dma_start3A_57 = arith.constant 0 : i32
      %dma_start3A_58 = tpu.memref_slice %arg2[%dma_start3A_56, %dma_start3A_57] : memref<10000x128xbf16, #tpu.memory_space<hbm>> -> memref<10000x128xbf16, #tpu.memory_space<hbm>>
      tpu.enqueue_indirect_dma source(%dma_start3A_58 : memref<10000x128xbf16, #tpu.memory_space<hbm>>) target(%arg11 : memref<64x128xbf16, #tpu.memory_space<vmem>>) offsets(%dma_start3A_55 : memref<64xi32, #tpu.memory_space<vmem>>) semaphore(%arg16 : memref<!tpu.dma_semaphore, #tpu.memory_space<semaphore_mem>>)
      %dma_wait3A = arith.constant 0 : i32
      %dma_wait3A_59 = arith.constant 0 : i32
      %dma_wait3A_60 = tpu.memref_slice %arg8[%dma_wait3A, %dma_wait3A_59] : memref<16x64xi32, #tpu.memory_space<vmem>> -> memref<1x64xi32, #tpu.memory_space<vmem>>
      %dma_wait3A_61 = tpu.memref_squeeze %dma_wait3A_60 : memref<1x64xi32, #tpu.memory_space<vmem>> -> memref<64xi32, #tpu.memory_space<vmem>>
      %dma_wait3A_62 = arith.constant 0 : i32
      %dma_wait3A_63 = arith.constant 0 : i32
      %dma_wait3A_64 = tpu.memref_slice %arg2[%dma_wait3A_62, %dma_wait3A_63] : memref<10000x128xbf16, #tpu.memory_space<hbm>> -> memref<10000x128xbf16, #tpu.memory_space<hbm>>
      tpu.wait_indirect_dma semaphore(%arg16 : memref<!tpu.dma_semaphore, #tpu.memory_space<semaphore_mem>>) src(%dma_wait3A_64 : memref<10000x128xbf16, #tpu.memory_space<hbm>>) dst(%arg10 : memref<64x128xbf16, #tpu.memory_space<vmem>>)
      %dma_start3A_65 = arith.constant 2 : i32
      %dma_start3A_66 = arith.constant 0 : i32
      %dma_start3A_67 = tpu.memref_slice %arg8[%dma_start3A_65, %dma_start3A_66] : memref<16x64xi32, #tpu.memory_space<vmem>> -> memref<1x64xi32, #tpu.memory_space<vmem>>
      %dma_start3A_68 = tpu.memref_squeeze %dma_start3A_67 : memref<1x64xi32, #tpu.memory_space<vmem>> -> memref<64xi32, #tpu.memory_space<vmem>>
      %dma_start3A_69 = arith.constant 0 : i32
      %dma_start3A_70 = arith.constant 0 : i32
      %dma_start3A_71 = tpu.memref_slice %arg2[%dma_start3A_69, %dma_start3A_70] : memref<10000x128xbf16, #tpu.memory_space<hbm>> -> memref<10000x128xbf16, #tpu.memory_space<hbm>>
      tpu.enqueue_indirect_dma source(%dma_start3A_71 : memref<10000x128xbf16, #tpu.memory_space<hbm>>) target(%arg12 : memref<64x128xbf16, #tpu.memory_space<vmem>>) offsets(%dma_start3A_68 : memref<64xi32, #tpu.memory_space<vmem>>) semaphore(%arg16 : memref<!tpu.dma_semaphore, #tpu.memory_space<semaphore_mem>>)
      %scan3A_72 = arith.constant -65536 : i32
      %scan3A_73 = arith.constant 0 : i32
      %scan3A_74 = arith.constant 64 : i32
      %scan3A_75 = arith.addi %scan3A_73, %scan3A_74 : i32
      %scan3A_76 = arith.constant 1 : i32
      scf.for %scan3A_371 = %scan3A_73 to %scan3A_75 step %scan3A_76  : i32 {
        %mul3A_372 = arith.constant 1 : i32
        %mul3A_373 = arith.muli %scan3A_371, %mul3A_372 : i32
        %add3A_374 = arith.constant 0 : i32
        %add3A_375 = arith.addi %add3A_374, %mul3A_373 : i32
        %get3A = arith.index_cast %add3A_375 : i32 to index
        %get3A_376 = arith.constant 0 : index
        %get3A_377 = tpu.vector_load %arg10[%get3A, %get3A_376] {strides = array<i32>} : memref<64x128xbf16, #tpu.memory_space<vmem>>, vector<32xbf16>,
        %bitcast3A = vector.bitcast %get3A_377 : vector<32xbf16> to vector<16xi32>
        %shift_left3A = arith.constant 16 : i32
        %shift_left3A_378 = vector.broadcast %shift_left3A : i32 to vector<16xi32>
        %shift_left3A_379 = arith.shli %bitcast3A, %shift_left3A_378 : vector<16xi32>
        %bitcast3A_380 = vector.bitcast %shift_left3A_379 : vector<16xi32> to vector<16xf32>
        %and3A_381 = vector.broadcast %scan3A_72 : i32 to vector<16xi32>
        %and3A_382 = arith.andi %bitcast3A, %and3A_381 : vector<16xi32>
        %bitcast3A_383 = vector.bitcast %and3A_382 : vector<16xi32> to vector<16xf32>
        %add3A_384 = arith.constant 0 : i32
        %add3A_385 = arith.addi %add3A_384, %add3A_375 : i32
        %swap3A = arith.index_cast %add3A_385 : i32 to index
        %swap3A_386 = arith.constant 0 : index
        %swap3A_387 = tpu.vector_load %arg13[%swap3A, %swap3A_386] {strides = array<i32>} : memref<128x128xf32, #tpu.memory_space<vmem>>, vector<16xf32>,
        tpu.vector_store %arg13[%swap3A, %swap3A_386], %bitcast3A_380 {strides = array<i32>} : memref<128x128xf32, #tpu.memory_space<vmem>>, vector<16xf32>,
        %add3A_388 = arith.constant 0 : i32
        %add3A_389 = arith.addi %add3A_388, %add3A_375 : i32
        %swap3A_390 = arith.index_cast %add3A_389 : i32 to index
        %swap3A_391 = arith.constant 16 : index
        %swap3A_392 = tpu.vector_load %arg13[%swap3A_390, %swap3A_391] {strides = array<i32>} : memref<128x128xf32, #tpu.memory_space<vmem>>, vector<16xf32>,
        tpu.vector_store %arg13[%swap3A_390, %swap3A_391], %bitcast3A_383 {strides = array<i32>} : memref<128x128xf32, #tpu.memory_space<vmem>>, vector<16xf32>,
        %get3A_393 = arith.index_cast %add3A_375 : i32 to index
        %get3A_394 = arith.constant 32 : index
        %get3A_395 = tpu.vector_load %arg10[%get3A_393, %get3A_394] {strides = array<i32>} : memref<64x128xbf16, #tpu.memory_space<vmem>>, vector<32xbf16>,
        %bitcast3A_396 = vector.bitcast %get3A_395 : vector<32xbf16> to vector<16xi32>
        %shift_left3A_397 = arith.constant 16 : i32
        %shift_left3A_398 = vector.broadcast %shift_left3A_397 : i32 to vector<16xi32>
        %shift_left3A_399 = arith.shli %bitcast3A_396, %shift_left3A_398 : vector<16xi32>
        %bitcast3A_400 = vector.bitcast %shift_left3A_399 : vector<16xi32> to vector<16xf32>
        %and3A_401 = vector.broadcast %scan3A_72 : i32 to vector<16xi32>
        %and3A_402 = arith.andi %bitcast3A_396, %and3A_401 : vector<16xi32>
        %bitcast3A_403 = vector.bitcast %and3A_402 : vector<16xi32> to vector<16xf32>
        %add3A_404 = arith.constant 0 : i32
        %add3A_405 = arith.addi %add3A_404, %add3A_375 : i32
        %swap3A_406 = arith.index_cast %add3A_405 : i32 to index
        %swap3A_407 = arith.constant 32 : index
        %swap3A_408 = tpu.vector_load %arg13[%swap3A_406, %swap3A_407] {strides = array<i32>} : memref<128x128xf32, #tpu.memory_space<vmem>>, vector<16xf32>,
        tpu.vector_store %arg13[%swap3A_406, %swap3A_407], %bitcast3A_400 {strides = array<i32>} : memref<128x128xf32, #tpu.memory_space<vmem>>, vector<16xf32>,
        %add3A_409 = arith.constant 0 : i32
        %add3A_410 = arith.addi %add3A_409, %add3A_375 : i32
        %swap3A_411 = arith.index_cast %add3A_410 : i32 to index
        %swap3A_412 = arith.constant 48 : index
        %swap3A_413 = tpu.vector_load %arg13[%swap3A_411, %swap3A_412] {strides = array<i32>} : memref<128x128xf32, #tpu.memory_space<vmem>>, vector<16xf32>,
        tpu.vector_store %arg13[%swap3A_411, %swap3A_412], %bitcast3A_403 {strides = array<i32>} : memref<128x128xf32, #tpu.memory_space<vmem>>, vector<16xf32>,
        %get3A_414 = arith.index_cast %add3A_375 : i32 to index
        %get3A_415 = arith.constant 64 : index
        %get3A_416 = tpu.vector_load %arg10[%get3A_414, %get3A_415] {strides = array<i32>} : memref<64x128xbf16, #tpu.memory_space<vmem>>, vector<32xbf16>,
        %bitcast3A_417 = vector.bitcast %get3A_416 : vector<32xbf16> to vector<16xi32>
        %shift_left3A_418 = arith.constant 16 : i32
        %shift_left3A_419 = vector.broadcast %shift_left3A_418 : i32 to vector<16xi32>
        %shift_left3A_420 = arith.shli %bitcast3A_417, %shift_left3A_419 : vector<16xi32>
        %bitcast3A_421 = vector.bitcast %shift_left3A_420 : vector<16xi32> to vector<16xf32>
        %and3A_422 = vector.broadcast %scan3A_72 : i32 to vector<16xi32>
        %and3A_423 = arith.andi %bitcast3A_417, %and3A_422 : vector<16xi32>
        %bitcast3A_424 = vector.bitcast %and3A_423 : vector<16xi32> to vector<16xf32>
        %add3A_425 = arith.constant 0 : i32
        %add3A_426 = arith.addi %add3A_425, %add3A_375 : i32
        %swap3A_427 = arith.index_cast %add3A_426 : i32 to index
        %swap3A_428 = arith.constant 64 : index
        %swap3A_429 = tpu.vector_load %arg13[%swap3A_427, %swap3A_428] {strides = array<i32>} : memref<128x128xf32, #tpu.memory_space<vmem>>, vector<16xf32>,
        tpu.vector_store %arg13[%swap3A_427, %swap3A_428], %bitcast3A_421 {strides = array<i32>} : memref<128x128xf32, #tpu.memory_space<vmem>>, vector<16xf32>,
        %add3A_430 = arith.constant 0 : i32
        %add3A_431 = arith.addi %add3A_430, %add3A_375 : i32
        %swap3A_432 = arith.index_cast %add3A_431 : i32 to index
        %swap3A_433 = arith.constant 80 : index
        %swap3A_434 = tpu.vector_load %arg13[%swap3A_432, %swap3A_433] {strides = array<i32>} : memref<128x128xf32, #tpu.memory_space<vmem>>, vector<16xf32>,
        tpu.vector_store %arg13[%swap3A_432, %swap3A_433], %bitcast3A_424 {strides = array<i32>} : memref<128x128xf32, #tpu.memory_space<vmem>>, vector<16xf32>,
        %get3A_435 = arith.index_cast %add3A_375 : i32 to index
        %get3A_436 = arith.constant 96 : index
        %get3A_437 = tpu.vector_load %arg10[%get3A_435, %get3A_436] {strides = array<i32>} : memref<64x128xbf16, #tpu.memory_space<vmem>>, vector<32xbf16>,
        %bitcast3A_438 = vector.bitcast %get3A_437 : vector<32xbf16> to vector<16xi32>
        %shift_left3A_439 = arith.constant 16 : i32
        %shift_left3A_440 = vector.broadcast %shift_left3A_439 : i32 to vector<16xi32>
        %shift_left3A_441 = arith.shli %bitcast3A_438, %shift_left3A_440 : vector<16xi32>
        %bitcast3A_442 = vector.bitcast %shift_left3A_441 : vector<16xi32> to vector<16xf32>
        %and3A_443 = vector.broadcast %scan3A_72 : i32 to vector<16xi32>
        %and3A_444 = arith.andi %bitcast3A_438, %and3A_443 : vector<16xi32>
        %bitcast3A_445 = vector.bitcast %and3A_444 : vector<16xi32> to vector<16xf32>
        %add3A_446 = arith.constant 0 : i32
        %add3A_447 = arith.addi %add3A_446, %add3A_375 : i32
        %swap3A_448 = arith.index_cast %add3A_447 : i32 to index
        %swap3A_449 = arith.constant 96 : index
        %swap3A_450 = tpu.vector_load %arg13[%swap3A_448, %swap3A_449] {strides = array<i32>} : memref<128x128xf32, #tpu.memory_space<vmem>>, vector<16xf32>,
        tpu.vector_store %arg13[%swap3A_448, %swap3A_449], %bitcast3A_442 {strides = array<i32>} : memref<128x128xf32, #tpu.memory_space<vmem>>, vector<16xf32>,
        %add3A_451 = arith.constant 0 : i32
        %add3A_452 = arith.addi %add3A_451, %add3A_375 : i32
        %swap3A_453 = arith.index_cast %add3A_452 : i32 to index
        %swap3A_454 = arith.constant 112 : index
        %swap3A_455 = tpu.vector_load %arg13[%swap3A_453, %swap3A_454] {strides = array<i32>} : memref<128x128xf32, #tpu.memory_space<vmem>>, vector<16xf32>,
        tpu.vector_store %arg13[%swap3A_453, %swap3A_454], %bitcast3A_445 {strides = array<i32>} : memref<128x128xf32, #tpu.memory_space<vmem>>, vector<16xf32>,
      }
      %scan3A_77 = arith.constant 64 : i32
      %dma_wait3A_78 = arith.constant 1 : i32
      %dma_wait3A_79 = arith.constant 0 : i32
      %dma_wait3A_80 = tpu.memref_slice %arg8[%dma_wait3A_78, %dma_wait3A_79] : memref<16x64xi32, #tpu.memory_space<vmem>> -> memref<1x64xi32, #tpu.memory_space<vmem>>
      %dma_wait3A_81 = tpu.memref_squeeze %dma_wait3A_80 : memref<1x64xi32, #tpu.memory_space<vmem>> -> memref<64xi32, #tpu.memory_space<vmem>>
      %dma_wait3A_82 = arith.constant 0 : i32
      %dma_wait3A_83 = arith.constant 0 : i32
      %dma_wait3A_84 = tpu.memref_slice %arg2[%dma_wait3A_82, %dma_wait3A_83] : memref<10000x128xbf16, #tpu.memory_space<hbm>> -> memref<10000x128xbf16, #tpu.memory_space<hbm>>
      tpu.wait_indirect_dma semaphore(%arg16 : memref<!tpu.dma_semaphore, #tpu.memory_space<semaphore_mem>>) src(%dma_wait3A_84 : memref<10000x128xbf16, #tpu.memory_space<hbm>>) dst(%arg11 : memref<64x128xbf16, #tpu.memory_space<vmem>>)
      %dma_start3A_85 = arith.constant 3 : i32
      %dma_start3A_86 = arith.constant 0 : i32
      %dma_start3A_87 = tpu.memref_slice %arg8[%dma_start3A_85, %dma_start3A_86] : memref<16x64xi32, #tpu.memory_space<vmem>> -> memref<1x64xi32, #tpu.memory_space<vmem>>
      %dma_start3A_88 = tpu.memref_squeeze %dma_start3A_87 : memref<1x64xi32, #tpu.memory_space<vmem>> -> memref<64xi32, #tpu.memory_space<vmem>>
      %dma_start3A_89 = arith.constant 0 : i32
      %dma_start3A_90 = arith.constant 0 : i32
      %dma_start3A_91 = tpu.memref_slice %arg2[%dma_start3A_89, %dma_start3A_90] : memref<10000x128xbf16, #tpu.memory_space<hbm>> -> memref<10000x128xbf16, #tpu.memory_space<hbm>>
      tpu.enqueue_indirect_dma source(%dma_start3A_91 : memref<10000x128xbf16, #tpu.memory_space<hbm>>) target(%arg10 : memref<64x128xbf16, #tpu.memory_space<vmem>>) offsets(%dma_start3A_88 : memref<64xi32, #tpu.memory_space<vmem>>) semaphore(%arg16 : memref<!tpu.dma_semaphore, #tpu.memory_space<semaphore_mem>>)
      %scan3A_92 = arith.constant -65536 : i32
      %scan3A_93 = arith.constant 0 : i32
      %scan3A_94 = arith.constant 64 : i32
      %scan3A_95 = arith.addi %scan3A_93, %scan3A_94 : i32
      %scan3A_96 = arith.constant 1 : i32
      scf.for %scan3A_371 = %scan3A_93 to %scan3A_95 step %scan3A_96  : i32 {
        %mul3A_372 = arith.constant 1 : i32
        %mul3A_373 = arith.muli %scan3A_371, %mul3A_372 : i32
        %add3A_374 = arith.constant 0 : i32
        %add3A_375 = arith.addi %add3A_374, %mul3A_373 : i32
        %get3A = arith.index_cast %add3A_375 : i32 to index
        %get3A_376 = arith.constant 0 : index
        %get3A_377 = tpu.vector_load %arg11[%get3A, %get3A_376] {strides = array<i32>} : memref<64x128xbf16, #tpu.memory_space<vmem>>, vector<32xbf16>,
        %bitcast3A = vector.bitcast %get3A_377 : vector<32xbf16> to vector<16xi32>
        %shift_left3A = arith.constant 16 : i32
        %shift_left3A_378 = vector.broadcast %shift_left3A : i32 to vector<16xi32>
        %shift_left3A_379 = arith.shli %bitcast3A, %shift_left3A_378 : vector<16xi32>
        %bitcast3A_380 = vector.bitcast %shift_left3A_379 : vector<16xi32> to vector<16xf32>
        %and3A_381 = vector.broadcast %scan3A_92 : i32 to vector<16xi32>
        %and3A_382 = arith.andi %bitcast3A, %and3A_381 : vector<16xi32>
        %bitcast3A_383 = vector.bitcast %and3A_382 : vector<16xi32> to vector<16xf32>
        %add3A_384 = arith.constant 64 : i32
        %add3A_385 = arith.addi %add3A_384, %add3A_375 : i32
        %swap3A = arith.index_cast %add3A_385 : i32 to index
        %swap3A_386 = arith.constant 0 : index
        %swap3A_387 = tpu.vector_load %arg13[%swap3A, %swap3A_386] {strides = array<i32>} : memref<128x128xf32, #tpu.memory_space<vmem>>, vector<16xf32>,
        tpu.vector_store %arg13[%swap3A, %swap3A_386], %bitcast3A_380 {strides = array<i32>} : memref<128x128xf32, #tpu.memory_space<vmem>>, vector<16xf32>,
        %add3A_388 = arith.constant 64 : i32
        %add3A_389 = arith.addi %add3A_388, %add3A_375 : i32
        %swap3A_390 = arith.index_cast %add3A_389 : i32 to index
        %swap3A_391 = arith.constant 16 : index
        %swap3A_392 = tpu.vector_load %arg13[%swap3A_390, %swap3A_391] {strides = array<i32>} : memref<128x128xf32, #tpu.memory_space<vmem>>, vector<16xf32>,
        tpu.vector_store %arg13[%swap3A_390, %swap3A_391], %bitcast3A_383 {strides = array<i32>} : memref<128x128xf32, #tpu.memory_space<vmem>>, vector<16xf32>,
        %get3A_393 = arith.index_cast %add3A_375 : i32 to index
        %get3A_394 = arith.constant 32 : index
        %get3A_395 = tpu.vector_load %arg11[%get3A_393, %get3A_394] {strides = array<i32>} : memref<64x128xbf16, #tpu.memory_space<vmem>>, vector<32xbf16>,
        %bitcast3A_396 = vector.bitcast %get3A_395 : vector<32xbf16> to vector<16xi32>
        %shift_left3A_397 = arith.constant 16 : i32
        %shift_left3A_398 = vector.broadcast %shift_left3A_397 : i32 to vector<16xi32>
        %shift_left3A_399 = arith.shli %bitcast3A_396, %shift_left3A_398 : vector<16xi32>
        %bitcast3A_400 = vector.bitcast %shift_left3A_399 : vector<16xi32> to vector<16xf32>
        %and3A_401 = vector.broadcast %scan3A_92 : i32 to vector<16xi32>
        %and3A_402 = arith.andi %bitcast3A_396, %and3A_401 : vector<16xi32>
        %bitcast3A_403 = vector.bitcast %and3A_402 : vector<16xi32> to vector<16xf32>
        %add3A_404 = arith.constant 64 : i32
        %add3A_405 = arith.addi %add3A_404, %add3A_375 : i32
        %swap3A_406 = arith.index_cast %add3A_405 : i32 to index
        %swap3A_407 = arith.constant 32 : index
        %swap3A_408 = tpu.vector_load %arg13[%swap3A_406, %swap3A_407] {strides = array<i32>} : memref<128x128xf32, #tpu.memory_space<vmem>>, vector<16xf32>,
        tpu.vector_store %arg13[%swap3A_406, %swap3A_407], %bitcast3A_400 {strides = array<i32>} : memref<128x128xf32, #tpu.memory_space<vmem>>, vector<16xf32>,
        %add3A_409 = arith.constant 64 : i32
        %add3A_410 = arith.addi %add3A_409, %add3A_375 : i32
        %swap3A_411 = arith.index_cast %add3A_410 : i32 to index
        %swap3A_412 = arith.constant 48 : index
        %swap3A_413 = tpu.vector_load %arg13[%swap3A_411, %swap3A_412] {strides = array<i32>} : memref<128x128xf32, #tpu.memory_space<vmem>>, vector<16xf32>,
        tpu.vector_store %arg13[%swap3A_411, %swap3A_412], %bitcast3A_403 {strides = array<i32>} : memref<128x128xf32, #tpu.memory_space<vmem>>, vector<16xf32>,
        %get3A_414 = arith.index_cast %add3A_375 : i32 to index
        %get3A_415 = arith.constant 64 : index
        %get3A_416 = tpu.vector_load %arg11[%get3A_414, %get3A_415] {strides = array<i32>} : memref<64x128xbf16, #tpu.memory_space<vmem>>, vector<32xbf16>,
        %bitcast3A_417 = vector.bitcast %get3A_416 : vector<32xbf16> to vector<16xi32>
        %shift_left3A_418 = arith.constant 16 : i32
        %shift_left3A_419 = vector.broadcast %shift_left3A_418 : i32 to vector<16xi32>
        %shift_left3A_420 = arith.shli %bitcast3A_417, %shift_left3A_419 : vector<16xi32>
        %bitcast3A_421 = vector.bitcast %shift_left3A_420 : vector<16xi32> to vector<16xf32>
        %and3A_422 = vector.broadcast %scan3A_92 : i32 to vector<16xi32>
        %and3A_423 = arith.andi %bitcast3A_417, %and3A_422 : vector<16xi32>
        %bitcast3A_424 = vector.bitcast %and3A_423 : vector<16xi32> to vector<16xf32>
        %add3A_425 = arith.constant 64 : i32
        %add3A_426 = arith.addi %add3A_425, %add3A_375 : i32
        %swap3A_427 = arith.index_cast %add3A_426 : i32 to index
        %swap3A_428 = arith.constant 64 : index
        %swap3A_429 = tpu.vector_load %arg13[%swap3A_427, %swap3A_428] {strides = array<i32>} : memref<128x128xf32, #tpu.memory_space<vmem>>, vector<16xf32>,
        tpu.vector_store %arg13[%swap3A_427, %swap3A_428], %bitcast3A_421 {strides = array<i32>} : memref<128x128xf32, #tpu.memory_space<vmem>>, vector<16xf32>,
        %add3A_430 = arith.constant 64 : i32
        %add3A_431 = arith.addi %add3A_430, %add3A_375 : i32
        %swap3A_432 = arith.index_cast %add3A_431 : i32 to index
        %swap3A_433 = arith.constant 80 : index
        %swap3A_434 = tpu.vector_load %arg13[%swap3A_432, %swap3A_433] {strides = array<i32>} : memref<128x128xf32, #tpu.memory_space<vmem>>, vector<16xf32>,
        tpu.vector_store %arg13[%swap3A_432, %swap3A_433], %bitcast3A_424 {strides = array<i32>} : memref<128x128xf32, #tpu.memory_space<vmem>>, vector<16xf32>,
        %get3A_435 = arith.index_cast %add3A_375 : i32 to index
        %get3A_436 = arith.constant 96 : index
        %get3A_437 = tpu.vector_load %arg11[%get3A_435, %get3A_436] {strides = array<i32>} : memref<64x128xbf16, #tpu.memory_space<vmem>>, vector<32xbf16>,
        %bitcast3A_438 = vector.bitcast %get3A_437 : vector<32xbf16> to vector<16xi32>
        %shift_left3A_439 = arith.constant 16 : i32
        %shift_left3A_440 = vector.broadcast %shift_left3A_439 : i32 to vector<16xi32>
        %shift_left3A_441 = arith.shli %bitcast3A_438, %shift_left3A_440 : vector<16xi32>
        %bitcast3A_442 = vector.bitcast %shift_left3A_441 : vector<16xi32> to vector<16xf32>
        %and3A_443 = vector.broadcast %scan3A_92 : i32 to vector<16xi32>
        %and3A_444 = arith.andi %bitcast3A_438, %and3A_443 : vector<16xi32>
        %bitcast3A_445 = vector.bitcast %and3A_444 : vector<16xi32> to vector<16xf32>
        %add3A_446 = arith.constant 64 : i32
        %add3A_447 = arith.addi %add3A_446, %add3A_375 : i32
        %swap3A_448 = arith.index_cast %add3A_447 : i32 to index
        %swap3A_449 = arith.constant 96 : index
        %swap3A_450 = tpu.vector_load %arg13[%swap3A_448, %swap3A_449] {strides = array<i32>} : memref<128x128xf32, #tpu.memory_space<vmem>>, vector<16xf32>,
        tpu.vector_store %arg13[%swap3A_448, %swap3A_449], %bitcast3A_442 {strides = array<i32>} : memref<128x128xf32, #tpu.memory_space<vmem>>, vector<16xf32>,
        %add3A_451 = arith.constant 64 : i32
        %add3A_452 = arith.addi %add3A_451, %add3A_375 : i32
        %swap3A_453 = arith.index_cast %add3A_452 : i32 to index
        %swap3A_454 = arith.constant 112 : index
        %swap3A_455 = tpu.vector_load %arg13[%swap3A_453, %swap3A_454] {strides = array<i32>} : memref<128x128xf32, #tpu.memory_space<vmem>>, vector<16xf32>,
        tpu.vector_store %arg13[%swap3A_453, %swap3A_454], %bitcast3A_445 {strides = array<i32>} : memref<128x128xf32, #tpu.memory_space<vmem>>, vector<16xf32>,
      }
      %scan3A_97 = arith.constant 64 : i32
      %run_scoped3A = arith.constant 0 : i32
      "tpu.region"() ({
        %run_scoped3A_371 = tpu.sem_alloc : memref<!tpu.dma_semaphore, #tpu.memory_space<semaphore_mem>>
        %dma_start3A_372 = arith.constant 0 : i32
        %dma_start3A_373 = tpu.memref_slice %arg9[%run_scoped3A, %dma_start3A_372] : memref<8x128xi32, #tpu.memory_space<vmem>> -> memref<1x128xi32, #tpu.memory_space<vmem>>
        %dma_start3A_374 = tpu.memref_squeeze %dma_start3A_373 : memref<1x128xi32, #tpu.memory_space<vmem>> -> memref<128xi32, #tpu.memory_space<vmem>>
        %dma_start3A_375 = arith.constant 0 : i32
        %dma_start3A_376 = arith.constant 0 : i32
        %dma_start3A_377 = tpu.memref_slice %arg15[%dma_start3A_375, %dma_start3A_376] : memref<10240x128xf32, #tpu.memory_space<vmem_shared>> -> memref<10240x128xf32, #tpu.memory_space<vmem_shared>>
        tpu.enqueue_indirect_dma source(%arg13 : memref<128x128xf32, #tpu.memory_space<vmem>>) target(%dma_start3A_377 : memref<10240x128xf32, #tpu.memory_space<vmem_shared>>) offsets(%dma_start3A_374 : memref<128xi32, #tpu.memory_space<vmem>>) semaphore(%run_scoped3A_371 : memref<!tpu.dma_semaphore, #tpu.memory_space<semaphore_mem>>) {add = true}
        %dma_wait3A_378 = arith.constant 0 : i32
        %dma_wait3A_379 = tpu.memref_slice %arg9[%run_scoped3A, %dma_wait3A_378] : memref<8x128xi32, #tpu.memory_space<vmem>> -> memref<1x128xi32, #tpu.memory_space<vmem>>
        %dma_wait3A_380 = tpu.memref_squeeze %dma_wait3A_379 : memref<1x128xi32, #tpu.memory_space<vmem>> -> memref<128xi32, #tpu.memory_space<vmem>>
        %dma_wait3A_381 = arith.constant 0 : i32
        %dma_wait3A_382 = arith.constant 0 : i32
        %dma_wait3A_383 = tpu.memref_slice %arg15[%dma_wait3A_381, %dma_wait3A_382] : memref<10240x128xf32, #tpu.memory_space<vmem_shared>> -> memref<10240x128xf32, #tpu.memory_space<vmem_shared>>
        tpu.wait_indirect_dma semaphore(%run_scoped3A_371 : memref<!tpu.dma_semaphore, #tpu.memory_space<semaphore_mem>>) src(%arg13 : memref<128x128xf32, #tpu.memory_space<vmem>>) dst(%dma_wait3A_383 : memref<10240x128xf32, #tpu.memory_space<vmem_shared>>)
        tpu.yield
      }) : () -> ()
      %dma_wait3A_98 = arith.constant 2 : i32
      %dma_wait3A_99 = arith.constant 0 : i32
      %dma_wait3A_100 = tpu.memref_slice %arg8[%dma_wait3A_98, %dma_wait3A_99] : memref<16x64xi32, #tpu.memory_space<vmem>> -> memref<1x64xi32, #tpu.memory_space<vmem>>
      %dma_wait3A_101 = tpu.memref_squeeze %dma_wait3A_100 : memref<1x64xi32, #tpu.memory_space<vmem>> -> memref<64xi32, #tpu.memory_space<vmem>>
      %dma_wait3A_102 = arith.constant 0 : i32
      %dma_wait3A_103 = arith.constant 0 : i32
      %dma_wait3A_104 = tpu.memref_slice %arg2[%dma_wait3A_102, %dma_wait3A_103] : memref<10000x128xbf16, #tpu.memory_space<hbm>> -> memref<10000x128xbf16, #tpu.memory_space<hbm>>
      tpu.wait_indirect_dma semaphore(%arg16 : memref<!tpu.dma_semaphore, #tpu.memory_space<semaphore_mem>>) src(%dma_wait3A_104 : memref<10000x128xbf16, #tpu.memory_space<hbm>>) dst(%arg12 : memref<64x128xbf16, #tpu.memory_space<vmem>>)
      %dma_start3A_105 = arith.constant 4 : i32
      %dma_start3A_106 = arith.constant 0 : i32
      %dma_start3A_107 = tpu.memref_slice %arg8[%dma_start3A_105, %dma_start3A_106] : memref<16x64xi32, #tpu.memory_space<vmem>> -> memref<1x64xi32, #tpu.memory_space<vmem>>
      %dma_start3A_108 = tpu.memref_squeeze %dma_start3A_107 : memref<1x64xi32, #tpu.memory_space<vmem>> -> memref<64xi32, #tpu.memory_space<vmem>>
      %dma_start3A_109 = arith.constant 0 : i32
      %dma_start3A_110 = arith.constant 0 : i32
      %dma_start3A_111 = tpu.memref_slice %arg2[%dma_start3A_109, %dma_start3A_110] : memref<10000x128xbf16, #tpu.memory_space<hbm>> -> memref<10000x128xbf16, #tpu.memory_space<hbm>>
      tpu.enqueue_indirect_dma source(%dma_start3A_111 : memref<10000x128xbf16, #tpu.memory_space<hbm>>) target(%arg11 : memref<64x128xbf16, #tpu.memory_space<vmem>>) offsets(%dma_start3A_108 : memref<64xi32, #tpu.memory_space<vmem>>) semaphore(%arg16 : memref<!tpu.dma_semaphore, #tpu.memory_space<semaphore_mem>>)
      %scan3A_112 = arith.constant -65536 : i32
      %scan3A_113 = arith.constant 0 : i32
      %scan3A_114 = arith.constant 64 : i32
      %scan3A_115 = arith.addi %scan3A_113, %scan3A_114 : i32
      %scan3A_116 = arith.constant 1 : i32
      scf.for %scan3A_371 = %scan3A_113 to %scan3A_115 step %scan3A_116  : i32 {
        %mul3A_372 = arith.constant 1 : i32
        %mul3A_373 = arith.muli %scan3A_371, %mul3A_372 : i32
        %add3A_374 = arith.constant 0 : i32
        %add3A_375 = arith.addi %add3A_374, %mul3A_373 : i32
        %get3A = arith.index_cast %add3A_375 : i32 to index
        %get3A_376 = arith.constant 0 : index
        %get3A_377 = tpu.vector_load %arg12[%get3A, %get3A_376] {strides = array<i32>} : memref<64x128xbf16, #tpu.memory_space<vmem>>, vector<32xbf16>,
        %bitcast3A = vector.bitcast %get3A_377 : vector<32xbf16> to vector<16xi32>
        %shift_left3A = arith.constant 16 : i32
        %shift_left3A_378 = vector.broadcast %shift_left3A : i32 to vector<16xi32>
        %shift_left3A_379 = arith.shli %bitcast3A, %shift_left3A_378 : vector<16xi32>
        %bitcast3A_380 = vector.bitcast %shift_left3A_379 : vector<16xi32> to vector<16xf32>
        %and3A_381 = vector.broadcast %scan3A_112 : i32 to vector<16xi32>
        %and3A_382 = arith.andi %bitcast3A, %and3A_381 : vector<16xi32>
        %bitcast3A_383 = vector.bitcast %and3A_382 : vector<16xi32> to vector<16xf32>
        %add3A_384 = arith.constant 0 : i32
        %add3A_385 = arith.addi %add3A_384, %add3A_375 : i32
        %swap3A = arith.index_cast %add3A_385 : i32 to index
        %swap3A_386 = arith.constant 0 : index
        %swap3A_387 = tpu.vector_load %arg13[%swap3A, %swap3A_386] {strides = array<i32>} : memref<128x128xf32, #tpu.memory_space<vmem>>, vector<16xf32>,
        tpu.vector_store %arg13[%swap3A, %swap3A_386], %bitcast3A_380 {strides = array<i32>} : memref<128x128xf32, #tpu.memory_space<vmem>>, vector<16xf32>,
        %add3A_388 = arith.constant 0 : i32
        %add3A_389 = arith.addi %add3A_388, %add3A_375 : i32
        %swap3A_390 = arith.index_cast %add3A_389 : i32 to index
        %swap3A_391 = arith.constant 16 : index
        %swap3A_392 = tpu.vector_load %arg13[%swap3A_390, %swap3A_391] {strides = array<i32>} : memref<128x128xf32, #tpu.memory_space<vmem>>, vector<16xf32>,
        tpu.vector_store %arg13[%swap3A_390, %swap3A_391], %bitcast3A_383 {strides = array<i32>} : memref<128x128xf32, #tpu.memory_space<vmem>>, vector<16xf32>,
        %get3A_393 = arith.index_cast %add3A_375 : i32 to index
        %get3A_394 = arith.constant 32 : index
        %get3A_395 = tpu.vector_load %arg12[%get3A_393, %get3A_394] {strides = array<i32>} : memref<64x128xbf16, #tpu.memory_space<vmem>>, vector<32xbf16>,
        %bitcast3A_396 = vector.bitcast %get3A_395 : vector<32xbf16> to vector<16xi32>
        %shift_left3A_397 = arith.constant 16 : i32
        %shift_left3A_398 = vector.broadcast %shift_left3A_397 : i32 to vector<16xi32>
        %shift_left3A_399 = arith.shli %bitcast3A_396, %shift_left3A_398 : vector<16xi32>
        %bitcast3A_400 = vector.bitcast %shift_left3A_399 : vector<16xi32> to vector<16xf32>
        %and3A_401 = vector.broadcast %scan3A_112 : i32 to vector<16xi32>
        %and3A_402 = arith.andi %bitcast3A_396, %and3A_401 : vector<16xi32>
        %bitcast3A_403 = vector.bitcast %and3A_402 : vector<16xi32> to vector<16xf32>
        %add3A_404 = arith.constant 0 : i32
        %add3A_405 = arith.addi %add3A_404, %add3A_375 : i32
        %swap3A_406 = arith.index_cast %add3A_405 : i32 to index
        %swap3A_407 = arith.constant 32 : index
        %swap3A_408 = tpu.vector_load %arg13[%swap3A_406, %swap3A_407] {strides = array<i32>} : memref<128x128xf32, #tpu.memory_space<vmem>>, vector<16xf32>,
        tpu.vector_store %arg13[%swap3A_406, %swap3A_407], %bitcast3A_400 {strides = array<i32>} : memref<128x128xf32, #tpu.memory_space<vmem>>, vector<16xf32>,
        %add3A_409 = arith.constant 0 : i32
        %add3A_410 = arith.addi %add3A_409, %add3A_375 : i32
        %swap3A_411 = arith.index_cast %add3A_410 : i32 to index
        %swap3A_412 = arith.constant 48 : index
        %swap3A_413 = tpu.vector_load %arg13[%swap3A_411, %swap3A_412] {strides = array<i32>} : memref<128x128xf32, #tpu.memory_space<vmem>>, vector<16xf32>,
        tpu.vector_store %arg13[%swap3A_411, %swap3A_412], %bitcast3A_403 {strides = array<i32>} : memref<128x128xf32, #tpu.memory_space<vmem>>, vector<16xf32>,
        %get3A_414 = arith.index_cast %add3A_375 : i32 to index
        %get3A_415 = arith.constant 64 : index
        %get3A_416 = tpu.vector_load %arg12[%get3A_414, %get3A_415] {strides = array<i32>} : memref<64x128xbf16, #tpu.memory_space<vmem>>, vector<32xbf16>,
        %bitcast3A_417 = vector.bitcast %get3A_416 : vector<32xbf16> to vector<16xi32>
        %shift_left3A_418 = arith.constant 16 : i32
        %shift_left3A_419 = vector.broadcast %shift_left3A_418 : i32 to vector<16xi32>
        %shift_left3A_420 = arith.shli %bitcast3A_417, %shift_left3A_419 : vector<16xi32>
        %bitcast3A_421 = vector.bitcast %shift_left3A_420 : vector<16xi32> to vector<16xf32>
        %and3A_422 = vector.broadcast %scan3A_112 : i32 to vector<16xi32>
        %and3A_423 = arith.andi %bitcast3A_417, %and3A_422 : vector<16xi32>
        %bitcast3A_424 = vector.bitcast %and3A_423 : vector<16xi32> to vector<16xf32>
        %add3A_425 = arith.constant 0 : i32
        %add3A_426 = arith.addi %add3A_425, %add3A_375 : i32
        %swap3A_427 = arith.index_cast %add3A_426 : i32 to index
        %swap3A_428 = arith.constant 64 : index
        %swap3A_429 = tpu.vector_load %arg13[%swap3A_427, %swap3A_428] {strides = array<i32>} : memref<128x128xf32, #tpu.memory_space<vmem>>, vector<16xf32>,
        tpu.vector_store %arg13[%swap3A_427, %swap3A_428], %bitcast3A_421 {strides = array<i32>} : memref<128x128xf32, #tpu.memory_space<vmem>>, vector<16xf32>,
        %add3A_430 = arith.constant 0 : i32
        %add3A_431 = arith.addi %add3A_430, %add3A_375 : i32
        %swap3A_432 = arith.index_cast %add3A_431 : i32 to index
        %swap3A_433 = arith.constant 80 : index
        %swap3A_434 = tpu.vector_load %arg13[%swap3A_432, %swap3A_433] {strides = array<i32>} : memref<128x128xf32, #tpu.memory_space<vmem>>, vector<16xf32>,
        tpu.vector_store %arg13[%swap3A_432, %swap3A_433], %bitcast3A_424 {strides = array<i32>} : memref<128x128xf32, #tpu.memory_space<vmem>>, vector<16xf32>,
        %get3A_435 = arith.index_cast %add3A_375 : i32 to index
        %get3A_436 = arith.constant 96 : index
        %get3A_437 = tpu.vector_load %arg12[%get3A_435, %get3A_436] {strides = array<i32>} : memref<64x128xbf16, #tpu.memory_space<vmem>>, vector<32xbf16>,
        %bitcast3A_438 = vector.bitcast %get3A_437 : vector<32xbf16> to vector<16xi32>
        %shift_left3A_439 = arith.constant 16 : i32
        %shift_left3A_440 = vector.broadcast %shift_left3A_439 : i32 to vector<16xi32>
        %shift_left3A_441 = arith.shli %bitcast3A_438, %shift_left3A_440 : vector<16xi32>
        %bitcast3A_442 = vector.bitcast %shift_left3A_441 : vector<16xi32> to vector<16xf32>
        %and3A_443 = vector.broadcast %scan3A_112 : i32 to vector<16xi32>
        %and3A_444 = arith.andi %bitcast3A_438, %and3A_443 : vector<16xi32>
        %bitcast3A_445 = vector.bitcast %and3A_444 : vector<16xi32> to vector<16xf32>
        %add3A_446 = arith.constant 0 : i32
        %add3A_447 = arith.addi %add3A_446, %add3A_375 : i32
        %swap3A_448 = arith.index_cast %add3A_447 : i32 to index
        %swap3A_449 = arith.constant 96 : index
        %swap3A_450 = tpu.vector_load %arg13[%swap3A_448, %swap3A_449] {strides = array<i32>} : memref<128x128xf32, #tpu.memory_space<vmem>>, vector<16xf32>,
        tpu.vector_store %arg13[%swap3A_448, %swap3A_449], %bitcast3A_442 {strides = array<i32>} : memref<128x128xf32, #tpu.memory_space<vmem>>, vector<16xf32>,
        %add3A_451 = arith.constant 0 : i32
        %add3A_452 = arith.addi %add3A_451, %add3A_375 : i32
        %swap3A_453 = arith.index_cast %add3A_452 : i32 to index
        %swap3A_454 = arith.constant 112 : index
        %swap3A_455 = tpu.vector_load %arg13[%swap3A_453, %swap3A_454] {strides = array<i32>} : memref<128x128xf32, #tpu.memory_space<vmem>>, vector<16xf32>,
        tpu.vector_store %arg13[%swap3A_453, %swap3A_454], %bitcast3A_445 {strides = array<i32>} : memref<128x128xf32, #tpu.memory_space<vmem>>, vector<16xf32>,
      }
      %scan3A_117 = arith.constant 64 : i32
      %dma_wait3A_118 = arith.constant 3 : i32
      %dma_wait3A_119 = arith.constant 0 : i32
      %dma_wait3A_120 = tpu.memref_slice %arg8[%dma_wait3A_118, %dma_wait3A_119] : memref<16x64xi32, #tpu.memory_space<vmem>> -> memref<1x64xi32, #tpu.memory_space<vmem>>
      %dma_wait3A_121 = tpu.memref_squeeze %dma_wait3A_120 : memref<1x64xi32, #tpu.memory_space<vmem>> -> memref<64xi32, #tpu.memory_space<vmem>>
      %dma_wait3A_122 = arith.constant 0 : i32
      %dma_wait3A_123 = arith.constant 0 : i32
      %dma_wait3A_124 = tpu.memref_slice %arg2[%dma_wait3A_122, %dma_wait3A_123] : memref<10000x128xbf16, #tpu.memory_space<hbm>> -> memref<10000x128xbf16, #tpu.memory_space<hbm>>
      tpu.wait_indirect_dma semaphore(%arg16 : memref<!tpu.dma_semaphore, #tpu.memory_space<semaphore_mem>>) src(%dma_wait3A_124 : memref<10000x128xbf16, #tpu.memory_space<hbm>>) dst(%arg10 : memref<64x128xbf16, #tpu.memory_space<vmem>>)
      %dma_start3A_125 = arith.constant 5 : i32
      %dma_start3A_126 = arith.constant 0 : i32
      %dma_start3A_127 = tpu.memref_slice %arg8[%dma_start3A_125, %dma_start3A_126] : memref<16x64xi32, #tpu.memory_space<vmem>> -> memref<1x64xi32, #tpu.memory_space<vmem>>
      %dma_start3A_128 = tpu.memref_squeeze %dma_start3A_127 : memref<1x64xi32, #tpu.memory_space<vmem>> -> memref<64xi32, #tpu.memory_space<vmem>>
      %dma_start3A_129 = arith.constant 0 : i32
      %dma_start3A_130 = arith.constant 0 : i32
      %dma_start3A_131 = tpu.memref_slice %arg2[%dma_start3A_129, %dma_start3A_130] : memref<10000x128xbf16, #tpu.memory_space<hbm>> -> memref<10000x128xbf16, #tpu.memory_space<hbm>>
      tpu.enqueue_indirect_dma source(%dma_start3A_131 : memref<10000x128xbf16, #tpu.memory_space<hbm>>) target(%arg12 : memref<64x128xbf16, #tpu.memory_space<vmem>>) offsets(%dma_start3A_128 : memref<64xi32, #tpu.memory_space<vmem>>) semaphore(%arg16 : memref<!tpu.dma_semaphore, #tpu.memory_space<semaphore_mem>>)
      %scan3A_132 = arith.constant -65536 : i32
      %scan3A_133 = arith.constant 0 : i32
      %scan3A_134 = arith.constant 64 : i32
      %scan3A_135 = arith.addi %scan3A_133, %scan3A_134 : i32
      %scan3A_136 = arith.constant 1 : i32
      scf.for %scan3A_371 = %scan3A_133 to %scan3A_135 step %scan3A_136  : i32 {
        %mul3A_372 = arith.constant 1 : i32
        %mul3A_373 = arith.muli %scan3A_371, %mul3A_372 : i32
        %add3A_374 = arith.constant 0 : i32
        %add3A_375 = arith.addi %add3A_374, %mul3A_373 : i32
        %get3A = arith.index_cast %add3A_375 : i32 to index
        %get3A_376 = arith.constant 0 : index
        %get3A_377 = tpu.vector_load %arg10[%get3A, %get3A_376] {strides = array<i32>} : memref<64x128xbf16, #tpu.memory_space<vmem>>, vector<32xbf16>,
        %bitcast3A = vector.bitcast %get3A_377 : vector<32xbf16> to vector<16xi32>
        %shift_left3A = arith.constant 16 : i32
        %shift_left3A_378 = vector.broadcast %shift_left3A : i32 to vector<16xi32>
        %shift_left3A_379 = arith.shli %bitcast3A, %shift_left3A_378 : vector<16xi32>
        %bitcast3A_380 = vector.bitcast %shift_left3A_379 : vector<16xi32> to vector<16xf32>
        %and3A_381 = vector.broadcast %scan3A_132 : i32 to vector<16xi32>
        %and3A_382 = arith.andi %bitcast3A, %and3A_381 : vector<16xi32>
        %bitcast3A_383 = vector.bitcast %and3A_382 : vector<16xi32> to vector<16xf32>
        %add3A_384 = arith.constant 64 : i32
        %add3A_385 = arith.addi %add3A_384, %add3A_375 : i32
        %swap3A = arith.index_cast %add3A_385 : i32 to index
        %swap3A_386 = arith.constant 0 : index
        %swap3A_387 = tpu.vector_load %arg13[%swap3A, %swap3A_386] {strides = array<i32>} : memref<128x128xf32, #tpu.memory_space<vmem>>, vector<16xf32>,
        tpu.vector_store %arg13[%swap3A, %swap3A_386], %bitcast3A_380 {strides = array<i32>} : memref<128x128xf32, #tpu.memory_space<vmem>>, vector<16xf32>,
        %add3A_388 = arith.constant 64 : i32
        %add3A_389 = arith.addi %add3A_388, %add3A_375 : i32
        %swap3A_390 = arith.index_cast %add3A_389 : i32 to index
        %swap3A_391 = arith.constant 16 : index
        %swap3A_392 = tpu.vector_load %arg13[%swap3A_390, %swap3A_391] {strides = array<i32>} : memref<128x128xf32, #tpu.memory_space<vmem>>, vector<16xf32>,
        tpu.vector_store %arg13[%swap3A_390, %swap3A_391], %bitcast3A_383 {strides = array<i32>} : memref<128x128xf32, #tpu.memory_space<vmem>>, vector<16xf32>,
        %get3A_393 = arith.index_cast %add3A_375 : i32 to index
        %get3A_394 = arith.constant 32 : index
        %get3A_395 = tpu.vector_load %arg10[%get3A_393, %get3A_394] {strides = array<i32>} : memref<64x128xbf16, #tpu.memory_space<vmem>>, vector<32xbf16>,
        %bitcast3A_396 = vector.bitcast %get3A_395 : vector<32xbf16> to vector<16xi32>
        %shift_left3A_397 = arith.constant 16 : i32
        %shift_left3A_398 = vector.broadcast %shift_left3A_397 : i32 to vector<16xi32>
        %shift_left3A_399 = arith.shli %bitcast3A_396, %shift_left3A_398 : vector<16xi32>
        %bitcast3A_400 = vector.bitcast %shift_left3A_399 : vector<16xi32> to vector<16xf32>
        %and3A_401 = vector.broadcast %scan3A_132 : i32 to vector<16xi32>
        %and3A_402 = arith.andi %bitcast3A_396, %and3A_401 : vector<16xi32>
        %bitcast3A_403 = vector.bitcast %and3A_402 : vector<16xi32> to vector<16xf32>
        %add3A_404 = arith.constant 64 : i32
        %add3A_405 = arith.addi %add3A_404, %add3A_375 : i32
        %swap3A_406 = arith.index_cast %add3A_405 : i32 to index
        %swap3A_407 = arith.constant 32 : index
        %swap3A_408 = tpu.vector_load %arg13[%swap3A_406, %swap3A_407] {strides = array<i32>} : memref<128x128xf32, #tpu.memory_space<vmem>>, vector<16xf32>,
        tpu.vector_store %arg13[%swap3A_406, %swap3A_407], %bitcast3A_400 {strides = array<i32>} : memref<128x128xf32, #tpu.memory_space<vmem>>, vector<16xf32>,
        %add3A_409 = arith.constant 64 : i32
        %add3A_410 = arith.addi %add3A_409, %add3A_375 : i32
        %swap3A_411 = arith.index_cast %add3A_410 : i32 to index
        %swap3A_412 = arith.constant 48 : index
        %swap3A_413 = tpu.vector_load %arg13[%swap3A_411, %swap3A_412] {strides = array<i32>} : memref<128x128xf32, #tpu.memory_space<vmem>>, vector<16xf32>,
        tpu.vector_store %arg13[%swap3A_411, %swap3A_412], %bitcast3A_403 {strides = array<i32>} : memref<128x128xf32, #tpu.memory_space<vmem>>, vector<16xf32>,
        %get3A_414 = arith.index_cast %add3A_375 : i32 to index
        %get3A_415 = arith.constant 64 : index
        %get3A_416 = tpu.vector_load %arg10[%get3A_414, %get3A_415] {strides = array<i32>} : memref<64x128xbf16, #tpu.memory_space<vmem>>, vector<32xbf16>,
        %bitcast3A_417 = vector.bitcast %get3A_416 : vector<32xbf16> to vector<16xi32>
        %shift_left3A_418 = arith.constant 16 : i32
        %shift_left3A_419 = vector.broadcast %shift_left3A_418 : i32 to vector<16xi32>
        %shift_left3A_420 = arith.shli %bitcast3A_417, %shift_left3A_419 : vector<16xi32>
        %bitcast3A_421 = vector.bitcast %shift_left3A_420 : vector<16xi32> to vector<16xf32>
        %and3A_422 = vector.broadcast %scan3A_132 : i32 to vector<16xi32>
        %and3A_423 = arith.andi %bitcast3A_417, %and3A_422 : vector<16xi32>
        %bitcast3A_424 = vector.bitcast %and3A_423 : vector<16xi32> to vector<16xf32>
        %add3A_425 = arith.constant 64 : i32
        %add3A_426 = arith.addi %add3A_425, %add3A_375 : i32
        %swap3A_427 = arith.index_cast %add3A_426 : i32 to index
        %swap3A_428 = arith.constant 64 : index
        %swap3A_429 = tpu.vector_load %arg13[%swap3A_427, %swap3A_428] {strides = array<i32>} : memref<128x128xf32, #tpu.memory_space<vmem>>, vector<16xf32>,
        tpu.vector_store %arg13[%swap3A_427, %swap3A_428], %bitcast3A_421 {strides = array<i32>} : memref<128x128xf32, #tpu.memory_space<vmem>>, vector<16xf32>,
        %add3A_430 = arith.constant 64 : i32
        %add3A_431 = arith.addi %add3A_430, %add3A_375 : i32
        %swap3A_432 = arith.index_cast %add3A_431 : i32 to index
        %swap3A_433 = arith.constant 80 : index
        %swap3A_434 = tpu.vector_load %arg13[%swap3A_432, %swap3A_433] {strides = array<i32>} : memref<128x128xf32, #tpu.memory_space<vmem>>, vector<16xf32>,
        tpu.vector_store %arg13[%swap3A_432, %swap3A_433], %bitcast3A_424 {strides = array<i32>} : memref<128x128xf32, #tpu.memory_space<vmem>>, vector<16xf32>,
        %get3A_435 = arith.index_cast %add3A_375 : i32 to index
        %get3A_436 = arith.constant 96 : index
        %get3A_437 = tpu.vector_load %arg10[%get3A_435, %get3A_436] {strides = array<i32>} : memref<64x128xbf16, #tpu.memory_space<vmem>>, vector<32xbf16>,
        %bitcast3A_438 = vector.bitcast %get3A_437 : vector<32xbf16> to vector<16xi32>
        %shift_left3A_439 = arith.constant 16 : i32
        %shift_left3A_440 = vector.broadcast %shift_left3A_439 : i32 to vector<16xi32>
        %shift_left3A_441 = arith.shli %bitcast3A_438, %shift_left3A_440 : vector<16xi32>
        %bitcast3A_442 = vector.bitcast %shift_left3A_441 : vector<16xi32> to vector<16xf32>
        %and3A_443 = vector.broadcast %scan3A_132 : i32 to vector<16xi32>
        %and3A_444 = arith.andi %bitcast3A_438, %and3A_443 : vector<16xi32>
        %bitcast3A_445 = vector.bitcast %and3A_444 : vector<16xi32> to vector<16xf32>
        %add3A_446 = arith.constant 64 : i32
        %add3A_447 = arith.addi %add3A_446, %add3A_375 : i32
        %swap3A_448 = arith.index_cast %add3A_447 : i32 to index
        %swap3A_449 = arith.constant 96 : index
        %swap3A_450 = tpu.vector_load %arg13[%swap3A_448, %swap3A_449] {strides = array<i32>} : memref<128x128xf32, #tpu.memory_space<vmem>>, vector<16xf32>,
        tpu.vector_store %arg13[%swap3A_448, %swap3A_449], %bitcast3A_442 {strides = array<i32>} : memref<128x128xf32, #tpu.memory_space<vmem>>, vector<16xf32>,
        %add3A_451 = arith.constant 64 : i32
        %add3A_452 = arith.addi %add3A_451, %add3A_375 : i32
        %swap3A_453 = arith.index_cast %add3A_452 : i32 to index
        %swap3A_454 = arith.constant 112 : index
        %swap3A_455 = tpu.vector_load %arg13[%swap3A_453, %swap3A_454] {strides = array<i32>} : memref<128x128xf32, #tpu.memory_space<vmem>>, vector<16xf32>,
        tpu.vector_store %arg13[%swap3A_453, %swap3A_454], %bitcast3A_445 {strides = array<i32>} : memref<128x128xf32, #tpu.memory_space<vmem>>, vector<16xf32>,
      }
      %scan3A_137 = arith.constant 64 : i32
      %run_scoped3A_138 = arith.constant 1 : i32
      "tpu.region"() ({
        %run_scoped3A_371 = tpu.sem_alloc : memref<!tpu.dma_semaphore, #tpu.memory_space<semaphore_mem>>
        %dma_start3A_372 = arith.constant 0 : i32
        %dma_start3A_373 = tpu.memref_slice %arg9[%run_scoped3A_138, %dma_start3A_372] : memref<8x128xi32, #tpu.memory_space<vmem>> -> memref<1x128xi32, #tpu.memory_space<vmem>>
        %dma_start3A_374 = tpu.memref_squeeze %dma_start3A_373 : memref<1x128xi32, #tpu.memory_space<vmem>> -> memref<128xi32, #tpu.memory_space<vmem>>
        %dma_start3A_375 = arith.constant 0 : i32
        %dma_start3A_376 = arith.constant 0 : i32
        %dma_start3A_377 = tpu.memref_slice %arg15[%dma_start3A_375, %dma_start3A_376] : memref<10240x128xf32, #tpu.memory_space<vmem_shared>> -> memref<10240x128xf32, #tpu.memory_space<vmem_shared>>
        tpu.enqueue_indirect_dma source(%arg13 : memref<128x128xf32, #tpu.memory_space<vmem>>) target(%dma_start3A_377 : memref<10240x128xf32, #tpu.memory_space<vmem_shared>>) offsets(%dma_start3A_374 : memref<128xi32, #tpu.memory_space<vmem>>) semaphore(%run_scoped3A_371 : memref<!tpu.dma_semaphore, #tpu.memory_space<semaphore_mem>>) {add = true}
        %dma_wait3A_378 = arith.constant 0 : i32
        %dma_wait3A_379 = tpu.memref_slice %arg9[%run_scoped3A_138, %dma_wait3A_378] : memref<8x128xi32, #tpu.memory_space<vmem>> -> memref<1x128xi32, #tpu.memory_space<vmem>>
        %dma_wait3A_380 = tpu.memref_squeeze %dma_wait3A_379 : memref<1x128xi32, #tpu.memory_space<vmem>> -> memref<128xi32, #tpu.memory_space<vmem>>
        %dma_wait3A_381 = arith.constant 0 : i32
        %dma_wait3A_382 = arith.constant 0 : i32
        %dma_wait3A_383 = tpu.memref_slice %arg15[%dma_wait3A_381, %dma_wait3A_382] : memref<10240x128xf32, #tpu.memory_space<vmem_shared>> -> memref<10240x128xf32, #tpu.memory_space<vmem_shared>>
        tpu.wait_indirect_dma semaphore(%run_scoped3A_371 : memref<!tpu.dma_semaphore, #tpu.memory_space<semaphore_mem>>) src(%arg13 : memref<128x128xf32, #tpu.memory_space<vmem>>) dst(%dma_wait3A_383 : memref<10240x128xf32, #tpu.memory_space<vmem_shared>>)
        tpu.yield
      }) : () -> ()
      %dma_wait3A_139 = arith.constant 4 : i32
      %dma_wait3A_140 = arith.constant 0 : i32
      %dma_wait3A_141 = tpu.memref_slice %arg8[%dma_wait3A_139, %dma_wait3A_140] : memref<16x64xi32, #tpu.memory_space<vmem>> -> memref<1x64xi32, #tpu.memory_space<vmem>>
      %dma_wait3A_142 = tpu.memref_squeeze %dma_wait3A_141 : memref<1x64xi32, #tpu.memory_space<vmem>> -> memref<64xi32, #tpu.memory_space<vmem>>
      %dma_wait3A_143 = arith.constant 0 : i32
      %dma_wait3A_144 = arith.constant 0 : i32
      %dma_wait3A_145 = tpu.memref_slice %arg2[%dma_wait3A_143, %dma_wait3A_144] : memref<10000x128xbf16, #tpu.memory_space<hbm>> -> memref<10000x128xbf16, #tpu.memory_space<hbm>>
      tpu.wait_indirect_dma semaphore(%arg16 : memref<!tpu.dma_semaphore, #tpu.memory_space<semaphore_mem>>) src(%dma_wait3A_145 : memref<10000x128xbf16, #tpu.memory_space<hbm>>) dst(%arg11 : memref<64x128xbf16, #tpu.memory_space<vmem>>)
      %dma_start3A_146 = arith.constant 6 : i32
      %dma_start3A_147 = arith.constant 0 : i32
      %dma_start3A_148 = tpu.memref_slice %arg8[%dma_start3A_146, %dma_start3A_147] : memref<16x64xi32, #tpu.memory_space<vmem>> -> memref<1x64xi32, #tpu.memory_space<vmem>>
      %dma_start3A_149 = tpu.memref_squeeze %dma_start3A_148 : memref<1x64xi32, #tpu.memory_space<vmem>> -> memref<64xi32, #tpu.memory_space<vmem>>
      %dma_start3A_150 = arith.constant 0 : i32
      %dma_start3A_151 = arith.constant 0 : i32
      %dma_start3A_152 = tpu.memref_slice %arg2[%dma_start3A_150, %dma_start3A_151] : memref<10000x128xbf16, #tpu.memory_space<hbm>> -> memref<10000x128xbf16, #tpu.memory_space<hbm>>
      tpu.enqueue_indirect_dma source(%dma_start3A_152 : memref<10000x128xbf16, #tpu.memory_space<hbm>>) target(%arg10 : memref<64x128xbf16, #tpu.memory_space<vmem>>) offsets(%dma_start3A_149 : memref<64xi32, #tpu.memory_space<vmem>>) semaphore(%arg16 : memref<!tpu.dma_semaphore, #tpu.memory_space<semaphore_mem>>)
      %scan3A_153 = arith.constant -65536 : i32
      %scan3A_154 = arith.constant 0 : i32
      %scan3A_155 = arith.constant 64 : i32
      %scan3A_156 = arith.addi %scan3A_154, %scan3A_155 : i32
      %scan3A_157 = arith.constant 1 : i32
      scf.for %scan3A_371 = %scan3A_154 to %scan3A_156 step %scan3A_157  : i32 {
        %mul3A_372 = arith.constant 1 : i32
        %mul3A_373 = arith.muli %scan3A_371, %mul3A_372 : i32
        %add3A_374 = arith.constant 0 : i32
        %add3A_375 = arith.addi %add3A_374, %mul3A_373 : i32
        %get3A = arith.index_cast %add3A_375 : i32 to index
        %get3A_376 = arith.constant 0 : index
        %get3A_377 = tpu.vector_load %arg11[%get3A, %get3A_376] {strides = array<i32>} : memref<64x128xbf16, #tpu.memory_space<vmem>>, vector<32xbf16>,
        %bitcast3A = vector.bitcast %get3A_377 : vector<32xbf16> to vector<16xi32>
        %shift_left3A = arith.constant 16 : i32
        %shift_left3A_378 = vector.broadcast %shift_left3A : i32 to vector<16xi32>
        %shift_left3A_379 = arith.shli %bitcast3A, %shift_left3A_378 : vector<16xi32>
        %bitcast3A_380 = vector.bitcast %shift_left3A_379 : vector<16xi32> to vector<16xf32>
        %and3A_381 = vector.broadcast %scan3A_153 : i32 to vector<16xi32>
        %and3A_382 = arith.andi %bitcast3A, %and3A_381 : vector<16xi32>
        %bitcast3A_383 = vector.bitcast %and3A_382 : vector<16xi32> to vector<16xf32>
        %add3A_384 = arith.constant 0 : i32
        %add3A_385 = arith.addi %add3A_384, %add3A_375 : i32
        %swap3A = arith.index_cast %add3A_385 : i32 to index
        %swap3A_386 = arith.constant 0 : index
        %swap3A_387 = tpu.vector_load %arg13[%swap3A, %swap3A_386] {strides = array<i32>} : memref<128x128xf32, #tpu.memory_space<vmem>>, vector<16xf32>,
        tpu.vector_store %arg13[%swap3A, %swap3A_386], %bitcast3A_380 {strides = array<i32>} : memref<128x128xf32, #tpu.memory_space<vmem>>, vector<16xf32>,
        %add3A_388 = arith.constant 0 : i32
        %add3A_389 = arith.addi %add3A_388, %add3A_375 : i32
        %swap3A_390 = arith.index_cast %add3A_389 : i32 to index
        %swap3A_391 = arith.constant 16 : index
        %swap3A_392 = tpu.vector_load %arg13[%swap3A_390, %swap3A_391] {strides = array<i32>} : memref<128x128xf32, #tpu.memory_space<vmem>>, vector<16xf32>,
        tpu.vector_store %arg13[%swap3A_390, %swap3A_391], %bitcast3A_383 {strides = array<i32>} : memref<128x128xf32, #tpu.memory_space<vmem>>, vector<16xf32>,
        %get3A_393 = arith.index_cast %add3A_375 : i32 to index
        %get3A_394 = arith.constant 32 : index
        %get3A_395 = tpu.vector_load %arg11[%get3A_393, %get3A_394] {strides = array<i32>} : memref<64x128xbf16, #tpu.memory_space<vmem>>, vector<32xbf16>,
        %bitcast3A_396 = vector.bitcast %get3A_395 : vector<32xbf16> to vector<16xi32>
        %shift_left3A_397 = arith.constant 16 : i32
        %shift_left3A_398 = vector.broadcast %shift_left3A_397 : i32 to vector<16xi32>
        %shift_left3A_399 = arith.shli %bitcast3A_396, %shift_left3A_398 : vector<16xi32>
        %bitcast3A_400 = vector.bitcast %shift_left3A_399 : vector<16xi32> to vector<16xf32>
        %and3A_401 = vector.broadcast %scan3A_153 : i32 to vector<16xi32>
        %and3A_402 = arith.andi %bitcast3A_396, %and3A_401 : vector<16xi32>
        %bitcast3A_403 = vector.bitcast %and3A_402 : vector<16xi32> to vector<16xf32>
        %add3A_404 = arith.constant 0 : i32
        %add3A_405 = arith.addi %add3A_404, %add3A_375 : i32
        %swap3A_406 = arith.index_cast %add3A_405 : i32 to index
        %swap3A_407 = arith.constant 32 : index
        %swap3A_408 = tpu.vector_load %arg13[%swap3A_406, %swap3A_407] {strides = array<i32>} : memref<128x128xf32, #tpu.memory_space<vmem>>, vector<16xf32>,
        tpu.vector_store %arg13[%swap3A_406, %swap3A_407], %bitcast3A_400 {strides = array<i32>} : memref<128x128xf32, #tpu.memory_space<vmem>>, vector<16xf32>,
        %add3A_409 = arith.constant 0 : i32
        %add3A_410 = arith.addi %add3A_409, %add3A_375 : i32
        %swap3A_411 = arith.index_cast %add3A_410 : i32 to index
        %swap3A_412 = arith.constant 48 : index
        %swap3A_413 = tpu.vector_load %arg13[%swap3A_411, %swap3A_412] {strides = array<i32>} : memref<128x128xf32, #tpu.memory_space<vmem>>, vector<16xf32>,
        tpu.vector_store %arg13[%swap3A_411, %swap3A_412], %bitcast3A_403 {strides = array<i32>} : memref<128x128xf32, #tpu.memory_space<vmem>>, vector<16xf32>,
        %get3A_414 = arith.index_cast %add3A_375 : i32 to index
        %get3A_415 = arith.constant 64 : index
        %get3A_416 = tpu.vector_load %arg11[%get3A_414, %get3A_415] {strides = array<i32>} : memref<64x128xbf16, #tpu.memory_space<vmem>>, vector<32xbf16>,
        %bitcast3A_417 = vector.bitcast %get3A_416 : vector<32xbf16> to vector<16xi32>
        %shift_left3A_418 = arith.constant 16 : i32
        %shift_left3A_419 = vector.broadcast %shift_left3A_418 : i32 to vector<16xi32>
        %shift_left3A_420 = arith.shli %bitcast3A_417, %shift_left3A_419 : vector<16xi32>
        %bitcast3A_421 = vector.bitcast %shift_left3A_420 : vector<16xi32> to vector<16xf32>
        %and3A_422 = vector.broadcast %scan3A_153 : i32 to vector<16xi32>
        %and3A_423 = arith.andi %bitcast3A_417, %and3A_422 : vector<16xi32>
        %bitcast3A_424 = vector.bitcast %and3A_423 : vector<16xi32> to vector<16xf32>
        %add3A_425 = arith.constant 0 : i32
        %add3A_426 = arith.addi %add3A_425, %add3A_375 : i32
        %swap3A_427 = arith.index_cast %add3A_426 : i32 to index
        %swap3A_428 = arith.constant 64 : index
        %swap3A_429 = tpu.vector_load %arg13[%swap3A_427, %swap3A_428] {strides = array<i32>} : memref<128x128xf32, #tpu.memory_space<vmem>>, vector<16xf32>,
        tpu.vector_store %arg13[%swap3A_427, %swap3A_428], %bitcast3A_421 {strides = array<i32>} : memref<128x128xf32, #tpu.memory_space<vmem>>, vector<16xf32>,
        %add3A_430 = arith.constant 0 : i32
        %add3A_431 = arith.addi %add3A_430, %add3A_375 : i32
        %swap3A_432 = arith.index_cast %add3A_431 : i32 to index
        %swap3A_433 = arith.constant 80 : index
        %swap3A_434 = tpu.vector_load %arg13[%swap3A_432, %swap3A_433] {strides = array<i32>} : memref<128x128xf32, #tpu.memory_space<vmem>>, vector<16xf32>,
        tpu.vector_store %arg13[%swap3A_432, %swap3A_433], %bitcast3A_424 {strides = array<i32>} : memref<128x128xf32, #tpu.memory_space<vmem>>, vector<16xf32>,
        %get3A_435 = arith.index_cast %add3A_375 : i32 to index
        %get3A_436 = arith.constant 96 : index
        %get3A_437 = tpu.vector_load %arg11[%get3A_435, %get3A_436] {strides = array<i32>} : memref<64x128xbf16, #tpu.memory_space<vmem>>, vector<32xbf16>,
        %bitcast3A_438 = vector.bitcast %get3A_437 : vector<32xbf16> to vector<16xi32>
        %shift_left3A_439 = arith.constant 16 : i32
        %shift_left3A_440 = vector.broadcast %shift_left3A_439 : i32 to vector<16xi32>
        %shift_left3A_441 = arith.shli %bitcast3A_438, %shift_left3A_440 : vector<16xi32>
        %bitcast3A_442 = vector.bitcast %shift_left3A_441 : vector<16xi32> to vector<16xf32>
        %and3A_443 = vector.broadcast %scan3A_153 : i32 to vector<16xi32>
        %and3A_444 = arith.andi %bitcast3A_438, %and3A_443 : vector<16xi32>
        %bitcast3A_445 = vector.bitcast %and3A_444 : vector<16xi32> to vector<16xf32>
        %add3A_446 = arith.constant 0 : i32
        %add3A_447 = arith.addi %add3A_446, %add3A_375 : i32
        %swap3A_448 = arith.index_cast %add3A_447 : i32 to index
        %swap3A_449 = arith.constant 96 : index
        %swap3A_450 = tpu.vector_load %arg13[%swap3A_448, %swap3A_449] {strides = array<i32>} : memref<128x128xf32, #tpu.memory_space<vmem>>, vector<16xf32>,
        tpu.vector_store %arg13[%swap3A_448, %swap3A_449], %bitcast3A_442 {strides = array<i32>} : memref<128x128xf32, #tpu.memory_space<vmem>>, vector<16xf32>,
        %add3A_451 = arith.constant 0 : i32
        %add3A_452 = arith.addi %add3A_451, %add3A_375 : i32
        %swap3A_453 = arith.index_cast %add3A_452 : i32 to index
        %swap3A_454 = arith.constant 112 : index
        %swap3A_455 = tpu.vector_load %arg13[%swap3A_453, %swap3A_454] {strides = array<i32>} : memref<128x128xf32, #tpu.memory_space<vmem>>, vector<16xf32>,
        tpu.vector_store %arg13[%swap3A_453, %swap3A_454], %bitcast3A_445 {strides = array<i32>} : memref<128x128xf32, #tpu.memory_space<vmem>>, vector<16xf32>,
      }
      %scan3A_158 = arith.constant 64 : i32
      %dma_wait3A_159 = arith.constant 5 : i32
      %dma_wait3A_160 = arith.constant 0 : i32
      %dma_wait3A_161 = tpu.memref_slice %arg8[%dma_wait3A_159, %dma_wait3A_160] : memref<16x64xi32, #tpu.memory_space<vmem>> -> memref<1x64xi32, #tpu.memory_space<vmem>>
      %dma_wait3A_162 = tpu.memref_squeeze %dma_wait3A_161 : memref<1x64xi32, #tpu.memory_space<vmem>> -> memref<64xi32, #tpu.memory_space<vmem>>
      %dma_wait3A_163 = arith.constant 0 : i32
      %dma_wait3A_164 = arith.constant 0 : i32
      %dma_wait3A_165 = tpu.memref_slice %arg2[%dma_wait3A_163, %dma_wait3A_164] : memref<10000x128xbf16, #tpu.memory_space<hbm>> -> memref<10000x128xbf16, #tpu.memory_space<hbm>>
      tpu.wait_indirect_dma semaphore(%arg16 : memref<!tpu.dma_semaphore, #tpu.memory_space<semaphore_mem>>) src(%dma_wait3A_165 : memref<10000x128xbf16, #tpu.memory_space<hbm>>) dst(%arg12 : memref<64x128xbf16, #tpu.memory_space<vmem>>)
      %dma_start3A_166 = arith.constant 7 : i32
      %dma_start3A_167 = arith.constant 0 : i32
      %dma_start3A_168 = tpu.memref_slice %arg8[%dma_start3A_166, %dma_start3A_167] : memref<16x64xi32, #tpu.memory_space<vmem>> -> memref<1x64xi32, #tpu.memory_space<vmem>>
      %dma_start3A_169 = tpu.memref_squeeze %dma_start3A_168 : memref<1x64xi32, #tpu.memory_space<vmem>> -> memref<64xi32, #tpu.memory_space<vmem>>
      %dma_start3A_170 = arith.constant 0 : i32
      %dma_start3A_171 = arith.constant 0 : i32
      %dma_start3A_172 = tpu.memref_slice %arg2[%dma_start3A_170, %dma_start3A_171] : memref<10000x128xbf16, #tpu.memory_space<hbm>> -> memref<10000x128xbf16, #tpu.memory_space<hbm>>
      tpu.enqueue_indirect_dma source(%dma_start3A_172 : memref<10000x128xbf16, #tpu.memory_space<hbm>>) target(%arg11 : memref<64x128xbf16, #tpu.memory_space<vmem>>) offsets(%dma_start3A_169 : memref<64xi32, #tpu.memory_space<vmem>>) semaphore(%arg16 : memref<!tpu.dma_semaphore, #tpu.memory_space<semaphore_mem>>)
      %scan3A_173 = arith.constant -65536 : i32
      %scan3A_174 = arith.constant 0 : i32
      %scan3A_175 = arith.constant 64 : i32
      %scan3A_176 = arith.addi %scan3A_174, %scan3A_175 : i32
      %scan3A_177 = arith.constant 1 : i32
      scf.for %scan3A_371 = %scan3A_174 to %scan3A_176 step %scan3A_177  : i32 {
        %mul3A_372 = arith.constant 1 : i32
        %mul3A_373 = arith.muli %scan3A_371, %mul3A_372 : i32
        %add3A_374 = arith.constant 0 : i32
        %add3A_375 = arith.addi %add3A_374, %mul3A_373 : i32
        %get3A = arith.index_cast %add3A_375 : i32 to index
        %get3A_376 = arith.constant 0 : index
        %get3A_377 = tpu.vector_load %arg12[%get3A, %get3A_376] {strides = array<i32>} : memref<64x128xbf16, #tpu.memory_space<vmem>>, vector<32xbf16>,
        %bitcast3A = vector.bitcast %get3A_377 : vector<32xbf16> to vector<16xi32>
        %shift_left3A = arith.constant 16 : i32
        %shift_left3A_378 = vector.broadcast %shift_left3A : i32 to vector<16xi32>
        %shift_left3A_379 = arith.shli %bitcast3A, %shift_left3A_378 : vector<16xi32>
        %bitcast3A_380 = vector.bitcast %shift_left3A_379 : vector<16xi32> to vector<16xf32>
        %and3A_381 = vector.broadcast %scan3A_173 : i32 to vector<16xi32>
        %and3A_382 = arith.andi %bitcast3A, %and3A_381 : vector<16xi32>
        %bitcast3A_383 = vector.bitcast %and3A_382 : vector<16xi32> to vector<16xf32>
        %add3A_384 = arith.constant 64 : i32
        %add3A_385 = arith.addi %add3A_384, %add3A_375 : i32
        %swap3A = arith.index_cast %add3A_385 : i32 to index
        %swap3A_386 = arith.constant 0 : index
        %swap3A_387 = tpu.vector_load %arg13[%swap3A, %swap3A_386] {strides = array<i32>} : memref<128x128xf32, #tpu.memory_space<vmem>>, vector<16xf32>,
        tpu.vector_store %arg13[%swap3A, %swap3A_386], %bitcast3A_380 {strides = array<i32>} : memref<128x128xf32, #tpu.memory_space<vmem>>, vector<16xf32>,
        %add3A_388 = arith.constant 64 : i32
        %add3A_389 = arith.addi %add3A_388, %add3A_375 : i32
        %swap3A_390 = arith.index_cast %add3A_389 : i32 to index
        %swap3A_391 = arith.constant 16 : index
        %swap3A_392 = tpu.vector_load %arg13[%swap3A_390, %swap3A_391] {strides = array<i32>} : memref<128x128xf32, #tpu.memory_space<vmem>>, vector<16xf32>,
        tpu.vector_store %arg13[%swap3A_390, %swap3A_391], %bitcast3A_383 {strides = array<i32>} : memref<128x128xf32, #tpu.memory_space<vmem>>, vector<16xf32>,
        %get3A_393 = arith.index_cast %add3A_375 : i32 to index
        %get3A_394 = arith.constant 32 : index
        %get3A_395 = tpu.vector_load %arg12[%get3A_393, %get3A_394] {strides = array<i32>} : memref<64x128xbf16, #tpu.memory_space<vmem>>, vector<32xbf16>,
        %bitcast3A_396 = vector.bitcast %get3A_395 : vector<32xbf16> to vector<16xi32>
        %shift_left3A_397 = arith.constant 16 : i32
        %shift_left3A_398 = vector.broadcast %shift_left3A_397 : i32 to vector<16xi32>
        %shift_left3A_399 = arith.shli %bitcast3A_396, %shift_left3A_398 : vector<16xi32>
        %bitcast3A_400 = vector.bitcast %shift_left3A_399 : vector<16xi32> to vector<16xf32>
        %and3A_401 = vector.broadcast %scan3A_173 : i32 to vector<16xi32>
        %and3A_402 = arith.andi %bitcast3A_396, %and3A_401 : vector<16xi32>
        %bitcast3A_403 = vector.bitcast %and3A_402 : vector<16xi32> to vector<16xf32>
        %add3A_404 = arith.constant 64 : i32
        %add3A_405 = arith.addi %add3A_404, %add3A_375 : i32
        %swap3A_406 = arith.index_cast %add3A_405 : i32 to index
        %swap3A_407 = arith.constant 32 : index
        %swap3A_408 = tpu.vector_load %arg13[%swap3A_406, %swap3A_407] {strides = array<i32>} : memref<128x128xf32, #tpu.memory_space<vmem>>, vector<16xf32>,
        tpu.vector_store %arg13[%swap3A_406, %swap3A_407], %bitcast3A_400 {strides = array<i32>} : memref<128x128xf32, #tpu.memory_space<vmem>>, vector<16xf32>,
        %add3A_409 = arith.constant 64 : i32
        %add3A_410 = arith.addi %add3A_409, %add3A_375 : i32
        %swap3A_411 = arith.index_cast %add3A_410 : i32 to index
        %swap3A_412 = arith.constant 48 : index
        %swap3A_413 = tpu.vector_load %arg13[%swap3A_411, %swap3A_412] {strides = array<i32>} : memref<128x128xf32, #tpu.memory_space<vmem>>, vector<16xf32>,
        tpu.vector_store %arg13[%swap3A_411, %swap3A_412], %bitcast3A_403 {strides = array<i32>} : memref<128x128xf32, #tpu.memory_space<vmem>>, vector<16xf32>,
        %get3A_414 = arith.index_cast %add3A_375 : i32 to index
        %get3A_415 = arith.constant 64 : index
        %get3A_416 = tpu.vector_load %arg12[%get3A_414, %get3A_415] {strides = array<i32>} : memref<64x128xbf16, #tpu.memory_space<vmem>>, vector<32xbf16>,
        %bitcast3A_417 = vector.bitcast %get3A_416 : vector<32xbf16> to vector<16xi32>
        %shift_left3A_418 = arith.constant 16 : i32
        %shift_left3A_419 = vector.broadcast %shift_left3A_418 : i32 to vector<16xi32>
        %shift_left3A_420 = arith.shli %bitcast3A_417, %shift_left3A_419 : vector<16xi32>
        %bitcast3A_421 = vector.bitcast %shift_left3A_420 : vector<16xi32> to vector<16xf32>
        %and3A_422 = vector.broadcast %scan3A_173 : i32 to vector<16xi32>
        %and3A_423 = arith.andi %bitcast3A_417, %and3A_422 : vector<16xi32>
        %bitcast3A_424 = vector.bitcast %and3A_423 : vector<16xi32> to vector<16xf32>
        %add3A_425 = arith.constant 64 : i32
        %add3A_426 = arith.addi %add3A_425, %add3A_375 : i32
        %swap3A_427 = arith.index_cast %add3A_426 : i32 to index
        %swap3A_428 = arith.constant 64 : index
        %swap3A_429 = tpu.vector_load %arg13[%swap3A_427, %swap3A_428] {strides = array<i32>} : memref<128x128xf32, #tpu.memory_space<vmem>>, vector<16xf32>,
        tpu.vector_store %arg13[%swap3A_427, %swap3A_428], %bitcast3A_421 {strides = array<i32>} : memref<128x128xf32, #tpu.memory_space<vmem>>, vector<16xf32>,
        %add3A_430 = arith.constant 64 : i32
        %add3A_431 = arith.addi %add3A_430, %add3A_375 : i32
        %swap3A_432 = arith.index_cast %add3A_431 : i32 to index
        %swap3A_433 = arith.constant 80 : index
        %swap3A_434 = tpu.vector_load %arg13[%swap3A_432, %swap3A_433] {strides = array<i32>} : memref<128x128xf32, #tpu.memory_space<vmem>>, vector<16xf32>,
        tpu.vector_store %arg13[%swap3A_432, %swap3A_433], %bitcast3A_424 {strides = array<i32>} : memref<128x128xf32, #tpu.memory_space<vmem>>, vector<16xf32>,
        %get3A_435 = arith.index_cast %add3A_375 : i32 to index
        %get3A_436 = arith.constant 96 : index
        %get3A_437 = tpu.vector_load %arg12[%get3A_435, %get3A_436] {strides = array<i32>} : memref<64x128xbf16, #tpu.memory_space<vmem>>, vector<32xbf16>,
        %bitcast3A_438 = vector.bitcast %get3A_437 : vector<32xbf16> to vector<16xi32>
        %shift_left3A_439 = arith.constant 16 : i32
        %shift_left3A_440 = vector.broadcast %shift_left3A_439 : i32 to vector<16xi32>
        %shift_left3A_441 = arith.shli %bitcast3A_438, %shift_left3A_440 : vector<16xi32>
        %bitcast3A_442 = vector.bitcast %shift_left3A_441 : vector<16xi32> to vector<16xf32>
        %and3A_443 = vector.broadcast %scan3A_173 : i32 to vector<16xi32>
        %and3A_444 = arith.andi %bitcast3A_438, %and3A_443 : vector<16xi32>
        %bitcast3A_445 = vector.bitcast %and3A_444 : vector<16xi32> to vector<16xf32>
        %add3A_446 = arith.constant 64 : i32
        %add3A_447 = arith.addi %add3A_446, %add3A_375 : i32
        %swap3A_448 = arith.index_cast %add3A_447 : i32 to index
        %swap3A_449 = arith.constant 96 : index
        %swap3A_450 = tpu.vector_load %arg13[%swap3A_448, %swap3A_449] {strides = array<i32>} : memref<128x128xf32, #tpu.memory_space<vmem>>, vector<16xf32>,
        tpu.vector_store %arg13[%swap3A_448, %swap3A_449], %bitcast3A_442 {strides = array<i32>} : memref<128x128xf32, #tpu.memory_space<vmem>>, vector<16xf32>,
        %add3A_451 = arith.constant 64 : i32
        %add3A_452 = arith.addi %add3A_451, %add3A_375 : i32
        %swap3A_453 = arith.index_cast %add3A_452 : i32 to index
        %swap3A_454 = arith.constant 112 : index
        %swap3A_455 = tpu.vector_load %arg13[%swap3A_453, %swap3A_454] {strides = array<i32>} : memref<128x128xf32, #tpu.memory_space<vmem>>, vector<16xf32>,
        tpu.vector_store %arg13[%swap3A_453, %swap3A_454], %bitcast3A_445 {strides = array<i32>} : memref<128x128xf32, #tpu.memory_space<vmem>>, vector<16xf32>,
      }
      %scan3A_178 = arith.constant 64 : i32
      %run_scoped3A_179 = arith.constant 2 : i32
      "tpu.region"() ({
        %run_scoped3A_371 = tpu.sem_alloc : memref<!tpu.dma_semaphore, #tpu.memory_space<semaphore_mem>>
        %dma_start3A_372 = arith.constant 0 : i32
        %dma_start3A_373 = tpu.memref_slice %arg9[%run_scoped3A_179, %dma_start3A_372] : memref<8x128xi32, #tpu.memory_space<vmem>> -> memref<1x128xi32, #tpu.memory_space<vmem>>
        %dma_start3A_374 = tpu.memref_squeeze %dma_start3A_373 : memref<1x128xi32, #tpu.memory_space<vmem>> -> memref<128xi32, #tpu.memory_space<vmem>>
        %dma_start3A_375 = arith.constant 0 : i32
        %dma_start3A_376 = arith.constant 0 : i32
        %dma_start3A_377 = tpu.memref_slice %arg15[%dma_start3A_375, %dma_start3A_376] : memref<10240x128xf32, #tpu.memory_space<vmem_shared>> -> memref<10240x128xf32, #tpu.memory_space<vmem_shared>>
        tpu.enqueue_indirect_dma source(%arg13 : memref<128x128xf32, #tpu.memory_space<vmem>>) target(%dma_start3A_377 : memref<10240x128xf32, #tpu.memory_space<vmem_shared>>) offsets(%dma_start3A_374 : memref<128xi32, #tpu.memory_space<vmem>>) semaphore(%run_scoped3A_371 : memref<!tpu.dma_semaphore, #tpu.memory_space<semaphore_mem>>) {add = true}
        %dma_wait3A_378 = arith.constant 0 : i32
        %dma_wait3A_379 = tpu.memref_slice %arg9[%run_scoped3A_179, %dma_wait3A_378] : memref<8x128xi32, #tpu.memory_space<vmem>> -> memref<1x128xi32, #tpu.memory_space<vmem>>
        %dma_wait3A_380 = tpu.memref_squeeze %dma_wait3A_379 : memref<1x128xi32, #tpu.memory_space<vmem>> -> memref<128xi32, #tpu.memory_space<vmem>>
        %dma_wait3A_381 = arith.constant 0 : i32
        %dma_wait3A_382 = arith.constant 0 : i32
        %dma_wait3A_383 = tpu.memref_slice %arg15[%dma_wait3A_381, %dma_wait3A_382] : memref<10240x128xf32, #tpu.memory_space<vmem_shared>> -> memref<10240x128xf32, #tpu.memory_space<vmem_shared>>
        tpu.wait_indirect_dma semaphore(%run_scoped3A_371 : memref<!tpu.dma_semaphore, #tpu.memory_space<semaphore_mem>>) src(%arg13 : memref<128x128xf32, #tpu.memory_space<vmem>>) dst(%dma_wait3A_383 : memref<10240x128xf32, #tpu.memory_space<vmem_shared>>)
        tpu.yield
      }) : () -> ()
      %dma_wait3A_180 = arith.constant 6 : i32
      %dma_wait3A_181 = arith.constant 0 : i32
      %dma_wait3A_182 = tpu.memref_slice %arg8[%dma_wait3A_180, %dma_wait3A_181] : memref<16x64xi32, #tpu.memory_space<vmem>> -> memref<1x64xi32, #tpu.memory_space<vmem>>
      %dma_wait3A_183 = tpu.memref_squeeze %dma_wait3A_182 : memref<1x64xi32, #tpu.memory_space<vmem>> -> memref<64xi32, #tpu.memory_space<vmem>>
      %dma_wait3A_184 = arith.constant 0 : i32
      %dma_wait3A_185 = arith.constant 0 : i32
      %dma_wait3A_186 = tpu.memref_slice %arg2[%dma_wait3A_184, %dma_wait3A_185] : memref<10000x128xbf16, #tpu.memory_space<hbm>> -> memref<10000x128xbf16, #tpu.memory_space<hbm>>
      tpu.wait_indirect_dma semaphore(%arg16 : memref<!tpu.dma_semaphore, #tpu.memory_space<semaphore_mem>>) src(%dma_wait3A_186 : memref<10000x128xbf16, #tpu.memory_space<hbm>>) dst(%arg10 : memref<64x128xbf16, #tpu.memory_space<vmem>>)
      %dma_start3A_187 = arith.constant 8 : i32
      %dma_start3A_188 = arith.constant 0 : i32
      %dma_start3A_189 = tpu.memref_slice %arg8[%dma_start3A_187, %dma_start3A_188] : memref<16x64xi32, #tpu.memory_space<vmem>> -> memref<1x64xi32, #tpu.memory_space<vmem>>
      %dma_start3A_190 = tpu.memref_squeeze %dma_start3A_189 : memref<1x64xi32, #tpu.memory_space<vmem>> -> memref<64xi32, #tpu.memory_space<vmem>>
      %dma_start3A_191 = arith.constant 0 : i32
      %dma_start3A_192 = arith.constant 0 : i32
      %dma_start3A_193 = tpu.memref_slice %arg2[%dma_start3A_191, %dma_start3A_192] : memref<10000x128xbf16, #tpu.memory_space<hbm>> -> memref<10000x128xbf16, #tpu.memory_space<hbm>>
      tpu.enqueue_indirect_dma source(%dma_start3A_193 : memref<10000x128xbf16, #tpu.memory_space<hbm>>) target(%arg12 : memref<64x128xbf16, #tpu.memory_space<vmem>>) offsets(%dma_start3A_190 : memref<64xi32, #tpu.memory_space<vmem>>) semaphore(%arg16 : memref<!tpu.dma_semaphore, #tpu.memory_space<semaphore_mem>>)
      %scan3A_194 = arith.constant -65536 : i32
      %scan3A_195 = arith.constant 0 : i32
      %scan3A_196 = arith.constant 64 : i32
      %scan3A_197 = arith.addi %scan3A_195, %scan3A_196 : i32
      %scan3A_198 = arith.constant 1 : i32
      scf.for %scan3A_371 = %scan3A_195 to %scan3A_197 step %scan3A_198  : i32 {
        %mul3A_372 = arith.constant 1 : i32
        %mul3A_373 = arith.muli %scan3A_371, %mul3A_372 : i32
        %add3A_374 = arith.constant 0 : i32
        %add3A_375 = arith.addi %add3A_374, %mul3A_373 : i32
        %get3A = arith.index_cast %add3A_375 : i32 to index
        %get3A_376 = arith.constant 0 : index
        %get3A_377 = tpu.vector_load %arg10[%get3A, %get3A_376] {strides = array<i32>} : memref<64x128xbf16, #tpu.memory_space<vmem>>, vector<32xbf16>,
        %bitcast3A = vector.bitcast %get3A_377 : vector<32xbf16> to vector<16xi32>
        %shift_left3A = arith.constant 16 : i32
        %shift_left3A_378 = vector.broadcast %shift_left3A : i32 to vector<16xi32>
        %shift_left3A_379 = arith.shli %bitcast3A, %shift_left3A_378 : vector<16xi32>
        %bitcast3A_380 = vector.bitcast %shift_left3A_379 : vector<16xi32> to vector<16xf32>
        %and3A_381 = vector.broadcast %scan3A_194 : i32 to vector<16xi32>
        %and3A_382 = arith.andi %bitcast3A, %and3A_381 : vector<16xi32>
        %bitcast3A_383 = vector.bitcast %and3A_382 : vector<16xi32> to vector<16xf32>
        %add3A_384 = arith.constant 0 : i32
        %add3A_385 = arith.addi %add3A_384, %add3A_375 : i32
        %swap3A = arith.index_cast %add3A_385 : i32 to index
        %swap3A_386 = arith.constant 0 : index
        %swap3A_387 = tpu.vector_load %arg13[%swap3A, %swap3A_386] {strides = array<i32>} : memref<128x128xf32, #tpu.memory_space<vmem>>, vector<16xf32>,
        tpu.vector_store %arg13[%swap3A, %swap3A_386], %bitcast3A_380 {strides = array<i32>} : memref<128x128xf32, #tpu.memory_space<vmem>>, vector<16xf32>,
        %add3A_388 = arith.constant 0 : i32
        %add3A_389 = arith.addi %add3A_388, %add3A_375 : i32
        %swap3A_390 = arith.index_cast %add3A_389 : i32 to index
        %swap3A_391 = arith.constant 16 : index
        %swap3A_392 = tpu.vector_load %arg13[%swap3A_390, %swap3A_391] {strides = array<i32>} : memref<128x128xf32, #tpu.memory_space<vmem>>, vector<16xf32>,
        tpu.vector_store %arg13[%swap3A_390, %swap3A_391], %bitcast3A_383 {strides = array<i32>} : memref<128x128xf32, #tpu.memory_space<vmem>>, vector<16xf32>,
        %get3A_393 = arith.index_cast %add3A_375 : i32 to index
        %get3A_394 = arith.constant 32 : index
        %get3A_395 = tpu.vector_load %arg10[%get3A_393, %get3A_394] {strides = array<i32>} : memref<64x128xbf16, #tpu.memory_space<vmem>>, vector<32xbf16>,
        %bitcast3A_396 = vector.bitcast %get3A_395 : vector<32xbf16> to vector<16xi32>
        %shift_left3A_397 = arith.constant 16 : i32
        %shift_left3A_398 = vector.broadcast %shift_left3A_397 : i32 to vector<16xi32>
        %shift_left3A_399 = arith.shli %bitcast3A_396, %shift_left3A_398 : vector<16xi32>
        %bitcast3A_400 = vector.bitcast %shift_left3A_399 : vector<16xi32> to vector<16xf32>
        %and3A_401 = vector.broadcast %scan3A_194 : i32 to vector<16xi32>
        %and3A_402 = arith.andi %bitcast3A_396, %and3A_401 : vector<16xi32>
        %bitcast3A_403 = vector.bitcast %and3A_402 : vector<16xi32> to vector<16xf32>
        %add3A_404 = arith.constant 0 : i32
        %add3A_405 = arith.addi %add3A_404, %add3A_375 : i32
        %swap3A_406 = arith.index_cast %add3A_405 : i32 to index
        %swap3A_407 = arith.constant 32 : index
        %swap3A_408 = tpu.vector_load %arg13[%swap3A_406, %swap3A_407] {strides = array<i32>} : memref<128x128xf32, #tpu.memory_space<vmem>>, vector<16xf32>,
        tpu.vector_store %arg13[%swap3A_406, %swap3A_407], %bitcast3A_400 {strides = array<i32>} : memref<128x128xf32, #tpu.memory_space<vmem>>, vector<16xf32>,
        %add3A_409 = arith.constant 0 : i32
        %add3A_410 = arith.addi %add3A_409, %add3A_375 : i32
        %swap3A_411 = arith.index_cast %add3A_410 : i32 to index
        %swap3A_412 = arith.constant 48 : index
        %swap3A_413 = tpu.vector_load %arg13[%swap3A_411, %swap3A_412] {strides = array<i32>} : memref<128x128xf32, #tpu.memory_space<vmem>>, vector<16xf32>,
        tpu.vector_store %arg13[%swap3A_411, %swap3A_412], %bitcast3A_403 {strides = array<i32>} : memref<128x128xf32, #tpu.memory_space<vmem>>, vector<16xf32>,
        %get3A_414 = arith.index_cast %add3A_375 : i32 to index
        %get3A_415 = arith.constant 64 : index
        %get3A_416 = tpu.vector_load %arg10[%get3A_414, %get3A_415] {strides = array<i32>} : memref<64x128xbf16, #tpu.memory_space<vmem>>, vector<32xbf16>,
        %bitcast3A_417 = vector.bitcast %get3A_416 : vector<32xbf16> to vector<16xi32>
        %shift_left3A_418 = arith.constant 16 : i32
        %shift_left3A_419 = vector.broadcast %shift_left3A_418 : i32 to vector<16xi32>
        %shift_left3A_420 = arith.shli %bitcast3A_417, %shift_left3A_419 : vector<16xi32>
        %bitcast3A_421 = vector.bitcast %shift_left3A_420 : vector<16xi32> to vector<16xf32>
        %and3A_422 = vector.broadcast %scan3A_194 : i32 to vector<16xi32>
        %and3A_423 = arith.andi %bitcast3A_417, %and3A_422 : vector<16xi32>
        %bitcast3A_424 = vector.bitcast %and3A_423 : vector<16xi32> to vector<16xf32>
        %add3A_425 = arith.constant 0 : i32
        %add3A_426 = arith.addi %add3A_425, %add3A_375 : i32
        %swap3A_427 = arith.index_cast %add3A_426 : i32 to index
        %swap3A_428 = arith.constant 64 : index
        %swap3A_429 = tpu.vector_load %arg13[%swap3A_427, %swap3A_428] {strides = array<i32>} : memref<128x128xf32, #tpu.memory_space<vmem>>, vector<16xf32>,
        tpu.vector_store %arg13[%swap3A_427, %swap3A_428], %bitcast3A_421 {strides = array<i32>} : memref<128x128xf32, #tpu.memory_space<vmem>>, vector<16xf32>,
        %add3A_430 = arith.constant 0 : i32
        %add3A_431 = arith.addi %add3A_430, %add3A_375 : i32
        %swap3A_432 = arith.index_cast %add3A_431 : i32 to index
        %swap3A_433 = arith.constant 80 : index
        %swap3A_434 = tpu.vector_load %arg13[%swap3A_432, %swap3A_433] {strides = array<i32>} : memref<128x128xf32, #tpu.memory_space<vmem>>, vector<16xf32>,
        tpu.vector_store %arg13[%swap3A_432, %swap3A_433], %bitcast3A_424 {strides = array<i32>} : memref<128x128xf32, #tpu.memory_space<vmem>>, vector<16xf32>,
        %get3A_435 = arith.index_cast %add3A_375 : i32 to index
        %get3A_436 = arith.constant 96 : index
        %get3A_437 = tpu.vector_load %arg10[%get3A_435, %get3A_436] {strides = array<i32>} : memref<64x128xbf16, #tpu.memory_space<vmem>>, vector<32xbf16>,
        %bitcast3A_438 = vector.bitcast %get3A_437 : vector<32xbf16> to vector<16xi32>
        %shift_left3A_439 = arith.constant 16 : i32
        %shift_left3A_440 = vector.broadcast %shift_left3A_439 : i32 to vector<16xi32>
        %shift_left3A_441 = arith.shli %bitcast3A_438, %shift_left3A_440 : vector<16xi32>
        %bitcast3A_442 = vector.bitcast %shift_left3A_441 : vector<16xi32> to vector<16xf32>
        %and3A_443 = vector.broadcast %scan3A_194 : i32 to vector<16xi32>
        %and3A_444 = arith.andi %bitcast3A_438, %and3A_443 : vector<16xi32>
        %bitcast3A_445 = vector.bitcast %and3A_444 : vector<16xi32> to vector<16xf32>
        %add3A_446 = arith.constant 0 : i32
        %add3A_447 = arith.addi %add3A_446, %add3A_375 : i32
        %swap3A_448 = arith.index_cast %add3A_447 : i32 to index
        %swap3A_449 = arith.constant 96 : index
        %swap3A_450 = tpu.vector_load %arg13[%swap3A_448, %swap3A_449] {strides = array<i32>} : memref<128x128xf32, #tpu.memory_space<vmem>>, vector<16xf32>,
        tpu.vector_store %arg13[%swap3A_448, %swap3A_449], %bitcast3A_442 {strides = array<i32>} : memref<128x128xf32, #tpu.memory_space<vmem>>, vector<16xf32>,
        %add3A_451 = arith.constant 0 : i32
        %add3A_452 = arith.addi %add3A_451, %add3A_375 : i32
        %swap3A_453 = arith.index_cast %add3A_452 : i32 to index
        %swap3A_454 = arith.constant 112 : index
        %swap3A_455 = tpu.vector_load %arg13[%swap3A_453, %swap3A_454] {strides = array<i32>} : memref<128x128xf32, #tpu.memory_space<vmem>>, vector<16xf32>,
        tpu.vector_store %arg13[%swap3A_453, %swap3A_454], %bitcast3A_445 {strides = array<i32>} : memref<128x128xf32, #tpu.memory_space<vmem>>, vector<16xf32>,
      }
      %scan3A_199 = arith.constant 64 : i32
      %dma_wait3A_200 = arith.constant 7 : i32
      %dma_wait3A_201 = arith.constant 0 : i32
      %dma_wait3A_202 = tpu.memref_slice %arg8[%dma_wait3A_200, %dma_wait3A_201] : memref<16x64xi32, #tpu.memory_space<vmem>> -> memref<1x64xi32, #tpu.memory_space<vmem>>
      %dma_wait3A_203 = tpu.memref_squeeze %dma_wait3A_202 : memref<1x64xi32, #tpu.memory_space<vmem>> -> memref<64xi32, #tpu.memory_space<vmem>>
      %dma_wait3A_204 = arith.constant 0 : i32
      %dma_wait3A_205 = arith.constant 0 : i32
      %dma_wait3A_206 = tpu.memref_slice %arg2[%dma_wait3A_204, %dma_wait3A_205] : memref<10000x128xbf16, #tpu.memory_space<hbm>> -> memref<10000x128xbf16, #tpu.memory_space<hbm>>
      tpu.wait_indirect_dma semaphore(%arg16 : memref<!tpu.dma_semaphore, #tpu.memory_space<semaphore_mem>>) src(%dma_wait3A_206 : memref<10000x128xbf16, #tpu.memory_space<hbm>>) dst(%arg11 : memref<64x128xbf16, #tpu.memory_space<vmem>>)
      %dma_start3A_207 = arith.constant 9 : i32
      %dma_start3A_208 = arith.constant 0 : i32
      %dma_start3A_209 = tpu.memref_slice %arg8[%dma_start3A_207, %dma_start3A_208] : memref<16x64xi32, #tpu.memory_space<vmem>> -> memref<1x64xi32, #tpu.memory_space<vmem>>
      %dma_start3A_210 = tpu.memref_squeeze %dma_start3A_209 : memref<1x64xi32, #tpu.memory_space<vmem>> -> memref<64xi32, #tpu.memory_space<vmem>>
      %dma_start3A_211 = arith.constant 0 : i32
      %dma_start3A_212 = arith.constant 0 : i32
      %dma_start3A_213 = tpu.memref_slice %arg2[%dma_start3A_211, %dma_start3A_212] : memref<10000x128xbf16, #tpu.memory_space<hbm>> -> memref<10000x128xbf16, #tpu.memory_space<hbm>>
      tpu.enqueue_indirect_dma source(%dma_start3A_213 : memref<10000x128xbf16, #tpu.memory_space<hbm>>) target(%arg10 : memref<64x128xbf16, #tpu.memory_space<vmem>>) offsets(%dma_start3A_210 : memref<64xi32, #tpu.memory_space<vmem>>) semaphore(%arg16 : memref<!tpu.dma_semaphore, #tpu.memory_space<semaphore_mem>>)
      %scan3A_214 = arith.constant -65536 : i32
      %scan3A_215 = arith.constant 0 : i32
      %scan3A_216 = arith.constant 64 : i32
      %scan3A_217 = arith.addi %scan3A_215, %scan3A_216 : i32
      %scan3A_218 = arith.constant 1 : i32
      scf.for %scan3A_371 = %scan3A_215 to %scan3A_217 step %scan3A_218  : i32 {
        %mul3A_372 = arith.constant 1 : i32
        %mul3A_373 = arith.muli %scan3A_371, %mul3A_372 : i32
        %add3A_374 = arith.constant 0 : i32
        %add3A_375 = arith.addi %add3A_374, %mul3A_373 : i32
        %get3A = arith.index_cast %add3A_375 : i32 to index
        %get3A_376 = arith.constant 0 : index
        %get3A_377 = tpu.vector_load %arg11[%get3A, %get3A_376] {strides = array<i32>} : memref<64x128xbf16, #tpu.memory_space<vmem>>, vector<32xbf16>,
        %bitcast3A = vector.bitcast %get3A_377 : vector<32xbf16> to vector<16xi32>
        %shift_left3A = arith.constant 16 : i32
        %shift_left3A_378 = vector.broadcast %shift_left3A : i32 to vector<16xi32>
        %shift_left3A_379 = arith.shli %bitcast3A, %shift_left3A_378 : vector<16xi32>
        %bitcast3A_380 = vector.bitcast %shift_left3A_379 : vector<16xi32> to vector<16xf32>
        %and3A_381 = vector.broadcast %scan3A_214 : i32 to vector<16xi32>
        %and3A_382 = arith.andi %bitcast3A, %and3A_381 : vector<16xi32>
        %bitcast3A_383 = vector.bitcast %and3A_382 : vector<16xi32> to vector<16xf32>
        %add3A_384 = arith.constant 64 : i32
        %add3A_385 = arith.addi %add3A_384, %add3A_375 : i32
        %swap3A = arith.index_cast %add3A_385 : i32 to index
        %swap3A_386 = arith.constant 0 : index
        %swap3A_387 = tpu.vector_load %arg13[%swap3A, %swap3A_386] {strides = array<i32>} : memref<128x128xf32, #tpu.memory_space<vmem>>, vector<16xf32>,
        tpu.vector_store %arg13[%swap3A, %swap3A_386], %bitcast3A_380 {strides = array<i32>} : memref<128x128xf32, #tpu.memory_space<vmem>>, vector<16xf32>,
        %add3A_388 = arith.constant 64 : i32
        %add3A_389 = arith.addi %add3A_388, %add3A_375 : i32
        %swap3A_390 = arith.index_cast %add3A_389 : i32 to index
        %swap3A_391 = arith.constant 16 : index
        %swap3A_392 = tpu.vector_load %arg13[%swap3A_390, %swap3A_391] {strides = array<i32>} : memref<128x128xf32, #tpu.memory_space<vmem>>, vector<16xf32>,
        tpu.vector_store %arg13[%swap3A_390, %swap3A_391], %bitcast3A_383 {strides = array<i32>} : memref<128x128xf32, #tpu.memory_space<vmem>>, vector<16xf32>,
        %get3A_393 = arith.index_cast %add3A_375 : i32 to index
        %get3A_394 = arith.constant 32 : index
        %get3A_395 = tpu.vector_load %arg11[%get3A_393, %get3A_394] {strides = array<i32>} : memref<64x128xbf16, #tpu.memory_space<vmem>>, vector<32xbf16>,
        %bitcast3A_396 = vector.bitcast %get3A_395 : vector<32xbf16> to vector<16xi32>
        %shift_left3A_397 = arith.constant 16 : i32
        %shift_left3A_398 = vector.broadcast %shift_left3A_397 : i32 to vector<16xi32>
        %shift_left3A_399 = arith.shli %bitcast3A_396, %shift_left3A_398 : vector<16xi32>
        %bitcast3A_400 = vector.bitcast %shift_left3A_399 : vector<16xi32> to vector<16xf32>
        %and3A_401 = vector.broadcast %scan3A_214 : i32 to vector<16xi32>
        %and3A_402 = arith.andi %bitcast3A_396, %and3A_401 : vector<16xi32>
        %bitcast3A_403 = vector.bitcast %and3A_402 : vector<16xi32> to vector<16xf32>
        %add3A_404 = arith.constant 64 : i32
        %add3A_405 = arith.addi %add3A_404, %add3A_375 : i32
        %swap3A_406 = arith.index_cast %add3A_405 : i32 to index
        %swap3A_407 = arith.constant 32 : index
        %swap3A_408 = tpu.vector_load %arg13[%swap3A_406, %swap3A_407] {strides = array<i32>} : memref<128x128xf32, #tpu.memory_space<vmem>>, vector<16xf32>,
        tpu.vector_store %arg13[%swap3A_406, %swap3A_407], %bitcast3A_400 {strides = array<i32>} : memref<128x128xf32, #tpu.memory_space<vmem>>, vector<16xf32>,
        %add3A_409 = arith.constant 64 : i32
        %add3A_410 = arith.addi %add3A_409, %add3A_375 : i32
        %swap3A_411 = arith.index_cast %add3A_410 : i32 to index
        %swap3A_412 = arith.constant 48 : index
        %swap3A_413 = tpu.vector_load %arg13[%swap3A_411, %swap3A_412] {strides = array<i32>} : memref<128x128xf32, #tpu.memory_space<vmem>>, vector<16xf32>,
        tpu.vector_store %arg13[%swap3A_411, %swap3A_412], %bitcast3A_403 {strides = array<i32>} : memref<128x128xf32, #tpu.memory_space<vmem>>, vector<16xf32>,
        %get3A_414 = arith.index_cast %add3A_375 : i32 to index
        %get3A_415 = arith.constant 64 : index
        %get3A_416 = tpu.vector_load %arg11[%get3A_414, %get3A_415] {strides = array<i32>} : memref<64x128xbf16, #tpu.memory_space<vmem>>, vector<32xbf16>,
        %bitcast3A_417 = vector.bitcast %get3A_416 : vector<32xbf16> to vector<16xi32>
        %shift_left3A_418 = arith.constant 16 : i32
        %shift_left3A_419 = vector.broadcast %shift_left3A_418 : i32 to vector<16xi32>
        %shift_left3A_420 = arith.shli %bitcast3A_417, %shift_left3A_419 : vector<16xi32>
        %bitcast3A_421 = vector.bitcast %shift_left3A_420 : vector<16xi32> to vector<16xf32>
        %and3A_422 = vector.broadcast %scan3A_214 : i32 to vector<16xi32>
        %and3A_423 = arith.andi %bitcast3A_417, %and3A_422 : vector<16xi32>
        %bitcast3A_424 = vector.bitcast %and3A_423 : vector<16xi32> to vector<16xf32>
        %add3A_425 = arith.constant 64 : i32
        %add3A_426 = arith.addi %add3A_425, %add3A_375 : i32
        %swap3A_427 = arith.index_cast %add3A_426 : i32 to index
        %swap3A_428 = arith.constant 64 : index
        %swap3A_429 = tpu.vector_load %arg13[%swap3A_427, %swap3A_428] {strides = array<i32>} : memref<128x128xf32, #tpu.memory_space<vmem>>, vector<16xf32>,
        tpu.vector_store %arg13[%swap3A_427, %swap3A_428], %bitcast3A_421 {strides = array<i32>} : memref<128x128xf32, #tpu.memory_space<vmem>>, vector<16xf32>,
        %add3A_430 = arith.constant 64 : i32
        %add3A_431 = arith.addi %add3A_430, %add3A_375 : i32
        %swap3A_432 = arith.index_cast %add3A_431 : i32 to index
        %swap3A_433 = arith.constant 80 : index
        %swap3A_434 = tpu.vector_load %arg13[%swap3A_432, %swap3A_433] {strides = array<i32>} : memref<128x128xf32, #tpu.memory_space<vmem>>, vector<16xf32>,
        tpu.vector_store %arg13[%swap3A_432, %swap3A_433], %bitcast3A_424 {strides = array<i32>} : memref<128x128xf32, #tpu.memory_space<vmem>>, vector<16xf32>,
        %get3A_435 = arith.index_cast %add3A_375 : i32 to index
        %get3A_436 = arith.constant 96 : index
        %get3A_437 = tpu.vector_load %arg11[%get3A_435, %get3A_436] {strides = array<i32>} : memref<64x128xbf16, #tpu.memory_space<vmem>>, vector<32xbf16>,
        %bitcast3A_438 = vector.bitcast %get3A_437 : vector<32xbf16> to vector<16xi32>
        %shift_left3A_439 = arith.constant 16 : i32
        %shift_left3A_440 = vector.broadcast %shift_left3A_439 : i32 to vector<16xi32>
        %shift_left3A_441 = arith.shli %bitcast3A_438, %shift_left3A_440 : vector<16xi32>
        %bitcast3A_442 = vector.bitcast %shift_left3A_441 : vector<16xi32> to vector<16xf32>
        %and3A_443 = vector.broadcast %scan3A_214 : i32 to vector<16xi32>
        %and3A_444 = arith.andi %bitcast3A_438, %and3A_443 : vector<16xi32>
        %bitcast3A_445 = vector.bitcast %and3A_444 : vector<16xi32> to vector<16xf32>
        %add3A_446 = arith.constant 64 : i32
        %add3A_447 = arith.addi %add3A_446, %add3A_375 : i32
        %swap3A_448 = arith.index_cast %add3A_447 : i32 to index
        %swap3A_449 = arith.constant 96 : index
        %swap3A_450 = tpu.vector_load %arg13[%swap3A_448, %swap3A_449] {strides = array<i32>} : memref<128x128xf32, #tpu.memory_space<vmem>>, vector<16xf32>,
        tpu.vector_store %arg13[%swap3A_448, %swap3A_449], %bitcast3A_442 {strides = array<i32>} : memref<128x128xf32, #tpu.memory_space<vmem>>, vector<16xf32>,
        %add3A_451 = arith.constant 64 : i32
        %add3A_452 = arith.addi %add3A_451, %add3A_375 : i32
        %swap3A_453 = arith.index_cast %add3A_452 : i32 to index
        %swap3A_454 = arith.constant 112 : index
        %swap3A_455 = tpu.vector_load %arg13[%swap3A_453, %swap3A_454] {strides = array<i32>} : memref<128x128xf32, #tpu.memory_space<vmem>>, vector<16xf32>,
        tpu.vector_store %arg13[%swap3A_453, %swap3A_454], %bitcast3A_445 {strides = array<i32>} : memref<128x128xf32, #tpu.memory_space<vmem>>, vector<16xf32>,
      }
      %scan3A_219 = arith.constant 64 : i32
      %run_scoped3A_220 = arith.constant 3 : i32
      "tpu.region"() ({
        %run_scoped3A_371 = tpu.sem_alloc : memref<!tpu.dma_semaphore, #tpu.memory_space<semaphore_mem>>
        %dma_start3A_372 = arith.constant 0 : i32
        %dma_start3A_373 = tpu.memref_slice %arg9[%run_scoped3A_220, %dma_start3A_372] : memref<8x128xi32, #tpu.memory_space<vmem>> -> memref<1x128xi32, #tpu.memory_space<vmem>>
        %dma_start3A_374 = tpu.memref_squeeze %dma_start3A_373 : memref<1x128xi32, #tpu.memory_space<vmem>> -> memref<128xi32, #tpu.memory_space<vmem>>
        %dma_start3A_375 = arith.constant 0 : i32
        %dma_start3A_376 = arith.constant 0 : i32
        %dma_start3A_377 = tpu.memref_slice %arg15[%dma_start3A_375, %dma_start3A_376] : memref<10240x128xf32, #tpu.memory_space<vmem_shared>> -> memref<10240x128xf32, #tpu.memory_space<vmem_shared>>
        tpu.enqueue_indirect_dma source(%arg13 : memref<128x128xf32, #tpu.memory_space<vmem>>) target(%dma_start3A_377 : memref<10240x128xf32, #tpu.memory_space<vmem_shared>>) offsets(%dma_start3A_374 : memref<128xi32, #tpu.memory_space<vmem>>) semaphore(%run_scoped3A_371 : memref<!tpu.dma_semaphore, #tpu.memory_space<semaphore_mem>>) {add = true}
        %dma_wait3A_378 = arith.constant 0 : i32
        %dma_wait3A_379 = tpu.memref_slice %arg9[%run_scoped3A_220, %dma_wait3A_378] : memref<8x128xi32, #tpu.memory_space<vmem>> -> memref<1x128xi32, #tpu.memory_space<vmem>>
        %dma_wait3A_380 = tpu.memref_squeeze %dma_wait3A_379 : memref<1x128xi32, #tpu.memory_space<vmem>> -> memref<128xi32, #tpu.memory_space<vmem>>
        %dma_wait3A_381 = arith.constant 0 : i32
        %dma_wait3A_382 = arith.constant 0 : i32
        %dma_wait3A_383 = tpu.memref_slice %arg15[%dma_wait3A_381, %dma_wait3A_382] : memref<10240x128xf32, #tpu.memory_space<vmem_shared>> -> memref<10240x128xf32, #tpu.memory_space<vmem_shared>>
        tpu.wait_indirect_dma semaphore(%run_scoped3A_371 : memref<!tpu.dma_semaphore, #tpu.memory_space<semaphore_mem>>) src(%arg13 : memref<128x128xf32, #tpu.memory_space<vmem>>) dst(%dma_wait3A_383 : memref<10240x128xf32, #tpu.memory_space<vmem_shared>>)
        tpu.yield
      }) : () -> ()
      %dma_wait3A_221 = arith.constant 8 : i32
      %dma_wait3A_222 = arith.constant 0 : i32
      %dma_wait3A_223 = tpu.memref_slice %arg8[%dma_wait3A_221, %dma_wait3A_222] : memref<16x64xi32, #tpu.memory_space<vmem>> -> memref<1x64xi32, #tpu.memory_space<vmem>>
      %dma_wait3A_224 = tpu.memref_squeeze %dma_wait3A_223 : memref<1x64xi32, #tpu.memory_space<vmem>> -> memref<64xi32, #tpu.memory_space<vmem>>
      %dma_wait3A_225 = arith.constant 0 : i32
      %dma_wait3A_226 = arith.constant 0 : i32
      %dma_wait3A_227 = tpu.memref_slice %arg2[%dma_wait3A_225, %dma_wait3A_226] : memref<10000x128xbf16, #tpu.memory_space<hbm>> -> memref<10000x128xbf16, #tpu.memory_space<hbm>>
      tpu.wait_indirect_dma semaphore(%arg16 : memref<!tpu.dma_semaphore, #tpu.memory_space<semaphore_mem>>) src(%dma_wait3A_227 : memref<10000x128xbf16, #tpu.memory_space<hbm>>) dst(%arg12 : memref<64x128xbf16, #tpu.memory_space<vmem>>)
      %dma_start3A_228 = arith.constant 10 : i32
      %dma_start3A_229 = arith.constant 0 : i32
      %dma_start3A_230 = tpu.memref_slice %arg8[%dma_start3A_228, %dma_start3A_229] : memref<16x64xi32, #tpu.memory_space<vmem>> -> memref<1x64xi32, #tpu.memory_space<vmem>>
      %dma_start3A_231 = tpu.memref_squeeze %dma_start3A_230 : memref<1x64xi32, #tpu.memory_space<vmem>> -> memref<64xi32, #tpu.memory_space<vmem>>
      %dma_start3A_232 = arith.constant 0 : i32
      %dma_start3A_233 = arith.constant 0 : i32
      %dma_start3A_234 = tpu.memref_slice %arg2[%dma_start3A_232, %dma_start3A_233] : memref<10000x128xbf16, #tpu.memory_space<hbm>> -> memref<10000x128xbf16, #tpu.memory_space<hbm>>
      tpu.enqueue_indirect_dma source(%dma_start3A_234 : memref<10000x128xbf16, #tpu.memory_space<hbm>>) target(%arg11 : memref<64x128xbf16, #tpu.memory_space<vmem>>) offsets(%dma_start3A_231 : memref<64xi32, #tpu.memory_space<vmem>>) semaphore(%arg16 : memref<!tpu.dma_semaphore, #tpu.memory_space<semaphore_mem>>)
      %scan3A_235 = arith.constant -65536 : i32
      %scan3A_236 = arith.constant 0 : i32
      %scan3A_237 = arith.constant 64 : i32
      %scan3A_238 = arith.addi %scan3A_236, %scan3A_237 : i32
      %scan3A_239 = arith.constant 1 : i32
      scf.for %scan3A_371 = %scan3A_236 to %scan3A_238 step %scan3A_239  : i32 {
        %mul3A_372 = arith.constant 1 : i32
        %mul3A_373 = arith.muli %scan3A_371, %mul3A_372 : i32
        %add3A_374 = arith.constant 0 : i32
        %add3A_375 = arith.addi %add3A_374, %mul3A_373 : i32
        %get3A = arith.index_cast %add3A_375 : i32 to index
        %get3A_376 = arith.constant 0 : index
        %get3A_377 = tpu.vector_load %arg12[%get3A, %get3A_376] {strides = array<i32>} : memref<64x128xbf16, #tpu.memory_space<vmem>>, vector<32xbf16>,
        %bitcast3A = vector.bitcast %get3A_377 : vector<32xbf16> to vector<16xi32>
        %shift_left3A = arith.constant 16 : i32
        %shift_left3A_378 = vector.broadcast %shift_left3A : i32 to vector<16xi32>
        %shift_left3A_379 = arith.shli %bitcast3A, %shift_left3A_378 : vector<16xi32>
        %bitcast3A_380 = vector.bitcast %shift_left3A_379 : vector<16xi32> to vector<16xf32>
        %and3A_381 = vector.broadcast %scan3A_235 : i32 to vector<16xi32>
        %and3A_382 = arith.andi %bitcast3A, %and3A_381 : vector<16xi32>
        %bitcast3A_383 = vector.bitcast %and3A_382 : vector<16xi32> to vector<16xf32>
        %add3A_384 = arith.constant 0 : i32
        %add3A_385 = arith.addi %add3A_384, %add3A_375 : i32
        %swap3A = arith.index_cast %add3A_385 : i32 to index
        %swap3A_386 = arith.constant 0 : index
        %swap3A_387 = tpu.vector_load %arg13[%swap3A, %swap3A_386] {strides = array<i32>} : memref<128x128xf32, #tpu.memory_space<vmem>>, vector<16xf32>,
        tpu.vector_store %arg13[%swap3A, %swap3A_386], %bitcast3A_380 {strides = array<i32>} : memref<128x128xf32, #tpu.memory_space<vmem>>, vector<16xf32>,
        %add3A_388 = arith.constant 0 : i32
        %add3A_389 = arith.addi %add3A_388, %add3A_375 : i32
        %swap3A_390 = arith.index_cast %add3A_389 : i32 to index
        %swap3A_391 = arith.constant 16 : index
        %swap3A_392 = tpu.vector_load %arg13[%swap3A_390, %swap3A_391] {strides = array<i32>} : memref<128x128xf32, #tpu.memory_space<vmem>>, vector<16xf32>,
        tpu.vector_store %arg13[%swap3A_390, %swap3A_391], %bitcast3A_383 {strides = array<i32>} : memref<128x128xf32, #tpu.memory_space<vmem>>, vector<16xf32>,
        %get3A_393 = arith.index_cast %add3A_375 : i32 to index
        %get3A_394 = arith.constant 32 : index
        %get3A_395 = tpu.vector_load %arg12[%get3A_393, %get3A_394] {strides = array<i32>} : memref<64x128xbf16, #tpu.memory_space<vmem>>, vector<32xbf16>,
        %bitcast3A_396 = vector.bitcast %get3A_395 : vector<32xbf16> to vector<16xi32>
        %shift_left3A_397 = arith.constant 16 : i32
        %shift_left3A_398 = vector.broadcast %shift_left3A_397 : i32 to vector<16xi32>
        %shift_left3A_399 = arith.shli %bitcast3A_396, %shift_left3A_398 : vector<16xi32>
        %bitcast3A_400 = vector.bitcast %shift_left3A_399 : vector<16xi32> to vector<16xf32>
        %and3A_401 = vector.broadcast %scan3A_235 : i32 to vector<16xi32>
        %and3A_402 = arith.andi %bitcast3A_396, %and3A_401 : vector<16xi32>
        %bitcast3A_403 = vector.bitcast %and3A_402 : vector<16xi32> to vector<16xf32>
        %add3A_404 = arith.constant 0 : i32
        %add3A_405 = arith.addi %add3A_404, %add3A_375 : i32
        %swap3A_406 = arith.index_cast %add3A_405 : i32 to index
        %swap3A_407 = arith.constant 32 : index
        %swap3A_408 = tpu.vector_load %arg13[%swap3A_406, %swap3A_407] {strides = array<i32>} : memref<128x128xf32, #tpu.memory_space<vmem>>, vector<16xf32>,
        tpu.vector_store %arg13[%swap3A_406, %swap3A_407], %bitcast3A_400 {strides = array<i32>} : memref<128x128xf32, #tpu.memory_space<vmem>>, vector<16xf32>,
        %add3A_409 = arith.constant 0 : i32
        %add3A_410 = arith.addi %add3A_409, %add3A_375 : i32
        %swap3A_411 = arith.index_cast %add3A_410 : i32 to index
        %swap3A_412 = arith.constant 48 : index
        %swap3A_413 = tpu.vector_load %arg13[%swap3A_411, %swap3A_412] {strides = array<i32>} : memref<128x128xf32, #tpu.memory_space<vmem>>, vector<16xf32>,
        tpu.vector_store %arg13[%swap3A_411, %swap3A_412], %bitcast3A_403 {strides = array<i32>} : memref<128x128xf32, #tpu.memory_space<vmem>>, vector<16xf32>,
        %get3A_414 = arith.index_cast %add3A_375 : i32 to index
        %get3A_415 = arith.constant 64 : index
        %get3A_416 = tpu.vector_load %arg12[%get3A_414, %get3A_415] {strides = array<i32>} : memref<64x128xbf16, #tpu.memory_space<vmem>>, vector<32xbf16>,
        %bitcast3A_417 = vector.bitcast %get3A_416 : vector<32xbf16> to vector<16xi32>
        %shift_left3A_418 = arith.constant 16 : i32
        %shift_left3A_419 = vector.broadcast %shift_left3A_418 : i32 to vector<16xi32>
        %shift_left3A_420 = arith.shli %bitcast3A_417, %shift_left3A_419 : vector<16xi32>
        %bitcast3A_421 = vector.bitcast %shift_left3A_420 : vector<16xi32> to vector<16xf32>
        %and3A_422 = vector.broadcast %scan3A_235 : i32 to vector<16xi32>
        %and3A_423 = arith.andi %bitcast3A_417, %and3A_422 : vector<16xi32>
        %bitcast3A_424 = vector.bitcast %and3A_423 : vector<16xi32> to vector<16xf32>
        %add3A_425 = arith.constant 0 : i32
        %add3A_426 = arith.addi %add3A_425, %add3A_375 : i32
        %swap3A_427 = arith.index_cast %add3A_426 : i32 to index
        %swap3A_428 = arith.constant 64 : index
        %swap3A_429 = tpu.vector_load %arg13[%swap3A_427, %swap3A_428] {strides = array<i32>} : memref<128x128xf32, #tpu.memory_space<vmem>>, vector<16xf32>,
        tpu.vector_store %arg13[%swap3A_427, %swap3A_428], %bitcast3A_421 {strides = array<i32>} : memref<128x128xf32, #tpu.memory_space<vmem>>, vector<16xf32>,
        %add3A_430 = arith.constant 0 : i32
        %add3A_431 = arith.addi %add3A_430, %add3A_375 : i32
        %swap3A_432 = arith.index_cast %add3A_431 : i32 to index
        %swap3A_433 = arith.constant 80 : index
        %swap3A_434 = tpu.vector_load %arg13[%swap3A_432, %swap3A_433] {strides = array<i32>} : memref<128x128xf32, #tpu.memory_space<vmem>>, vector<16xf32>,
        tpu.vector_store %arg13[%swap3A_432, %swap3A_433], %bitcast3A_424 {strides = array<i32>} : memref<128x128xf32, #tpu.memory_space<vmem>>, vector<16xf32>,
        %get3A_435 = arith.index_cast %add3A_375 : i32 to index
        %get3A_436 = arith.constant 96 : index
        %get3A_437 = tpu.vector_load %arg12[%get3A_435, %get3A_436] {strides = array<i32>} : memref<64x128xbf16, #tpu.memory_space<vmem>>, vector<32xbf16>,
        %bitcast3A_438 = vector.bitcast %get3A_437 : vector<32xbf16> to vector<16xi32>
        %shift_left3A_439 = arith.constant 16 : i32
        %shift_left3A_440 = vector.broadcast %shift_left3A_439 : i32 to vector<16xi32>
        %shift_left3A_441 = arith.shli %bitcast3A_438, %shift_left3A_440 : vector<16xi32>
        %bitcast3A_442 = vector.bitcast %shift_left3A_441 : vector<16xi32> to vector<16xf32>
        %and3A_443 = vector.broadcast %scan3A_235 : i32 to vector<16xi32>
        %and3A_444 = arith.andi %bitcast3A_438, %and3A_443 : vector<16xi32>
        %bitcast3A_445 = vector.bitcast %and3A_444 : vector<16xi32> to vector<16xf32>
        %add3A_446 = arith.constant 0 : i32
        %add3A_447 = arith.addi %add3A_446, %add3A_375 : i32
        %swap3A_448 = arith.index_cast %add3A_447 : i32 to index
        %swap3A_449 = arith.constant 96 : index
        %swap3A_450 = tpu.vector_load %arg13[%swap3A_448, %swap3A_449] {strides = array<i32>} : memref<128x128xf32, #tpu.memory_space<vmem>>, vector<16xf32>,
        tpu.vector_store %arg13[%swap3A_448, %swap3A_449], %bitcast3A_442 {strides = array<i32>} : memref<128x128xf32, #tpu.memory_space<vmem>>, vector<16xf32>,
        %add3A_451 = arith.constant 0 : i32
        %add3A_452 = arith.addi %add3A_451, %add3A_375 : i32
        %swap3A_453 = arith.index_cast %add3A_452 : i32 to index
        %swap3A_454 = arith.constant 112 : index
        %swap3A_455 = tpu.vector_load %arg13[%swap3A_453, %swap3A_454] {strides = array<i32>} : memref<128x128xf32, #tpu.memory_space<vmem>>, vector<16xf32>,
        tpu.vector_store %arg13[%swap3A_453, %swap3A_454], %bitcast3A_445 {strides = array<i32>} : memref<128x128xf32, #tpu.memory_space<vmem>>, vector<16xf32>,
      }
      %scan3A_240 = arith.constant 64 : i32
      %dma_wait3A_241 = arith.constant 9 : i32
      %dma_wait3A_242 = arith.constant 0 : i32
      %dma_wait3A_243 = tpu.memref_slice %arg8[%dma_wait3A_241, %dma_wait3A_242] : memref<16x64xi32, #tpu.memory_space<vmem>> -> memref<1x64xi32, #tpu.memory_space<vmem>>
      %dma_wait3A_244 = tpu.memref_squeeze %dma_wait3A_243 : memref<1x64xi32, #tpu.memory_space<vmem>> -> memref<64xi32, #tpu.memory_space<vmem>>
      %dma_wait3A_245 = arith.constant 0 : i32
      %dma_wait3A_246 = arith.constant 0 : i32
      %dma_wait3A_247 = tpu.memref_slice %arg2[%dma_wait3A_245, %dma_wait3A_246] : memref<10000x128xbf16, #tpu.memory_space<hbm>> -> memref<10000x128xbf16, #tpu.memory_space<hbm>>
      tpu.wait_indirect_dma semaphore(%arg16 : memref<!tpu.dma_semaphore, #tpu.memory_space<semaphore_mem>>) src(%dma_wait3A_247 : memref<10000x128xbf16, #tpu.memory_space<hbm>>) dst(%arg10 : memref<64x128xbf16, #tpu.memory_space<vmem>>)
      %dma_start3A_248 = arith.constant 11 : i32
      %dma_start3A_249 = arith.constant 0 : i32
      %dma_start3A_250 = tpu.memref_slice %arg8[%dma_start3A_248, %dma_start3A_249] : memref<16x64xi32, #tpu.memory_space<vmem>> -> memref<1x64xi32, #tpu.memory_space<vmem>>
      %dma_start3A_251 = tpu.memref_squeeze %dma_start3A_250 : memref<1x64xi32, #tpu.memory_space<vmem>> -> memref<64xi32, #tpu.memory_space<vmem>>
      %dma_start3A_252 = arith.constant 0 : i32
      %dma_start3A_253 = arith.constant 0 : i32
      %dma_start3A_254 = tpu.memref_slice %arg2[%dma_start3A_252, %dma_start3A_253] : memref<10000x128xbf16, #tpu.memory_space<hbm>> -> memref<10000x128xbf16, #tpu.memory_space<hbm>>
      tpu.enqueue_indirect_dma source(%dma_start3A_254 : memref<10000x128xbf16, #tpu.memory_space<hbm>>) target(%arg12 : memref<64x128xbf16, #tpu.memory_space<vmem>>) offsets(%dma_start3A_251 : memref<64xi32, #tpu.memory_space<vmem>>) semaphore(%arg16 : memref<!tpu.dma_semaphore, #tpu.memory_space<semaphore_mem>>)
      %scan3A_255 = arith.constant -65536 : i32
      %scan3A_256 = arith.constant 0 : i32
      %scan3A_257 = arith.constant 64 : i32
      %scan3A_258 = arith.addi %scan3A_256, %scan3A_257 : i32
      %scan3A_259 = arith.constant 1 : i32
      scf.for %scan3A_371 = %scan3A_256 to %scan3A_258 step %scan3A_259  : i32 {
        %mul3A_372 = arith.constant 1 : i32
        %mul3A_373 = arith.muli %scan3A_371, %mul3A_372 : i32
        %add3A_374 = arith.constant 0 : i32
        %add3A_375 = arith.addi %add3A_374, %mul3A_373 : i32
        %get3A = arith.index_cast %add3A_375 : i32 to index
        %get3A_376 = arith.constant 0 : index
        %get3A_377 = tpu.vector_load %arg10[%get3A, %get3A_376] {strides = array<i32>} : memref<64x128xbf16, #tpu.memory_space<vmem>>, vector<32xbf16>,
        %bitcast3A = vector.bitcast %get3A_377 : vector<32xbf16> to vector<16xi32>
        %shift_left3A = arith.constant 16 : i32
        %shift_left3A_378 = vector.broadcast %shift_left3A : i32 to vector<16xi32>
        %shift_left3A_379 = arith.shli %bitcast3A, %shift_left3A_378 : vector<16xi32>
        %bitcast3A_380 = vector.bitcast %shift_left3A_379 : vector<16xi32> to vector<16xf32>
        %and3A_381 = vector.broadcast %scan3A_255 : i32 to vector<16xi32>
        %and3A_382 = arith.andi %bitcast3A, %and3A_381 : vector<16xi32>
        %bitcast3A_383 = vector.bitcast %and3A_382 : vector<16xi32> to vector<16xf32>
        %add3A_384 = arith.constant 64 : i32
        %add3A_385 = arith.addi %add3A_384, %add3A_375 : i32
        %swap3A = arith.index_cast %add3A_385 : i32 to index
        %swap3A_386 = arith.constant 0 : index
        %swap3A_387 = tpu.vector_load %arg13[%swap3A, %swap3A_386] {strides = array<i32>} : memref<128x128xf32, #tpu.memory_space<vmem>>, vector<16xf32>,
        tpu.vector_store %arg13[%swap3A, %swap3A_386], %bitcast3A_380 {strides = array<i32>} : memref<128x128xf32, #tpu.memory_space<vmem>>, vector<16xf32>,
        %add3A_388 = arith.constant 64 : i32
        %add3A_389 = arith.addi %add3A_388, %add3A_375 : i32
        %swap3A_390 = arith.index_cast %add3A_389 : i32 to index
        %swap3A_391 = arith.constant 16 : index
        %swap3A_392 = tpu.vector_load %arg13[%swap3A_390, %swap3A_391] {strides = array<i32>} : memref<128x128xf32, #tpu.memory_space<vmem>>, vector<16xf32>,
        tpu.vector_store %arg13[%swap3A_390, %swap3A_391], %bitcast3A_383 {strides = array<i32>} : memref<128x128xf32, #tpu.memory_space<vmem>>, vector<16xf32>,
        %get3A_393 = arith.index_cast %add3A_375 : i32 to index
        %get3A_394 = arith.constant 32 : index
        %get3A_395 = tpu.vector_load %arg10[%get3A_393, %get3A_394] {strides = array<i32>} : memref<64x128xbf16, #tpu.memory_space<vmem>>, vector<32xbf16>,
        %bitcast3A_396 = vector.bitcast %get3A_395 : vector<32xbf16> to vector<16xi32>
        %shift_left3A_397 = arith.constant 16 : i32
        %shift_left3A_398 = vector.broadcast %shift_left3A_397 : i32 to vector<16xi32>
        %shift_left3A_399 = arith.shli %bitcast3A_396, %shift_left3A_398 : vector<16xi32>
        %bitcast3A_400 = vector.bitcast %shift_left3A_399 : vector<16xi32> to vector<16xf32>
        %and3A_401 = vector.broadcast %scan3A_255 : i32 to vector<16xi32>
        %and3A_402 = arith.andi %bitcast3A_396, %and3A_401 : vector<16xi32>
        %bitcast3A_403 = vector.bitcast %and3A_402 : vector<16xi32> to vector<16xf32>
        %add3A_404 = arith.constant 64 : i32
        %add3A_405 = arith.addi %add3A_404, %add3A_375 : i32
        %swap3A_406 = arith.index_cast %add3A_405 : i32 to index
        %swap3A_407 = arith.constant 32 : index
        %swap3A_408 = tpu.vector_load %arg13[%swap3A_406, %swap3A_407] {strides = array<i32>} : memref<128x128xf32, #tpu.memory_space<vmem>>, vector<16xf32>,
        tpu.vector_store %arg13[%swap3A_406, %swap3A_407], %bitcast3A_400 {strides = array<i32>} : memref<128x128xf32, #tpu.memory_space<vmem>>, vector<16xf32>,
        %add3A_409 = arith.constant 64 : i32
        %add3A_410 = arith.addi %add3A_409, %add3A_375 : i32
        %swap3A_411 = arith.index_cast %add3A_410 : i32 to index
        %swap3A_412 = arith.constant 48 : index
        %swap3A_413 = tpu.vector_load %arg13[%swap3A_411, %swap3A_412] {strides = array<i32>} : memref<128x128xf32, #tpu.memory_space<vmem>>, vector<16xf32>,
        tpu.vector_store %arg13[%swap3A_411, %swap3A_412], %bitcast3A_403 {strides = array<i32>} : memref<128x128xf32, #tpu.memory_space<vmem>>, vector<16xf32>,
        %get3A_414 = arith.index_cast %add3A_375 : i32 to index
        %get3A_415 = arith.constant 64 : index
        %get3A_416 = tpu.vector_load %arg10[%get3A_414, %get3A_415] {strides = array<i32>} : memref<64x128xbf16, #tpu.memory_space<vmem>>, vector<32xbf16>,
        %bitcast3A_417 = vector.bitcast %get3A_416 : vector<32xbf16> to vector<16xi32>
        %shift_left3A_418 = arith.constant 16 : i32
        %shift_left3A_419 = vector.broadcast %shift_left3A_418 : i32 to vector<16xi32>
        %shift_left3A_420 = arith.shli %bitcast3A_417, %shift_left3A_419 : vector<16xi32>
        %bitcast3A_421 = vector.bitcast %shift_left3A_420 : vector<16xi32> to vector<16xf32>
        %and3A_422 = vector.broadcast %scan3A_255 : i32 to vector<16xi32>
        %and3A_423 = arith.andi %bitcast3A_417, %and3A_422 : vector<16xi32>
        %bitcast3A_424 = vector.bitcast %and3A_423 : vector<16xi32> to vector<16xf32>
        %add3A_425 = arith.constant 64 : i32
        %add3A_426 = arith.addi %add3A_425, %add3A_375 : i32
        %swap3A_427 = arith.index_cast %add3A_426 : i32 to index
        %swap3A_428 = arith.constant 64 : index
        %swap3A_429 = tpu.vector_load %arg13[%swap3A_427, %swap3A_428] {strides = array<i32>} : memref<128x128xf32, #tpu.memory_space<vmem>>, vector<16xf32>,
        tpu.vector_store %arg13[%swap3A_427, %swap3A_428], %bitcast3A_421 {strides = array<i32>} : memref<128x128xf32, #tpu.memory_space<vmem>>, vector<16xf32>,
        %add3A_430 = arith.constant 64 : i32
        %add3A_431 = arith.addi %add3A_430, %add3A_375 : i32
        %swap3A_432 = arith.index_cast %add3A_431 : i32 to index
        %swap3A_433 = arith.constant 80 : index
        %swap3A_434 = tpu.vector_load %arg13[%swap3A_432, %swap3A_433] {strides = array<i32>} : memref<128x128xf32, #tpu.memory_space<vmem>>, vector<16xf32>,
        tpu.vector_store %arg13[%swap3A_432, %swap3A_433], %bitcast3A_424 {strides = array<i32>} : memref<128x128xf32, #tpu.memory_space<vmem>>, vector<16xf32>,
        %get3A_435 = arith.index_cast %add3A_375 : i32 to index
        %get3A_436 = arith.constant 96 : index
        %get3A_437 = tpu.vector_load %arg10[%get3A_435, %get3A_436] {strides = array<i32>} : memref<64x128xbf16, #tpu.memory_space<vmem>>, vector<32xbf16>,
        %bitcast3A_438 = vector.bitcast %get3A_437 : vector<32xbf16> to vector<16xi32>
        %shift_left3A_439 = arith.constant 16 : i32
        %shift_left3A_440 = vector.broadcast %shift_left3A_439 : i32 to vector<16xi32>
        %shift_left3A_441 = arith.shli %bitcast3A_438, %shift_left3A_440 : vector<16xi32>
        %bitcast3A_442 = vector.bitcast %shift_left3A_441 : vector<16xi32> to vector<16xf32>
        %and3A_443 = vector.broadcast %scan3A_255 : i32 to vector<16xi32>
        %and3A_444 = arith.andi %bitcast3A_438, %and3A_443 : vector<16xi32>
        %bitcast3A_445 = vector.bitcast %and3A_444 : vector<16xi32> to vector<16xf32>
        %add3A_446 = arith.constant 64 : i32
        %add3A_447 = arith.addi %add3A_446, %add3A_375 : i32
        %swap3A_448 = arith.index_cast %add3A_447 : i32 to index
        %swap3A_449 = arith.constant 96 : index
        %swap3A_450 = tpu.vector_load %arg13[%swap3A_448, %swap3A_449] {strides = array<i32>} : memref<128x128xf32, #tpu.memory_space<vmem>>, vector<16xf32>,
        tpu.vector_store %arg13[%swap3A_448, %swap3A_449], %bitcast3A_442 {strides = array<i32>} : memref<128x128xf32, #tpu.memory_space<vmem>>, vector<16xf32>,
        %add3A_451 = arith.constant 64 : i32
        %add3A_452 = arith.addi %add3A_451, %add3A_375 : i32
        %swap3A_453 = arith.index_cast %add3A_452 : i32 to index
        %swap3A_454 = arith.constant 112 : index
        %swap3A_455 = tpu.vector_load %arg13[%swap3A_453, %swap3A_454] {strides = array<i32>} : memref<128x128xf32, #tpu.memory_space<vmem>>, vector<16xf32>,
        tpu.vector_store %arg13[%swap3A_453, %swap3A_454], %bitcast3A_445 {strides = array<i32>} : memref<128x128xf32, #tpu.memory_space<vmem>>, vector<16xf32>,
      }
      %scan3A_260 = arith.constant 64 : i32
      %run_scoped3A_261 = arith.constant 4 : i32
      "tpu.region"() ({
        %run_scoped3A_371 = tpu.sem_alloc : memref<!tpu.dma_semaphore, #tpu.memory_space<semaphore_mem>>
        %dma_start3A_372 = arith.constant 0 : i32
        %dma_start3A_373 = tpu.memref_slice %arg9[%run_scoped3A_261, %dma_start3A_372] : memref<8x128xi32, #tpu.memory_space<vmem>> -> memref<1x128xi32, #tpu.memory_space<vmem>>
        %dma_start3A_374 = tpu.memref_squeeze %dma_start3A_373 : memref<1x128xi32, #tpu.memory_space<vmem>> -> memref<128xi32, #tpu.memory_space<vmem>>
        %dma_start3A_375 = arith.constant 0 : i32
        %dma_start3A_376 = arith.constant 0 : i32
        %dma_start3A_377 = tpu.memref_slice %arg15[%dma_start3A_375, %dma_start3A_376] : memref<10240x128xf32, #tpu.memory_space<vmem_shared>> -> memref<10240x128xf32, #tpu.memory_space<vmem_shared>>
        tpu.enqueue_indirect_dma source(%arg13 : memref<128x128xf32, #tpu.memory_space<vmem>>) target(%dma_start3A_377 : memref<10240x128xf32, #tpu.memory_space<vmem_shared>>) offsets(%dma_start3A_374 : memref<128xi32, #tpu.memory_space<vmem>>) semaphore(%run_scoped3A_371 : memref<!tpu.dma_semaphore, #tpu.memory_space<semaphore_mem>>) {add = true}
        %dma_wait3A_378 = arith.constant 0 : i32
        %dma_wait3A_379 = tpu.memref_slice %arg9[%run_scoped3A_261, %dma_wait3A_378] : memref<8x128xi32, #tpu.memory_space<vmem>> -> memref<1x128xi32, #tpu.memory_space<vmem>>
        %dma_wait3A_380 = tpu.memref_squeeze %dma_wait3A_379 : memref<1x128xi32, #tpu.memory_space<vmem>> -> memref<128xi32, #tpu.memory_space<vmem>>
        %dma_wait3A_381 = arith.constant 0 : i32
        %dma_wait3A_382 = arith.constant 0 : i32
        %dma_wait3A_383 = tpu.memref_slice %arg15[%dma_wait3A_381, %dma_wait3A_382] : memref<10240x128xf32, #tpu.memory_space<vmem_shared>> -> memref<10240x128xf32, #tpu.memory_space<vmem_shared>>
        tpu.wait_indirect_dma semaphore(%run_scoped3A_371 : memref<!tpu.dma_semaphore, #tpu.memory_space<semaphore_mem>>) src(%arg13 : memref<128x128xf32, #tpu.memory_space<vmem>>) dst(%dma_wait3A_383 : memref<10240x128xf32, #tpu.memory_space<vmem_shared>>)
        tpu.yield
      }) : () -> ()
      %dma_wait3A_262 = arith.constant 10 : i32
      %dma_wait3A_263 = arith.constant 0 : i32
      %dma_wait3A_264 = tpu.memref_slice %arg8[%dma_wait3A_262, %dma_wait3A_263] : memref<16x64xi32, #tpu.memory_space<vmem>> -> memref<1x64xi32, #tpu.memory_space<vmem>>
      %dma_wait3A_265 = tpu.memref_squeeze %dma_wait3A_264 : memref<1x64xi32, #tpu.memory_space<vmem>> -> memref<64xi32, #tpu.memory_space<vmem>>
      %dma_wait3A_266 = arith.constant 0 : i32
      %dma_wait3A_267 = arith.constant 0 : i32
      %dma_wait3A_268 = tpu.memref_slice %arg2[%dma_wait3A_266, %dma_wait3A_267] : memref<10000x128xbf16, #tpu.memory_space<hbm>> -> memref<10000x128xbf16, #tpu.memory_space<hbm>>
      tpu.wait_indirect_dma semaphore(%arg16 : memref<!tpu.dma_semaphore, #tpu.memory_space<semaphore_mem>>) src(%dma_wait3A_268 : memref<10000x128xbf16, #tpu.memory_space<hbm>>) dst(%arg11 : memref<64x128xbf16, #tpu.memory_space<vmem>>)
      %dma_start3A_269 = arith.constant 12 : i32
      %dma_start3A_270 = arith.constant 0 : i32
      %dma_start3A_271 = tpu.memref_slice %arg8[%dma_start3A_269, %dma_start3A_270] : memref<16x64xi32, #tpu.memory_space<vmem>> -> memref<1x64xi32, #tpu.memory_space<vmem>>
      %dma_start3A_272 = tpu.memref_squeeze %dma_start3A_271 : memref<1x64xi32, #tpu.memory_space<vmem>> -> memref<64xi32, #tpu.memory_space<vmem>>
      %dma_start3A_273 = arith.constant 0 : i32
      %dma_start3A_274 = arith.constant 0 : i32
      %dma_start3A_275 = tpu.memref_slice %arg2[%dma_start3A_273, %dma_start3A_274] : memref<10000x128xbf16, #tpu.memory_space<hbm>> -> memref<10000x128xbf16, #tpu.memory_space<hbm>>
      tpu.enqueue_indirect_dma source(%dma_start3A_275 : memref<10000x128xbf16, #tpu.memory_space<hbm>>) target(%arg10 : memref<64x128xbf16, #tpu.memory_space<vmem>>) offsets(%dma_start3A_272 : memref<64xi32, #tpu.memory_space<vmem>>) semaphore(%arg16 : memref<!tpu.dma_semaphore, #tpu.memory_space<semaphore_mem>>)
      %scan3A_276 = arith.constant -65536 : i32
      %scan3A_277 = arith.constant 0 : i32
      %scan3A_278 = arith.constant 64 : i32
      %scan3A_279 = arith.addi %scan3A_277, %scan3A_278 : i32
      %scan3A_280 = arith.constant 1 : i32
      scf.for %scan3A_371 = %scan3A_277 to %scan3A_279 step %scan3A_280  : i32 {
        %mul3A_372 = arith.constant 1 : i32
        %mul3A_373 = arith.muli %scan3A_371, %mul3A_372 : i32
        %add3A_374 = arith.constant 0 : i32
        %add3A_375 = arith.addi %add3A_374, %mul3A_373 : i32
        %get3A = arith.index_cast %add3A_375 : i32 to index
        %get3A_376 = arith.constant 0 : index
        %get3A_377 = tpu.vector_load %arg11[%get3A, %get3A_376] {strides = array<i32>} : memref<64x128xbf16, #tpu.memory_space<vmem>>, vector<32xbf16>,
        %bitcast3A = vector.bitcast %get3A_377 : vector<32xbf16> to vector<16xi32>
        %shift_left3A = arith.constant 16 : i32
        %shift_left3A_378 = vector.broadcast %shift_left3A : i32 to vector<16xi32>
        %shift_left3A_379 = arith.shli %bitcast3A, %shift_left3A_378 : vector<16xi32>
        %bitcast3A_380 = vector.bitcast %shift_left3A_379 : vector<16xi32> to vector<16xf32>
        %and3A_381 = vector.broadcast %scan3A_276 : i32 to vector<16xi32>
        %and3A_382 = arith.andi %bitcast3A, %and3A_381 : vector<16xi32>
        %bitcast3A_383 = vector.bitcast %and3A_382 : vector<16xi32> to vector<16xf32>
        %add3A_384 = arith.constant 0 : i32
        %add3A_385 = arith.addi %add3A_384, %add3A_375 : i32
        %swap3A = arith.index_cast %add3A_385 : i32 to index
        %swap3A_386 = arith.constant 0 : index
        %swap3A_387 = tpu.vector_load %arg13[%swap3A, %swap3A_386] {strides = array<i32>} : memref<128x128xf32, #tpu.memory_space<vmem>>, vector<16xf32>,
        tpu.vector_store %arg13[%swap3A, %swap3A_386], %bitcast3A_380 {strides = array<i32>} : memref<128x128xf32, #tpu.memory_space<vmem>>, vector<16xf32>,
        %add3A_388 = arith.constant 0 : i32
        %add3A_389 = arith.addi %add3A_388, %add3A_375 : i32
        %swap3A_390 = arith.index_cast %add3A_389 : i32 to index
        %swap3A_391 = arith.constant 16 : index
        %swap3A_392 = tpu.vector_load %arg13[%swap3A_390, %swap3A_391] {strides = array<i32>} : memref<128x128xf32, #tpu.memory_space<vmem>>, vector<16xf32>,
        tpu.vector_store %arg13[%swap3A_390, %swap3A_391], %bitcast3A_383 {strides = array<i32>} : memref<128x128xf32, #tpu.memory_space<vmem>>, vector<16xf32>,
        %get3A_393 = arith.index_cast %add3A_375 : i32 to index
        %get3A_394 = arith.constant 32 : index
        %get3A_395 = tpu.vector_load %arg11[%get3A_393, %get3A_394] {strides = array<i32>} : memref<64x128xbf16, #tpu.memory_space<vmem>>, vector<32xbf16>,
        %bitcast3A_396 = vector.bitcast %get3A_395 : vector<32xbf16> to vector<16xi32>
        %shift_left3A_397 = arith.constant 16 : i32
        %shift_left3A_398 = vector.broadcast %shift_left3A_397 : i32 to vector<16xi32>
        %shift_left3A_399 = arith.shli %bitcast3A_396, %shift_left3A_398 : vector<16xi32>
        %bitcast3A_400 = vector.bitcast %shift_left3A_399 : vector<16xi32> to vector<16xf32>
        %and3A_401 = vector.broadcast %scan3A_276 : i32 to vector<16xi32>
        %and3A_402 = arith.andi %bitcast3A_396, %and3A_401 : vector<16xi32>
        %bitcast3A_403 = vector.bitcast %and3A_402 : vector<16xi32> to vector<16xf32>
        %add3A_404 = arith.constant 0 : i32
        %add3A_405 = arith.addi %add3A_404, %add3A_375 : i32
        %swap3A_406 = arith.index_cast %add3A_405 : i32 to index
        %swap3A_407 = arith.constant 32 : index
        %swap3A_408 = tpu.vector_load %arg13[%swap3A_406, %swap3A_407] {strides = array<i32>} : memref<128x128xf32, #tpu.memory_space<vmem>>, vector<16xf32>,
        tpu.vector_store %arg13[%swap3A_406, %swap3A_407], %bitcast3A_400 {strides = array<i32>} : memref<128x128xf32, #tpu.memory_space<vmem>>, vector<16xf32>,
        %add3A_409 = arith.constant 0 : i32
        %add3A_410 = arith.addi %add3A_409, %add3A_375 : i32
        %swap3A_411 = arith.index_cast %add3A_410 : i32 to index
        %swap3A_412 = arith.constant 48 : index
        %swap3A_413 = tpu.vector_load %arg13[%swap3A_411, %swap3A_412] {strides = array<i32>} : memref<128x128xf32, #tpu.memory_space<vmem>>, vector<16xf32>,
        tpu.vector_store %arg13[%swap3A_411, %swap3A_412], %bitcast3A_403 {strides = array<i32>} : memref<128x128xf32, #tpu.memory_space<vmem>>, vector<16xf32>,
        %get3A_414 = arith.index_cast %add3A_375 : i32 to index
        %get3A_415 = arith.constant 64 : index
        %get3A_416 = tpu.vector_load %arg11[%get3A_414, %get3A_415] {strides = array<i32>} : memref<64x128xbf16, #tpu.memory_space<vmem>>, vector<32xbf16>,
        %bitcast3A_417 = vector.bitcast %get3A_416 : vector<32xbf16> to vector<16xi32>
        %shift_left3A_418 = arith.constant 16 : i32
        %shift_left3A_419 = vector.broadcast %shift_left3A_418 : i32 to vector<16xi32>
        %shift_left3A_420 = arith.shli %bitcast3A_417, %shift_left3A_419 : vector<16xi32>
        %bitcast3A_421 = vector.bitcast %shift_left3A_420 : vector<16xi32> to vector<16xf32>
        %and3A_422 = vector.broadcast %scan3A_276 : i32 to vector<16xi32>
        %and3A_423 = arith.andi %bitcast3A_417, %and3A_422 : vector<16xi32>
        %bitcast3A_424 = vector.bitcast %and3A_423 : vector<16xi32> to vector<16xf32>
        %add3A_425 = arith.constant 0 : i32
        %add3A_426 = arith.addi %add3A_425, %add3A_375 : i32
        %swap3A_427 = arith.index_cast %add3A_426 : i32 to index
        %swap3A_428 = arith.constant 64 : index
        %swap3A_429 = tpu.vector_load %arg13[%swap3A_427, %swap3A_428] {strides = array<i32>} : memref<128x128xf32, #tpu.memory_space<vmem>>, vector<16xf32>,
        tpu.vector_store %arg13[%swap3A_427, %swap3A_428], %bitcast3A_421 {strides = array<i32>} : memref<128x128xf32, #tpu.memory_space<vmem>>, vector<16xf32>,
        %add3A_430 = arith.constant 0 : i32
        %add3A_431 = arith.addi %add3A_430, %add3A_375 : i32
        %swap3A_432 = arith.index_cast %add3A_431 : i32 to index
        %swap3A_433 = arith.constant 80 : index
        %swap3A_434 = tpu.vector_load %arg13[%swap3A_432, %swap3A_433] {strides = array<i32>} : memref<128x128xf32, #tpu.memory_space<vmem>>, vector<16xf32>,
        tpu.vector_store %arg13[%swap3A_432, %swap3A_433], %bitcast3A_424 {strides = array<i32>} : memref<128x128xf32, #tpu.memory_space<vmem>>, vector<16xf32>,
        %get3A_435 = arith.index_cast %add3A_375 : i32 to index
        %get3A_436 = arith.constant 96 : index
        %get3A_437 = tpu.vector_load %arg11[%get3A_435, %get3A_436] {strides = array<i32>} : memref<64x128xbf16, #tpu.memory_space<vmem>>, vector<32xbf16>,
        %bitcast3A_438 = vector.bitcast %get3A_437 : vector<32xbf16> to vector<16xi32>
        %shift_left3A_439 = arith.constant 16 : i32
        %shift_left3A_440 = vector.broadcast %shift_left3A_439 : i32 to vector<16xi32>
        %shift_left3A_441 = arith.shli %bitcast3A_438, %shift_left3A_440 : vector<16xi32>
        %bitcast3A_442 = vector.bitcast %shift_left3A_441 : vector<16xi32> to vector<16xf32>
        %and3A_443 = vector.broadcast %scan3A_276 : i32 to vector<16xi32>
        %and3A_444 = arith.andi %bitcast3A_438, %and3A_443 : vector<16xi32>
        %bitcast3A_445 = vector.bitcast %and3A_444 : vector<16xi32> to vector<16xf32>
        %add3A_446 = arith.constant 0 : i32
        %add3A_447 = arith.addi %add3A_446, %add3A_375 : i32
        %swap3A_448 = arith.index_cast %add3A_447 : i32 to index
        %swap3A_449 = arith.constant 96 : index
        %swap3A_450 = tpu.vector_load %arg13[%swap3A_448, %swap3A_449] {strides = array<i32>} : memref<128x128xf32, #tpu.memory_space<vmem>>, vector<16xf32>,
        tpu.vector_store %arg13[%swap3A_448, %swap3A_449], %bitcast3A_442 {strides = array<i32>} : memref<128x128xf32, #tpu.memory_space<vmem>>, vector<16xf32>,
        %add3A_451 = arith.constant 0 : i32
        %add3A_452 = arith.addi %add3A_451, %add3A_375 : i32
        %swap3A_453 = arith.index_cast %add3A_452 : i32 to index
        %swap3A_454 = arith.constant 112 : index
        %swap3A_455 = tpu.vector_load %arg13[%swap3A_453, %swap3A_454] {strides = array<i32>} : memref<128x128xf32, #tpu.memory_space<vmem>>, vector<16xf32>,
        tpu.vector_store %arg13[%swap3A_453, %swap3A_454], %bitcast3A_445 {strides = array<i32>} : memref<128x128xf32, #tpu.memory_space<vmem>>, vector<16xf32>,
      }
      %scan3A_281 = arith.constant 64 : i32
      %dma_wait3A_282 = arith.constant 11 : i32
      %dma_wait3A_283 = arith.constant 0 : i32
      %dma_wait3A_284 = tpu.memref_slice %arg8[%dma_wait3A_282, %dma_wait3A_283] : memref<16x64xi32, #tpu.memory_space<vmem>> -> memref<1x64xi32, #tpu.memory_space<vmem>>
      %dma_wait3A_285 = tpu.memref_squeeze %dma_wait3A_284 : memref<1x64xi32, #tpu.memory_space<vmem>> -> memref<64xi32, #tpu.memory_space<vmem>>
      %dma_wait3A_286 = arith.constant 0 : i32
      %dma_wait3A_287 = arith.constant 0 : i32
      %dma_wait3A_288 = tpu.memref_slice %arg2[%dma_wait3A_286, %dma_wait3A_287] : memref<10000x128xbf16, #tpu.memory_space<hbm>> -> memref<10000x128xbf16, #tpu.memory_space<hbm>>
      tpu.wait_indirect_dma semaphore(%arg16 : memref<!tpu.dma_semaphore, #tpu.memory_space<semaphore_mem>>) src(%dma_wait3A_288 : memref<10000x128xbf16, #tpu.memory_space<hbm>>) dst(%arg12 : memref<64x128xbf16, #tpu.memory_space<vmem>>)
      %dma_start3A_289 = arith.constant 13 : i32
      %dma_start3A_290 = arith.constant 0 : i32
      %dma_start3A_291 = tpu.memref_slice %arg8[%dma_start3A_289, %dma_start3A_290] : memref<16x64xi32, #tpu.memory_space<vmem>> -> memref<1x64xi32, #tpu.memory_space<vmem>>
      %dma_start3A_292 = tpu.memref_squeeze %dma_start3A_291 : memref<1x64xi32, #tpu.memory_space<vmem>> -> memref<64xi32, #tpu.memory_space<vmem>>
      %dma_start3A_293 = arith.constant 0 : i32
      %dma_start3A_294 = arith.constant 0 : i32
      %dma_start3A_295 = tpu.memref_slice %arg2[%dma_start3A_293, %dma_start3A_294] : memref<10000x128xbf16, #tpu.memory_space<hbm>> -> memref<10000x128xbf16, #tpu.memory_space<hbm>>
      tpu.enqueue_indirect_dma source(%dma_start3A_295 : memref<10000x128xbf16, #tpu.memory_space<hbm>>) target(%arg11 : memref<64x128xbf16, #tpu.memory_space<vmem>>) offsets(%dma_start3A_292 : memref<64xi32, #tpu.memory_space<vmem>>) semaphore(%arg16 : memref<!tpu.dma_semaphore, #tpu.memory_space<semaphore_mem>>)
      %scan3A_296 = arith.constant -65536 : i32
      %scan3A_297 = arith.constant 0 : i32
      %scan3A_298 = arith.constant 64 : i32
      %scan3A_299 = arith.addi %scan3A_297, %scan3A_298 : i32
      %scan3A_300 = arith.constant 1 : i32
      scf.for %scan3A_371 = %scan3A_297 to %scan3A_299 step %scan3A_300  : i32 {
        %mul3A_372 = arith.constant 1 : i32
        %mul3A_373 = arith.muli %scan3A_371, %mul3A_372 : i32
        %add3A_374 = arith.constant 0 : i32
        %add3A_375 = arith.addi %add3A_374, %mul3A_373 : i32
        %get3A = arith.index_cast %add3A_375 : i32 to index
        %get3A_376 = arith.constant 0 : index
        %get3A_377 = tpu.vector_load %arg12[%get3A, %get3A_376] {strides = array<i32>} : memref<64x128xbf16, #tpu.memory_space<vmem>>, vector<32xbf16>,
        %bitcast3A = vector.bitcast %get3A_377 : vector<32xbf16> to vector<16xi32>
        %shift_left3A = arith.constant 16 : i32
        %shift_left3A_378 = vector.broadcast %shift_left3A : i32 to vector<16xi32>
        %shift_left3A_379 = arith.shli %bitcast3A, %shift_left3A_378 : vector<16xi32>
        %bitcast3A_380 = vector.bitcast %shift_left3A_379 : vector<16xi32> to vector<16xf32>
        %and3A_381 = vector.broadcast %scan3A_296 : i32 to vector<16xi32>
        %and3A_382 = arith.andi %bitcast3A, %and3A_381 : vector<16xi32>
        %bitcast3A_383 = vector.bitcast %and3A_382 : vector<16xi32> to vector<16xf32>
        %add3A_384 = arith.constant 64 : i32
        %add3A_385 = arith.addi %add3A_384, %add3A_375 : i32
        %swap3A = arith.index_cast %add3A_385 : i32 to index
        %swap3A_386 = arith.constant 0 : index
        %swap3A_387 = tpu.vector_load %arg13[%swap3A, %swap3A_386] {strides = array<i32>} : memref<128x128xf32, #tpu.memory_space<vmem>>, vector<16xf32>,
        tpu.vector_store %arg13[%swap3A, %swap3A_386], %bitcast3A_380 {strides = array<i32>} : memref<128x128xf32, #tpu.memory_space<vmem>>, vector<16xf32>,
        %add3A_388 = arith.constant 64 : i32
        %add3A_389 = arith.addi %add3A_388, %add3A_375 : i32
        %swap3A_390 = arith.index_cast %add3A_389 : i32 to index
        %swap3A_391 = arith.constant 16 : index
        %swap3A_392 = tpu.vector_load %arg13[%swap3A_390, %swap3A_391] {strides = array<i32>} : memref<128x128xf32, #tpu.memory_space<vmem>>, vector<16xf32>,
        tpu.vector_store %arg13[%swap3A_390, %swap3A_391], %bitcast3A_383 {strides = array<i32>} : memref<128x128xf32, #tpu.memory_space<vmem>>, vector<16xf32>,
        %get3A_393 = arith.index_cast %add3A_375 : i32 to index
        %get3A_394 = arith.constant 32 : index
        %get3A_395 = tpu.vector_load %arg12[%get3A_393, %get3A_394] {strides = array<i32>} : memref<64x128xbf16, #tpu.memory_space<vmem>>, vector<32xbf16>,
        %bitcast3A_396 = vector.bitcast %get3A_395 : vector<32xbf16> to vector<16xi32>
        %shift_left3A_397 = arith.constant 16 : i32
        %shift_left3A_398 = vector.broadcast %shift_left3A_397 : i32 to vector<16xi32>
        %shift_left3A_399 = arith.shli %bitcast3A_396, %shift_left3A_398 : vector<16xi32>
        %bitcast3A_400 = vector.bitcast %shift_left3A_399 : vector<16xi32> to vector<16xf32>
        %and3A_401 = vector.broadcast %scan3A_296 : i32 to vector<16xi32>
        %and3A_402 = arith.andi %bitcast3A_396, %and3A_401 : vector<16xi32>
        %bitcast3A_403 = vector.bitcast %and3A_402 : vector<16xi32> to vector<16xf32>
        %add3A_404 = arith.constant 64 : i32
        %add3A_405 = arith.addi %add3A_404, %add3A_375 : i32
        %swap3A_406 = arith.index_cast %add3A_405 : i32 to index
        %swap3A_407 = arith.constant 32 : index
        %swap3A_408 = tpu.vector_load %arg13[%swap3A_406, %swap3A_407] {strides = array<i32>} : memref<128x128xf32, #tpu.memory_space<vmem>>, vector<16xf32>,
        tpu.vector_store %arg13[%swap3A_406, %swap3A_407], %bitcast3A_400 {strides = array<i32>} : memref<128x128xf32, #tpu.memory_space<vmem>>, vector<16xf32>,
        %add3A_409 = arith.constant 64 : i32
        %add3A_410 = arith.addi %add3A_409, %add3A_375 : i32
        %swap3A_411 = arith.index_cast %add3A_410 : i32 to index
        %swap3A_412 = arith.constant 48 : index
        %swap3A_413 = tpu.vector_load %arg13[%swap3A_411, %swap3A_412] {strides = array<i32>} : memref<128x128xf32, #tpu.memory_space<vmem>>, vector<16xf32>,
        tpu.vector_store %arg13[%swap3A_411, %swap3A_412], %bitcast3A_403 {strides = array<i32>} : memref<128x128xf32, #tpu.memory_space<vmem>>, vector<16xf32>,
        %get3A_414 = arith.index_cast %add3A_375 : i32 to index
        %get3A_415 = arith.constant 64 : index
        %get3A_416 = tpu.vector_load %arg12[%get3A_414, %get3A_415] {strides = array<i32>} : memref<64x128xbf16, #tpu.memory_space<vmem>>, vector<32xbf16>,
        %bitcast3A_417 = vector.bitcast %get3A_416 : vector<32xbf16> to vector<16xi32>
        %shift_left3A_418 = arith.constant 16 : i32
        %shift_left3A_419 = vector.broadcast %shift_left3A_418 : i32 to vector<16xi32>
        %shift_left3A_420 = arith.shli %bitcast3A_417, %shift_left3A_419 : vector<16xi32>
        %bitcast3A_421 = vector.bitcast %shift_left3A_420 : vector<16xi32> to vector<16xf32>
        %and3A_422 = vector.broadcast %scan3A_296 : i32 to vector<16xi32>
        %and3A_423 = arith.andi %bitcast3A_417, %and3A_422 : vector<16xi32>
        %bitcast3A_424 = vector.bitcast %and3A_423 : vector<16xi32> to vector<16xf32>
        %add3A_425 = arith.constant 64 : i32
        %add3A_426 = arith.addi %add3A_425, %add3A_375 : i32
        %swap3A_427 = arith.index_cast %add3A_426 : i32 to index
        %swap3A_428 = arith.constant 64 : index
        %swap3A_429 = tpu.vector_load %arg13[%swap3A_427, %swap3A_428] {strides = array<i32>} : memref<128x128xf32, #tpu.memory_space<vmem>>, vector<16xf32>,
        tpu.vector_store %arg13[%swap3A_427, %swap3A_428], %bitcast3A_421 {strides = array<i32>} : memref<128x128xf32, #tpu.memory_space<vmem>>, vector<16xf32>,
        %add3A_430 = arith.constant 64 : i32
        %add3A_431 = arith.addi %add3A_430, %add3A_375 : i32
        %swap3A_432 = arith.index_cast %add3A_431 : i32 to index
        %swap3A_433 = arith.constant 80 : index
        %swap3A_434 = tpu.vector_load %arg13[%swap3A_432, %swap3A_433] {strides = array<i32>} : memref<128x128xf32, #tpu.memory_space<vmem>>, vector<16xf32>,
        tpu.vector_store %arg13[%swap3A_432, %swap3A_433], %bitcast3A_424 {strides = array<i32>} : memref<128x128xf32, #tpu.memory_space<vmem>>, vector<16xf32>,
        %get3A_435 = arith.index_cast %add3A_375 : i32 to index
        %get3A_436 = arith.constant 96 : index
        %get3A_437 = tpu.vector_load %arg12[%get3A_435, %get3A_436] {strides = array<i32>} : memref<64x128xbf16, #tpu.memory_space<vmem>>, vector<32xbf16>,
        %bitcast3A_438 = vector.bitcast %get3A_437 : vector<32xbf16> to vector<16xi32>
        %shift_left3A_439 = arith.constant 16 : i32
        %shift_left3A_440 = vector.broadcast %shift_left3A_439 : i32 to vector<16xi32>
        %shift_left3A_441 = arith.shli %bitcast3A_438, %shift_left3A_440 : vector<16xi32>
        %bitcast3A_442 = vector.bitcast %shift_left3A_441 : vector<16xi32> to vector<16xf32>
        %and3A_443 = vector.broadcast %scan3A_296 : i32 to vector<16xi32>
        %and3A_444 = arith.andi %bitcast3A_438, %and3A_443 : vector<16xi32>
        %bitcast3A_445 = vector.bitcast %and3A_444 : vector<16xi32> to vector<16xf32>
        %add3A_446 = arith.constant 64 : i32
        %add3A_447 = arith.addi %add3A_446, %add3A_375 : i32
        %swap3A_448 = arith.index_cast %add3A_447 : i32 to index
        %swap3A_449 = arith.constant 96 : index
        %swap3A_450 = tpu.vector_load %arg13[%swap3A_448, %swap3A_449] {strides = array<i32>} : memref<128x128xf32, #tpu.memory_space<vmem>>, vector<16xf32>,
        tpu.vector_store %arg13[%swap3A_448, %swap3A_449], %bitcast3A_442 {strides = array<i32>} : memref<128x128xf32, #tpu.memory_space<vmem>>, vector<16xf32>,
        %add3A_451 = arith.constant 64 : i32
        %add3A_452 = arith.addi %add3A_451, %add3A_375 : i32
        %swap3A_453 = arith.index_cast %add3A_452 : i32 to index
        %swap3A_454 = arith.constant 112 : index
        %swap3A_455 = tpu.vector_load %arg13[%swap3A_453, %swap3A_454] {strides = array<i32>} : memref<128x128xf32, #tpu.memory_space<vmem>>, vector<16xf32>,
        tpu.vector_store %arg13[%swap3A_453, %swap3A_454], %bitcast3A_445 {strides = array<i32>} : memref<128x128xf32, #tpu.memory_space<vmem>>, vector<16xf32>,
      }
      %scan3A_301 = arith.constant 64 : i32
      %run_scoped3A_302 = arith.constant 5 : i32
      "tpu.region"() ({
        %run_scoped3A_371 = tpu.sem_alloc : memref<!tpu.dma_semaphore, #tpu.memory_space<semaphore_mem>>
        %dma_start3A_372 = arith.constant 0 : i32
        %dma_start3A_373 = tpu.memref_slice %arg9[%run_scoped3A_302, %dma_start3A_372] : memref<8x128xi32, #tpu.memory_space<vmem>> -> memref<1x128xi32, #tpu.memory_space<vmem>>
        %dma_start3A_374 = tpu.memref_squeeze %dma_start3A_373 : memref<1x128xi32, #tpu.memory_space<vmem>> -> memref<128xi32, #tpu.memory_space<vmem>>
        %dma_start3A_375 = arith.constant 0 : i32
        %dma_start3A_376 = arith.constant 0 : i32
        %dma_start3A_377 = tpu.memref_slice %arg15[%dma_start3A_375, %dma_start3A_376] : memref<10240x128xf32, #tpu.memory_space<vmem_shared>> -> memref<10240x128xf32, #tpu.memory_space<vmem_shared>>
        tpu.enqueue_indirect_dma source(%arg13 : memref<128x128xf32, #tpu.memory_space<vmem>>) target(%dma_start3A_377 : memref<10240x128xf32, #tpu.memory_space<vmem_shared>>) offsets(%dma_start3A_374 : memref<128xi32, #tpu.memory_space<vmem>>) semaphore(%run_scoped3A_371 : memref<!tpu.dma_semaphore, #tpu.memory_space<semaphore_mem>>) {add = true}
        %dma_wait3A_378 = arith.constant 0 : i32
        %dma_wait3A_379 = tpu.memref_slice %arg9[%run_scoped3A_302, %dma_wait3A_378] : memref<8x128xi32, #tpu.memory_space<vmem>> -> memref<1x128xi32, #tpu.memory_space<vmem>>
        %dma_wait3A_380 = tpu.memref_squeeze %dma_wait3A_379 : memref<1x128xi32, #tpu.memory_space<vmem>> -> memref<128xi32, #tpu.memory_space<vmem>>
        %dma_wait3A_381 = arith.constant 0 : i32
        %dma_wait3A_382 = arith.constant 0 : i32
        %dma_wait3A_383 = tpu.memref_slice %arg15[%dma_wait3A_381, %dma_wait3A_382] : memref<10240x128xf32, #tpu.memory_space<vmem_shared>> -> memref<10240x128xf32, #tpu.memory_space<vmem_shared>>
        tpu.wait_indirect_dma semaphore(%run_scoped3A_371 : memref<!tpu.dma_semaphore, #tpu.memory_space<semaphore_mem>>) src(%arg13 : memref<128x128xf32, #tpu.memory_space<vmem>>) dst(%dma_wait3A_383 : memref<10240x128xf32, #tpu.memory_space<vmem_shared>>)
        tpu.yield
      }) : () -> ()
      %dma_wait3A_303 = arith.constant 12 : i32
      %dma_wait3A_304 = arith.constant 0 : i32
      %dma_wait3A_305 = tpu.memref_slice %arg8[%dma_wait3A_303, %dma_wait3A_304] : memref<16x64xi32, #tpu.memory_space<vmem>> -> memref<1x64xi32, #tpu.memory_space<vmem>>
      %dma_wait3A_306 = tpu.memref_squeeze %dma_wait3A_305 : memref<1x64xi32, #tpu.memory_space<vmem>> -> memref<64xi32, #tpu.memory_space<vmem>>
      %dma_wait3A_307 = arith.constant 0 : i32
      %dma_wait3A_308 = arith.constant 0 : i32
      %dma_wait3A_309 = tpu.memref_slice %arg2[%dma_wait3A_307, %dma_wait3A_308] : memref<10000x128xbf16, #tpu.memory_space<hbm>> -> memref<10000x128xbf16, #tpu.memory_space<hbm>>
      tpu.wait_indirect_dma semaphore(%arg16 : memref<!tpu.dma_semaphore, #tpu.memory_space<semaphore_mem>>) src(%dma_wait3A_309 : memref<10000x128xbf16, #tpu.memory_space<hbm>>) dst(%arg10 : memref<64x128xbf16, #tpu.memory_space<vmem>>)
      %dma_start3A_310 = arith.constant 14 : i32
      %dma_start3A_311 = arith.constant 0 : i32
      %dma_start3A_312 = tpu.memref_slice %arg8[%dma_start3A_310, %dma_start3A_311] : memref<16x64xi32, #tpu.memory_space<vmem>> -> memref<1x64xi32, #tpu.memory_space<vmem>>
      %dma_start3A_313 = tpu.memref_squeeze %dma_start3A_312 : memref<1x64xi32, #tpu.memory_space<vmem>> -> memref<64xi32, #tpu.memory_space<vmem>>
      %dma_start3A_314 = arith.constant 0 : i32
      %dma_start3A_315 = arith.constant 0 : i32
      %dma_start3A_316 = tpu.memref_slice %arg2[%dma_start3A_314, %dma_start3A_315] : memref<10000x128xbf16, #tpu.memory_space<hbm>> -> memref<10000x128xbf16, #tpu.memory_space<hbm>>
      tpu.enqueue_indirect_dma source(%dma_start3A_316 : memref<10000x128xbf16, #tpu.memory_space<hbm>>) target(%arg12 : memref<64x128xbf16, #tpu.memory_space<vmem>>) offsets(%dma_start3A_313 : memref<64xi32, #tpu.memory_space<vmem>>) semaphore(%arg16 : memref<!tpu.dma_semaphore, #tpu.memory_space<semaphore_mem>>)
      %scan3A_317 = arith.constant -65536 : i32
      %scan3A_318 = arith.constant 0 : i32
      %scan3A_319 = arith.constant 64 : i32
      %scan3A_320 = arith.addi %scan3A_318, %scan3A_319 : i32
      %scan3A_321 = arith.constant 1 : i32
      scf.for %scan3A_371 = %scan3A_318 to %scan3A_320 step %scan3A_321  : i32 {
        %mul3A_372 = arith.constant 1 : i32
        %mul3A_373 = arith.muli %scan3A_371, %mul3A_372 : i32
        %add3A_374 = arith.constant 0 : i32
        %add3A_375 = arith.addi %add3A_374, %mul3A_373 : i32
        %get3A = arith.index_cast %add3A_375 : i32 to index
        %get3A_376 = arith.constant 0 : index
        %get3A_377 = tpu.vector_load %arg10[%get3A, %get3A_376] {strides = array<i32>} : memref<64x128xbf16, #tpu.memory_space<vmem>>, vector<32xbf16>,
        %bitcast3A = vector.bitcast %get3A_377 : vector<32xbf16> to vector<16xi32>
        %shift_left3A = arith.constant 16 : i32
        %shift_left3A_378 = vector.broadcast %shift_left3A : i32 to vector<16xi32>
        %shift_left3A_379 = arith.shli %bitcast3A, %shift_left3A_378 : vector<16xi32>
        %bitcast3A_380 = vector.bitcast %shift_left3A_379 : vector<16xi32> to vector<16xf32>
        %and3A_381 = vector.broadcast %scan3A_317 : i32 to vector<16xi32>
        %and3A_382 = arith.andi %bitcast3A, %and3A_381 : vector<16xi32>
        %bitcast3A_383 = vector.bitcast %and3A_382 : vector<16xi32> to vector<16xf32>
        %add3A_384 = arith.constant 0 : i32
        %add3A_385 = arith.addi %add3A_384, %add3A_375 : i32
        %swap3A = arith.index_cast %add3A_385 : i32 to index
        %swap3A_386 = arith.constant 0 : index
        %swap3A_387 = tpu.vector_load %arg13[%swap3A, %swap3A_386] {strides = array<i32>} : memref<128x128xf32, #tpu.memory_space<vmem>>, vector<16xf32>,
        tpu.vector_store %arg13[%swap3A, %swap3A_386], %bitcast3A_380 {strides = array<i32>} : memref<128x128xf32, #tpu.memory_space<vmem>>, vector<16xf32>,
        %add3A_388 = arith.constant 0 : i32
        %add3A_389 = arith.addi %add3A_388, %add3A_375 : i32
        %swap3A_390 = arith.index_cast %add3A_389 : i32 to index
        %swap3A_391 = arith.constant 16 : index
        %swap3A_392 = tpu.vector_load %arg13[%swap3A_390, %swap3A_391] {strides = array<i32>} : memref<128x128xf32, #tpu.memory_space<vmem>>, vector<16xf32>,
        tpu.vector_store %arg13[%swap3A_390, %swap3A_391], %bitcast3A_383 {strides = array<i32>} : memref<128x128xf32, #tpu.memory_space<vmem>>, vector<16xf32>,
        %get3A_393 = arith.index_cast %add3A_375 : i32 to index
        %get3A_394 = arith.constant 32 : index
        %get3A_395 = tpu.vector_load %arg10[%get3A_393, %get3A_394] {strides = array<i32>} : memref<64x128xbf16, #tpu.memory_space<vmem>>, vector<32xbf16>,
        %bitcast3A_396 = vector.bitcast %get3A_395 : vector<32xbf16> to vector<16xi32>
        %shift_left3A_397 = arith.constant 16 : i32
        %shift_left3A_398 = vector.broadcast %shift_left3A_397 : i32 to vector<16xi32>
        %shift_left3A_399 = arith.shli %bitcast3A_396, %shift_left3A_398 : vector<16xi32>
        %bitcast3A_400 = vector.bitcast %shift_left3A_399 : vector<16xi32> to vector<16xf32>
        %and3A_401 = vector.broadcast %scan3A_317 : i32 to vector<16xi32>
        %and3A_402 = arith.andi %bitcast3A_396, %and3A_401 : vector<16xi32>
        %bitcast3A_403 = vector.bitcast %and3A_402 : vector<16xi32> to vector<16xf32>
        %add3A_404 = arith.constant 0 : i32
        %add3A_405 = arith.addi %add3A_404, %add3A_375 : i32
        %swap3A_406 = arith.index_cast %add3A_405 : i32 to index
        %swap3A_407 = arith.constant 32 : index
        %swap3A_408 = tpu.vector_load %arg13[%swap3A_406, %swap3A_407] {strides = array<i32>} : memref<128x128xf32, #tpu.memory_space<vmem>>, vector<16xf32>,
        tpu.vector_store %arg13[%swap3A_406, %swap3A_407], %bitcast3A_400 {strides = array<i32>} : memref<128x128xf32, #tpu.memory_space<vmem>>, vector<16xf32>,
        %add3A_409 = arith.constant 0 : i32
        %add3A_410 = arith.addi %add3A_409, %add3A_375 : i32
        %swap3A_411 = arith.index_cast %add3A_410 : i32 to index
        %swap3A_412 = arith.constant 48 : index
        %swap3A_413 = tpu.vector_load %arg13[%swap3A_411, %swap3A_412] {strides = array<i32>} : memref<128x128xf32, #tpu.memory_space<vmem>>, vector<16xf32>,
        tpu.vector_store %arg13[%swap3A_411, %swap3A_412], %bitcast3A_403 {strides = array<i32>} : memref<128x128xf32, #tpu.memory_space<vmem>>, vector<16xf32>,
        %get3A_414 = arith.index_cast %add3A_375 : i32 to index
        %get3A_415 = arith.constant 64 : index
        %get3A_416 = tpu.vector_load %arg10[%get3A_414, %get3A_415] {strides = array<i32>} : memref<64x128xbf16, #tpu.memory_space<vmem>>, vector<32xbf16>,
        %bitcast3A_417 = vector.bitcast %get3A_416 : vector<32xbf16> to vector<16xi32>
        %shift_left3A_418 = arith.constant 16 : i32
        %shift_left3A_419 = vector.broadcast %shift_left3A_418 : i32 to vector<16xi32>
        %shift_left3A_420 = arith.shli %bitcast3A_417, %shift_left3A_419 : vector<16xi32>
        %bitcast3A_421 = vector.bitcast %shift_left3A_420 : vector<16xi32> to vector<16xf32>
        %and3A_422 = vector.broadcast %scan3A_317 : i32 to vector<16xi32>
        %and3A_423 = arith.andi %bitcast3A_417, %and3A_422 : vector<16xi32>
        %bitcast3A_424 = vector.bitcast %and3A_423 : vector<16xi32> to vector<16xf32>
        %add3A_425 = arith.constant 0 : i32
        %add3A_426 = arith.addi %add3A_425, %add3A_375 : i32
        %swap3A_427 = arith.index_cast %add3A_426 : i32 to index
        %swap3A_428 = arith.constant 64 : index
        %swap3A_429 = tpu.vector_load %arg13[%swap3A_427, %swap3A_428] {strides = array<i32>} : memref<128x128xf32, #tpu.memory_space<vmem>>, vector<16xf32>,
        tpu.vector_store %arg13[%swap3A_427, %swap3A_428], %bitcast3A_421 {strides = array<i32>} : memref<128x128xf32, #tpu.memory_space<vmem>>, vector<16xf32>,
        %add3A_430 = arith.constant 0 : i32
        %add3A_431 = arith.addi %add3A_430, %add3A_375 : i32
        %swap3A_432 = arith.index_cast %add3A_431 : i32 to index
        %swap3A_433 = arith.constant 80 : index
        %swap3A_434 = tpu.vector_load %arg13[%swap3A_432, %swap3A_433] {strides = array<i32>} : memref<128x128xf32, #tpu.memory_space<vmem>>, vector<16xf32>,
        tpu.vector_store %arg13[%swap3A_432, %swap3A_433], %bitcast3A_424 {strides = array<i32>} : memref<128x128xf32, #tpu.memory_space<vmem>>, vector<16xf32>,
        %get3A_435 = arith.index_cast %add3A_375 : i32 to index
        %get3A_436 = arith.constant 96 : index
        %get3A_437 = tpu.vector_load %arg10[%get3A_435, %get3A_436] {strides = array<i32>} : memref<64x128xbf16, #tpu.memory_space<vmem>>, vector<32xbf16>,
        %bitcast3A_438 = vector.bitcast %get3A_437 : vector<32xbf16> to vector<16xi32>
        %shift_left3A_439 = arith.constant 16 : i32
        %shift_left3A_440 = vector.broadcast %shift_left3A_439 : i32 to vector<16xi32>
        %shift_left3A_441 = arith.shli %bitcast3A_438, %shift_left3A_440 : vector<16xi32>
        %bitcast3A_442 = vector.bitcast %shift_left3A_441 : vector<16xi32> to vector<16xf32>
        %and3A_443 = vector.broadcast %scan3A_317 : i32 to vector<16xi32>
        %and3A_444 = arith.andi %bitcast3A_438, %and3A_443 : vector<16xi32>
        %bitcast3A_445 = vector.bitcast %and3A_444 : vector<16xi32> to vector<16xf32>
        %add3A_446 = arith.constant 0 : i32
        %add3A_447 = arith.addi %add3A_446, %add3A_375 : i32
        %swap3A_448 = arith.index_cast %add3A_447 : i32 to index
        %swap3A_449 = arith.constant 96 : index
        %swap3A_450 = tpu.vector_load %arg13[%swap3A_448, %swap3A_449] {strides = array<i32>} : memref<128x128xf32, #tpu.memory_space<vmem>>, vector<16xf32>,
        tpu.vector_store %arg13[%swap3A_448, %swap3A_449], %bitcast3A_442 {strides = array<i32>} : memref<128x128xf32, #tpu.memory_space<vmem>>, vector<16xf32>,
        %add3A_451 = arith.constant 0 : i32
        %add3A_452 = arith.addi %add3A_451, %add3A_375 : i32
        %swap3A_453 = arith.index_cast %add3A_452 : i32 to index
        %swap3A_454 = arith.constant 112 : index
        %swap3A_455 = tpu.vector_load %arg13[%swap3A_453, %swap3A_454] {strides = array<i32>} : memref<128x128xf32, #tpu.memory_space<vmem>>, vector<16xf32>,
        tpu.vector_store %arg13[%swap3A_453, %swap3A_454], %bitcast3A_445 {strides = array<i32>} : memref<128x128xf32, #tpu.memory_space<vmem>>, vector<16xf32>,
      }
      %scan3A_322 = arith.constant 64 : i32
      %dma_wait3A_323 = arith.constant 13 : i32
      %dma_wait3A_324 = arith.constant 0 : i32
      %dma_wait3A_325 = tpu.memref_slice %arg8[%dma_wait3A_323, %dma_wait3A_324] : memref<16x64xi32, #tpu.memory_space<vmem>> -> memref<1x64xi32, #tpu.memory_space<vmem>>
      %dma_wait3A_326 = tpu.memref_squeeze %dma_wait3A_325 : memref<1x64xi32, #tpu.memory_space<vmem>> -> memref<64xi32, #tpu.memory_space<vmem>>
      %dma_wait3A_327 = arith.constant 0 : i32
      %dma_wait3A_328 = arith.constant 0 : i32
      %dma_wait3A_329 = tpu.memref_slice %arg2[%dma_wait3A_327, %dma_wait3A_328] : memref<10000x128xbf16, #tpu.memory_space<hbm>> -> memref<10000x128xbf16, #tpu.memory_space<hbm>>
      tpu.wait_indirect_dma semaphore(%arg16 : memref<!tpu.dma_semaphore, #tpu.memory_space<semaphore_mem>>) src(%dma_wait3A_329 : memref<10000x128xbf16, #tpu.memory_space<hbm>>) dst(%arg11 : memref<64x128xbf16, #tpu.memory_space<vmem>>)
      %dma_start3A_330 = arith.constant 15 : i32
      %dma_start3A_331 = arith.constant 0 : i32
      %dma_start3A_332 = tpu.memref_slice %arg8[%dma_start3A_330, %dma_start3A_331] : memref<16x64xi32, #tpu.memory_space<vmem>> -> memref<1x64xi32, #tpu.memory_space<vmem>>
      %dma_start3A_333 = tpu.memref_squeeze %dma_start3A_332 : memref<1x64xi32, #tpu.memory_space<vmem>> -> memref<64xi32, #tpu.memory_space<vmem>>
      %dma_start3A_334 = arith.constant 0 : i32
      %dma_start3A_335 = arith.constant 0 : i32
      %dma_start3A_336 = tpu.memref_slice %arg2[%dma_start3A_334, %dma_start3A_335] : memref<10000x128xbf16, #tpu.memory_space<hbm>> -> memref<10000x128xbf16, #tpu.memory_space<hbm>>
      tpu.enqueue_indirect_dma source(%dma_start3A_336 : memref<10000x128xbf16, #tpu.memory_space<hbm>>) target(%arg10 : memref<64x128xbf16, #tpu.memory_space<vmem>>) offsets(%dma_start3A_333 : memref<64xi32, #tpu.memory_space<vmem>>) semaphore(%arg16 : memref<!tpu.dma_semaphore, #tpu.memory_space<semaphore_mem>>)
      %scan3A_337 = arith.constant -65536 : i32
      %scan3A_338 = arith.constant 0 : i32
      %scan3A_339 = arith.constant 64 : i32
      %scan3A_340 = arith.addi %scan3A_338, %scan3A_339 : i32
      %scan3A_341 = arith.constant 1 : i32
      scf.for %scan3A_371 = %scan3A_338 to %scan3A_340 step %scan3A_341  : i32 {
        %mul3A_372 = arith.constant 1 : i32
        %mul3A_373 = arith.muli %scan3A_371, %mul3A_372 : i32
        %add3A_374 = arith.constant 0 : i32
        %add3A_375 = arith.addi %add3A_374, %mul3A_373 : i32
        %get3A = arith.index_cast %add3A_375 : i32 to index
        %get3A_376 = arith.constant 0 : index
        %get3A_377 = tpu.vector_load %arg11[%get3A, %get3A_376] {strides = array<i32>} : memref<64x128xbf16, #tpu.memory_space<vmem>>, vector<32xbf16>,
        %bitcast3A = vector.bitcast %get3A_377 : vector<32xbf16> to vector<16xi32>
        %shift_left3A = arith.constant 16 : i32
        %shift_left3A_378 = vector.broadcast %shift_left3A : i32 to vector<16xi32>
        %shift_left3A_379 = arith.shli %bitcast3A, %shift_left3A_378 : vector<16xi32>
        %bitcast3A_380 = vector.bitcast %shift_left3A_379 : vector<16xi32> to vector<16xf32>
        %and3A_381 = vector.broadcast %scan3A_337 : i32 to vector<16xi32>
        %and3A_382 = arith.andi %bitcast3A, %and3A_381 : vector<16xi32>
        %bitcast3A_383 = vector.bitcast %and3A_382 : vector<16xi32> to vector<16xf32>
        %add3A_384 = arith.constant 64 : i32
        %add3A_385 = arith.addi %add3A_384, %add3A_375 : i32
        %swap3A = arith.index_cast %add3A_385 : i32 to index
        %swap3A_386 = arith.constant 0 : index
        %swap3A_387 = tpu.vector_load %arg13[%swap3A, %swap3A_386] {strides = array<i32>} : memref<128x128xf32, #tpu.memory_space<vmem>>, vector<16xf32>,
        tpu.vector_store %arg13[%swap3A, %swap3A_386], %bitcast3A_380 {strides = array<i32>} : memref<128x128xf32, #tpu.memory_space<vmem>>, vector<16xf32>,
        %add3A_388 = arith.constant 64 : i32
        %add3A_389 = arith.addi %add3A_388, %add3A_375 : i32
        %swap3A_390 = arith.index_cast %add3A_389 : i32 to index
        %swap3A_391 = arith.constant 16 : index
        %swap3A_392 = tpu.vector_load %arg13[%swap3A_390, %swap3A_391] {strides = array<i32>} : memref<128x128xf32, #tpu.memory_space<vmem>>, vector<16xf32>,
        tpu.vector_store %arg13[%swap3A_390, %swap3A_391], %bitcast3A_383 {strides = array<i32>} : memref<128x128xf32, #tpu.memory_space<vmem>>, vector<16xf32>,
        %get3A_393 = arith.index_cast %add3A_375 : i32 to index
        %get3A_394 = arith.constant 32 : index
        %get3A_395 = tpu.vector_load %arg11[%get3A_393, %get3A_394] {strides = array<i32>} : memref<64x128xbf16, #tpu.memory_space<vmem>>, vector<32xbf16>,
        %bitcast3A_396 = vector.bitcast %get3A_395 : vector<32xbf16> to vector<16xi32>
        %shift_left3A_397 = arith.constant 16 : i32
        %shift_left3A_398 = vector.broadcast %shift_left3A_397 : i32 to vector<16xi32>
        %shift_left3A_399 = arith.shli %bitcast3A_396, %shift_left3A_398 : vector<16xi32>
        %bitcast3A_400 = vector.bitcast %shift_left3A_399 : vector<16xi32> to vector<16xf32>
        %and3A_401 = vector.broadcast %scan3A_337 : i32 to vector<16xi32>
        %and3A_402 = arith.andi %bitcast3A_396, %and3A_401 : vector<16xi32>
        %bitcast3A_403 = vector.bitcast %and3A_402 : vector<16xi32> to vector<16xf32>
        %add3A_404 = arith.constant 64 : i32
        %add3A_405 = arith.addi %add3A_404, %add3A_375 : i32
        %swap3A_406 = arith.index_cast %add3A_405 : i32 to index
        %swap3A_407 = arith.constant 32 : index
        %swap3A_408 = tpu.vector_load %arg13[%swap3A_406, %swap3A_407] {strides = array<i32>} : memref<128x128xf32, #tpu.memory_space<vmem>>, vector<16xf32>,
        tpu.vector_store %arg13[%swap3A_406, %swap3A_407], %bitcast3A_400 {strides = array<i32>} : memref<128x128xf32, #tpu.memory_space<vmem>>, vector<16xf32>,
        %add3A_409 = arith.constant 64 : i32
        %add3A_410 = arith.addi %add3A_409, %add3A_375 : i32
        %swap3A_411 = arith.index_cast %add3A_410 : i32 to index
        %swap3A_412 = arith.constant 48 : index
        %swap3A_413 = tpu.vector_load %arg13[%swap3A_411, %swap3A_412] {strides = array<i32>} : memref<128x128xf32, #tpu.memory_space<vmem>>, vector<16xf32>,
        tpu.vector_store %arg13[%swap3A_411, %swap3A_412], %bitcast3A_403 {strides = array<i32>} : memref<128x128xf32, #tpu.memory_space<vmem>>, vector<16xf32>,
        %get3A_414 = arith.index_cast %add3A_375 : i32 to index
        %get3A_415 = arith.constant 64 : index
        %get3A_416 = tpu.vector_load %arg11[%get3A_414, %get3A_415] {strides = array<i32>} : memref<64x128xbf16, #tpu.memory_space<vmem>>, vector<32xbf16>,
        %bitcast3A_417 = vector.bitcast %get3A_416 : vector<32xbf16> to vector<16xi32>
        %shift_left3A_418 = arith.constant 16 : i32
        %shift_left3A_419 = vector.broadcast %shift_left3A_418 : i32 to vector<16xi32>
        %shift_left3A_420 = arith.shli %bitcast3A_417, %shift_left3A_419 : vector<16xi32>
        %bitcast3A_421 = vector.bitcast %shift_left3A_420 : vector<16xi32> to vector<16xf32>
        %and3A_422 = vector.broadcast %scan3A_337 : i32 to vector<16xi32>
        %and3A_423 = arith.andi %bitcast3A_417, %and3A_422 : vector<16xi32>
        %bitcast3A_424 = vector.bitcast %and3A_423 : vector<16xi32> to vector<16xf32>
        %add3A_425 = arith.constant 64 : i32
        %add3A_426 = arith.addi %add3A_425, %add3A_375 : i32
        %swap3A_427 = arith.index_cast %add3A_426 : i32 to index
        %swap3A_428 = arith.constant 64 : index
        %swap3A_429 = tpu.vector_load %arg13[%swap3A_427, %swap3A_428] {strides = array<i32>} : memref<128x128xf32, #tpu.memory_space<vmem>>, vector<16xf32>,
        tpu.vector_store %arg13[%swap3A_427, %swap3A_428], %bitcast3A_421 {strides = array<i32>} : memref<128x128xf32, #tpu.memory_space<vmem>>, vector<16xf32>,
        %add3A_430 = arith.constant 64 : i32
        %add3A_431 = arith.addi %add3A_430, %add3A_375 : i32
        %swap3A_432 = arith.index_cast %add3A_431 : i32 to index
        %swap3A_433 = arith.constant 80 : index
        %swap3A_434 = tpu.vector_load %arg13[%swap3A_432, %swap3A_433] {strides = array<i32>} : memref<128x128xf32, #tpu.memory_space<vmem>>, vector<16xf32>,
        tpu.vector_store %arg13[%swap3A_432, %swap3A_433], %bitcast3A_424 {strides = array<i32>} : memref<128x128xf32, #tpu.memory_space<vmem>>, vector<16xf32>,
        %get3A_435 = arith.index_cast %add3A_375 : i32 to index
        %get3A_436 = arith.constant 96 : index
        %get3A_437 = tpu.vector_load %arg11[%get3A_435, %get3A_436] {strides = array<i32>} : memref<64x128xbf16, #tpu.memory_space<vmem>>, vector<32xbf16>,
        %bitcast3A_438 = vector.bitcast %get3A_437 : vector<32xbf16> to vector<16xi32>
        %shift_left3A_439 = arith.constant 16 : i32
        %shift_left3A_440 = vector.broadcast %shift_left3A_439 : i32 to vector<16xi32>
        %shift_left3A_441 = arith.shli %bitcast3A_438, %shift_left3A_440 : vector<16xi32>
        %bitcast3A_442 = vector.bitcast %shift_left3A_441 : vector<16xi32> to vector<16xf32>
        %and3A_443 = vector.broadcast %scan3A_337 : i32 to vector<16xi32>
        %and3A_444 = arith.andi %bitcast3A_438, %and3A_443 : vector<16xi32>
        %bitcast3A_445 = vector.bitcast %and3A_444 : vector<16xi32> to vector<16xf32>
        %add3A_446 = arith.constant 64 : i32
        %add3A_447 = arith.addi %add3A_446, %add3A_375 : i32
        %swap3A_448 = arith.index_cast %add3A_447 : i32 to index
        %swap3A_449 = arith.constant 96 : index
        %swap3A_450 = tpu.vector_load %arg13[%swap3A_448, %swap3A_449] {strides = array<i32>} : memref<128x128xf32, #tpu.memory_space<vmem>>, vector<16xf32>,
        tpu.vector_store %arg13[%swap3A_448, %swap3A_449], %bitcast3A_442 {strides = array<i32>} : memref<128x128xf32, #tpu.memory_space<vmem>>, vector<16xf32>,
        %add3A_451 = arith.constant 64 : i32
        %add3A_452 = arith.addi %add3A_451, %add3A_375 : i32
        %swap3A_453 = arith.index_cast %add3A_452 : i32 to index
        %swap3A_454 = arith.constant 112 : index
        %swap3A_455 = tpu.vector_load %arg13[%swap3A_453, %swap3A_454] {strides = array<i32>} : memref<128x128xf32, #tpu.memory_space<vmem>>, vector<16xf32>,
        tpu.vector_store %arg13[%swap3A_453, %swap3A_454], %bitcast3A_445 {strides = array<i32>} : memref<128x128xf32, #tpu.memory_space<vmem>>, vector<16xf32>,
      }
      %scan3A_342 = arith.constant 64 : i32
      %run_scoped3A_343 = arith.constant 6 : i32
      "tpu.region"() ({
        %run_scoped3A_371 = tpu.sem_alloc : memref<!tpu.dma_semaphore, #tpu.memory_space<semaphore_mem>>
        %dma_start3A_372 = arith.constant 0 : i32
        %dma_start3A_373 = tpu.memref_slice %arg9[%run_scoped3A_343, %dma_start3A_372] : memref<8x128xi32, #tpu.memory_space<vmem>> -> memref<1x128xi32, #tpu.memory_space<vmem>>
        %dma_start3A_374 = tpu.memref_squeeze %dma_start3A_373 : memref<1x128xi32, #tpu.memory_space<vmem>> -> memref<128xi32, #tpu.memory_space<vmem>>
        %dma_start3A_375 = arith.constant 0 : i32
        %dma_start3A_376 = arith.constant 0 : i32
        %dma_start3A_377 = tpu.memref_slice %arg15[%dma_start3A_375, %dma_start3A_376] : memref<10240x128xf32, #tpu.memory_space<vmem_shared>> -> memref<10240x128xf32, #tpu.memory_space<vmem_shared>>
        tpu.enqueue_indirect_dma source(%arg13 : memref<128x128xf32, #tpu.memory_space<vmem>>) target(%dma_start3A_377 : memref<10240x128xf32, #tpu.memory_space<vmem_shared>>) offsets(%dma_start3A_374 : memref<128xi32, #tpu.memory_space<vmem>>) semaphore(%run_scoped3A_371 : memref<!tpu.dma_semaphore, #tpu.memory_space<semaphore_mem>>) {add = true}
        %dma_wait3A_378 = arith.constant 0 : i32
        %dma_wait3A_379 = tpu.memref_slice %arg9[%run_scoped3A_343, %dma_wait3A_378] : memref<8x128xi32, #tpu.memory_space<vmem>> -> memref<1x128xi32, #tpu.memory_space<vmem>>
        %dma_wait3A_380 = tpu.memref_squeeze %dma_wait3A_379 : memref<1x128xi32, #tpu.memory_space<vmem>> -> memref<128xi32, #tpu.memory_space<vmem>>
        %dma_wait3A_381 = arith.constant 0 : i32
        %dma_wait3A_382 = arith.constant 0 : i32
        %dma_wait3A_383 = tpu.memref_slice %arg15[%dma_wait3A_381, %dma_wait3A_382] : memref<10240x128xf32, #tpu.memory_space<vmem_shared>> -> memref<10240x128xf32, #tpu.memory_space<vmem_shared>>
        tpu.wait_indirect_dma semaphore(%run_scoped3A_371 : memref<!tpu.dma_semaphore, #tpu.memory_space<semaphore_mem>>) src(%arg13 : memref<128x128xf32, #tpu.memory_space<vmem>>) dst(%dma_wait3A_383 : memref<10240x128xf32, #tpu.memory_space<vmem_shared>>)
        tpu.yield
      }) : () -> ()
      %dma_wait3A_344 = arith.constant 14 : i32
      %dma_wait3A_345 = arith.constant 0 : i32
      %dma_wait3A_346 = tpu.memref_slice %arg8[%dma_wait3A_344, %dma_wait3A_345] : memref<16x64xi32, #tpu.memory_space<vmem>> -> memref<1x64xi32, #tpu.memory_space<vmem>>
      %dma_wait3A_347 = tpu.memref_squeeze %dma_wait3A_346 : memref<1x64xi32, #tpu.memory_space<vmem>> -> memref<64xi32, #tpu.memory_space<vmem>>
      %dma_wait3A_348 = arith.constant 0 : i32
      %dma_wait3A_349 = arith.constant 0 : i32
      %dma_wait3A_350 = tpu.memref_slice %arg2[%dma_wait3A_348, %dma_wait3A_349] : memref<10000x128xbf16, #tpu.memory_space<hbm>> -> memref<10000x128xbf16, #tpu.memory_space<hbm>>
      tpu.wait_indirect_dma semaphore(%arg16 : memref<!tpu.dma_semaphore, #tpu.memory_space<semaphore_mem>>) src(%dma_wait3A_350 : memref<10000x128xbf16, #tpu.memory_space<hbm>>) dst(%arg12 : memref<64x128xbf16, #tpu.memory_space<vmem>>)
      %scan3A_351 = arith.constant -65536 : i32
      %scan3A_352 = arith.constant 0 : i32
      %scan3A_353 = arith.constant 64 : i32
      %scan3A_354 = arith.addi %scan3A_352, %scan3A_353 : i32
      %scan3A_355 = arith.constant 1 : i32
      scf.for %scan3A_371 = %scan3A_352 to %scan3A_354 step %scan3A_355  : i32 {
        %mul3A_372 = arith.constant 1 : i32
        %mul3A_373 = arith.muli %scan3A_371, %mul3A_372 : i32
        %add3A_374 = arith.constant 0 : i32
        %add3A_375 = arith.addi %add3A_374, %mul3A_373 : i32
        %get3A = arith.index_cast %add3A_375 : i32 to index
        %get3A_376 = arith.constant 0 : index
        %get3A_377 = tpu.vector_load %arg12[%get3A, %get3A_376] {strides = array<i32>} : memref<64x128xbf16, #tpu.memory_space<vmem>>, vector<32xbf16>,
        %bitcast3A = vector.bitcast %get3A_377 : vector<32xbf16> to vector<16xi32>
        %shift_left3A = arith.constant 16 : i32
        %shift_left3A_378 = vector.broadcast %shift_left3A : i32 to vector<16xi32>
        %shift_left3A_379 = arith.shli %bitcast3A, %shift_left3A_378 : vector<16xi32>
        %bitcast3A_380 = vector.bitcast %shift_left3A_379 : vector<16xi32> to vector<16xf32>
        %and3A_381 = vector.broadcast %scan3A_351 : i32 to vector<16xi32>
        %and3A_382 = arith.andi %bitcast3A, %and3A_381 : vector<16xi32>
        %bitcast3A_383 = vector.bitcast %and3A_382 : vector<16xi32> to vector<16xf32>
        %add3A_384 = arith.constant 0 : i32
        %add3A_385 = arith.addi %add3A_384, %add3A_375 : i32
        %swap3A = arith.index_cast %add3A_385 : i32 to index
        %swap3A_386 = arith.constant 0 : index
        %swap3A_387 = tpu.vector_load %arg13[%swap3A, %swap3A_386] {strides = array<i32>} : memref<128x128xf32, #tpu.memory_space<vmem>>, vector<16xf32>,
        tpu.vector_store %arg13[%swap3A, %swap3A_386], %bitcast3A_380 {strides = array<i32>} : memref<128x128xf32, #tpu.memory_space<vmem>>, vector<16xf32>,
        %add3A_388 = arith.constant 0 : i32
        %add3A_389 = arith.addi %add3A_388, %add3A_375 : i32
        %swap3A_390 = arith.index_cast %add3A_389 : i32 to index
        %swap3A_391 = arith.constant 16 : index
        %swap3A_392 = tpu.vector_load %arg13[%swap3A_390, %swap3A_391] {strides = array<i32>} : memref<128x128xf32, #tpu.memory_space<vmem>>, vector<16xf32>,
        tpu.vector_store %arg13[%swap3A_390, %swap3A_391], %bitcast3A_383 {strides = array<i32>} : memref<128x128xf32, #tpu.memory_space<vmem>>, vector<16xf32>,
        %get3A_393 = arith.index_cast %add3A_375 : i32 to index
        %get3A_394 = arith.constant 32 : index
        %get3A_395 = tpu.vector_load %arg12[%get3A_393, %get3A_394] {strides = array<i32>} : memref<64x128xbf16, #tpu.memory_space<vmem>>, vector<32xbf16>,
        %bitcast3A_396 = vector.bitcast %get3A_395 : vector<32xbf16> to vector<16xi32>
        %shift_left3A_397 = arith.constant 16 : i32
        %shift_left3A_398 = vector.broadcast %shift_left3A_397 : i32 to vector<16xi32>
        %shift_left3A_399 = arith.shli %bitcast3A_396, %shift_left3A_398 : vector<16xi32>
        %bitcast3A_400 = vector.bitcast %shift_left3A_399 : vector<16xi32> to vector<16xf32>
        %and3A_401 = vector.broadcast %scan3A_351 : i32 to vector<16xi32>
        %and3A_402 = arith.andi %bitcast3A_396, %and3A_401 : vector<16xi32>
        %bitcast3A_403 = vector.bitcast %and3A_402 : vector<16xi32> to vector<16xf32>
        %add3A_404 = arith.constant 0 : i32
        %add3A_405 = arith.addi %add3A_404, %add3A_375 : i32
        %swap3A_406 = arith.index_cast %add3A_405 : i32 to index
        %swap3A_407 = arith.constant 32 : index
        %swap3A_408 = tpu.vector_load %arg13[%swap3A_406, %swap3A_407] {strides = array<i32>} : memref<128x128xf32, #tpu.memory_space<vmem>>, vector<16xf32>,
        tpu.vector_store %arg13[%swap3A_406, %swap3A_407], %bitcast3A_400 {strides = array<i32>} : memref<128x128xf32, #tpu.memory_space<vmem>>, vector<16xf32>,
        %add3A_409 = arith.constant 0 : i32
        %add3A_410 = arith.addi %add3A_409, %add3A_375 : i32
        %swap3A_411 = arith.index_cast %add3A_410 : i32 to index
        %swap3A_412 = arith.constant 48 : index
        %swap3A_413 = tpu.vector_load %arg13[%swap3A_411, %swap3A_412] {strides = array<i32>} : memref<128x128xf32, #tpu.memory_space<vmem>>, vector<16xf32>,
        tpu.vector_store %arg13[%swap3A_411, %swap3A_412], %bitcast3A_403 {strides = array<i32>} : memref<128x128xf32, #tpu.memory_space<vmem>>, vector<16xf32>,
        %get3A_414 = arith.index_cast %add3A_375 : i32 to index
        %get3A_415 = arith.constant 64 : index
        %get3A_416 = tpu.vector_load %arg12[%get3A_414, %get3A_415] {strides = array<i32>} : memref<64x128xbf16, #tpu.memory_space<vmem>>, vector<32xbf16>,
        %bitcast3A_417 = vector.bitcast %get3A_416 : vector<32xbf16> to vector<16xi32>
        %shift_left3A_418 = arith.constant 16 : i32
        %shift_left3A_419 = vector.broadcast %shift_left3A_418 : i32 to vector<16xi32>
        %shift_left3A_420 = arith.shli %bitcast3A_417, %shift_left3A_419 : vector<16xi32>
        %bitcast3A_421 = vector.bitcast %shift_left3A_420 : vector<16xi32> to vector<16xf32>
        %and3A_422 = vector.broadcast %scan3A_351 : i32 to vector<16xi32>
        %and3A_423 = arith.andi %bitcast3A_417, %and3A_422 : vector<16xi32>
        %bitcast3A_424 = vector.bitcast %and3A_423 : vector<16xi32> to vector<16xf32>
        %add3A_425 = arith.constant 0 : i32
        %add3A_426 = arith.addi %add3A_425, %add3A_375 : i32
        %swap3A_427 = arith.index_cast %add3A_426 : i32 to index
        %swap3A_428 = arith.constant 64 : index
        %swap3A_429 = tpu.vector_load %arg13[%swap3A_427, %swap3A_428] {strides = array<i32>} : memref<128x128xf32, #tpu.memory_space<vmem>>, vector<16xf32>,
        tpu.vector_store %arg13[%swap3A_427, %swap3A_428], %bitcast3A_421 {strides = array<i32>} : memref<128x128xf32, #tpu.memory_space<vmem>>, vector<16xf32>,
        %add3A_430 = arith.constant 0 : i32
        %add3A_431 = arith.addi %add3A_430, %add3A_375 : i32
        %swap3A_432 = arith.index_cast %add3A_431 : i32 to index
        %swap3A_433 = arith.constant 80 : index
        %swap3A_434 = tpu.vector_load %arg13[%swap3A_432, %swap3A_433] {strides = array<i32>} : memref<128x128xf32, #tpu.memory_space<vmem>>, vector<16xf32>,
        tpu.vector_store %arg13[%swap3A_432, %swap3A_433], %bitcast3A_424 {strides = array<i32>} : memref<128x128xf32, #tpu.memory_space<vmem>>, vector<16xf32>,
        %get3A_435 = arith.index_cast %add3A_375 : i32 to index
        %get3A_436 = arith.constant 96 : index
        %get3A_437 = tpu.vector_load %arg12[%get3A_435, %get3A_436] {strides = array<i32>} : memref<64x128xbf16, #tpu.memory_space<vmem>>, vector<32xbf16>,
        %bitcast3A_438 = vector.bitcast %get3A_437 : vector<32xbf16> to vector<16xi32>
        %shift_left3A_439 = arith.constant 16 : i32
        %shift_left3A_440 = vector.broadcast %shift_left3A_439 : i32 to vector<16xi32>
        %shift_left3A_441 = arith.shli %bitcast3A_438, %shift_left3A_440 : vector<16xi32>
        %bitcast3A_442 = vector.bitcast %shift_left3A_441 : vector<16xi32> to vector<16xf32>
        %and3A_443 = vector.broadcast %scan3A_351 : i32 to vector<16xi32>
        %and3A_444 = arith.andi %bitcast3A_438, %and3A_443 : vector<16xi32>
        %bitcast3A_445 = vector.bitcast %and3A_444 : vector<16xi32> to vector<16xf32>
        %add3A_446 = arith.constant 0 : i32
        %add3A_447 = arith.addi %add3A_446, %add3A_375 : i32
        %swap3A_448 = arith.index_cast %add3A_447 : i32 to index
        %swap3A_449 = arith.constant 96 : index
        %swap3A_450 = tpu.vector_load %arg13[%swap3A_448, %swap3A_449] {strides = array<i32>} : memref<128x128xf32, #tpu.memory_space<vmem>>, vector<16xf32>,
        tpu.vector_store %arg13[%swap3A_448, %swap3A_449], %bitcast3A_442 {strides = array<i32>} : memref<128x128xf32, #tpu.memory_space<vmem>>, vector<16xf32>,
        %add3A_451 = arith.constant 0 : i32
        %add3A_452 = arith.addi %add3A_451, %add3A_375 : i32
        %swap3A_453 = arith.index_cast %add3A_452 : i32 to index
        %swap3A_454 = arith.constant 112 : index
        %swap3A_455 = tpu.vector_load %arg13[%swap3A_453, %swap3A_454] {strides = array<i32>} : memref<128x128xf32, #tpu.memory_space<vmem>>, vector<16xf32>,
        tpu.vector_store %arg13[%swap3A_453, %swap3A_454], %bitcast3A_445 {strides = array<i32>} : memref<128x128xf32, #tpu.memory_space<vmem>>, vector<16xf32>,
      }
      %scan3A_356 = arith.constant 64 : i32
      %dma_wait3A_357 = arith.constant 15 : i32
      %dma_wait3A_358 = arith.constant 0 : i32
      %dma_wait3A_359 = tpu.memref_slice %arg8[%dma_wait3A_357, %dma_wait3A_358] : memref<16x64xi32, #tpu.memory_space<vmem>> -> memref<1x64xi32, #tpu.memory_space<vmem>>
      %dma_wait3A_360 = tpu.memref_squeeze %dma_wait3A_359 : memref<1x64xi32, #tpu.memory_space<vmem>> -> memref<64xi32, #tpu.memory_space<vmem>>
      %dma_wait3A_361 = arith.constant 0 : i32
      %dma_wait3A_362 = arith.constant 0 : i32
      %dma_wait3A_363 = tpu.memref_slice %arg2[%dma_wait3A_361, %dma_wait3A_362] : memref<10000x128xbf16, #tpu.memory_space<hbm>> -> memref<10000x128xbf16, #tpu.memory_space<hbm>>
      tpu.wait_indirect_dma semaphore(%arg16 : memref<!tpu.dma_semaphore, #tpu.memory_space<semaphore_mem>>) src(%dma_wait3A_363 : memref<10000x128xbf16, #tpu.memory_space<hbm>>) dst(%arg10 : memref<64x128xbf16, #tpu.memory_space<vmem>>)
      %scan3A_364 = arith.constant -65536 : i32
      %scan3A_365 = arith.constant 0 : i32
      %scan3A_366 = arith.constant 64 : i32
      %scan3A_367 = arith.addi %scan3A_365, %scan3A_366 : i32
      %scan3A_368 = arith.constant 1 : i32
      scf.for %scan3A_371 = %scan3A_365 to %scan3A_367 step %scan3A_368  : i32 {
        %mul3A_372 = arith.constant 1 : i32
        %mul3A_373 = arith.muli %scan3A_371, %mul3A_372 : i32
        %add3A_374 = arith.constant 0 : i32
        %add3A_375 = arith.addi %add3A_374, %mul3A_373 : i32
        %get3A = arith.index_cast %add3A_375 : i32 to index
        %get3A_376 = arith.constant 0 : index
        %get3A_377 = tpu.vector_load %arg10[%get3A, %get3A_376] {strides = array<i32>} : memref<64x128xbf16, #tpu.memory_space<vmem>>, vector<32xbf16>,
        %bitcast3A = vector.bitcast %get3A_377 : vector<32xbf16> to vector<16xi32>
        %shift_left3A = arith.constant 16 : i32
        %shift_left3A_378 = vector.broadcast %shift_left3A : i32 to vector<16xi32>
        %shift_left3A_379 = arith.shli %bitcast3A, %shift_left3A_378 : vector<16xi32>
        %bitcast3A_380 = vector.bitcast %shift_left3A_379 : vector<16xi32> to vector<16xf32>
        %and3A_381 = vector.broadcast %scan3A_364 : i32 to vector<16xi32>
        %and3A_382 = arith.andi %bitcast3A, %and3A_381 : vector<16xi32>
        %bitcast3A_383 = vector.bitcast %and3A_382 : vector<16xi32> to vector<16xf32>
        %add3A_384 = arith.constant 64 : i32
        %add3A_385 = arith.addi %add3A_384, %add3A_375 : i32
        %swap3A = arith.index_cast %add3A_385 : i32 to index
        %swap3A_386 = arith.constant 0 : index
        %swap3A_387 = tpu.vector_load %arg13[%swap3A, %swap3A_386] {strides = array<i32>} : memref<128x128xf32, #tpu.memory_space<vmem>>, vector<16xf32>,
        tpu.vector_store %arg13[%swap3A, %swap3A_386], %bitcast3A_380 {strides = array<i32>} : memref<128x128xf32, #tpu.memory_space<vmem>>, vector<16xf32>,
        %add3A_388 = arith.constant 64 : i32
        %add3A_389 = arith.addi %add3A_388, %add3A_375 : i32
        %swap3A_390 = arith.index_cast %add3A_389 : i32 to index
        %swap3A_391 = arith.constant 16 : index
        %swap3A_392 = tpu.vector_load %arg13[%swap3A_390, %swap3A_391] {strides = array<i32>} : memref<128x128xf32, #tpu.memory_space<vmem>>, vector<16xf32>,
        tpu.vector_store %arg13[%swap3A_390, %swap3A_391], %bitcast3A_383 {strides = array<i32>} : memref<128x128xf32, #tpu.memory_space<vmem>>, vector<16xf32>,
        %get3A_393 = arith.index_cast %add3A_375 : i32 to index
        %get3A_394 = arith.constant 32 : index
        %get3A_395 = tpu.vector_load %arg10[%get3A_393, %get3A_394] {strides = array<i32>} : memref<64x128xbf16, #tpu.memory_space<vmem>>, vector<32xbf16>,
        %bitcast3A_396 = vector.bitcast %get3A_395 : vector<32xbf16> to vector<16xi32>
        %shift_left3A_397 = arith.constant 16 : i32
        %shift_left3A_398 = vector.broadcast %shift_left3A_397 : i32 to vector<16xi32>
        %shift_left3A_399 = arith.shli %bitcast3A_396, %shift_left3A_398 : vector<16xi32>
        %bitcast3A_400 = vector.bitcast %shift_left3A_399 : vector<16xi32> to vector<16xf32>
        %and3A_401 = vector.broadcast %scan3A_364 : i32 to vector<16xi32>
        %and3A_402 = arith.andi %bitcast3A_396, %and3A_401 : vector<16xi32>
        %bitcast3A_403 = vector.bitcast %and3A_402 : vector<16xi32> to vector<16xf32>
        %add3A_404 = arith.constant 64 : i32
        %add3A_405 = arith.addi %add3A_404, %add3A_375 : i32
        %swap3A_406 = arith.index_cast %add3A_405 : i32 to index
        %swap3A_407 = arith.constant 32 : index
        %swap3A_408 = tpu.vector_load %arg13[%swap3A_406, %swap3A_407] {strides = array<i32>} : memref<128x128xf32, #tpu.memory_space<vmem>>, vector<16xf32>,
        tpu.vector_store %arg13[%swap3A_406, %swap3A_407], %bitcast3A_400 {strides = array<i32>} : memref<128x128xf32, #tpu.memory_space<vmem>>, vector<16xf32>,
        %add3A_409 = arith.constant 64 : i32
        %add3A_410 = arith.addi %add3A_409, %add3A_375 : i32
        %swap3A_411 = arith.index_cast %add3A_410 : i32 to index
        %swap3A_412 = arith.constant 48 : index
        %swap3A_413 = tpu.vector_load %arg13[%swap3A_411, %swap3A_412] {strides = array<i32>} : memref<128x128xf32, #tpu.memory_space<vmem>>, vector<16xf32>,
        tpu.vector_store %arg13[%swap3A_411, %swap3A_412], %bitcast3A_403 {strides = array<i32>} : memref<128x128xf32, #tpu.memory_space<vmem>>, vector<16xf32>,
        %get3A_414 = arith.index_cast %add3A_375 : i32 to index
        %get3A_415 = arith.constant 64 : index
        %get3A_416 = tpu.vector_load %arg10[%get3A_414, %get3A_415] {strides = array<i32>} : memref<64x128xbf16, #tpu.memory_space<vmem>>, vector<32xbf16>,
        %bitcast3A_417 = vector.bitcast %get3A_416 : vector<32xbf16> to vector<16xi32>
        %shift_left3A_418 = arith.constant 16 : i32
        %shift_left3A_419 = vector.broadcast %shift_left3A_418 : i32 to vector<16xi32>
        %shift_left3A_420 = arith.shli %bitcast3A_417, %shift_left3A_419 : vector<16xi32>
        %bitcast3A_421 = vector.bitcast %shift_left3A_420 : vector<16xi32> to vector<16xf32>
        %and3A_422 = vector.broadcast %scan3A_364 : i32 to vector<16xi32>
        %and3A_423 = arith.andi %bitcast3A_417, %and3A_422 : vector<16xi32>
        %bitcast3A_424 = vector.bitcast %and3A_423 : vector<16xi32> to vector<16xf32>
        %add3A_425 = arith.constant 64 : i32
        %add3A_426 = arith.addi %add3A_425, %add3A_375 : i32
        %swap3A_427 = arith.index_cast %add3A_426 : i32 to index
        %swap3A_428 = arith.constant 64 : index
        %swap3A_429 = tpu.vector_load %arg13[%swap3A_427, %swap3A_428] {strides = array<i32>} : memref<128x128xf32, #tpu.memory_space<vmem>>, vector<16xf32>,
        tpu.vector_store %arg13[%swap3A_427, %swap3A_428], %bitcast3A_421 {strides = array<i32>} : memref<128x128xf32, #tpu.memory_space<vmem>>, vector<16xf32>,
        %add3A_430 = arith.constant 64 : i32
        %add3A_431 = arith.addi %add3A_430, %add3A_375 : i32
        %swap3A_432 = arith.index_cast %add3A_431 : i32 to index
        %swap3A_433 = arith.constant 80 : index
        %swap3A_434 = tpu.vector_load %arg13[%swap3A_432, %swap3A_433] {strides = array<i32>} : memref<128x128xf32, #tpu.memory_space<vmem>>, vector<16xf32>,
        tpu.vector_store %arg13[%swap3A_432, %swap3A_433], %bitcast3A_424 {strides = array<i32>} : memref<128x128xf32, #tpu.memory_space<vmem>>, vector<16xf32>,
        %get3A_435 = arith.index_cast %add3A_375 : i32 to index
        %get3A_436 = arith.constant 96 : index
        %get3A_437 = tpu.vector_load %arg10[%get3A_435, %get3A_436] {strides = array<i32>} : memref<64x128xbf16, #tpu.memory_space<vmem>>, vector<32xbf16>,
        %bitcast3A_438 = vector.bitcast %get3A_437 : vector<32xbf16> to vector<16xi32>
        %shift_left3A_439 = arith.constant 16 : i32
        %shift_left3A_440 = vector.broadcast %shift_left3A_439 : i32 to vector<16xi32>
        %shift_left3A_441 = arith.shli %bitcast3A_438, %shift_left3A_440 : vector<16xi32>
        %bitcast3A_442 = vector.bitcast %shift_left3A_441 : vector<16xi32> to vector<16xf32>
        %and3A_443 = vector.broadcast %scan3A_364 : i32 to vector<16xi32>
        %and3A_444 = arith.andi %bitcast3A_438, %and3A_443 : vector<16xi32>
        %bitcast3A_445 = vector.bitcast %and3A_444 : vector<16xi32> to vector<16xf32>
        %add3A_446 = arith.constant 64 : i32
        %add3A_447 = arith.addi %add3A_446, %add3A_375 : i32
        %swap3A_448 = arith.index_cast %add3A_447 : i32 to index
        %swap3A_449 = arith.constant 96 : index
        %swap3A_450 = tpu.vector_load %arg13[%swap3A_448, %swap3A_449] {strides = array<i32>} : memref<128x128xf32, #tpu.memory_space<vmem>>, vector<16xf32>,
        tpu.vector_store %arg13[%swap3A_448, %swap3A_449], %bitcast3A_442 {strides = array<i32>} : memref<128x128xf32, #tpu.memory_space<vmem>>, vector<16xf32>,
        %add3A_451 = arith.constant 64 : i32
        %add3A_452 = arith.addi %add3A_451, %add3A_375 : i32
        %swap3A_453 = arith.index_cast %add3A_452 : i32 to index
        %swap3A_454 = arith.constant 112 : index
        %swap3A_455 = tpu.vector_load %arg13[%swap3A_453, %swap3A_454] {strides = array<i32>} : memref<128x128xf32, #tpu.memory_space<vmem>>, vector<16xf32>,
        tpu.vector_store %arg13[%swap3A_453, %swap3A_454], %bitcast3A_445 {strides = array<i32>} : memref<128x128xf32, #tpu.memory_space<vmem>>, vector<16xf32>,
      }
      %scan3A_369 = arith.constant 64 : i32
      %run_scoped3A_370 = arith.constant 7 : i32
      "tpu.region"() ({
        %run_scoped3A_371 = tpu.sem_alloc : memref<!tpu.dma_semaphore, #tpu.memory_space<semaphore_mem>>
        %dma_start3A_372 = arith.constant 0 : i32
        %dma_start3A_373 = tpu.memref_slice %arg9[%run_scoped3A_370, %dma_start3A_372] : memref<8x128xi32, #tpu.memory_space<vmem>> -> memref<1x128xi32, #tpu.memory_space<vmem>>
        %dma_start3A_374 = tpu.memref_squeeze %dma_start3A_373 : memref<1x128xi32, #tpu.memory_space<vmem>> -> memref<128xi32, #tpu.memory_space<vmem>>
        %dma_start3A_375 = arith.constant 0 : i32
        %dma_start3A_376 = arith.constant 0 : i32
        %dma_start3A_377 = tpu.memref_slice %arg15[%dma_start3A_375, %dma_start3A_376] : memref<10240x128xf32, #tpu.memory_space<vmem_shared>> -> memref<10240x128xf32, #tpu.memory_space<vmem_shared>>
        tpu.enqueue_indirect_dma source(%arg13 : memref<128x128xf32, #tpu.memory_space<vmem>>) target(%dma_start3A_377 : memref<10240x128xf32, #tpu.memory_space<vmem_shared>>) offsets(%dma_start3A_374 : memref<128xi32, #tpu.memory_space<vmem>>) semaphore(%run_scoped3A_371 : memref<!tpu.dma_semaphore, #tpu.memory_space<semaphore_mem>>) {add = true}
        %dma_wait3A_378 = arith.constant 0 : i32
        %dma_wait3A_379 = tpu.memref_slice %arg9[%run_scoped3A_370, %dma_wait3A_378] : memref<8x128xi32, #tpu.memory_space<vmem>> -> memref<1x128xi32, #tpu.memory_space<vmem>>
        %dma_wait3A_380 = tpu.memref_squeeze %dma_wait3A_379 : memref<1x128xi32, #tpu.memory_space<vmem>> -> memref<128xi32, #tpu.memory_space<vmem>>
        %dma_wait3A_381 = arith.constant 0 : i32
        %dma_wait3A_382 = arith.constant 0 : i32
        %dma_wait3A_383 = tpu.memref_slice %arg15[%dma_wait3A_381, %dma_wait3A_382] : memref<10240x128xf32, #tpu.memory_space<vmem_shared>> -> memref<10240x128xf32, #tpu.memory_space<vmem_shared>>
        tpu.wait_indirect_dma semaphore(%run_scoped3A_371 : memref<!tpu.dma_semaphore, #tpu.memory_space<semaphore_mem>>) src(%arg13 : memref<128x128xf32, #tpu.memory_space<vmem>>) dst(%dma_wait3A_383 : memref<10240x128xf32, #tpu.memory_space<vmem_shared>>)
        tpu.yield
      }) : () -> ()
    }
    %scan3A_14 = arith.constant 10 : i32
    %barrier3A_15 = arith.constant 0 : index
    tpu.barrier barrier_id(%barrier3A_15)
    "tpu.region"() ({
      %run_scoped3A = tpu.sem_alloc : memref<!tpu.dma_semaphore, #tpu.memory_space<semaphore_mem>>
      %dma_start3A = arith.constant 0 : i32
      %dma_start3A_16 = tpu.memref_slice %arg6[%arg0, %mul3A_2, %dma_start3A] : memref<2x10240x128xf32, #tpu.memory_space<hbm>> -> memref<1x640x128xf32, #tpu.memory_space<hbm>>
      %dma_start3A_17 = tpu.memref_squeeze %dma_start3A_16 : memref<1x640x128xf32, #tpu.memory_space<hbm>> -> memref<640x128xf32, #tpu.memory_space<hbm>>
      %dma_start3A_18 = arith.constant 0 : i32
      %dma_start3A_19 = tpu.memref_slice %arg15[%mul3A_2, %dma_start3A_18] : memref<10240x128xf32, #tpu.memory_space<vmem_shared>> -> memref<640x128xf32, #tpu.memory_space<vmem_shared>>
      tpu.enqueue_dma source(%dma_start3A_19 : memref<640x128xf32, #tpu.memory_space<vmem_shared>>) target(%dma_start3A_17 : memref<640x128xf32, #tpu.memory_space<hbm>>) target_semaphore(%run_scoped3A : memref<!tpu.dma_semaphore, #tpu.memory_space<semaphore_mem>>)
      %dma_wait3A = arith.constant 0 : i32
      %dma_wait3A_20 = tpu.memref_slice %arg6[%arg0, %mul3A_2, %dma_wait3A] : memref<2x10240x128xf32, #tpu.memory_space<hbm>> -> memref<1x640x128xf32, #tpu.memory_space<hbm>>
      %dma_wait3A_21 = tpu.memref_squeeze %dma_wait3A_20 : memref<1x640x128xf32, #tpu.memory_space<hbm>> -> memref<640x128xf32, #tpu.memory_space<hbm>>
      %dma_wait3A_22 = arith.constant 0 : i32
      %dma_wait3A_23 = tpu.memref_slice %arg15[%mul3A_2, %dma_wait3A_22] : memref<10240x128xf32, #tpu.memory_space<vmem_shared>> -> memref<640x128xf32, #tpu.memory_space<vmem_shared>>
      tpu.wait_dma2 semaphore(%run_scoped3A : memref<!tpu.dma_semaphore, #tpu.memory_space<semaphore_mem>>) src(%dma_wait3A_23 : memref<640x128xf32, #tpu.memory_space<vmem_shared>>) dst(%dma_wait3A_21 : memref<640x128xf32, #tpu.memory_space<hbm>>)
      tpu.yield
    }) : () -> ()
    "tpu.region"() ({
      %run_scoped3A = tpu.sem_alloc : memref<!tpu.dma_semaphore, #tpu.memory_space<semaphore_mem>>
      %dma_start3A = arith.constant 0 : i32
      %dma_start3A_16 = tpu.memref_slice %arg7[%add3A, %dma_start3A] : memref<32x10240xf32, #tpu.memory_space<hbm>> -> memref<1x10240xf32, #tpu.memory_space<hbm>>
      %dma_start3A_17 = tpu.memref_squeeze %dma_start3A_16 : memref<1x10240xf32, #tpu.memory_space<hbm>> -> memref<10240xf32, #tpu.memory_space<hbm>>
      %dma_start3A_18 = arith.constant 0 : i32
      %dma_start3A_19 = tpu.memref_slice %arg7[%add3A, %dma_start3A_18] : memref<32x10240xf32, #tpu.memory_space<hbm>> -> memref<1x10240xf32, #tpu.memory_space<hbm>>
      %dma_start3A_20 = tpu.memref_squeeze %dma_start3A_19 : memref<1x10240xf32, #tpu.memory_space<hbm>> -> memref<10240xf32, #tpu.memory_space<hbm>>
      tpu.enqueue_dma source(%arg14 : memref<10240xf32, #tpu.memory_space<vmem>>) target(%dma_start3A_20 : memref<10240xf32, #tpu.memory_space<hbm>>) target_semaphore(%run_scoped3A : memref<!tpu.dma_semaphore, #tpu.memory_space<semaphore_mem>>)
      %dma_wait3A = arith.constant 0 : i32
      %dma_wait3A_21 = tpu.memref_slice %arg7[%add3A, %dma_wait3A] : memref<32x10240xf32, #tpu.memory_space<hbm>> -> memref<1x10240xf32, #tpu.memory_space<hbm>>
      %dma_wait3A_22 = tpu.memref_squeeze %dma_wait3A_21 : memref<1x10240xf32, #tpu.memory_space<hbm>> -> memref<10240xf32, #tpu.memory_space<hbm>>
      %dma_wait3A_23 = arith.constant 0 : i32
      %dma_wait3A_24 = tpu.memref_slice %arg7[%add3A, %dma_wait3A_23] : memref<32x10240xf32, #tpu.memory_space<hbm>> -> memref<1x10240xf32, #tpu.memory_space<hbm>>
      %dma_wait3A_25 = tpu.memref_squeeze %dma_wait3A_24 : memref<1x10240xf32, #tpu.memory_space<hbm>> -> memref<10240xf32, #tpu.memory_space<hbm>>
      tpu.wait_dma2 semaphore(%run_scoped3A : memref<!tpu.dma_semaphore, #tpu.memory_space<semaphore_mem>>) src(%arg14 : memref<10240xf32, #tpu.memory_space<vmem>>) dst(%dma_wait3A_25 : memref<10240xf32, #tpu.memory_space<hbm>>)
      tpu.yield
    }) : () -> ()
    return
  }
}

module attributes {stable_mosaic.version = 14 : i64} {
  func.func @_tc_finish_body(%arg0: i32, %arg1: memref<2x1024x128xf32, #tpu.memory_space<vmem>>, %arg2: memref<32x1024xf32, #tpu.memory_space<vmem>>, %arg3: memref<1024x128xf32, #tpu.memory_space<vmem>>, %arg4: memref<128x128xf32, #tpu.memory_space<vmem>>, %arg5: memref<1x128xf32, #tpu.memory_space<vmem>>, %arg6: memref<1024x128xf32, #tpu.memory_space<vmem>>) attributes {dimension_semantics = [#tpu.dimension_semantics<arbitrary>], iteration_bounds = array<i64: 10>, scalar_prefetch = 0 : i64, scratch_operands = 0 : i64, tpu.core_type = #tpu.core_type<tc>, window_params = [{transform_indices = @transform_0, window_bounds = array<i64: 2, 1024, 128>}, {transform_indices = @transform_1, window_bounds = array<i64: 32, 1024>}, {transform_indices = @transform_2, window_bounds = array<i64: 1024, 128>}, {pipeline_mode = #tpu.pipeline_mode<synchronous>, transform_indices = @transform_3, window_bounds = array<i64: 128, 128>}, {pipeline_mode = #tpu.pipeline_mode<synchronous>, transform_indices = @transform_4, window_bounds = array<i64: 1, 128>}, {transform_indices = @transform_5, window_bounds = array<i64: 1024, 128>}]} {
    %get3A = arith.constant 0 : index
    %get3A_0 = arith.constant 0 : index
    %get3A_1 = arith.constant 0 : index
    %get3A_2 = vector.load %arg1[%get3A, %get3A_0, %get3A_1] : memref<2x1024x128xf32, #tpu.memory_space<vmem>>, vector<1x1024x128xf32>
    %get3A_3 = vector.shape_cast %get3A_2 : vector<1x1024x128xf32> to vector<1024x128xf32>
    %get3A_4 = arith.constant 1 : index
    %get3A_5 = arith.constant 0 : index
    %get3A_6 = arith.constant 0 : index
    %get3A_7 = vector.load %arg1[%get3A_4, %get3A_5, %get3A_6] : memref<2x1024x128xf32, #tpu.memory_space<vmem>>, vector<1x1024x128xf32>
    %get3A_8 = vector.shape_cast %get3A_7 : vector<1x1024x128xf32> to vector<1024x128xf32>
    %add3A = arith.addf %get3A_3, %get3A_8 : vector<1024x128xf32>
    %get3A_9 = arith.constant 0 : index
    %get3A_10 = arith.constant 0 : index
    %get3A_11 = vector.load %arg2[%get3A_9, %get3A_10] : memref<32x1024xf32, #tpu.memory_space<vmem>>, vector<32x1024xf32>
    %broadcast_in_dim3A = arith.constant 1.000000e+00 : f32
    %broadcast_in_dim3A_12 = vector.broadcast %broadcast_in_dim3A : f32 to vector<32x1xf32>
    %dot_general3A = arith.constant dense<0.000000e+00> : vector<1024x1xf32>
    %dot_general3A_13 = tpu.matmul %get3A_11, %broadcast_in_dim3A_12, %dot_general3A {dimension_numbers = #tpu.dot_dimension_numbers<[0], [0], [1], [1], [0, 1, 1, 1], [], []>, transpose_lhs_hint = false} : vector<32x1024xf32>, vector<32x1xf32>, vector<1024x1xf32> -> vector<1024x1xf32>
    %max3A = arith.constant 1.000000e+00 : f32
    %max3A_14 = vector.broadcast %max3A : f32 to vector<1024x1xf32>
    %max3A_15 = arith.maximumf %dot_general3A_13, %max3A_14 : vector<1024x1xf32>
    %div3A = vector.broadcast %max3A_15 : vector<1024x1xf32> to vector<1024x128xf32>
    %div3A_16 = arith.divf %add3A, %div3A : vector<1024x128xf32>
    %gt3A = arith.constant 0.000000e+00 : f32
    %gt3A_17 = vector.broadcast %gt3A : f32 to vector<1024x1xf32>
    %gt3A_18 = arith.cmpf ogt, %dot_general3A_13, %gt3A_17 : vector<1024x1xf32>
    %get3A_19 = arith.constant 0 : index
    %get3A_20 = arith.constant 0 : index
    %get3A_21 = vector.load %arg3[%get3A_19, %get3A_20] : memref<1024x128xf32, #tpu.memory_space<vmem>>, vector<1024x128xf32>
    %broadcast_in_dim3A_22 = vector.shape_cast %gt3A_18 : vector<1024x1xi1> to vector<1024x1xi1>
    %broadcast_in_dim3A_23 = vector.broadcast %broadcast_in_dim3A_22 : vector<1024x1xi1> to vector<1024x128xi1>
    %select_n3A = arith.select %broadcast_in_dim3A_23, %div3A_16, %get3A_21 : vector<1024x128xi1>, vector<1024x128xf32>
    %get3A_24 = arith.constant 0 : index
    %get3A_25 = arith.constant 0 : index
    %get3A_26 = vector.load %arg4[%get3A_24, %get3A_25] : memref<128x128xf32, #tpu.memory_space<vmem>>, vector<128x128xf32>
    %dot_general3A_27 = arith.constant dense<0.000000e+00> : vector<1024x128xf32>
    %dot_general3A_28 = tpu.matmul %select_n3A, %get3A_26, %dot_general3A_27 {dimension_numbers = #tpu.dot_dimension_numbers<[1], [1], [0], [0], [0, 0, 1, 0], [], []>, transpose_lhs_hint = false} : vector<1024x128xf32>, vector<128x128xf32>, vector<1024x128xf32> -> vector<1024x128xf32>
    %get3A_29 = arith.constant 0 : index
    %get3A_30 = arith.constant 0 : index
    %get3A_31 = vector.load %arg5[%get3A_29, %get3A_30] : memref<1x128xf32, #tpu.memory_space<vmem>>, vector<1x128xf32>
    %add3A_32 = vector.broadcast %get3A_31 : vector<1x128xf32> to vector<1024x128xf32>
    %add3A_33 = arith.addf %dot_general3A_28, %add3A_32 : vector<1024x128xf32>
    %max3A_34 = arith.constant 0.000000e+00 : f32
    %max3A_35 = vector.broadcast %max3A_34 : f32 to vector<1024x128xf32>
    %max3A_36 = arith.maximumf %add3A_33, %max3A_35 : vector<1024x128xf32>
    %swap3A = arith.constant 0 : index
    %swap3A_37 = arith.constant 0 : index
    %swap3A_38 = vector.load %arg6[%swap3A, %swap3A_37] : memref<1024x128xf32, #tpu.memory_space<vmem>>, vector<1024x128xf32>
    tpu.vector_store %arg6[%swap3A, %swap3A_37], %max3A_36 {strides = array<i32>} : memref<1024x128xf32, #tpu.memory_space<vmem>>, vector<1024x128xf32>,
    return
  }
  func.func @transform_0(%arg0: i32) -> (i32, i32, i32) {
    %c0_i32 = arith.constant 0 : i32
    %c0_i32_0 = arith.constant 0 : i32
    %c0_i32_1 = arith.constant 0 : i32
    return %c0_i32, %arg0, %c0_i32_0 : i32, i32, i32
  }
  func.func @transform_1(%arg0: i32) -> (i32, i32) {
    %c0_i32 = arith.constant 0 : i32
    %c0_i32_0 = arith.constant 0 : i32
    return %c0_i32, %arg0 : i32, i32
  }
  func.func @transform_2(%arg0: i32) -> (i32, i32) {
    %c0_i32 = arith.constant 0 : i32
    %c0_i32_0 = arith.constant 0 : i32
    return %arg0, %c0_i32 : i32, i32
  }
  func.func @transform_3(%arg0: i32) -> (i32, i32) {
    %c0_i32 = arith.constant 0 : i32
    %c0_i32_0 = arith.constant 0 : i32
    %c0_i32_1 = arith.constant 0 : i32
    return %c0_i32, %c0_i32_0 : i32, i32
  }
  func.func @transform_4(%arg0: i32) -> (i32, i32) {
    %c0_i32 = arith.constant 0 : i32
    %c0_i32_0 = arith.constant 0 : i32
    %c0_i32_1 = arith.constant 0 : i32
    return %c0_i32, %c0_i32_0 : i32, i32
  }
  func.func @transform_5(%arg0: i32) -> (i32, i32) {
    %c0_i32 = arith.constant 0 : i32
    %c0_i32_0 = arith.constant 0 : i32
    return %arg0, %c0_i32 : i32, i32
  }
}

</mosaic_0001>

<sc_bundles>
// kernel: kernel.4.cloned.1.call-start
scs
__scs_entry_jumppad:
0x0: {  	(pc) =	sbr.rel $0x88, $3  }
0x1: {  	(tag) =	ssettag $0x0;
	lr =	simm.s32 $0x1  }
0x2: {  	[smem:$0x3F9D] =	sst lr;
	_ =	strace $0xD0000000  }
0x3: {  	_ = 	snop  }
0x4: {  	_ = 	snop  }
0x5: {  	_ = 	snop  }
0x6: {  	_ = 	snop  }
0x7: {  	_ = 	snop  }
__scs_overlays_trampoline_lowered:
0x8: {  	[smem:$0x3FAC] =	sst s0  }
0x9: {  	[smem:$0x3FAD] =	sst s1  }
0xa: {  	[smem:$0x3FAE] =	sst s2  }
0xb: {  	[smem:$0x3FAF] =	sst s3  }
0xc: {  	[smem:$0x3FB0] =	sst s4  }
0xd: {  	[smem:$0x3FB1] =	sst s5  }
0xe: {  	[smem:$0x3FB2] =	sst s6  }
0xf: {  	[smem:$0x3FB3] =	sst s7  }
0x10: {  	[smem:$0x3FB4] =	sst s8  }
0x11: {  	[smem:$0x3FB5] =	sst s9;
	s0 =	simm.s32 @!p0 $0x0  }
0x12: {  	s1 =	sld [smem:$0x3F9B];
	s0 =	simm.s32 @p0 $0x1  }
0x13: {  	[smem:$0x3FB6] =	sst s0;
	s0 =	simm.s32 @!p1 $0x0  }
0x14: {  	s2 =	sld [smem:$0x3F9A];
	s0 =	simm.s32 @p1 $0x1  }
0x15: {  	[smem:$0x3FB7] =	sst s0;
	s0 =	simm.s32 @!p2 $0x0  }
0x16: {  	s3 =	sld [smem:$0x3FDB];
	s0 =	simm.s32 @p2 $0x1  }
0x17: {  	s4 =	simm.s32 $0x1BF5;
	[smem:$0x3FB9] =	sst s0  }
0x18: {  	s0 =	sld [smem:$0x3F9C];
	_ =	swait.ge [sflag:s4], $0x0  }
0x19: {  	s7 =	sld [smem:$0x3F9D]  }
0x1a: {  	s8 =	sadd.s32 $0xFFFFE003, lr  }
0x1b: {  	s9 =	sadd.s32 $0xFFFFFEF7, lr;
	s5 =	simm.s32 $0xFFFFFFFF;
	p2 =	slt.u32 s8, $0xFFFFF086  }
0x1c: {  	p1 =	slt.u32 s9, $0xF7A;
	s5 =	simm.s32 @!p2 $0x0  }
0x1d: {  	s5 =	simm.s32 @p1 $0x1;
	p0 =	seq.s32 s7, s2  }
0x1e: {  	s7 =	smul.u32 @!p0 $0xF7A, s2;
	p2 =	seq.s32 @!p0 s5, $0x0  }
0x1f: {  	s9 =	smul.u32 $0xF7A, s1;
	s8 =	simm.s32 @!p0 $0x1BF5;
	p2 =	por !p2, p0  }
0x20: {  	[sflag:s8] =	ssyncset.s32 @!p0 $0xFFFFF086;
	s6 =	sadd.s32 @!p0 s3, s7;
	s7 =	simm.s32 @!p0 $0x108  }
0x21: {  	s3 =	sadd.s32 s3, s9;
	s6 =	sadd.s32 @!p0 $0x88, s6;
	s7 =	simm.s32 @p2 $0x1082  }
0x22: {  	[simem:s7], [sflag:s8] =	dma.local @!p0 [hbm:s6], $0xF7A  }
0x23: {  	s9 =	sor.u32 $0xD0000000, s2;
	s6 =	simm.s32 $0x108;
	_ =	swait.ge @!p0 [sflag:s8], $0x0  }
0x24: {  	s3 =	sadd.s32 $0x88, s3;
	s6 =	simm.s32 @!p1 $0x1082;
	[sflag:s4] =	ssyncset.s32 $0xFFFFF086  }
0x25: {  	[simem:s6], [sflag:s4] =	dma.local [hbm:s3], $0xF7A  }
0x26: {  	[smem:$0x3F9D] =	sst s1;
	(tag) =	ssettag s2;
	_ =	strace s9  }
0x27: {  	s1 =	sld [smem:$0x3FAD]  }
0x28: {  	s2 =	sld [smem:$0x3FAE]  }
0x29: {  	s4 =	sld [smem:$0x3FB0]  }
0x2a: {  	p0 =	seq.s32 s5, $0x0;
	s5 =	sld [smem:$0x3FB1]  }
0x2b: {  	s6 =	sld [smem:$0x3FB2]  }
0x2c: {  	s7 =	sld [smem:$0x3FB3]  }
0x2d: {  	s3 =	simm.s32 $0x108;
	s8 =	sld [smem:$0x3FB4]  }
0x2e: {  	s3 =	simm.s32 @!p0 $0x1082;
	s9 =	sld [smem:$0x3FB5]  }
0x2f: {  	lr =	sadd.s32 s0, s3;
	s0 =	sld [smem:$0x3FAC]  }
0x30: {  	s3 =	sld [smem:$0x3FAF]  }
0x31: {  	[smem:$0x3FB8] =	sst s10  }
0x32: {  	s10 =	sld [smem:$0x3FB6];
	_ =	sdelay $0x3  }
0x33: {  	p0 =	seq.s32 s10, $0x1;
	s10 =	sld [smem:$0x3FB8];
	_ =	sdelay $0x3  }
0x34: {  	[smem:$0x3FB8] =	sst s10  }
0x35: {  	s10 =	sld [smem:$0x3FB7];
	_ =	sdelay $0x3  }
0x36: {  	p1 =	seq.s32 s10, $0x1;
	s10 =	sld [smem:$0x3FB8];
	_ =	sdelay $0x3  }
0x37: {  	[smem:$0x3FB8] =	sst s10  }
0x38: {  	s10 =	sld [smem:$0x3FB9]  }
0x39: {  	_ = 	snop;
	(pc) =	sbr.ind lr, $3  }
0x3a: {  	_ = 	snop  }
0x3b: {  	_ = 	snop  }
0x3c: {  	p2 =	seq.s32 s10, $0x1;
	s10 =	sld [smem:$0x3FB8]  }
0x3d: {  	_ =	shalt  }
0x3e: {  	_ =	shalt  }
0x3f: {  	_ =	shalt  }
0x40: {  	_ =	shalt  }
0x41: {  	_ =	shalt  }
0x42: {  	_ =	shalt  }
0x43: {  	_ =	shalt  }
0x44: {  	_ =	shalt  }
0x45: {  	_ =	shalt  }
0x46: {  	_ =	shalt  }
0x47: {  	_ =	shalt  }
0x48: {  	_ =	shalt  }
0x49: {  	_ =	shalt  }
0x4a: {  	_ =	shalt  }
0x4b: {  	_ =	shalt  }
0x4c: {  	_ =	shalt  }
0x4d: {  	_ =	shalt  }
0x4e: {  	_ =	shalt  }
0x4f: {  	_ =	shalt  }
0x50: {  	_ =	shalt  }
0x51: {  	_ =	shalt  }
0x52: {  	_ =	shalt  }
0x53: {  	_ =	shalt  }
0x54: {  	_ =	shalt  }
0x55: {  	_ =	shalt  }
0x56: {  	_ =	shalt  }
0x57: {  	_ =	shalt  }
0x58: {  	_ =	shalt  }
0x59: {  	_ =	shalt  }
0x5a: {  	_ =	shalt  }
0x5b: {  	_ =	shalt  }
0x5c: {  	_ =	shalt  }
0x5d: {  	_ =	shalt  }
0x5e: {  	_ =	shalt  }
0x5f: {  	_ =	shalt  }
0x60: {  	_ =	shalt  }
0x61: {  	_ =	shalt  }
0x62: {  	_ =	shalt  }
0x63: {  	_ =	shalt  }
0x64: {  	_ =	shalt  }
0x65: {  	_ =	shalt  }
0x66: {  	_ =	shalt  }
0x67: {  	_ =	shalt  }
0x68: {  	_ =	shalt  }
0x69: {  	_ =	shalt  }
0x6a: {  	_ =	shalt  }
0x6b: {  	_ =	shalt  }
0x6c: {  	_ =	shalt  }
0x6d: {  	_ =	shalt  }
0x6e: {  	_ =	shalt  }
0x6f: {  	_ =	shalt  }
0x70: {  	_ =	shalt  }
0x71: {  	_ =	shalt  }
0x72: {  	_ =	shalt  }
0x73: {  	_ =	shalt  }
0x74: {  	_ =	shalt  }
0x75: {  	_ =	shalt  }
0x76: {  	_ =	shalt  }
0x77: {  	_ =	shalt  }
0x78: {  	_ =	shalt  }
0x79: {  	_ =	shalt  }
0x7a: {  	_ =	shalt  }
0x7b: {  	_ =	shalt  }
0x7c: {  	_ =	shalt  }
0x7d: {  	_ =	shalt  }
0x7e: {  	_ =	shalt  }
0x7f: {  	_ =	shalt  }
0x80: {  	_ =	shalt  }
0x81: {  	_ =	shalt  }
0x82: {  	_ =	shalt  }
0x83: {  	_ =	shalt  }
0x84: {  	_ =	shalt  }
0x85: {  	_ =	shalt  }
0x86: {  	_ =	shalt  }
0x87: {  	_ =	shalt  }
.Lfunc_end0:
.L_simem_size_0:
called_computation_lowered:
.L_overlay_start_0:
0x88: {  	s2 =	sld [smem:$0x3FD9]  }
0x89: {  	s3 =	sld [smem:$0x3FFE];
	_ =	sdelay $0x1  }
0x8a: {  	s1 =	srdreg.scid  }
0x8b: {  	s0 =	sand.u32 $0x1, s1  }
0x8c: {  	s17 =	sshll.u32 s0, $0xA;
	s2 =	sadd.s32 s3, s2  }
0x8d: {  	s2 =	sadd.s32 s2, s17  }
0x8e: {  	[smem:$0x3FC4] =	sst s2  }
0x8f: {  	_ = 	snop  }
0x90: {  	s2 =	sld [smem:$0x3FD0];
	(tm) =	ssettm $0x1  }
0x91: {  	s18 =	sld [smem:$0x3FFB];
	_ =	sdelay $0x3  }
0x92: {  	_ =	strace s18  }
0x93: {  	s3 =	sld [smem:$0x3FFC];
	_ =	sdelay $0x3  }
0x94: {  	_ =	strace s3  }
0x95: {  	s3 =	sld [smem:$0x3FFD];
	_ =	sdelay $0x3  }
0x96: {  	_ =	strace s3  }
0x97: {  	_ =	strace $0x8FFFFFFF  }
0x98: {  	s19 =	sld [smem:$0x3FDB];
	_ =	sdelay $0x1  }
0x99: {  	s4 =	simm.s32 $_scs_section_size  }
0x9a: {  	s5 =	simm.s32 $_size__tile_overlayer_lowered;
	s6 =	simm.s32 $_tile_overlayer_lowered  }
0x9b: {  	s22 =	simm.s32 $0x1BFF;
	s21 =	sshll.u32 s6, $0x1;
	s3 =	sadd.s32 s4, s19  }
0x9c: {  	s7 =	simm.s32 $0x0;
	s20 =	sshll.u32 s5, $0x1;
	s5 =	sadd.s32 s21, s3  }
0x9d: {  	[timem:s7], [sflag:s22] =	dma.local [hbm:s5], s20  }
0x9e: {  	_ =	swait.ge [sflag:s22], s20  }
0x9f: {  	s4 =	ssub.s32 $0x0, s20;
	[sflag:s22] =	ssyncset.done $0x0  }
0xa0: {  	[sflag:s22] =	ssyncadd.s32 s4;
	_ =	sdelay $0x1  }
0xa1: {  	s23 =	simm.s32 $0x1B8B  }
0xa2: {  	_ =	swait.ge [sflag:s23], $0x1  }
0xa3: {  	[sflag:s23] =	ssyncset.done $0x0  }
0xa4: {  	s25 =	simm.s32 $0x1B8E;
	s24 =	sld [smem:$0x3FFE];
	[sflag:s23] =	ssyncadd.s32 $0xFFFFFFFF  }
0xa5: {  	s26 =	simm.s32 $execute0_lowered;
	[smem:$0x3FD2] =	sst s25  }
0xa6: {  	s5 =	sshll.u32 s26, $0x1;
	_ =	strace $0x80000046;
	[dreg:$0x1] =	wrdreg $0xFFFFFFFF  }
0xa7: {  	s28 =	simm.s32 $_size_execute0_lowered;
	s3 =	sadd.s32 s3, s5;
	[dreg:$0x0] =	wrdreg $0x0  }
0xa8: {  	s5 =	sshll.u32 s28, $0x1;
	[dreg:$0x2] =	wrdreg s3  }
0xa9: {  	[dreg:$0x3] =	wrdreg s5  }
0xaa: {  	[dreg:$0x4] =	wrdreg $0xC0  }
0xab: {  	_ =	task [dreg:s7], $0x5FFFF  }
0xac: {  	[dreg:$0x1] =	wrdreg $0xFFFFFFFF  }
0xad: {  	[dreg:$0x0] =	wrdreg $0x60  }
0xae: {  	[dreg:$0x2] =	wrdreg s2  }
0xaf: {  	[dreg:$0x3] =	wrdreg s24  }
0xb0: {  	[dreg:$0x4] =	wrdreg $0xA0000  }
0xb1: {  	[dreg:$0x5] =	wrdreg $0x9  }
0xb2: {  	_ =	task.clear_ibuf [dreg:s7], $0x6FFFF;
	_ =	strace $0x90000046  }
0xb3: {  	s29 =	simm.s32 $0x9;
	_ =	strace $0x80000048  }
0xb4: {  	_ =	swait.ge [sflag:s29], $0x1  }
0xb5: {  	[sflag:s29] =	ssyncadd.s32 $0xFFFFFFFF  }
0xb6: {  	_ =	strace $0x90000048  }
0xb7: {  	_ =	sfence  }
0xb8: {  	s30 =	sld [smem:$0x0];
	_ =	sdelay $0x2  }
0xb9: {  	s31 =	sshll.u32 s1, $0xD;
	s1 =	sshrl.u32 s1, $0x2  }
0xba: {  	s3 =	sand.u32 $0x4000, s31;
	s1 =	sadd.s32 s1, s30  }
0xbb: {  	s0 =	sor.u32 s3, s0;
	s1 =	sshll.u32 s1, $0x11  }
0xbc: {  	s0 =	sor.u32 s1, s0  }
0xbd: {  	s0 =	sadd.s32 $0x8F2B, s0  }
0xbe: {  	[sflag:s0] =	ssyncadd.remote.s32 $0x1  }
0xbf: {  	_ =	sfence.sel $0xFFFF  }
0xc0: {  	[dreg:$0x0] =	wrdreg $0xFFFFFFFF;
	(pc) =	sbr.abs _section_cstart, $3  }
0xc1: {  	[dreg:$0x1] =	wrdreg $0xFFFFFFFF  }
0xc2: {  	_ =	task.clear_ibuf [dreg:s7], $0x2FFFF;
	_ =	strace $0x9FFFFFFF  }
0xc3: {  	(tm) =	ssettm $0x7FFFFFFF  }
tec
execute0_lowered:
.L_overlay_start_1:
0x0: {  	(tag) =	ssettag $0x1  }
0x1: {  	s1 =	rddreg [dreg:$0x0]  }
0x2: {  	s0 =	rddreg [dreg:$0x1]  }
0x3: {  	s3 =	rddreg [dreg:$0x2];
	s4 =	simm.s32 $0x0;
	s12 =	stileid.u32  }
0x4: {  	s2 =	srdreg.scid;
	s14 =	simm.s32 $0x2;
	s15 =	simm.s32 $0x400  }
0x5: {  	s16 =	simm.s32 $0x7800;
	s17 =	simm.s32 $0x40;
	s18 =	simm.s32 $0x800  }
0x6: {  	s19 =	simm.s32 $0x1800;
	s20 =	simm.s32 $0x1;
	s21 =	simm.s32 $0x80  }
0x7: {  	s22 =	simm.s32 $0x2800;
	s24 =	simm.s32 $0x3800;
	s13 =	simm.s32 $0x680  }
0x8: {  	s23 =	simm.s32 $0x380;
	s28 =	simm.s32 $0x780;
	[smem:$0x7FF] =	sst s4  }
0x9: {  	s25 =	smul.u32 $0x14000, s12;
	s2 =	sand.u32 $0x1, s2;
	s5 =	sadd.s32 $0xA800, s0  }
0xa: {  	s6 =	sadd.s32 $0x800, s0;
	s26 =	sshll.u32 s12, $0x6;
	_ =	strace $0x80000047  }
0xb: {  	s7 =	smul.u32 $0x140000, s2;
	s8 =	sshll.u32 s2, $0x4;
	s2 =	ssub.s32 $0x2, s2  }
0xc: {  	s29 =	sor.u32 $0x1C02, s26;
	s26 =	simm.s32 $0x700;
	s9 =	sshrl.u32 s25, $0x3  }
0xd: {  	s8 =	sor.u32 s12, s8;
	s11 =	sshrl.u32 s2, $0x1;
	s4 =	sadd.s32 s25, s3  }
0xe: {  	v1 =	vimm.s32 $0xEDCBA987;
	s12 =	simm.s32 $0x300;
	[dreg:$0x5] =	wrdreg s29;
	s7 =	sadd.s32 s25, s7  }
0xf: {  	v2 =	vimm.s32 $0xFFEDCBA9;
	v3 =	vimm.s32 $0x87654321;
	v1 =	vunpack.c.l.s4.s8 v1;
	s10 =	smul.u32 $0x500, s8;
	s9 =	sadd.s32 s9, s0;
	s2 =	ssub.s32 s2, s11  }
0x10: {  	v0 =	vimm.s32 $0x65432100;
	v2 =	vunpack.c.l.s4.s8 v2;
	v3 =	vunpack.c.l.s4.s8 v3;
	s30 =	sshrl.u32 s4, $0x3;
	s4 =	simm.s32 $0x580;
	s11 =	simm.s32 $0x600  }
0x11: {  	v0 =	vunpack.c.l.s4.s8 v0;
	v1 =	vunpack.c.0.s8.s32 v1;
	s25 =	simm.s32 $0x3C0;
	s7 =	sshrl.u32 s7, $0x3;
	s9 =	sadd.s32 $0x14800, s9  }
0x12: {  	vm0 =	vmmov $0x1;
	v5 =	vunpack.c.0.s8.s32 v2;
	v3 =	vunpack.c.0.s8.s32 v3;
	s31 =	smax.u32 s2, $0x1;
	s2 =	simm.s32 $0x0;
	[dreg:$0x9] =	wrdreg s30  }
0x13: {  	v4 =	vunpack.c.0.s8.s32 v0;
	v2 =	vand.u32 $0xF, v1;
	v1 =	vlaneseq.u32;
	s7 =	sadd.s32 s7, s0;
	s0 =	sadd.s32 s10, s0;
	[dreg:$0x4] =	wrdreg s9  }
0x14: {  	vm1 =	vcmask $0x300;
	v5 =	vcombine.low v3, v5;
	s9 =	smul.u32 $0x2800, s8;
	[dreg:$0x8] =	wrdreg s31;
	v3 =	vmul.u32 $0xFFFFFFFF, v1;
	s7 =	sadd.s32 $0x46800, s7  }
0x15: {  	v0 =	vimm.f32 $0.0e+00;
	s10 =	simm.s32 $0x2C0;
	v2 =	vcombine.low v4, v2;
	v4 =	vimm.s32 $0x10;
	s0 =	sadd.s32 $0x3C800, s0;
	[dreg:$0x6] =	wrdreg s7  }
0x16: {  	s8 =	simm.s32 $0x340;
	v4 =	vsel vm1, $0x0, v4;
	v5 =	vand.u32 $0xF, v5;
	[dreg:$0x7] =	wrdreg s0;
	s7 =	simm.s32 $0x280;
	v6 =	vadd.s32 $0xF, v3  }
.LBB2_1:
0x17: {  	[dreg:$0xa] =	wrdreg s2  }
0x18: {  	s0 =	rddreg [dreg:$0x4]  }
0x19: {  	[spmem:s30], [sflag:s29] =	dma.local [hbm:s0], $0x2800  }
0x1a: {  	_ =	swait.ge [sflag:s14], $0x2800  }
0x1b: {  	[sflag:s14] =	ssyncset.done $0x0  }
0x1c: {  	s2 =	simm.s32 $0x0;
	s0 =	simm.s32 $0x40;
	[sflag:s14] =	ssyncadd.s32 $0xFFFFD800  }
.LBB2_2:
0x1d: {  	p0 =	sne.s32 s0, $0x9FC0;
	[tilespmem:s2+$0x7800] =	vst v0;
	s2 =	smov.u32 s0;
	s0 =	sadd.s32 $0x40, s0  }
.Ltmp0:
0x1e: {  	(pc) =	sbr.rel @p0 .LBB2_2-.Ltmp0, $2  }
0x1f: {  	_ =	sdelay $0x2  }
0x20: {  	s2 =	sshra.s32 s2, $0x2  }
0x21: {  	[tilespmem:s2+$0x7800] =	vst v0  }
0x22: {  	s29 =	simm.s32 $0x0;
	s30 =	simm.s32 $0x0;
	[bflag:$0x0] =	sbarrier.arrive $0xFFFF  }
.LBB2_4:
0x23: {  	s0 =	sshll.u32 s30, $0xA  }
0x24: {  	s0 =	sadd.s32 s9, s0  }
0x25: {  	s0 =	sshrl.u32 s0, $0x3  }
0x26: {  	s2 =	sadd.s32 s6, s0  }
0x27: {  	[tilespmem:s15], [sflag:$0x2] =	stream.linear.gather [hbm4b:s2+s29], $0x400, $0x38;
	[tilespmem:$0x1E000] =	vst v63  }
0x28: {  	_ =	swait.ge [sflag:s14], $0x400  }
0x29: {  	[sflag:s14] =	ssyncset.done $0x0  }
0x2a: {  	s0 =	sadd.s32 s5, s0;
	[sflag:s14] =	ssyncadd.s32 $0xFFFFFC00  }
0x2b: {  	[tilespmem:s29], [sflag:$0x2] =	stream.linear.gather [hbm4b:s0+s29], $0x400, $0x38;
	[tilespmem:$0x1E000] =	vst v63  }
0x2c: {  	_ =	swait.ge [sflag:s14], $0x400  }
0x2d: {  	[sflag:s14] =	ssyncset.done $0x0  }
0x2e: {  	s31 =	simm.s32 $0x0;
	[sflag:s14] =	ssyncadd.s32 $0xFFFFFC00  }
.LBB2_5:
0x2f: {  	s0 =	sshra.s32 s31, $0x2  }
0x30: {  	v7 =	vld [tilespmem:s0+$0x400];
	_ =	sdelay $0x4  }
0x31: {  	v8 =	vxor.u32 $0x80000000, v7  }
0x32: {  	(xrf1) =	vsort.ascd.msk.u32 $0xffff, v8, v7;
	_ =	sdelay $0xd  }
0x33: {  	v7, _, _ =	vpop (xrf1)  }
0x34: {  	v7 =	vxor.u32 $0x80000000, v7  }
0x35: {  	v8 =	vperm.xlane v7, v2;
	_ =	sdelay $0x1  }
0x36: {  	vm2 =	vne.s32 v7, v8  }
0x37: {  	v8 =	vsel vm2, v1, v4  }
0x38: {  	v8 =	vperm.xlane v8, v5  }
0x39: {  	vm1 =	veq.s32 v1, $0xF  }
0x3a: {  	v8 =	vsel vm1, $0x10, v8  }
0x3b: {  	v8 =	vsub.s32 $0x0, v8  }
0x3c: {  	v8 =	vperm.xlane v8, v6;
	_ =	sdelay $0x1  }
0x3d: {  	v8 =	vxor.u32 $0x80000000, v8  }
0x3e: {  	(xrf0) =	vmax.scan.msk.u32 $0xffff, v8;
	_ =	sdelay $0x5  }
0x3f: {  	v8, _, _ =	vpop (xrf0)  }
0x40: {  	vm2 =	vmor vm2, vm0;
	v8 =	vxor.u32 $0x80000000, v8  }
0x41: {  	v8 =	vperm.xlane v8, v6;
	_ =	sdelay $0x1  }
0x42: {  	v8 =	vsub.s32 v3, v8  }
0x43: {  	v8 =	vcvt.s32.f32 v8;
	_ =	sdelay $0x1  }
0x44: {  	[tilespmem:v7+s16+$0x0] =	vst.idx.add.f32.msk vm2, v8  }
0x45: {  	v7 =	vld [tilespmem:s0+$0x410];
	_ =	sdelay $0x4  }
0x46: {  	v8 =	vxor.u32 $0x80000000, v7  }
0x47: {  	(xrf1) =	vsort.ascd.msk.u32 $0xffff, v8, v7;
	_ =	sdelay $0xd  }
0x48: {  	v7, _, _ =	vpop (xrf1)  }
0x49: {  	v7 =	vxor.u32 $0x80000000, v7  }
0x4a: {  	v8 =	vperm.xlane v7, v2;
	_ =	sdelay $0x1  }
0x4b: {  	vm2 =	vne.s32 v7, v8  }
0x4c: {  	v8 =	vsel vm2, v1, v4  }
0x4d: {  	v8 =	vperm.xlane v8, v5;
	_ =	sdelay $0x1  }
0x4e: {  	v8 =	vsel vm1, $0x10, v8  }
0x4f: {  	v8 =	vsub.s32 $0x0, v8  }
0x50: {  	v8 =	vperm.xlane v8, v6;
	_ =	sdelay $0x1  }
0x51: {  	v8 =	vxor.u32 $0x80000000, v8  }
0x52: {  	(xrf0) =	vmax.scan.msk.u32 $0xffff, v8;
	_ =	sdelay $0x5  }
0x53: {  	v8, _, _ =	vpop (xrf0)  }
0x54: {  	vm2 =	vmor vm2, vm0;
	v8 =	vxor.u32 $0x80000000, v8  }
0x55: {  	v8 =	vperm.xlane v8, v6;
	_ =	sdelay $0x1  }
0x56: {  	v8 =	vsub.s32 v3, v8  }
0x57: {  	v8 =	vcvt.s32.f32 v8;
	_ =	sdelay $0x1  }
0x58: {  	[tilespmem:v7+s16+$0x0] =	vst.idx.add.f32.msk vm2, v8  }
0x59: {  	v7 =	vld [tilespmem:s0+$0x420];
	_ =	sdelay $0x4  }
0x5a: {  	v8 =	vxor.u32 $0x80000000, v7  }
0x5b: {  	(xrf1) =	vsort.ascd.msk.u32 $0xffff, v8, v7;
	_ =	sdelay $0xd  }
0x5c: {  	v7, _, _ =	vpop (xrf1)  }
0x5d: {  	v7 =	vxor.u32 $0x80000000, v7  }
0x5e: {  	v8 =	vperm.xlane v7, v2;
	_ =	sdelay $0x1  }
0x5f: {  	vm2 =	vne.s32 v7, v8  }
0x60: {  	v8 =	vsel vm2, v1, v4  }
0x61: {  	v8 =	vperm.xlane v8, v5;
	_ =	sdelay $0x1  }
0x62: {  	v8 =	vsel vm1, $0x10, v8  }
0x63: {  	v8 =	vsub.s32 $0x0, v8  }
0x64: {  	v8 =	vperm.xlane v8, v6;
	_ =	sdelay $0x1  }
0x65: {  	v8 =	vxor.u32 $0x80000000, v8  }
0x66: {  	(xrf0) =	vmax.scan.msk.u32 $0xffff, v8;
	_ =	sdelay $0x5  }
0x67: {  	v8, _, _ =	vpop (xrf0)  }
0x68: {  	vm2 =	vmor vm2, vm0;
	v8 =	vxor.u32 $0x80000000, v8  }
0x69: {  	v8 =	vperm.xlane v8, v6;
	_ =	sdelay $0x1  }
0x6a: {  	v8 =	vsub.s32 v3, v8  }
0x6b: {  	v8 =	vcvt.s32.f32 v8;
	_ =	sdelay $0x1  }
0x6c: {  	[tilespmem:v7+s16+$0x0] =	vst.idx.add.f32.msk vm2, v8  }
0x6d: {  	v7 =	vld [tilespmem:s0+$0x430];
	_ =	sdelay $0x4  }
0x6e: {  	v8 =	vxor.u32 $0x80000000, v7  }
0x6f: {  	(xrf1) =	vsort.ascd.msk.u32 $0xffff, v8, v7;
	_ =	sdelay $0xd  }
0x70: {  	v7, _, _ =	vpop (xrf1)  }
0x71: {  	v7 =	vxor.u32 $0x80000000, v7  }
0x72: {  	v8 =	vperm.xlane v7, v2;
	_ =	sdelay $0x1  }
0x73: {  	vm2 =	vne.s32 v7, v8  }
0x74: {  	v8 =	vsel vm2, v1, v4  }
0x75: {  	v8 =	vperm.xlane v8, v5;
	_ =	sdelay $0x1  }
0x76: {  	v8 =	vsel vm1, $0x10, v8  }
0x77: {  	v8 =	vsub.s32 $0x0, v8  }
0x78: {  	v8 =	vperm.xlane v8, v6;
	_ =	sdelay $0x1  }
0x79: {  	v8 =	vxor.u32 $0x80000000, v8  }
0x7a: {  	(xrf0) =	vmax.scan.msk.u32 $0xffff, v8;
	_ =	sdelay $0x5  }
0x7b: {  	v8, _, _ =	vpop (xrf0)  }
0x7c: {  	vm2 =	vmor vm2, vm0;
	v8 =	vxor.u32 $0x80000000, v8  }
0x7d: {  	v8 =	vperm.xlane v8, v6;
	_ =	sdelay $0x1  }
0x7e: {  	v8 =	vsub.s32 v3, v8  }
0x7f: {  	v8 =	vcvt.s32.f32 v8;
	_ =	sdelay $0x1  }
0x80: {  	[tilespmem:v7+s16+$0x0] =	vst.idx.add.f32.msk vm2, v8  }
0x81: {  	v7 =	vld [tilespmem:s0+$0x440];
	_ =	sdelay $0x4  }
0x82: {  	v8 =	vxor.u32 $0x80000000, v7  }
0x83: {  	(xrf1) =	vsort.ascd.msk.u32 $0xffff, v8, v7;
	_ =	sdelay $0xd  }
0x84: {  	v7, _, _ =	vpop (xrf1)  }
0x85: {  	v7 =	vxor.u32 $0x80000000, v7  }
0x86: {  	v8 =	vperm.xlane v7, v2;
	_ =	sdelay $0x1  }
0x87: {  	vm2 =	vne.s32 v7, v8  }
0x88: {  	v8 =	vsel vm2, v1, v4  }
0x89: {  	v8 =	vperm.xlane v8, v5;
	_ =	sdelay $0x1  }
0x8a: {  	v8 =	vsel vm1, $0x10, v8  }
0x8b: {  	v8 =	vsub.s32 $0x0, v8  }
0x8c: {  	v8 =	vperm.xlane v8, v6;
	_ =	sdelay $0x1  }
0x8d: {  	v8 =	vxor.u32 $0x80000000, v8  }
0x8e: {  	(xrf0) =	vmax.scan.msk.u32 $0xffff, v8;
	_ =	sdelay $0x5  }
0x8f: {  	v8, _, _ =	vpop (xrf0)  }
0x90: {  	vm2 =	vmor vm2, vm0;
	v8 =	vxor.u32 $0x80000000, v8  }
0x91: {  	v8 =	vperm.xlane v8, v6;
	_ =	sdelay $0x1  }
0x92: {  	v8 =	vsub.s32 v3, v8  }
0x93: {  	v8 =	vcvt.s32.f32 v8;
	_ =	sdelay $0x1  }
0x94: {  	[tilespmem:v7+s16+$0x0] =	vst.idx.add.f32.msk vm2, v8  }
0x95: {  	v7 =	vld [tilespmem:s0+$0x450];
	_ =	sdelay $0x4  }
0x96: {  	v8 =	vxor.u32 $0x80000000, v7  }
0x97: {  	(xrf1) =	vsort.ascd.msk.u32 $0xffff, v8, v7;
	_ =	sdelay $0xd  }
0x98: {  	v7, _, _ =	vpop (xrf1)  }
0x99: {  	v7 =	vxor.u32 $0x80000000, v7  }
0x9a: {  	v8 =	vperm.xlane v7, v2;
	_ =	sdelay $0x1  }
0x9b: {  	vm2 =	vne.s32 v7, v8  }
0x9c: {  	v8 =	vsel vm2, v1, v4  }
0x9d: {  	v8 =	vperm.xlane v8, v5;
	_ =	sdelay $0x1  }
0x9e: {  	v8 =	vsel vm1, $0x10, v8  }
0x9f: {  	v8 =	vsub.s32 $0x0, v8  }
0xa0: {  	v8 =	vperm.xlane v8, v6;
	_ =	sdelay $0x1  }
0xa1: {  	v8 =	vxor.u32 $0x80000000, v8  }
0xa2: {  	(xrf0) =	vmax.scan.msk.u32 $0xffff, v8;
	_ =	sdelay $0x5  }
0xa3: {  	v8, _, _ =	vpop (xrf0)  }
0xa4: {  	vm2 =	vmor vm2, vm0;
	v8 =	vxor.u32 $0x80000000, v8  }
0xa5: {  	v8 =	vperm.xlane v8, v6;
	_ =	sdelay $0x1  }
0xa6: {  	v8 =	vsub.s32 v3, v8  }
0xa7: {  	v8 =	vcvt.s32.f32 v8;
	_ =	sdelay $0x1  }
0xa8: {  	[tilespmem:v7+s16+$0x0] =	vst.idx.add.f32.msk vm2, v8  }
0xa9: {  	v7 =	vld [tilespmem:s0+$0x460];
	_ =	sdelay $0x4  }
0xaa: {  	v8 =	vxor.u32 $0x80000000, v7  }
0xab: {  	(xrf1) =	vsort.ascd.msk.u32 $0xffff, v8, v7;
	_ =	sdelay $0xd  }
0xac: {  	v7, _, _ =	vpop (xrf1)  }
0xad: {  	v7 =	vxor.u32 $0x80000000, v7  }
0xae: {  	v8 =	vperm.xlane v7, v2;
	_ =	sdelay $0x1  }
0xaf: {  	vm2 =	vne.s32 v7, v8  }
0xb0: {  	v8 =	vsel vm2, v1, v4  }
0xb1: {  	v8 =	vperm.xlane v8, v5;
	_ =	sdelay $0x1  }
0xb2: {  	v8 =	vsel vm1, $0x10, v8  }
0xb3: {  	v8 =	vsub.s32 $0x0, v8  }
0xb4: {  	v8 =	vperm.xlane v8, v6;
	_ =	sdelay $0x1  }
0xb5: {  	v8 =	vxor.u32 $0x80000000, v8  }
0xb6: {  	(xrf0) =	vmax.scan.msk.u32 $0xffff, v8;
	_ =	sdelay $0x5  }
0xb7: {  	v8, _, _ =	vpop (xrf0)  }
0xb8: {  	vm2 =	vmor vm2, vm0;
	v8 =	vxor.u32 $0x80000000, v8  }
0xb9: {  	v8 =	vperm.xlane v8, v6;
	_ =	sdelay $0x1  }
0xba: {  	v8 =	vsub.s32 v3, v8  }
0xbb: {  	v8 =	vcvt.s32.f32 v8;
	_ =	sdelay $0x1  }
0xbc: {  	[tilespmem:v7+s16+$0x0] =	vst.idx.add.f32.msk vm2, v8  }
0xbd: {  	v7 =	vld [tilespmem:s0+$0x470];
	_ =	sdelay $0x4  }
0xbe: {  	v8 =	vxor.u32 $0x80000000, v7  }
0xbf: {  	(xrf1) =	vsort.ascd.msk.u32 $0xffff, v8, v7;
	_ =	sdelay $0xd  }
0xc0: {  	v7, _, _ =	vpop (xrf1)  }
0xc1: {  	v7 =	vxor.u32 $0x80000000, v7  }
0xc2: {  	v8 =	vperm.xlane v7, v2;
	_ =	sdelay $0x1  }
0xc3: {  	vm2 =	vne.s32 v7, v8  }
0xc4: {  	v8 =	vsel vm2, v1, v4  }
0xc5: {  	v8 =	vperm.xlane v8, v5;
	_ =	sdelay $0x1  }
0xc6: {  	v8 =	vsel vm1, $0x10, v8  }
0xc7: {  	v8 =	vsub.s32 $0x0, v8  }
0xc8: {  	v8 =	vperm.xlane v8, v6;
	_ =	sdelay $0x1  }
0xc9: {  	v8 =	vxor.u32 $0x80000000, v8  }
0xca: {  	(xrf0) =	vmax.scan.msk.u32 $0xffff, v8;
	_ =	sdelay $0x5  }
0xcb: {  	v8, _, _ =	vpop (xrf0)  }
0xcc: {  	vm1 =	vmor vm2, vm0;
	v8 =	vxor.u32 $0x80000000, v8  }
0xcd: {  	p0 =	sne.s32 s31, $0xE00;
	v8 =	vperm.xlane v8, v6  }
.Ltmp1:
0xce: {  	_ = 	snop;
	(pc) =	sbr.rel @p0 .LBB2_5-.Ltmp1, $3  }
0xcf: {  	v8 =	vsub.s32 v3, v8  }
0xd0: {  	v8 =	vcvt.s32.f32 v8;
	_ =	sdelay $0x1  }
0xd1: {  	s31 =	sadd.s32 $0x200, s31;
	[tilespmem:v7+s16+$0x0] =	vst.idx.add.f32.msk vm1, v8  }
0xd2: {  	s0 =	simm.s32 $0x0  }
0xd3: {  	[tilespmem:s18], [sflag:$0x1] =	stream.indirect.gather [hbm4b:s1+s17], $0x40, s0, s17, $0xb8;
	[tilespmem:$0x1E000] =	vst v63  }
0xd4: {  	_ = 	snop  }
0xd5: {  	[tilespmem:s19], [sflag:$0x1] =	stream.indirect.gather [hbm4b:s1+s17], $0x40, s17, s17, $0xb8;
	[tilespmem:$0x1E000] =	vst v63  }
0xd6: {  	_ =	swait.ge [sflag:s20], $0x1000  }
0xd7: {  	[sflag:s20] =	ssyncset.done $0x0  }
0xd8: {  	s2 =	simm.s32 $0x0;
	[sflag:s20] =	ssyncadd.s32 $0xFFFFF000  }
0xd9: {  	[tilespmem:s22], [sflag:$0x1] =	stream.indirect.gather [hbm4b:s1+s17], $0x40, s21, s17, $0xb8;
	[tilespmem:$0x1E000] =	vst v63  }
0xda: {  	v7 =	vld [tilespmem:s2+$0x800];
	_ =	sdelay $0x4  }
0xdb: {  	s0 =	simm.s32 $0x3840;
	v8 =	vshll.u32 v7, $0x10  }
0xdc: {  	v7 =	vand.u32 $0xFFFF0000, v7;
	[tilespmem:s0+$0xFFFFFFC0] =	vst v8  }
0xdd: {  	[tilespmem:s0+$0xFFFFFFD0] =	vst v7  }
0xde: {  	v7 =	vld [tilespmem:s2+$0x810];
	_ =	sdelay $0x4  }
0xdf: {  	v8 =	vshll.u32 v7, $0x10  }
0xe0: {  	v7 =	vand.u32 $0xFFFF0000, v7;
	[tilespmem:s0+$0xFFFFFFE0] =	vst v8  }
0xe1: {  	[tilespmem:s0+$0xFFFFFFF0] =	vst v7  }
0xe2: {  	v7 =	vld [tilespmem:s2+$0x820];
	_ =	sdelay $0x4  }
0xe3: {  	v8 =	vand.u32 $0xFFFF0000, v7  }
0xe4: {  	v7 =	vshll.u32 v7, $0x10;
	[tilespmem:s0+$0x10] =	vst v8  }
0xe5: {  	[tilespmem:s0+$0x0] =	vst v7  }
0xe6: {  	v7 =	vld [tilespmem:s2+$0x830];
	_ =	sdelay $0x4  }
0xe7: {  	v8 =	vshll.u32 v7, $0x10  }
0xe8: {  	v7 =	vand.u32 $0xFFFF0000, v7;
	[tilespmem:s0+$0x20] =	vst v8  }
0xe9: {  	s31 =	simm.s32 $0x40;
	[tilespmem:s0+$0x30] =	vst v7  }
0xea: {  	v7 =	vld [tilespmem:s31+$0x800]  }
0xeb: {  	s2 =	simm.s32 $0x200  }
.LBB2_7:
0xec: {  	p0 =	sne.s32 s2, $0x3F00;
	_ =	sdelay $0x2  }
0xed: {  	s0 =	sadd.s32 $0x80, s0;
	v8 =	vshll.u32 v7, $0x10  }
0xee: {  	v7 =	vand.u32 $0xFFFF0000, v7;
	[tilespmem:s0+$0xFFFFFFC0] =	vst v8  }
0xef: {  	[tilespmem:s0+$0xFFFFFFD0] =	vst v7  }
0xf0: {  	v7 =	vld [tilespmem:s31+$0x810];
	_ =	sdelay $0x4  }
0xf1: {  	v8 =	vshll.u32 v7, $0x10  }
0xf2: {  	v7 =	vand.u32 $0xFFFF0000, v7;
	[tilespmem:s0+$0xFFFFFFE0] =	vst v8  }
0xf3: {  	[tilespmem:s0+$0xFFFFFFF0] =	vst v7  }
0xf4: {  	v7 =	vld [tilespmem:s31+$0x820];
	_ =	sdelay $0x4  }
0xf5: {  	v8 =	vshll.u32 v7, $0x10;
	v7 =	vand.u32 $0xFFFF0000, v7  }
0xf6: {  	[tilespmem:s0+$0x10] =	vst v7  }
0xf7: {  	[tilespmem:s0+$0x0] =	vst v8  }
0xf8: {  	v7 =	vld [tilespmem:s31+$0x830];
	_ =	sdelay $0x4  }
.Ltmp2:
0xf9: {  	v8 =	vshll.u32 v7, $0x10;
	v7 =	vand.u32 $0xFFFF0000, v7;
	(pc) =	sbr.rel @p0 .LBB2_7-.Ltmp2, $4  }
0xfa: {  	[tilespmem:s0+$0x20] =	vst v8  }
0xfb: {  	s31 =	sshra.s32 s2, $0x2;
	[tilespmem:s0+$0x30] =	vst v7  }
0xfc: {  	v7 =	vld [tilespmem:s31+$0x800]  }
0xfd: {  	s2 =	sadd.s32 $0x100, s2  }
0xfe: {  	_ =	sdelay $0x2  }
0xff: {  	s0 =	sadd.s32 $0x80, s0;
	v8 =	vshll.u32 v7, $0x10  }
0x100: {  	v7 =	vand.u32 $0xFFFF0000, v7;
	[tilespmem:s0+$0xFFFFFFC0] =	vst v8  }
0x101: {  	[tilespmem:s0+$0xFFFFFFD0] =	vst v7  }
0x102: {  	v7 =	vld [tilespmem:s31+$0x810];
	_ =	sdelay $0x4  }
0x103: {  	v8 =	vshll.u32 v7, $0x10  }
0x104: {  	v7 =	vand.u32 $0xFFFF0000, v7;
	[tilespmem:s0+$0xFFFFFFE0] =	vst v8  }
0x105: {  	[tilespmem:s0+$0xFFFFFFF0] =	vst v7  }
0x106: {  	v7 =	vld [tilespmem:s31+$0x820];
	_ =	sdelay $0x4  }
0x107: {  	v8 =	vand.u32 $0xFFFF0000, v7  }
0x108: {  	v7 =	vshll.u32 v7, $0x10;
	[tilespmem:s0+$0x10] =	vst v8  }
0x109: {  	[tilespmem:s0+$0x0] =	vst v7  }
0x10a: {  	v7 =	vld [tilespmem:s31+$0x830];
	_ =	sdelay $0x4  }
0x10b: {  	v8 =	vshll.u32 v7, $0x10  }
0x10c: {  	v7 =	vand.u32 $0xFFFF0000, v7;
	[tilespmem:s0+$0x20] =	vst v8  }
0x10d: {  	[tilespmem:s0+$0x30] =	vst v7  }
0x10e: {  	_ =	swait.ge [sflag:s20], $0x1000  }
0x10f: {  	[sflag:s20] =	ssyncset.done $0x0  }
0x110: {  	s2 =	simm.s32 $0xC0;
	[sflag:s20] =	ssyncadd.s32 $0xFFFFF000  }
0x111: {  	[tilespmem:s18], [sflag:$0x1] =	stream.indirect.gather [hbm4b:s1+s17], $0x40, s2, s17, $0xb8;
	[tilespmem:$0x1E000] =	vst v63  }
0x112: {  	s2 =	simm.s32 $0x0  }
0x113: {  	v7 =	vld [tilespmem:s2+$0x1800];
	_ =	sdelay $0x4  }
0x114: {  	s0 =	simm.s32 $0x5870;
	v8 =	vshll.u32 v7, $0x10  }
0x115: {  	v7 =	vand.u32 $0xFFFF0000, v7;
	[tilespmem:s0+$0xFFFFFF90] =	vst v8  }
0x116: {  	[tilespmem:s0+$0xFFFFFFA0] =	vst v7  }
0x117: {  	v7 =	vld [tilespmem:s2+$0x1810];
	_ =	sdelay $0x4  }
0x118: {  	v8 =	vshll.u32 v7, $0x10  }
0x119: {  	v7 =	vand.u32 $0xFFFF0000, v7;
	[tilespmem:s0+$0xFFFFFFB0] =	vst v8  }
0x11a: {  	[tilespmem:s0+$0xFFFFFFC0] =	vst v7  }
0x11b: {  	v7 =	vld [tilespmem:s2+$0x1820];
	_ =	sdelay $0x4  }
0x11c: {  	v8 =	vand.u32 $0xFFFF0000, v7  }
0x11d: {  	v7 =	vshll.u32 v7, $0x10;
	[tilespmem:s0+$0xFFFFFFE0] =	vst v8  }
0x11e: {  	[tilespmem:s0+$0xFFFFFFD0] =	vst v7  }
0x11f: {  	v7 =	vld [tilespmem:s2+$0x1830];
	_ =	sdelay $0x4  }
0x120: {  	v8 =	vshll.u32 v7, $0x10  }
0x121: {  	v7 =	vand.u32 $0xFFFF0000, v7;
	[tilespmem:s0+$0xFFFFFFF0] =	vst v8  }
0x122: {  	s31 =	simm.s32 $0x40;
	[tilespmem:s0+$0x0] =	vst v7  }
0x123: {  	v7 =	vld [tilespmem:s31+$0x1800]  }
0x124: {  	s2 =	simm.s32 $0x200  }
.LBB2_9:
0x125: {  	p0 =	sne.s32 s2, $0x3F00;
	_ =	sdelay $0x2  }
0x126: {  	s0 =	sadd.s32 $0x80, s0;
	v8 =	vshll.u32 v7, $0x10  }
0x127: {  	v7 =	vand.u32 $0xFFFF0000, v7;
	[tilespmem:s0+$0xFFFFFF90] =	vst v8  }
0x128: {  	[tilespmem:s0+$0xFFFFFFA0] =	vst v7  }
0x129: {  	v7 =	vld [tilespmem:s31+$0x1810];
	_ =	sdelay $0x4  }
0x12a: {  	v8 =	vshll.u32 v7, $0x10  }
0x12b: {  	v7 =	vand.u32 $0xFFFF0000, v7;
	[tilespmem:s0+$0xFFFFFFB0] =	vst v8  }
0x12c: {  	[tilespmem:s0+$0xFFFFFFC0] =	vst v7  }
0x12d: {  	v7 =	vld [tilespmem:s31+$0x1820];
	_ =	sdelay $0x4  }
0x12e: {  	v8 =	vshll.u32 v7, $0x10;
	v7 =	vand.u32 $0xFFFF0000, v7  }
0x12f: {  	[tilespmem:s0+$0xFFFFFFE0] =	vst v7  }
0x130: {  	[tilespmem:s0+$0xFFFFFFD0] =	vst v8  }
0x131: {  	v7 =	vld [tilespmem:s31+$0x1830];
	_ =	sdelay $0x4  }
.Ltmp3:
0x132: {  	v8 =	vshll.u32 v7, $0x10;
	v7 =	vand.u32 $0xFFFF0000, v7;
	(pc) =	sbr.rel @p0 .LBB2_9-.Ltmp3, $4  }
0x133: {  	[tilespmem:s0+$0xFFFFFFF0] =	vst v8  }
0x134: {  	s31 =	sshra.s32 s2, $0x2;
	[tilespmem:s0+$0x0] =	vst v7  }
0x135: {  	v7 =	vld [tilespmem:s31+$0x1800]  }
0x136: {  	s2 =	sadd.s32 $0x100, s2  }
0x137: {  	_ =	sdelay $0x2  }
0x138: {  	s0 =	sadd.s32 $0x80, s0;
	v8 =	vshll.u32 v7, $0x10  }
0x139: {  	v7 =	vand.u32 $0xFFFF0000, v7;
	[tilespmem:s0+$0xFFFFFF90] =	vst v8  }
0x13a: {  	[tilespmem:s0+$0xFFFFFFA0] =	vst v7  }
0x13b: {  	v7 =	vld [tilespmem:s31+$0x1810];
	_ =	sdelay $0x4  }
0x13c: {  	v8 =	vshll.u32 v7, $0x10  }
0x13d: {  	v7 =	vand.u32 $0xFFFF0000, v7;
	[tilespmem:s0+$0xFFFFFFB0] =	vst v8  }
0x13e: {  	[tilespmem:s0+$0xFFFFFFC0] =	vst v7  }
0x13f: {  	v7 =	vld [tilespmem:s31+$0x1820];
	_ =	sdelay $0x4  }
0x140: {  	v8 =	vand.u32 $0xFFFF0000, v7  }
0x141: {  	v7 =	vshll.u32 v7, $0x10;
	[tilespmem:s0+$0xFFFFFFE0] =	vst v8  }
0x142: {  	[tilespmem:s0+$0xFFFFFFD0] =	vst v7  }
0x143: {  	v7 =	vld [tilespmem:s31+$0x1830];
	_ =	sdelay $0x4  }
0x144: {  	v8 =	vshll.u32 v7, $0x10  }
0x145: {  	v7 =	vand.u32 $0xFFFF0000, v7;
	[tilespmem:s0+$0xFFFFFFF0] =	vst v8  }
0x146: {  	[tilespmem:s0+$0x0] =	vst v7  }
0x147: {  	[spmem:s3] =	stream.indirect.scatter.add.f32 [tilespmem:s24], [sflag:$0x2], $0x80, s15, s21, $0xb8;
	[tilespmem:$0x1E000] =	vst v63  }
0x148: {  	_ =	swait.ge [sflag:s14], $0x4000  }
0x149: {  	[sflag:s14] =	ssyncset.done $0x0  }
0x14a: {  	[sflag:s14] =	ssyncadd.s32 $0xFFFFC000  }
0x14b: {  	_ =	swait.ge [sflag:s20], $0x1000  }
0x14c: {  	[sflag:s20] =	ssyncset.done $0x0  }
0x14d: {  	s2 =	simm.s32 $0x100;
	[sflag:s20] =	ssyncadd.s32 $0xFFFFF000  }
0x14e: {  	[tilespmem:s19], [sflag:$0x1] =	stream.indirect.gather [hbm4b:s1+s17], $0x40, s2, s17, $0xb8;
	[tilespmem:$0x1E000] =	vst v63  }
0x14f: {  	s2 =	simm.s32 $0x0  }
0x150: {  	v7 =	vld [tilespmem:s2+$0x2800];
	_ =	sdelay $0x4  }
0x151: {  	s0 =	simm.s32 $0x3840;
	v8 =	vshll.u32 v7, $0x10  }
0x152: {  	v7 =	vand.u32 $0xFFFF0000, v7;
	[tilespmem:s0+$0xFFFFFFC0] =	vst v8  }
0x153: {  	[tilespmem:s0+$0xFFFFFFD0] =	vst v7  }
0x154: {  	v7 =	vld [tilespmem:s2+$0x2810];
	_ =	sdelay $0x4  }
0x155: {  	v8 =	vshll.u32 v7, $0x10  }
0x156: {  	v7 =	vand.u32 $0xFFFF0000, v7;
	[tilespmem:s0+$0xFFFFFFE0] =	vst v8  }
0x157: {  	[tilespmem:s0+$0xFFFFFFF0] =	vst v7  }
0x158: {  	v7 =	vld [tilespmem:s2+$0x2820];
	_ =	sdelay $0x4  }
0x159: {  	v8 =	vand.u32 $0xFFFF0000, v7  }
0x15a: {  	v7 =	vshll.u32 v7, $0x10;
	[tilespmem:s0+$0x10] =	vst v8  }
0x15b: {  	[tilespmem:s0+$0x0] =	vst v7  }
0x15c: {  	v7 =	vld [tilespmem:s2+$0x2830];
	_ =	sdelay $0x4  }
0x15d: {  	v8 =	vshll.u32 v7, $0x10  }
0x15e: {  	v7 =	vand.u32 $0xFFFF0000, v7;
	[tilespmem:s0+$0x20] =	vst v8  }
0x15f: {  	s31 =	simm.s32 $0x40;
	[tilespmem:s0+$0x30] =	vst v7  }
0x160: {  	v7 =	vld [tilespmem:s31+$0x2800]  }
0x161: {  	s2 =	simm.s32 $0x200  }
.LBB2_11:
0x162: {  	p0 =	sne.s32 s2, $0x3F00;
	_ =	sdelay $0x2  }
0x163: {  	s0 =	sadd.s32 $0x80, s0;
	v8 =	vshll.u32 v7, $0x10  }
0x164: {  	v7 =	vand.u32 $0xFFFF0000, v7;
	[tilespmem:s0+$0xFFFFFFC0] =	vst v8  }
0x165: {  	[tilespmem:s0+$0xFFFFFFD0] =	vst v7  }
0x166: {  	v7 =	vld [tilespmem:s31+$0x2810];
	_ =	sdelay $0x4  }
0x167: {  	v8 =	vshll.u32 v7, $0x10  }
0x168: {  	v7 =	vand.u32 $0xFFFF0000, v7;
	[tilespmem:s0+$0xFFFFFFE0] =	vst v8  }
0x169: {  	[tilespmem:s0+$0xFFFFFFF0] =	vst v7  }
0x16a: {  	v7 =	vld [tilespmem:s31+$0x2820];
	_ =	sdelay $0x4  }
0x16b: {  	v8 =	vshll.u32 v7, $0x10;
	v7 =	vand.u32 $0xFFFF0000, v7  }
0x16c: {  	[tilespmem:s0+$0x10] =	vst v7  }
0x16d: {  	[tilespmem:s0+$0x0] =	vst v8  }
0x16e: {  	v7 =	vld [tilespmem:s31+$0x2830];
	_ =	sdelay $0x4  }
.Ltmp4:
0x16f: {  	v8 =	vshll.u32 v7, $0x10;
	v7 =	vand.u32 $0xFFFF0000, v7;
	(pc) =	sbr.rel @p0 .LBB2_11-.Ltmp4, $4  }
0x170: {  	[tilespmem:s0+$0x20] =	vst v8  }
0x171: {  	s31 =	sshra.s32 s2, $0x2;
	[tilespmem:s0+$0x30] =	vst v7  }
0x172: {  	v7 =	vld [tilespmem:s31+$0x2800]  }
0x173: {  	s2 =	sadd.s32 $0x100, s2  }
0x174: {  	_ =	sdelay $0x2  }
0x175: {  	s0 =	sadd.s32 $0x80, s0;
	v8 =	vshll.u32 v7, $0x10  }
0x176: {  	v7 =	vand.u32 $0xFFFF0000, v7;
	[tilespmem:s0+$0xFFFFFFC0] =	vst v8  }
0x177: {  	[tilespmem:s0+$0xFFFFFFD0] =	vst v7  }
0x178: {  	v7 =	vld [tilespmem:s31+$0x2810];
	_ =	sdelay $0x4  }
0x179: {  	v8 =	vshll.u32 v7, $0x10  }
0x17a: {  	v7 =	vand.u32 $0xFFFF0000, v7;
	[tilespmem:s0+$0xFFFFFFE0] =	vst v8  }
0x17b: {  	[tilespmem:s0+$0xFFFFFFF0] =	vst v7  }
0x17c: {  	v7 =	vld [tilespmem:s31+$0x2820];
	_ =	sdelay $0x4  }
0x17d: {  	v8 =	vand.u32 $0xFFFF0000, v7  }
0x17e: {  	v7 =	vshll.u32 v7, $0x10;
	[tilespmem:s0+$0x10] =	vst v8  }
0x17f: {  	[tilespmem:s0+$0x0] =	vst v7  }
0x180: {  	v7 =	vld [tilespmem:s31+$0x2830];
	_ =	sdelay $0x4  }
0x181: {  	v8 =	vshll.u32 v7, $0x10  }
0x182: {  	v7 =	vand.u32 $0xFFFF0000, v7;
	[tilespmem:s0+$0x20] =	vst v8  }
0x183: {  	[tilespmem:s0+$0x30] =	vst v7  }
0x184: {  	_ =	swait.ge [sflag:s20], $0x1000  }
0x185: {  	[sflag:s20] =	ssyncset.done $0x0  }
0x186: {  	s2 =	simm.s32 $0x140;
	[sflag:s20] =	ssyncadd.s32 $0xFFFFF000  }
0x187: {  	[tilespmem:s22], [sflag:$0x1] =	stream.indirect.gather [hbm4b:s1+s17], $0x40, s2, s17, $0xb8;
	[tilespmem:$0x1E000] =	vst v63  }
0x188: {  	s2 =	simm.s32 $0x0  }
0x189: {  	v7 =	vld [tilespmem:s2+$0x800];
	_ =	sdelay $0x4  }
0x18a: {  	s0 =	simm.s32 $0x5870;
	v8 =	vshll.u32 v7, $0x10  }
0x18b: {  	v7 =	vand.u32 $0xFFFF0000, v7;
	[tilespmem:s0+$0xFFFFFF90] =	vst v8  }
0x18c: {  	[tilespmem:s0+$0xFFFFFFA0] =	vst v7  }
0x18d: {  	v7 =	vld [tilespmem:s2+$0x810];
	_ =	sdelay $0x4  }
0x18e: {  	v8 =	vshll.u32 v7, $0x10  }
0x18f: {  	v7 =	vand.u32 $0xFFFF0000, v7;
	[tilespmem:s0+$0xFFFFFFB0] =	vst v8  }
0x190: {  	[tilespmem:s0+$0xFFFFFFC0] =	vst v7  }
0x191: {  	v7 =	vld [tilespmem:s2+$0x820];
	_ =	sdelay $0x4  }
0x192: {  	v8 =	vand.u32 $0xFFFF0000, v7  }
0x193: {  	v7 =	vshll.u32 v7, $0x10;
	[tilespmem:s0+$0xFFFFFFE0] =	vst v8  }
0x194: {  	[tilespmem:s0+$0xFFFFFFD0] =	vst v7  }
0x195: {  	v7 =	vld [tilespmem:s2+$0x830];
	_ =	sdelay $0x4  }
0x196: {  	v8 =	vshll.u32 v7, $0x10  }
0x197: {  	v7 =	vand.u32 $0xFFFF0000, v7;
	[tilespmem:s0+$0xFFFFFFF0] =	vst v8  }
0x198: {  	s31 =	simm.s32 $0x40;
	[tilespmem:s0+$0x0] =	vst v7  }
0x199: {  	v7 =	vld [tilespmem:s31+$0x800]  }
0x19a: {  	s2 =	simm.s32 $0x200  }
.LBB2_13:
0x19b: {  	p0 =	sne.s32 s2, $0x3F00;
	_ =	sdelay $0x2  }
0x19c: {  	s0 =	sadd.s32 $0x80, s0;
	v8 =	vshll.u32 v7, $0x10  }
0x19d: {  	v7 =	vand.u32 $0xFFFF0000, v7;
	[tilespmem:s0+$0xFFFFFF90] =	vst v8  }
0x19e: {  	[tilespmem:s0+$0xFFFFFFA0] =	vst v7  }
0x19f: {  	v7 =	vld [tilespmem:s31+$0x810];
	_ =	sdelay $0x4  }
0x1a0: {  	v8 =	vshll.u32 v7, $0x10  }
0x1a1: {  	v7 =	vand.u32 $0xFFFF0000, v7;
	[tilespmem:s0+$0xFFFFFFB0] =	vst v8  }
0x1a2: {  	[tilespmem:s0+$0xFFFFFFC0] =	vst v7  }
0x1a3: {  	v7 =	vld [tilespmem:s31+$0x820];
	_ =	sdelay $0x4  }
0x1a4: {  	v8 =	vshll.u32 v7, $0x10;
	v7 =	vand.u32 $0xFFFF0000, v7  }
0x1a5: {  	[tilespmem:s0+$0xFFFFFFE0] =	vst v7  }
0x1a6: {  	[tilespmem:s0+$0xFFFFFFD0] =	vst v8  }
0x1a7: {  	v7 =	vld [tilespmem:s31+$0x830];
	_ =	sdelay $0x4  }
.Ltmp5:
0x1a8: {  	v8 =	vshll.u32 v7, $0x10;
	v7 =	vand.u32 $0xFFFF0000, v7;
	(pc) =	sbr.rel @p0 .LBB2_13-.Ltmp5, $4  }
0x1a9: {  	[tilespmem:s0+$0xFFFFFFF0] =	vst v8  }
0x1aa: {  	s31 =	sshra.s32 s2, $0x2;
	[tilespmem:s0+$0x0] =	vst v7  }
0x1ab: {  	v7 =	vld [tilespmem:s31+$0x800]  }
0x1ac: {  	s2 =	sadd.s32 $0x100, s2  }
0x1ad: {  	_ =	sdelay $0x2  }
0x1ae: {  	s0 =	sadd.s32 $0x80, s0;
	v8 =	vshll.u32 v7, $0x10  }
0x1af: {  	v7 =	vand.u32 $0xFFFF0000, v7;
	[tilespmem:s0+$0xFFFFFF90] =	vst v8  }
0x1b0: {  	[tilespmem:s0+$0xFFFFFFA0] =	vst v7  }
0x1b1: {  	v7 =	vld [tilespmem:s31+$0x810];
	_ =	sdelay $0x4  }
0x1b2: {  	v8 =	vshll.u32 v7, $0x10  }
0x1b3: {  	v7 =	vand.u32 $0xFFFF0000, v7;
	[tilespmem:s0+$0xFFFFFFB0] =	vst v8  }
0x1b4: {  	[tilespmem:s0+$0xFFFFFFC0] =	vst v7  }
0x1b5: {  	v7 =	vld [tilespmem:s31+$0x820];
	_ =	sdelay $0x4  }
0x1b6: {  	v8 =	vand.u32 $0xFFFF0000, v7  }
0x1b7: {  	v7 =	vshll.u32 v7, $0x10;
	[tilespmem:s0+$0xFFFFFFE0] =	vst v8  }
0x1b8: {  	[tilespmem:s0+$0xFFFFFFD0] =	vst v7  }
0x1b9: {  	v7 =	vld [tilespmem:s31+$0x830];
	_ =	sdelay $0x4  }
0x1ba: {  	v8 =	vshll.u32 v7, $0x10  }
0x1bb: {  	v7 =	vand.u32 $0xFFFF0000, v7;
	[tilespmem:s0+$0xFFFFFFF0] =	vst v8  }
0x1bc: {  	s2 =	simm.s32 $0x480;
	[tilespmem:s0+$0x0] =	vst v7  }
0x1bd: {  	[spmem:s3] =	stream.indirect.scatter.add.f32 [tilespmem:s24], [sflag:$0x2], $0x80, s2, s21, $0xb8;
	[tilespmem:$0x1E000] =	vst v63  }
0x1be: {  	_ =	swait.ge [sflag:s14], $0x4000  }
0x1bf: {  	[sflag:s14] =	ssyncset.done $0x0  }
0x1c0: {  	[sflag:s14] =	ssyncadd.s32 $0xFFFFC000  }
0x1c1: {  	_ =	swait.ge [sflag:s20], $0x1000  }
0x1c2: {  	[sflag:s20] =	ssyncset.done $0x0  }
0x1c3: {  	s2 =	simm.s32 $0x180;
	[sflag:s20] =	ssyncadd.s32 $0xFFFFF000  }
0x1c4: {  	[tilespmem:s18], [sflag:$0x1] =	stream.indirect.gather [hbm4b:s1+s17], $0x40, s2, s17, $0xb8;
	[tilespmem:$0x1E000] =	vst v63  }
0x1c5: {  	s2 =	simm.s32 $0x0  }
0x1c6: {  	v7 =	vld [tilespmem:s2+$0x1800];
	_ =	sdelay $0x4  }
0x1c7: {  	s0 =	simm.s32 $0x3840;
	v8 =	vshll.u32 v7, $0x10  }
0x1c8: {  	v7 =	vand.u32 $0xFFFF0000, v7;
	[tilespmem:s0+$0xFFFFFFC0] =	vst v8  }
0x1c9: {  	[tilespmem:s0+$0xFFFFFFD0] =	vst v7  }
0x1ca: {  	v7 =	vld [tilespmem:s2+$0x1810];
	_ =	sdelay $0x4  }
0x1cb: {  	v8 =	vshll.u32 v7, $0x10  }
0x1cc: {  	v7 =	vand.u32 $0xFFFF0000, v7;
	[tilespmem:s0+$0xFFFFFFE0] =	vst v8  }
0x1cd: {  	[tilespmem:s0+$0xFFFFFFF0] =	vst v7  }
0x1ce: {  	v7 =	vld [tilespmem:s2+$0x1820];
	_ =	sdelay $0x4  }
0x1cf: {  	v8 =	vand.u32 $0xFFFF0000, v7  }
0x1d0: {  	v7 =	vshll.u32 v7, $0x10;
	[tilespmem:s0+$0x10] =	vst v8  }
0x1d1: {  	[tilespmem:s0+$0x0] =	vst v7  }
0x1d2: {  	v7 =	vld [tilespmem:s2+$0x1830];
	_ =	sdelay $0x4  }
0x1d3: {  	v8 =	vshll.u32 v7, $0x10  }
0x1d4: {  	v7 =	vand.u32 $0xFFFF0000, v7;
	[tilespmem:s0+$0x20] =	vst v8  }
0x1d5: {  	s31 =	simm.s32 $0x40;
	[tilespmem:s0+$0x30] =	vst v7  }
0x1d6: {  	v7 =	vld [tilespmem:s31+$0x1800]  }
0x1d7: {  	s2 =	simm.s32 $0x200  }
.LBB2_15:
0x1d8: {  	p0 =	sne.s32 s2, $0x3F00;
	_ =	sdelay $0x2  }
0x1d9: {  	s0 =	sadd.s32 $0x80, s0;
	v8 =	vshll.u32 v7, $0x10  }
0x1da: {  	v7 =	vand.u32 $0xFFFF0000, v7;
	[tilespmem:s0+$0xFFFFFFC0] =	vst v8  }
0x1db: {  	[tilespmem:s0+$0xFFFFFFD0] =	vst v7  }
0x1dc: {  	v7 =	vld [tilespmem:s31+$0x1810];
	_ =	sdelay $0x4  }
0x1dd: {  	v8 =	vshll.u32 v7, $0x10  }
0x1de: {  	v7 =	vand.u32 $0xFFFF0000, v7;
	[tilespmem:s0+$0xFFFFFFE0] =	vst v8  }
0x1df: {  	[tilespmem:s0+$0xFFFFFFF0] =	vst v7  }
0x1e0: {  	v7 =	vld [tilespmem:s31+$0x1820];
	_ =	sdelay $0x4  }
0x1e1: {  	v8 =	vshll.u32 v7, $0x10;
	v7 =	vand.u32 $0xFFFF0000, v7  }
0x1e2: {  	[tilespmem:s0+$0x10] =	vst v7  }
0x1e3: {  	[tilespmem:s0+$0x0] =	vst v8  }
0x1e4: {  	v7 =	vld [tilespmem:s31+$0x1830];
	_ =	sdelay $0x4  }
.Ltmp6:
0x1e5: {  	v8 =	vshll.u32 v7, $0x10;
	v7 =	vand.u32 $0xFFFF0000, v7;
	(pc) =	sbr.rel @p0 .LBB2_15-.Ltmp6, $4  }
0x1e6: {  	[tilespmem:s0+$0x20] =	vst v8  }
0x1e7: {  	s31 =	sshra.s32 s2, $0x2;
	[tilespmem:s0+$0x30] =	vst v7  }
0x1e8: {  	v7 =	vld [tilespmem:s31+$0x1800]  }
0x1e9: {  	s2 =	sadd.s32 $0x100, s2  }
0x1ea: {  	_ =	sdelay $0x2  }
0x1eb: {  	s0 =	sadd.s32 $0x80, s0;
	v8 =	vshll.u32 v7, $0x10  }
0x1ec: {  	v7 =	vand.u32 $0xFFFF0000, v7;
	[tilespmem:s0+$0xFFFFFFC0] =	vst v8  }
0x1ed: {  	[tilespmem:s0+$0xFFFFFFD0] =	vst v7  }
0x1ee: {  	v7 =	vld [tilespmem:s31+$0x1810];
	_ =	sdelay $0x4  }
0x1ef: {  	v8 =	vshll.u32 v7, $0x10  }
0x1f0: {  	v7 =	vand.u32 $0xFFFF0000, v7;
	[tilespmem:s0+$0xFFFFFFE0] =	vst v8  }
0x1f1: {  	[tilespmem:s0+$0xFFFFFFF0] =	vst v7  }
0x1f2: {  	v7 =	vld [tilespmem:s31+$0x1820];
	_ =	sdelay $0x4  }
0x1f3: {  	v8 =	vand.u32 $0xFFFF0000, v7  }
0x1f4: {  	v7 =	vshll.u32 v7, $0x10;
	[tilespmem:s0+$0x10] =	vst v8  }
0x1f5: {  	[tilespmem:s0+$0x0] =	vst v7  }
0x1f6: {  	v7 =	vld [tilespmem:s31+$0x1830];
	_ =	sdelay $0x4  }
0x1f7: {  	v8 =	vshll.u32 v7, $0x10  }
0x1f8: {  	v7 =	vand.u32 $0xFFFF0000, v7;
	[tilespmem:s0+$0x20] =	vst v8  }
0x1f9: {  	[tilespmem:s0+$0x30] =	vst v7  }
0x1fa: {  	_ =	swait.ge [sflag:s20], $0x1000  }
0x1fb: {  	[sflag:s20] =	ssyncset.done $0x0  }
0x1fc: {  	s2 =	simm.s32 $0x1C0;
	[sflag:s20] =	ssyncadd.s32 $0xFFFFF000  }
0x1fd: {  	[tilespmem:s19], [sflag:$0x1] =	stream.indirect.gather [hbm4b:s1+s17], $0x40, s2, s17, $0xb8;
	[tilespmem:$0x1E000] =	vst v63  }
0x1fe: {  	s2 =	simm.s32 $0x0  }
0x1ff: {  	v7 =	vld [tilespmem:s2+$0x2800];
	_ =	sdelay $0x4  }
0x200: {  	s0 =	simm.s32 $0x5870;
	v8 =	vshll.u32 v7, $0x10  }
0x201: {  	v7 =	vand.u32 $0xFFFF0000, v7;
	[tilespmem:s0+$0xFFFFFF90] =	vst v8  }
0x202: {  	[tilespmem:s0+$0xFFFFFFA0] =	vst v7  }
0x203: {  	v7 =	vld [tilespmem:s2+$0x2810];
	_ =	sdelay $0x4  }
0x204: {  	v8 =	vshll.u32 v7, $0x10  }
0x205: {  	v7 =	vand.u32 $0xFFFF0000, v7;
	[tilespmem:s0+$0xFFFFFFB0] =	vst v8  }
0x206: {  	[tilespmem:s0+$0xFFFFFFC0] =	vst v7  }
0x207: {  	v7 =	vld [tilespmem:s2+$0x2820];
	_ =	sdelay $0x4  }
0x208: {  	v8 =	vand.u32 $0xFFFF0000, v7  }
0x209: {  	v7 =	vshll.u32 v7, $0x10;
	[tilespmem:s0+$0xFFFFFFE0] =	vst v8  }
0x20a: {  	[tilespmem:s0+$0xFFFFFFD0] =	vst v7  }
0x20b: {  	v7 =	vld [tilespmem:s2+$0x2830];
	_ =	sdelay $0x4  }
0x20c: {  	v8 =	vshll.u32 v7, $0x10  }
0x20d: {  	v7 =	vand.u32 $0xFFFF0000, v7;
	[tilespmem:s0+$0xFFFFFFF0] =	vst v8  }
0x20e: {  	s31 =	simm.s32 $0x40;
	[tilespmem:s0+$0x0] =	vst v7  }
0x20f: {  	v7 =	vld [tilespmem:s31+$0x2800]  }
0x210: {  	s2 =	simm.s32 $0x200  }
.LBB2_17:
0x211: {  	p0 =	sne.s32 s2, $0x3F00;
	_ =	sdelay $0x2  }
0x212: {  	s0 =	sadd.s32 $0x80, s0;
	v8 =	vshll.u32 v7, $0x10  }
0x213: {  	v7 =	vand.u32 $0xFFFF0000, v7;
	[tilespmem:s0+$0xFFFFFF90] =	vst v8  }
0x214: {  	[tilespmem:s0+$0xFFFFFFA0] =	vst v7  }
0x215: {  	v7 =	vld [tilespmem:s31+$0x2810];
	_ =	sdelay $0x4  }
0x216: {  	v8 =	vshll.u32 v7, $0x10  }
0x217: {  	v7 =	vand.u32 $0xFFFF0000, v7;
	[tilespmem:s0+$0xFFFFFFB0] =	vst v8  }
0x218: {  	[tilespmem:s0+$0xFFFFFFC0] =	vst v7  }
0x219: {  	v7 =	vld [tilespmem:s31+$0x2820];
	_ =	sdelay $0x4  }
0x21a: {  	v8 =	vshll.u32 v7, $0x10;
	v7 =	vand.u32 $0xFFFF0000, v7  }
0x21b: {  	[tilespmem:s0+$0xFFFFFFE0] =	vst v7  }
0x21c: {  	[tilespmem:s0+$0xFFFFFFD0] =	vst v8  }
0x21d: {  	v7 =	vld [tilespmem:s31+$0x2830];
	_ =	sdelay $0x4  }
.Ltmp7:
0x21e: {  	v8 =	vshll.u32 v7, $0x10;
	v7 =	vand.u32 $0xFFFF0000, v7;
	(pc) =	sbr.rel @p0 .LBB2_17-.Ltmp7, $4  }
0x21f: {  	[tilespmem:s0+$0xFFFFFFF0] =	vst v8  }
0x220: {  	s31 =	sshra.s32 s2, $0x2;
	[tilespmem:s0+$0x0] =	vst v7  }
0x221: {  	v7 =	vld [tilespmem:s31+$0x2800]  }
0x222: {  	s2 =	sadd.s32 $0x100, s2  }
0x223: {  	_ =	sdelay $0x2  }
0x224: {  	s0 =	sadd.s32 $0x80, s0;
	v8 =	vshll.u32 v7, $0x10  }
0x225: {  	v7 =	vand.u32 $0xFFFF0000, v7;
	[tilespmem:s0+$0xFFFFFF90] =	vst v8  }
0x226: {  	[tilespmem:s0+$0xFFFFFFA0] =	vst v7  }
0x227: {  	v7 =	vld [tilespmem:s31+$0x2810];
	_ =	sdelay $0x4  }
0x228: {  	v8 =	vshll.u32 v7, $0x10  }
0x229: {  	v7 =	vand.u32 $0xFFFF0000, v7;
	[tilespmem:s0+$0xFFFFFFB0] =	vst v8  }
0x22a: {  	[tilespmem:s0+$0xFFFFFFC0] =	vst v7  }
0x22b: {  	v7 =	vld [tilespmem:s31+$0x2820];
	_ =	sdelay $0x4  }
0x22c: {  	v8 =	vand.u32 $0xFFFF0000, v7  }
0x22d: {  	v7 =	vshll.u32 v7, $0x10;
	[tilespmem:s0+$0xFFFFFFE0] =	vst v8  }
0x22e: {  	[tilespmem:s0+$0xFFFFFFD0] =	vst v7  }
0x22f: {  	v7 =	vld [tilespmem:s31+$0x2830];
	_ =	sdelay $0x4  }
0x230: {  	v8 =	vshll.u32 v7, $0x10  }
0x231: {  	v7 =	vand.u32 $0xFFFF0000, v7;
	[tilespmem:s0+$0xFFFFFFF0] =	vst v8  }
0x232: {  	s2 =	simm.s32 $0x500;
	[tilespmem:s0+$0x0] =	vst v7  }
0x233: {  	[spmem:s3] =	stream.indirect.scatter.add.f32 [tilespmem:s24], [sflag:$0x2], $0x80, s2, s21, $0xb8;
	[tilespmem:$0x1E000] =	vst v63  }
0x234: {  	_ =	swait.ge [sflag:s14], $0x4000  }
0x235: {  	[sflag:s14] =	ssyncset.done $0x0  }
0x236: {  	[sflag:s14] =	ssyncadd.s32 $0xFFFFC000  }
0x237: {  	_ =	swait.ge [sflag:s20], $0x1000  }
0x238: {  	[sflag:s20] =	ssyncset.done $0x0  }
0x239: {  	s2 =	simm.s32 $0x200;
	[sflag:s20] =	ssyncadd.s32 $0xFFFFF000  }
0x23a: {  	[tilespmem:s22], [sflag:$0x1] =	stream.indirect.gather [hbm4b:s1+s17], $0x40, s2, s17, $0xb8;
	[tilespmem:$0x1E000] =	vst v63  }
0x23b: {  	s2 =	simm.s32 $0x0  }
0x23c: {  	v7 =	vld [tilespmem:s2+$0x800];
	_ =	sdelay $0x4  }
0x23d: {  	s0 =	simm.s32 $0x3840;
	v8 =	vshll.u32 v7, $0x10  }
0x23e: {  	v7 =	vand.u32 $0xFFFF0000, v7;
	[tilespmem:s0+$0xFFFFFFC0] =	vst v8  }
0x23f: {  	[tilespmem:s0+$0xFFFFFFD0] =	vst v7  }
0x240: {  	v7 =	vld [tilespmem:s2+$0x810];
	_ =	sdelay $0x4  }
0x241: {  	v8 =	vshll.u32 v7, $0x10  }
0x242: {  	v7 =	vand.u32 $0xFFFF0000, v7;
	[tilespmem:s0+$0xFFFFFFE0] =	vst v8  }
0x243: {  	[tilespmem:s0+$0xFFFFFFF0] =	vst v7  }
0x244: {  	v7 =	vld [tilespmem:s2+$0x820];
	_ =	sdelay $0x4  }
0x245: {  	v8 =	vand.u32 $0xFFFF0000, v7  }
0x246: {  	v7 =	vshll.u32 v7, $0x10;
	[tilespmem:s0+$0x10] =	vst v8  }
0x247: {  	[tilespmem:s0+$0x0] =	vst v7  }
0x248: {  	v7 =	vld [tilespmem:s2+$0x830];
	_ =	sdelay $0x4  }
0x249: {  	v8 =	vshll.u32 v7, $0x10  }
0x24a: {  	v7 =	vand.u32 $0xFFFF0000, v7;
	[tilespmem:s0+$0x20] =	vst v8  }
0x24b: {  	s31 =	simm.s32 $0x40;
	[tilespmem:s0+$0x30] =	vst v7  }
0x24c: {  	v7 =	vld [tilespmem:s31+$0x800]  }
0x24d: {  	s2 =	simm.s32 $0x200  }
.LBB2_19:
0x24e: {  	p0 =	sne.s32 s2, $0x3F00;
	_ =	sdelay $0x2  }
0x24f: {  	s0 =	sadd.s32 $0x80, s0;
	v8 =	vshll.u32 v7, $0x10  }
0x250: {  	v7 =	vand.u32 $0xFFFF0000, v7;
	[tilespmem:s0+$0xFFFFFFC0] =	vst v8  }
0x251: {  	[tilespmem:s0+$0xFFFFFFD0] =	vst v7  }
0x252: {  	v7 =	vld [tilespmem:s31+$0x810];
	_ =	sdelay $0x4  }
0x253: {  	v8 =	vshll.u32 v7, $0x10  }
0x254: {  	v7 =	vand.u32 $0xFFFF0000, v7;
	[tilespmem:s0+$0xFFFFFFE0] =	vst v8  }
0x255: {  	[tilespmem:s0+$0xFFFFFFF0] =	vst v7  }
0x256: {  	v7 =	vld [tilespmem:s31+$0x820];
	_ =	sdelay $0x4  }
0x257: {  	v8 =	vshll.u32 v7, $0x10;
	v7 =	vand.u32 $0xFFFF0000, v7  }
0x258: {  	[tilespmem:s0+$0x10] =	vst v7  }
0x259: {  	[tilespmem:s0+$0x0] =	vst v8  }
0x25a: {  	v7 =	vld [tilespmem:s31+$0x830];
	_ =	sdelay $0x4  }
.Ltmp8:
0x25b: {  	v8 =	vshll.u32 v7, $0x10;
	v7 =	vand.u32 $0xFFFF0000, v7;
	(pc) =	sbr.rel @p0 .LBB2_19-.Ltmp8, $4  }
0x25c: {  	[tilespmem:s0+$0x20] =	vst v8  }
0x25d: {  	s31 =	sshra.s32 s2, $0x2;
	[tilespmem:s0+$0x30] =	vst v7  }
0x25e: {  	v7 =	vld [tilespmem:s31+$0x800]  }
0x25f: {  	s2 =	sadd.s32 $0x100, s2  }
0x260: {  	_ =	sdelay $0x2  }
0x261: {  	s0 =	sadd.s32 $0x80, s0;
	v8 =	vshll.u32 v7, $0x10  }
0x262: {  	v7 =	vand.u32 $0xFFFF0000, v7;
	[tilespmem:s0+$0xFFFFFFC0] =	vst v8  }
0x263: {  	[tilespmem:s0+$0xFFFFFFD0] =	vst v7  }
0x264: {  	v7 =	vld [tilespmem:s31+$0x810];
	_ =	sdelay $0x4  }
0x265: {  	v8 =	vshll.u32 v7, $0x10  }
0x266: {  	v7 =	vand.u32 $0xFFFF0000, v7;
	[tilespmem:s0+$0xFFFFFFE0] =	vst v8  }
0x267: {  	[tilespmem:s0+$0xFFFFFFF0] =	vst v7  }
0x268: {  	v7 =	vld [tilespmem:s31+$0x820];
	_ =	sdelay $0x4  }
0x269: {  	v8 =	vand.u32 $0xFFFF0000, v7  }
0x26a: {  	v7 =	vshll.u32 v7, $0x10;
	[tilespmem:s0+$0x10] =	vst v8  }
0x26b: {  	[tilespmem:s0+$0x0] =	vst v7  }
0x26c: {  	v7 =	vld [tilespmem:s31+$0x830];
	_ =	sdelay $0x4  }
0x26d: {  	v8 =	vshll.u32 v7, $0x10  }
0x26e: {  	v7 =	vand.u32 $0xFFFF0000, v7;
	[tilespmem:s0+$0x20] =	vst v8  }
0x26f: {  	[tilespmem:s0+$0x30] =	vst v7  }
0x270: {  	_ =	swait.ge [sflag:s20], $0x1000  }
0x271: {  	[sflag:s20] =	ssyncset.done $0x0  }
0x272: {  	s2 =	simm.s32 $0x240;
	[sflag:s20] =	ssyncadd.s32 $0xFFFFF000  }
0x273: {  	[tilespmem:s18], [sflag:$0x1] =	stream.indirect.gather [hbm4b:s1+s17], $0x40, s2, s17, $0xb8;
	[tilespmem:$0x1E000] =	vst v63  }
0x274: {  	s2 =	simm.s32 $0x0  }
0x275: {  	v7 =	vld [tilespmem:s2+$0x1800];
	_ =	sdelay $0x4  }
0x276: {  	s0 =	simm.s32 $0x5870;
	v8 =	vshll.u32 v7, $0x10  }
0x277: {  	v7 =	vand.u32 $0xFFFF0000, v7;
	[tilespmem:s0+$0xFFFFFF90] =	vst v8  }
0x278: {  	[tilespmem:s0+$0xFFFFFFA0] =	vst v7  }
0x279: {  	v7 =	vld [tilespmem:s2+$0x1810];
	_ =	sdelay $0x4  }
0x27a: {  	v8 =	vshll.u32 v7, $0x10  }
0x27b: {  	v7 =	vand.u32 $0xFFFF0000, v7;
	[tilespmem:s0+$0xFFFFFFB0] =	vst v8  }
0x27c: {  	[tilespmem:s0+$0xFFFFFFC0] =	vst v7  }
0x27d: {  	v7 =	vld [tilespmem:s2+$0x1820];
	_ =	sdelay $0x4  }
0x27e: {  	v8 =	vand.u32 $0xFFFF0000, v7  }
0x27f: {  	v7 =	vshll.u32 v7, $0x10;
	[tilespmem:s0+$0xFFFFFFE0] =	vst v8  }
0x280: {  	[tilespmem:s0+$0xFFFFFFD0] =	vst v7  }
0x281: {  	v7 =	vld [tilespmem:s2+$0x1830];
	_ =	sdelay $0x4  }
0x282: {  	v8 =	vshll.u32 v7, $0x10  }
0x283: {  	v7 =	vand.u32 $0xFFFF0000, v7;
	[tilespmem:s0+$0xFFFFFFF0] =	vst v8  }
0x284: {  	s31 =	simm.s32 $0x40;
	[tilespmem:s0+$0x0] =	vst v7  }
0x285: {  	v7 =	vld [tilespmem:s31+$0x1800]  }
0x286: {  	s2 =	simm.s32 $0x200  }
.LBB2_21:
0x287: {  	p0 =	sne.s32 s2, $0x3F00;
	_ =	sdelay $0x2  }
0x288: {  	s0 =	sadd.s32 $0x80, s0;
	v8 =	vshll.u32 v7, $0x10  }
0x289: {  	v7 =	vand.u32 $0xFFFF0000, v7;
	[tilespmem:s0+$0xFFFFFF90] =	vst v8  }
0x28a: {  	[tilespmem:s0+$0xFFFFFFA0] =	vst v7  }
0x28b: {  	v7 =	vld [tilespmem:s31+$0x1810];
	_ =	sdelay $0x4  }
0x28c: {  	v8 =	vshll.u32 v7, $0x10  }
0x28d: {  	v7 =	vand.u32 $0xFFFF0000, v7;
	[tilespmem:s0+$0xFFFFFFB0] =	vst v8  }
0x28e: {  	[tilespmem:s0+$0xFFFFFFC0] =	vst v7  }
0x28f: {  	v7 =	vld [tilespmem:s31+$0x1820];
	_ =	sdelay $0x4  }
0x290: {  	v8 =	vshll.u32 v7, $0x10;
	v7 =	vand.u32 $0xFFFF0000, v7  }
0x291: {  	[tilespmem:s0+$0xFFFFFFE0] =	vst v7  }
0x292: {  	[tilespmem:s0+$0xFFFFFFD0] =	vst v8  }
0x293: {  	v7 =	vld [tilespmem:s31+$0x1830];
	_ =	sdelay $0x4  }
.Ltmp9:
0x294: {  	v8 =	vshll.u32 v7, $0x10;
	v7 =	vand.u32 $0xFFFF0000, v7;
	(pc) =	sbr.rel @p0 .LBB2_21-.Ltmp9, $4  }
0x295: {  	[tilespmem:s0+$0xFFFFFFF0] =	vst v8  }
0x296: {  	s31 =	sshra.s32 s2, $0x2;
	[tilespmem:s0+$0x0] =	vst v7  }
0x297: {  	v7 =	vld [tilespmem:s31+$0x1800]  }
0x298: {  	s2 =	sadd.s32 $0x100, s2  }
0x299: {  	_ =	sdelay $0x2  }
0x29a: {  	s0 =	sadd.s32 $0x80, s0;
	v8 =	vshll.u32 v7, $0x10  }
0x29b: {  	v7 =	vand.u32 $0xFFFF0000, v7;
	[tilespmem:s0+$0xFFFFFF90] =	vst v8  }
0x29c: {  	[tilespmem:s0+$0xFFFFFFA0] =	vst v7  }
0x29d: {  	v7 =	vld [tilespmem:s31+$0x1810];
	_ =	sdelay $0x4  }
0x29e: {  	v8 =	vshll.u32 v7, $0x10  }
0x29f: {  	v7 =	vand.u32 $0xFFFF0000, v7;
	[tilespmem:s0+$0xFFFFFFB0] =	vst v8  }
0x2a0: {  	[tilespmem:s0+$0xFFFFFFC0] =	vst v7  }
0x2a1: {  	v7 =	vld [tilespmem:s31+$0x1820];
	_ =	sdelay $0x4  }
0x2a2: {  	v8 =	vand.u32 $0xFFFF0000, v7  }
0x2a3: {  	v7 =	vshll.u32 v7, $0x10;
	[tilespmem:s0+$0xFFFFFFE0] =	vst v8  }
0x2a4: {  	[tilespmem:s0+$0xFFFFFFD0] =	vst v7  }
0x2a5: {  	v7 =	vld [tilespmem:s31+$0x1830];
	_ =	sdelay $0x4  }
0x2a6: {  	v8 =	vshll.u32 v7, $0x10  }
0x2a7: {  	v7 =	vand.u32 $0xFFFF0000, v7;
	[tilespmem:s0+$0xFFFFFFF0] =	vst v8  }
0x2a8: {  	[tilespmem:s0+$0x0] =	vst v7  }
0x2a9: {  	[spmem:s3] =	stream.indirect.scatter.add.f32 [tilespmem:s24], [sflag:$0x2], $0x80, s4, s21, $0xb8;
	[tilespmem:$0x1E000] =	vst v63  }
0x2aa: {  	_ =	swait.ge [sflag:s14], $0x4000  }
0x2ab: {  	[sflag:s14] =	ssyncset.done $0x0  }
0x2ac: {  	[sflag:s14] =	ssyncadd.s32 $0xFFFFC000  }
0x2ad: {  	_ =	swait.ge [sflag:s20], $0x1000  }
0x2ae: {  	[sflag:s20] =	ssyncset.done $0x0  }
0x2af: {  	s2 =	simm.s32 $0x0;
	[sflag:s20] =	ssyncadd.s32 $0xFFFFF000  }
0x2b0: {  	[tilespmem:s19], [sflag:$0x1] =	stream.indirect.gather [hbm4b:s1+s17], $0x40, s7, s17, $0xb8;
	[tilespmem:$0x1E000] =	vst v63  }
0x2b1: {  	v7 =	vld [tilespmem:s2+$0x2800];
	_ =	sdelay $0x4  }
0x2b2: {  	s0 =	simm.s32 $0x3840;
	v8 =	vshll.u32 v7, $0x10  }
0x2b3: {  	v7 =	vand.u32 $0xFFFF0000, v7;
	[tilespmem:s0+$0xFFFFFFC0] =	vst v8  }
0x2b4: {  	[tilespmem:s0+$0xFFFFFFD0] =	vst v7  }
0x2b5: {  	v7 =	vld [tilespmem:s2+$0x2810];
	_ =	sdelay $0x4  }
0x2b6: {  	v8 =	vshll.u32 v7, $0x10  }
0x2b7: {  	v7 =	vand.u32 $0xFFFF0000, v7;
	[tilespmem:s0+$0xFFFFFFE0] =	vst v8  }
0x2b8: {  	[tilespmem:s0+$0xFFFFFFF0] =	vst v7  }
0x2b9: {  	v7 =	vld [tilespmem:s2+$0x2820];
	_ =	sdelay $0x4  }
0x2ba: {  	v8 =	vand.u32 $0xFFFF0000, v7  }
0x2bb: {  	v7 =	vshll.u32 v7, $0x10;
	[tilespmem:s0+$0x10] =	vst v8  }
0x2bc: {  	[tilespmem:s0+$0x0] =	vst v7  }
0x2bd: {  	v7 =	vld [tilespmem:s2+$0x2830];
	_ =	sdelay $0x4  }
0x2be: {  	v8 =	vshll.u32 v7, $0x10  }
0x2bf: {  	v7 =	vand.u32 $0xFFFF0000, v7;
	[tilespmem:s0+$0x20] =	vst v8  }
0x2c0: {  	s31 =	simm.s32 $0x40;
	[tilespmem:s0+$0x30] =	vst v7  }
0x2c1: {  	v7 =	vld [tilespmem:s31+$0x2800]  }
0x2c2: {  	s2 =	simm.s32 $0x200  }
.LBB2_23:
0x2c3: {  	p0 =	sne.s32 s2, $0x3F00;
	_ =	sdelay $0x2  }
0x2c4: {  	s0 =	sadd.s32 $0x80, s0;
	v8 =	vshll.u32 v7, $0x10  }
0x2c5: {  	v7 =	vand.u32 $0xFFFF0000, v7;
	[tilespmem:s0+$0xFFFFFFC0] =	vst v8  }
0x2c6: {  	[tilespmem:s0+$0xFFFFFFD0] =	vst v7  }
0x2c7: {  	v7 =	vld [tilespmem:s31+$0x2810];
	_ =	sdelay $0x4  }
0x2c8: {  	v8 =	vshll.u32 v7, $0x10  }
0x2c9: {  	v7 =	vand.u32 $0xFFFF0000, v7;
	[tilespmem:s0+$0xFFFFFFE0] =	vst v8  }
0x2ca: {  	[tilespmem:s0+$0xFFFFFFF0] =	vst v7  }
0x2cb: {  	v7 =	vld [tilespmem:s31+$0x2820];
	_ =	sdelay $0x4  }
0x2cc: {  	v8 =	vshll.u32 v7, $0x10;
	v7 =	vand.u32 $0xFFFF0000, v7  }
0x2cd: {  	[tilespmem:s0+$0x10] =	vst v7  }
0x2ce: {  	[tilespmem:s0+$0x0] =	vst v8  }
0x2cf: {  	v7 =	vld [tilespmem:s31+$0x2830];
	_ =	sdelay $0x4  }
.Ltmp10:
0x2d0: {  	v8 =	vshll.u32 v7, $0x10;
	v7 =	vand.u32 $0xFFFF0000, v7;
	(pc) =	sbr.rel @p0 .LBB2_23-.Ltmp10, $4  }
0x2d1: {  	[tilespmem:s0+$0x20] =	vst v8  }
0x2d2: {  	s31 =	sshra.s32 s2, $0x2;
	[tilespmem:s0+$0x30] =	vst v7  }
0x2d3: {  	v7 =	vld [tilespmem:s31+$0x2800]  }
0x2d4: {  	s2 =	sadd.s32 $0x100, s2  }
0x2d5: {  	_ =	sdelay $0x2  }
0x2d6: {  	s0 =	sadd.s32 $0x80, s0;
	v8 =	vshll.u32 v7, $0x10  }
0x2d7: {  	v7 =	vand.u32 $0xFFFF0000, v7;
	[tilespmem:s0+$0xFFFFFFC0] =	vst v8  }
0x2d8: {  	[tilespmem:s0+$0xFFFFFFD0] =	vst v7  }
0x2d9: {  	v7 =	vld [tilespmem:s31+$0x2810];
	_ =	sdelay $0x4  }
0x2da: {  	v8 =	vshll.u32 v7, $0x10  }
0x2db: {  	v7 =	vand.u32 $0xFFFF0000, v7;
	[tilespmem:s0+$0xFFFFFFE0] =	vst v8  }
0x2dc: {  	[tilespmem:s0+$0xFFFFFFF0] =	vst v7  }
0x2dd: {  	v7 =	vld [tilespmem:s31+$0x2820];
	_ =	sdelay $0x4  }
0x2de: {  	v8 =	vand.u32 $0xFFFF0000, v7  }
0x2df: {  	v7 =	vshll.u32 v7, $0x10;
	[tilespmem:s0+$0x10] =	vst v8  }
0x2e0: {  	[tilespmem:s0+$0x0] =	vst v7  }
0x2e1: {  	v7 =	vld [tilespmem:s31+$0x2830];
	_ =	sdelay $0x4  }
0x2e2: {  	v8 =	vshll.u32 v7, $0x10  }
0x2e3: {  	v7 =	vand.u32 $0xFFFF0000, v7;
	[tilespmem:s0+$0x20] =	vst v8  }
0x2e4: {  	[tilespmem:s0+$0x30] =	vst v7  }
0x2e5: {  	_ =	swait.ge [sflag:s20], $0x1000  }
0x2e6: {  	[sflag:s20] =	ssyncset.done $0x0  }
0x2e7: {  	s2 =	simm.s32 $0x0;
	[sflag:s20] =	ssyncadd.s32 $0xFFFFF000  }
0x2e8: {  	[tilespmem:s22], [sflag:$0x1] =	stream.indirect.gather [hbm4b:s1+s17], $0x40, s10, s17, $0xb8;
	[tilespmem:$0x1E000] =	vst v63  }
0x2e9: {  	v7 =	vld [tilespmem:s2+$0x800];
	_ =	sdelay $0x4  }
0x2ea: {  	s0 =	simm.s32 $0x5870;
	v8 =	vshll.u32 v7, $0x10  }
0x2eb: {  	v7 =	vand.u32 $0xFFFF0000, v7;
	[tilespmem:s0+$0xFFFFFF90] =	vst v8  }
0x2ec: {  	[tilespmem:s0+$0xFFFFFFA0] =	vst v7  }
0x2ed: {  	v7 =	vld [tilespmem:s2+$0x810];
	_ =	sdelay $0x4  }
0x2ee: {  	v8 =	vshll.u32 v7, $0x10  }
0x2ef: {  	v7 =	vand.u32 $0xFFFF0000, v7;
	[tilespmem:s0+$0xFFFFFFB0] =	vst v8  }
0x2f0: {  	[tilespmem:s0+$0xFFFFFFC0] =	vst v7  }
0x2f1: {  	v7 =	vld [tilespmem:s2+$0x820];
	_ =	sdelay $0x4  }
0x2f2: {  	v8 =	vand.u32 $0xFFFF0000, v7  }
0x2f3: {  	v7 =	vshll.u32 v7, $0x10;
	[tilespmem:s0+$0xFFFFFFE0] =	vst v8  }
0x2f4: {  	[tilespmem:s0+$0xFFFFFFD0] =	vst v7  }
0x2f5: {  	v7 =	vld [tilespmem:s2+$0x830];
	_ =	sdelay $0x4  }
0x2f6: {  	v8 =	vshll.u32 v7, $0x10  }
0x2f7: {  	v7 =	vand.u32 $0xFFFF0000, v7;
	[tilespmem:s0+$0xFFFFFFF0] =	vst v8  }
0x2f8: {  	s31 =	simm.s32 $0x40;
	[tilespmem:s0+$0x0] =	vst v7  }
0x2f9: {  	v7 =	vld [tilespmem:s31+$0x800]  }
0x2fa: {  	s2 =	simm.s32 $0x200  }
.LBB2_25:
0x2fb: {  	p0 =	sne.s32 s2, $0x3F00;
	_ =	sdelay $0x2  }
0x2fc: {  	s0 =	sadd.s32 $0x80, s0;
	v8 =	vshll.u32 v7, $0x10  }
0x2fd: {  	v7 =	vand.u32 $0xFFFF0000, v7;
	[tilespmem:s0+$0xFFFFFF90] =	vst v8  }
0x2fe: {  	[tilespmem:s0+$0xFFFFFFA0] =	vst v7  }
0x2ff: {  	v7 =	vld [tilespmem:s31+$0x810];
	_ =	sdelay $0x4  }
0x300: {  	v8 =	vshll.u32 v7, $0x10  }
0x301: {  	v7 =	vand.u32 $0xFFFF0000, v7;
	[tilespmem:s0+$0xFFFFFFB0] =	vst v8  }
0x302: {  	[tilespmem:s0+$0xFFFFFFC0] =	vst v7  }
0x303: {  	v7 =	vld [tilespmem:s31+$0x820];
	_ =	sdelay $0x4  }
0x304: {  	v8 =	vshll.u32 v7, $0x10;
	v7 =	vand.u32 $0xFFFF0000, v7  }
0x305: {  	[tilespmem:s0+$0xFFFFFFE0] =	vst v7  }
0x306: {  	[tilespmem:s0+$0xFFFFFFD0] =	vst v8  }
0x307: {  	v7 =	vld [tilespmem:s31+$0x830];
	_ =	sdelay $0x4  }
.Ltmp11:
0x308: {  	v8 =	vshll.u32 v7, $0x10;
	v7 =	vand.u32 $0xFFFF0000, v7;
	(pc) =	sbr.rel @p0 .LBB2_25-.Ltmp11, $4  }
0x309: {  	[tilespmem:s0+$0xFFFFFFF0] =	vst v8  }
0x30a: {  	s31 =	sshra.s32 s2, $0x2;
	[tilespmem:s0+$0x0] =	vst v7  }
0x30b: {  	v7 =	vld [tilespmem:s31+$0x800]  }
0x30c: {  	s2 =	sadd.s32 $0x100, s2  }
0x30d: {  	_ =	sdelay $0x2  }
0x30e: {  	s0 =	sadd.s32 $0x80, s0;
	v8 =	vshll.u32 v7, $0x10  }
0x30f: {  	v7 =	vand.u32 $0xFFFF0000, v7;
	[tilespmem:s0+$0xFFFFFF90] =	vst v8  }
0x310: {  	[tilespmem:s0+$0xFFFFFFA0] =	vst v7  }
0x311: {  	v7 =	vld [tilespmem:s31+$0x810];
	_ =	sdelay $0x4  }
0x312: {  	v8 =	vshll.u32 v7, $0x10  }
0x313: {  	v7 =	vand.u32 $0xFFFF0000, v7;
	[tilespmem:s0+$0xFFFFFFB0] =	vst v8  }
0x314: {  	[tilespmem:s0+$0xFFFFFFC0] =	vst v7  }
0x315: {  	v7 =	vld [tilespmem:s31+$0x820];
	_ =	sdelay $0x4  }
0x316: {  	v8 =	vand.u32 $0xFFFF0000, v7  }
0x317: {  	v7 =	vshll.u32 v7, $0x10;
	[tilespmem:s0+$0xFFFFFFE0] =	vst v8  }
0x318: {  	[tilespmem:s0+$0xFFFFFFD0] =	vst v7  }
0x319: {  	v7 =	vld [tilespmem:s31+$0x830];
	_ =	sdelay $0x4  }
0x31a: {  	v8 =	vshll.u32 v7, $0x10  }
0x31b: {  	v7 =	vand.u32 $0xFFFF0000, v7;
	[tilespmem:s0+$0xFFFFFFF0] =	vst v8  }
0x31c: {  	[tilespmem:s0+$0x0] =	vst v7  }
0x31d: {  	[spmem:s3] =	stream.indirect.scatter.add.f32 [tilespmem:s24], [sflag:$0x2], $0x80, s11, s21, $0xb8;
	[tilespmem:$0x1E000] =	vst v63  }
0x31e: {  	_ =	swait.ge [sflag:s14], $0x4000  }
0x31f: {  	[sflag:s14] =	ssyncset.done $0x0  }
0x320: {  	[sflag:s14] =	ssyncadd.s32 $0xFFFFC000  }
0x321: {  	_ =	swait.ge [sflag:s20], $0x1000  }
0x322: {  	[sflag:s20] =	ssyncset.done $0x0  }
0x323: {  	s2 =	simm.s32 $0x0;
	[sflag:s20] =	ssyncadd.s32 $0xFFFFF000  }
0x324: {  	[tilespmem:s18], [sflag:$0x1] =	stream.indirect.gather [hbm4b:s1+s17], $0x40, s12, s17, $0xb8;
	[tilespmem:$0x1E000] =	vst v63  }
0x325: {  	v7 =	vld [tilespmem:s2+$0x1800];
	_ =	sdelay $0x4  }
0x326: {  	s0 =	simm.s32 $0x3840;
	v8 =	vshll.u32 v7, $0x10  }
0x327: {  	v7 =	vand.u32 $0xFFFF0000, v7;
	[tilespmem:s0+$0xFFFFFFC0] =	vst v8  }
0x328: {  	[tilespmem:s0+$0xFFFFFFD0] =	vst v7  }
0x329: {  	v7 =	vld [tilespmem:s2+$0x1810];
	_ =	sdelay $0x4  }
0x32a: {  	v8 =	vshll.u32 v7, $0x10  }
0x32b: {  	v7 =	vand.u32 $0xFFFF0000, v7;
	[tilespmem:s0+$0xFFFFFFE0] =	vst v8  }
0x32c: {  	[tilespmem:s0+$0xFFFFFFF0] =	vst v7  }
0x32d: {  	v7 =	vld [tilespmem:s2+$0x1820];
	_ =	sdelay $0x4  }
0x32e: {  	v8 =	vand.u32 $0xFFFF0000, v7  }
0x32f: {  	v7 =	vshll.u32 v7, $0x10;
	[tilespmem:s0+$0x10] =	vst v8  }
0x330: {  	[tilespmem:s0+$0x0] =	vst v7  }
0x331: {  	v7 =	vld [tilespmem:s2+$0x1830];
	_ =	sdelay $0x4  }
0x332: {  	v8 =	vshll.u32 v7, $0x10  }
0x333: {  	v7 =	vand.u32 $0xFFFF0000, v7;
	[tilespmem:s0+$0x20] =	vst v8  }
0x334: {  	s31 =	simm.s32 $0x40;
	[tilespmem:s0+$0x30] =	vst v7  }
0x335: {  	v7 =	vld [tilespmem:s31+$0x1800]  }
0x336: {  	s2 =	simm.s32 $0x200  }
.LBB2_27:
0x337: {  	p0 =	sne.s32 s2, $0x3F00;
	_ =	sdelay $0x2  }
0x338: {  	s0 =	sadd.s32 $0x80, s0;
	v8 =	vshll.u32 v7, $0x10  }
0x339: {  	v7 =	vand.u32 $0xFFFF0000, v7;
	[tilespmem:s0+$0xFFFFFFC0] =	vst v8  }
0x33a: {  	[tilespmem:s0+$0xFFFFFFD0] =	vst v7  }
0x33b: {  	v7 =	vld [tilespmem:s31+$0x1810];
	_ =	sdelay $0x4  }
0x33c: {  	v8 =	vshll.u32 v7, $0x10  }
0x33d: {  	v7 =	vand.u32 $0xFFFF0000, v7;
	[tilespmem:s0+$0xFFFFFFE0] =	vst v8  }
0x33e: {  	[tilespmem:s0+$0xFFFFFFF0] =	vst v7  }
0x33f: {  	v7 =	vld [tilespmem:s31+$0x1820];
	_ =	sdelay $0x4  }
0x340: {  	v8 =	vshll.u32 v7, $0x10;
	v7 =	vand.u32 $0xFFFF0000, v7  }
0x341: {  	[tilespmem:s0+$0x10] =	vst v7  }
0x342: {  	[tilespmem:s0+$0x0] =	vst v8  }
0x343: {  	v7 =	vld [tilespmem:s31+$0x1830];
	_ =	sdelay $0x4  }
.Ltmp12:
0x344: {  	v8 =	vshll.u32 v7, $0x10;
	v7 =	vand.u32 $0xFFFF0000, v7;
	(pc) =	sbr.rel @p0 .LBB2_27-.Ltmp12, $4  }
0x345: {  	[tilespmem:s0+$0x20] =	vst v8  }
0x346: {  	s31 =	sshra.s32 s2, $0x2;
	[tilespmem:s0+$0x30] =	vst v7  }
0x347: {  	v7 =	vld [tilespmem:s31+$0x1800]  }
0x348: {  	s2 =	sadd.s32 $0x100, s2  }
0x349: {  	_ =	sdelay $0x2  }
0x34a: {  	s0 =	sadd.s32 $0x80, s0;
	v8 =	vshll.u32 v7, $0x10  }
0x34b: {  	v7 =	vand.u32 $0xFFFF0000, v7;
	[tilespmem:s0+$0xFFFFFFC0] =	vst v8  }
0x34c: {  	[tilespmem:s0+$0xFFFFFFD0] =	vst v7  }
0x34d: {  	v7 =	vld [tilespmem:s31+$0x1810];
	_ =	sdelay $0x4  }
0x34e: {  	v8 =	vshll.u32 v7, $0x10  }
0x34f: {  	v7 =	vand.u32 $0xFFFF0000, v7;
	[tilespmem:s0+$0xFFFFFFE0] =	vst v8  }
0x350: {  	[tilespmem:s0+$0xFFFFFFF0] =	vst v7  }
0x351: {  	v7 =	vld [tilespmem:s31+$0x1820];
	_ =	sdelay $0x4  }
0x352: {  	v8 =	vand.u32 $0xFFFF0000, v7  }
0x353: {  	v7 =	vshll.u32 v7, $0x10;
	[tilespmem:s0+$0x10] =	vst v8  }
0x354: {  	[tilespmem:s0+$0x0] =	vst v7  }
0x355: {  	v7 =	vld [tilespmem:s31+$0x1830];
	_ =	sdelay $0x4  }
0x356: {  	v8 =	vshll.u32 v7, $0x10  }
0x357: {  	v7 =	vand.u32 $0xFFFF0000, v7;
	[tilespmem:s0+$0x20] =	vst v8  }
0x358: {  	[tilespmem:s0+$0x30] =	vst v7  }
0x359: {  	_ =	swait.ge [sflag:s20], $0x1000  }
0x35a: {  	[sflag:s20] =	ssyncset.done $0x0  }
0x35b: {  	s2 =	simm.s32 $0x0;
	[sflag:s20] =	ssyncadd.s32 $0xFFFFF000  }
0x35c: {  	[tilespmem:s19], [sflag:$0x1] =	stream.indirect.gather [hbm4b:s1+s17], $0x40, s8, s17, $0xb8;
	[tilespmem:$0x1E000] =	vst v63  }
0x35d: {  	v7 =	vld [tilespmem:s2+$0x2800];
	_ =	sdelay $0x4  }
0x35e: {  	s0 =	simm.s32 $0x5870;
	v8 =	vshll.u32 v7, $0x10  }
0x35f: {  	v7 =	vand.u32 $0xFFFF0000, v7;
	[tilespmem:s0+$0xFFFFFF90] =	vst v8  }
0x360: {  	[tilespmem:s0+$0xFFFFFFA0] =	vst v7  }
0x361: {  	v7 =	vld [tilespmem:s2+$0x2810];
	_ =	sdelay $0x4  }
0x362: {  	v8 =	vshll.u32 v7, $0x10  }
0x363: {  	v7 =	vand.u32 $0xFFFF0000, v7;
	[tilespmem:s0+$0xFFFFFFB0] =	vst v8  }
0x364: {  	[tilespmem:s0+$0xFFFFFFC0] =	vst v7  }
0x365: {  	v7 =	vld [tilespmem:s2+$0x2820];
	_ =	sdelay $0x4  }
0x366: {  	v8 =	vand.u32 $0xFFFF0000, v7  }
0x367: {  	v7 =	vshll.u32 v7, $0x10;
	[tilespmem:s0+$0xFFFFFFE0] =	vst v8  }
0x368: {  	[tilespmem:s0+$0xFFFFFFD0] =	vst v7  }
0x369: {  	v7 =	vld [tilespmem:s2+$0x2830];
	_ =	sdelay $0x4  }
0x36a: {  	v8 =	vshll.u32 v7, $0x10  }
0x36b: {  	v7 =	vand.u32 $0xFFFF0000, v7;
	[tilespmem:s0+$0xFFFFFFF0] =	vst v8  }
0x36c: {  	s31 =	simm.s32 $0x40;
	[tilespmem:s0+$0x0] =	vst v7  }
0x36d: {  	v7 =	vld [tilespmem:s31+$0x2800]  }
0x36e: {  	s2 =	simm.s32 $0x200  }
.LBB2_29:
0x36f: {  	p0 =	sne.s32 s2, $0x3F00;
	_ =	sdelay $0x2  }
0x370: {  	s0 =	sadd.s32 $0x80, s0;
	v8 =	vshll.u32 v7, $0x10  }
0x371: {  	v7 =	vand.u32 $0xFFFF0000, v7;
	[tilespmem:s0+$0xFFFFFF90] =	vst v8  }
0x372: {  	[tilespmem:s0+$0xFFFFFFA0] =	vst v7  }
0x373: {  	v7 =	vld [tilespmem:s31+$0x2810];
	_ =	sdelay $0x4  }
0x374: {  	v8 =	vshll.u32 v7, $0x10  }
0x375: {  	v7 =	vand.u32 $0xFFFF0000, v7;
	[tilespmem:s0+$0xFFFFFFB0] =	vst v8  }
0x376: {  	[tilespmem:s0+$0xFFFFFFC0] =	vst v7  }
0x377: {  	v7 =	vld [tilespmem:s31+$0x2820];
	_ =	sdelay $0x4  }
0x378: {  	v8 =	vshll.u32 v7, $0x10;
	v7 =	vand.u32 $0xFFFF0000, v7  }
0x379: {  	[tilespmem:s0+$0xFFFFFFE0] =	vst v7  }
0x37a: {  	[tilespmem:s0+$0xFFFFFFD0] =	vst v8  }
0x37b: {  	v7 =	vld [tilespmem:s31+$0x2830];
	_ =	sdelay $0x4  }
.Ltmp13:
0x37c: {  	v8 =	vshll.u32 v7, $0x10;
	v7 =	vand.u32 $0xFFFF0000, v7;
	(pc) =	sbr.rel @p0 .LBB2_29-.Ltmp13, $4  }
0x37d: {  	[tilespmem:s0+$0xFFFFFFF0] =	vst v8  }
0x37e: {  	s31 =	sshra.s32 s2, $0x2;
	[tilespmem:s0+$0x0] =	vst v7  }
0x37f: {  	v7 =	vld [tilespmem:s31+$0x2800]  }
0x380: {  	s2 =	sadd.s32 $0x100, s2  }
0x381: {  	_ =	sdelay $0x2  }
0x382: {  	s0 =	sadd.s32 $0x80, s0;
	v8 =	vshll.u32 v7, $0x10  }
0x383: {  	v7 =	vand.u32 $0xFFFF0000, v7;
	[tilespmem:s0+$0xFFFFFF90] =	vst v8  }
0x384: {  	[tilespmem:s0+$0xFFFFFFA0] =	vst v7  }
0x385: {  	v7 =	vld [tilespmem:s31+$0x2810];
	_ =	sdelay $0x4  }
0x386: {  	v8 =	vshll.u32 v7, $0x10  }
0x387: {  	v7 =	vand.u32 $0xFFFF0000, v7;
	[tilespmem:s0+$0xFFFFFFB0] =	vst v8  }
0x388: {  	[tilespmem:s0+$0xFFFFFFC0] =	vst v7  }
0x389: {  	v7 =	vld [tilespmem:s31+$0x2820];
	_ =	sdelay $0x4  }
0x38a: {  	v8 =	vand.u32 $0xFFFF0000, v7  }
0x38b: {  	v7 =	vshll.u32 v7, $0x10;
	[tilespmem:s0+$0xFFFFFFE0] =	vst v8  }
0x38c: {  	[tilespmem:s0+$0xFFFFFFD0] =	vst v7  }
0x38d: {  	v7 =	vld [tilespmem:s31+$0x2830];
	_ =	sdelay $0x4  }
0x38e: {  	v8 =	vshll.u32 v7, $0x10  }
0x38f: {  	v7 =	vand.u32 $0xFFFF0000, v7;
	[tilespmem:s0+$0xFFFFFFF0] =	vst v8  }
0x390: {  	[tilespmem:s0+$0x0] =	vst v7  }
0x391: {  	[spmem:s3] =	stream.indirect.scatter.add.f32 [tilespmem:s24], [sflag:$0x2], $0x80, s13, s21, $0xb8;
	[tilespmem:$0x1E000] =	vst v63  }
0x392: {  	_ =	swait.ge [sflag:s14], $0x4000  }
0x393: {  	[sflag:s14] =	ssyncset.done $0x0  }
0x394: {  	[sflag:s14] =	ssyncadd.s32 $0xFFFFC000  }
0x395: {  	_ =	swait.ge [sflag:s20], $0x1000  }
0x396: {  	[sflag:s20] =	ssyncset.done $0x0  }
0x397: {  	s2 =	simm.s32 $0x0;
	[sflag:s20] =	ssyncadd.s32 $0xFFFFF000  }
0x398: {  	[tilespmem:s22], [sflag:$0x1] =	stream.indirect.gather [hbm4b:s1+s17], $0x40, s23, s17, $0xb8;
	[tilespmem:$0x1E000] =	vst v63  }
0x399: {  	v7 =	vld [tilespmem:s2+$0x800];
	_ =	sdelay $0x4  }
0x39a: {  	s0 =	simm.s32 $0x3840;
	v8 =	vshll.u32 v7, $0x10  }
0x39b: {  	v7 =	vand.u32 $0xFFFF0000, v7;
	[tilespmem:s0+$0xFFFFFFC0] =	vst v8  }
0x39c: {  	[tilespmem:s0+$0xFFFFFFD0] =	vst v7  }
0x39d: {  	v7 =	vld [tilespmem:s2+$0x810];
	_ =	sdelay $0x4  }
0x39e: {  	v8 =	vshll.u32 v7, $0x10  }
0x39f: {  	v7 =	vand.u32 $0xFFFF0000, v7;
	[tilespmem:s0+$0xFFFFFFE0] =	vst v8  }
0x3a0: {  	[tilespmem:s0+$0xFFFFFFF0] =	vst v7  }
0x3a1: {  	v7 =	vld [tilespmem:s2+$0x820];
	_ =	sdelay $0x4  }
0x3a2: {  	v8 =	vand.u32 $0xFFFF0000, v7  }
0x3a3: {  	v7 =	vshll.u32 v7, $0x10;
	[tilespmem:s0+$0x10] =	vst v8  }
0x3a4: {  	[tilespmem:s0+$0x0] =	vst v7  }
0x3a5: {  	v7 =	vld [tilespmem:s2+$0x830];
	_ =	sdelay $0x4  }
0x3a6: {  	v8 =	vshll.u32 v7, $0x10  }
0x3a7: {  	v7 =	vand.u32 $0xFFFF0000, v7;
	[tilespmem:s0+$0x20] =	vst v8  }
0x3a8: {  	s31 =	simm.s32 $0x40;
	[tilespmem:s0+$0x30] =	vst v7  }
0x3a9: {  	v7 =	vld [tilespmem:s31+$0x800]  }
0x3aa: {  	s2 =	simm.s32 $0x200  }
.LBB2_31:
0x3ab: {  	p0 =	sne.s32 s2, $0x3F00;
	_ =	sdelay $0x2  }
0x3ac: {  	s0 =	sadd.s32 $0x80, s0;
	v8 =	vshll.u32 v7, $0x10  }
0x3ad: {  	v7 =	vand.u32 $0xFFFF0000, v7;
	[tilespmem:s0+$0xFFFFFFC0] =	vst v8  }
0x3ae: {  	[tilespmem:s0+$0xFFFFFFD0] =	vst v7  }
0x3af: {  	v7 =	vld [tilespmem:s31+$0x810];
	_ =	sdelay $0x4  }
0x3b0: {  	v8 =	vshll.u32 v7, $0x10  }
0x3b1: {  	v7 =	vand.u32 $0xFFFF0000, v7;
	[tilespmem:s0+$0xFFFFFFE0] =	vst v8  }
0x3b2: {  	[tilespmem:s0+$0xFFFFFFF0] =	vst v7  }
0x3b3: {  	v7 =	vld [tilespmem:s31+$0x820];
	_ =	sdelay $0x4  }
0x3b4: {  	v8 =	vshll.u32 v7, $0x10;
	v7 =	vand.u32 $0xFFFF0000, v7  }
0x3b5: {  	[tilespmem:s0+$0x10] =	vst v7  }
0x3b6: {  	[tilespmem:s0+$0x0] =	vst v8  }
0x3b7: {  	v7 =	vld [tilespmem:s31+$0x830];
	_ =	sdelay $0x4  }
.Ltmp14:
0x3b8: {  	v8 =	vshll.u32 v7, $0x10;
	v7 =	vand.u32 $0xFFFF0000, v7;
	(pc) =	sbr.rel @p0 .LBB2_31-.Ltmp14, $4  }
0x3b9: {  	[tilespmem:s0+$0x20] =	vst v8  }
0x3ba: {  	s31 =	sshra.s32 s2, $0x2;
	[tilespmem:s0+$0x30] =	vst v7  }
0x3bb: {  	v7 =	vld [tilespmem:s31+$0x800]  }
0x3bc: {  	s2 =	sadd.s32 $0x100, s2  }
0x3bd: {  	_ =	sdelay $0x2  }
0x3be: {  	s0 =	sadd.s32 $0x80, s0;
	v8 =	vshll.u32 v7, $0x10  }
0x3bf: {  	v7 =	vand.u32 $0xFFFF0000, v7;
	[tilespmem:s0+$0xFFFFFFC0] =	vst v8  }
0x3c0: {  	[tilespmem:s0+$0xFFFFFFD0] =	vst v7  }
0x3c1: {  	v7 =	vld [tilespmem:s31+$0x810];
	_ =	sdelay $0x4  }
0x3c2: {  	v8 =	vshll.u32 v7, $0x10  }
0x3c3: {  	v7 =	vand.u32 $0xFFFF0000, v7;
	[tilespmem:s0+$0xFFFFFFE0] =	vst v8  }
0x3c4: {  	[tilespmem:s0+$0xFFFFFFF0] =	vst v7  }
0x3c5: {  	v7 =	vld [tilespmem:s31+$0x820];
	_ =	sdelay $0x4  }
0x3c6: {  	v8 =	vand.u32 $0xFFFF0000, v7  }
0x3c7: {  	v7 =	vshll.u32 v7, $0x10;
	[tilespmem:s0+$0x10] =	vst v8  }
0x3c8: {  	[tilespmem:s0+$0x0] =	vst v7  }
0x3c9: {  	v7 =	vld [tilespmem:s31+$0x830];
	_ =	sdelay $0x4  }
0x3ca: {  	v8 =	vshll.u32 v7, $0x10  }
0x3cb: {  	v7 =	vand.u32 $0xFFFF0000, v7;
	[tilespmem:s0+$0x20] =	vst v8  }
0x3cc: {  	[tilespmem:s0+$0x30] =	vst v7  }
0x3cd: {  	_ =	swait.ge [sflag:s20], $0x1000  }
0x3ce: {  	[sflag:s20] =	ssyncset.done $0x0  }
0x3cf: {  	s2 =	simm.s32 $0x0;
	[sflag:s20] =	ssyncadd.s32 $0xFFFFF000  }
0x3d0: {  	[tilespmem:s18], [sflag:$0x1] =	stream.indirect.gather [hbm4b:s1+s17], $0x40, s25, s17, $0xb8;
	[tilespmem:$0x1E000] =	vst v63  }
0x3d1: {  	v7 =	vld [tilespmem:s2+$0x1800];
	_ =	sdelay $0x4  }
0x3d2: {  	s0 =	simm.s32 $0x5870;
	v8 =	vshll.u32 v7, $0x10  }
0x3d3: {  	v7 =	vand.u32 $0xFFFF0000, v7;
	[tilespmem:s0+$0xFFFFFF90] =	vst v8  }
0x3d4: {  	[tilespmem:s0+$0xFFFFFFA0] =	vst v7  }
0x3d5: {  	v7 =	vld [tilespmem:s2+$0x1810];
	_ =	sdelay $0x4  }
0x3d6: {  	v8 =	vshll.u32 v7, $0x10  }
0x3d7: {  	v7 =	vand.u32 $0xFFFF0000, v7;
	[tilespmem:s0+$0xFFFFFFB0] =	vst v8  }
0x3d8: {  	[tilespmem:s0+$0xFFFFFFC0] =	vst v7  }
0x3d9: {  	v7 =	vld [tilespmem:s2+$0x1820];
	_ =	sdelay $0x4  }
0x3da: {  	v8 =	vand.u32 $0xFFFF0000, v7  }
0x3db: {  	v7 =	vshll.u32 v7, $0x10;
	[tilespmem:s0+$0xFFFFFFE0] =	vst v8  }
0x3dc: {  	[tilespmem:s0+$0xFFFFFFD0] =	vst v7  }
0x3dd: {  	v7 =	vld [tilespmem:s2+$0x1830];
	_ =	sdelay $0x4  }
0x3de: {  	v8 =	vshll.u32 v7, $0x10  }
0x3df: {  	v7 =	vand.u32 $0xFFFF0000, v7;
	[tilespmem:s0+$0xFFFFFFF0] =	vst v8  }
0x3e0: {  	s31 =	simm.s32 $0x40;
	[tilespmem:s0+$0x0] =	vst v7  }
0x3e1: {  	v7 =	vld [tilespmem:s31+$0x1800]  }
0x3e2: {  	s2 =	simm.s32 $0x200  }
.LBB2_33:
0x3e3: {  	p0 =	sne.s32 s2, $0x3F00;
	_ =	sdelay $0x2  }
0x3e4: {  	s0 =	sadd.s32 $0x80, s0;
	v8 =	vshll.u32 v7, $0x10  }
0x3e5: {  	v7 =	vand.u32 $0xFFFF0000, v7;
	[tilespmem:s0+$0xFFFFFF90] =	vst v8  }
0x3e6: {  	[tilespmem:s0+$0xFFFFFFA0] =	vst v7  }
0x3e7: {  	v7 =	vld [tilespmem:s31+$0x1810];
	_ =	sdelay $0x4  }
0x3e8: {  	v8 =	vshll.u32 v7, $0x10  }
0x3e9: {  	v7 =	vand.u32 $0xFFFF0000, v7;
	[tilespmem:s0+$0xFFFFFFB0] =	vst v8  }
0x3ea: {  	[tilespmem:s0+$0xFFFFFFC0] =	vst v7  }
0x3eb: {  	v7 =	vld [tilespmem:s31+$0x1820];
	_ =	sdelay $0x4  }
0x3ec: {  	v8 =	vshll.u32 v7, $0x10;
	v7 =	vand.u32 $0xFFFF0000, v7  }
0x3ed: {  	[tilespmem:s0+$0xFFFFFFE0] =	vst v7  }
0x3ee: {  	[tilespmem:s0+$0xFFFFFFD0] =	vst v8  }
0x3ef: {  	v7 =	vld [tilespmem:s31+$0x1830];
	_ =	sdelay $0x4  }
.Ltmp15:
0x3f0: {  	v8 =	vshll.u32 v7, $0x10;
	v7 =	vand.u32 $0xFFFF0000, v7;
	(pc) =	sbr.rel @p0 .LBB2_33-.Ltmp15, $4  }
0x3f1: {  	[tilespmem:s0+$0xFFFFFFF0] =	vst v8  }
0x3f2: {  	s31 =	sshra.s32 s2, $0x2;
	[tilespmem:s0+$0x0] =	vst v7  }
0x3f3: {  	v7 =	vld [tilespmem:s31+$0x1800]  }
0x3f4: {  	s2 =	sadd.s32 $0x100, s2  }
0x3f5: {  	_ =	sdelay $0x2  }
0x3f6: {  	s0 =	sadd.s32 $0x80, s0;
	v8 =	vshll.u32 v7, $0x10  }
0x3f7: {  	v7 =	vand.u32 $0xFFFF0000, v7;
	[tilespmem:s0+$0xFFFFFF90] =	vst v8  }
0x3f8: {  	[tilespmem:s0+$0xFFFFFFA0] =	vst v7  }
0x3f9: {  	v7 =	vld [tilespmem:s31+$0x1810];
	_ =	sdelay $0x4  }
0x3fa: {  	v8 =	vshll.u32 v7, $0x10  }
0x3fb: {  	v7 =	vand.u32 $0xFFFF0000, v7;
	[tilespmem:s0+$0xFFFFFFB0] =	vst v8  }
0x3fc: {  	[tilespmem:s0+$0xFFFFFFC0] =	vst v7  }
0x3fd: {  	v7 =	vld [tilespmem:s31+$0x1820];
	_ =	sdelay $0x4  }
0x3fe: {  	v8 =	vand.u32 $0xFFFF0000, v7  }
0x3ff: {  	v7 =	vshll.u32 v7, $0x10;
	[tilespmem:s0+$0xFFFFFFE0] =	vst v8  }
0x400: {  	[tilespmem:s0+$0xFFFFFFD0] =	vst v7  }
0x401: {  	v7 =	vld [tilespmem:s31+$0x1830];
	_ =	sdelay $0x4  }
0x402: {  	v8 =	vshll.u32 v7, $0x10  }
0x403: {  	v7 =	vand.u32 $0xFFFF0000, v7;
	[tilespmem:s0+$0xFFFFFFF0] =	vst v8  }
0x404: {  	[tilespmem:s0+$0x0] =	vst v7  }
0x405: {  	[spmem:s3] =	stream.indirect.scatter.add.f32 [tilespmem:s24], [sflag:$0x2], $0x80, s26, s21, $0xb8;
	[tilespmem:$0x1E000] =	vst v63  }
0x406: {  	_ =	swait.ge [sflag:s14], $0x4000  }
0x407: {  	[sflag:s14] =	ssyncset.done $0x0  }
0x408: {  	[sflag:s14] =	ssyncadd.s32 $0xFFFFC000  }
0x409: {  	_ =	swait.ge [sflag:s20], $0x1000  }
0x40a: {  	[sflag:s20] =	ssyncset.done $0x0  }
0x40b: {  	s2 =	simm.s32 $0x0;
	[sflag:s20] =	ssyncadd.s32 $0xFFFFF000  }
0x40c: {  	v7 =	vld [tilespmem:s2+$0x2800];
	_ =	sdelay $0x4  }
0x40d: {  	s0 =	simm.s32 $0x3840;
	v8 =	vshll.u32 v7, $0x10  }
0x40e: {  	v7 =	vand.u32 $0xFFFF0000, v7;
	[tilespmem:s0+$0xFFFFFFC0] =	vst v8  }
0x40f: {  	[tilespmem:s0+$0xFFFFFFD0] =	vst v7  }
0x410: {  	v7 =	vld [tilespmem:s2+$0x2810];
	_ =	sdelay $0x4  }
0x411: {  	v8 =	vshll.u32 v7, $0x10  }
0x412: {  	v7 =	vand.u32 $0xFFFF0000, v7;
	[tilespmem:s0+$0xFFFFFFE0] =	vst v8  }
0x413: {  	[tilespmem:s0+$0xFFFFFFF0] =	vst v7  }
0x414: {  	v7 =	vld [tilespmem:s2+$0x2820];
	_ =	sdelay $0x4  }
0x415: {  	v8 =	vand.u32 $0xFFFF0000, v7  }
0x416: {  	v7 =	vshll.u32 v7, $0x10;
	[tilespmem:s0+$0x10] =	vst v8  }
0x417: {  	[tilespmem:s0+$0x0] =	vst v7  }
0x418: {  	v7 =	vld [tilespmem:s2+$0x2830];
	_ =	sdelay $0x4  }
0x419: {  	v8 =	vshll.u32 v7, $0x10  }
0x41a: {  	v7 =	vand.u32 $0xFFFF0000, v7;
	[tilespmem:s0+$0x20] =	vst v8  }
0x41b: {  	s31 =	simm.s32 $0x40;
	[tilespmem:s0+$0x30] =	vst v7  }
0x41c: {  	v7 =	vld [tilespmem:s31+$0x2800]  }
0x41d: {  	s2 =	simm.s32 $0x200  }
.LBB2_35:
0x41e: {  	p0 =	sne.s32 s2, $0x3F00;
	_ =	sdelay $0x2  }
0x41f: {  	s0 =	sadd.s32 $0x80, s0;
	v8 =	vshll.u32 v7, $0x10  }
0x420: {  	v7 =	vand.u32 $0xFFFF0000, v7;
	[tilespmem:s0+$0xFFFFFFC0] =	vst v8  }
0x421: {  	[tilespmem:s0+$0xFFFFFFD0] =	vst v7  }
0x422: {  	v7 =	vld [tilespmem:s31+$0x2810];
	_ =	sdelay $0x4  }
0x423: {  	v8 =	vshll.u32 v7, $0x10  }
0x424: {  	v7 =	vand.u32 $0xFFFF0000, v7;
	[tilespmem:s0+$0xFFFFFFE0] =	vst v8  }
0x425: {  	[tilespmem:s0+$0xFFFFFFF0] =	vst v7  }
0x426: {  	v7 =	vld [tilespmem:s31+$0x2820];
	_ =	sdelay $0x4  }
0x427: {  	v8 =	vshll.u32 v7, $0x10;
	v7 =	vand.u32 $0xFFFF0000, v7  }
0x428: {  	[tilespmem:s0+$0x10] =	vst v7  }
0x429: {  	[tilespmem:s0+$0x0] =	vst v8  }
0x42a: {  	v7 =	vld [tilespmem:s31+$0x2830];
	_ =	sdelay $0x4  }
.Ltmp16:
0x42b: {  	v8 =	vshll.u32 v7, $0x10;
	v7 =	vand.u32 $0xFFFF0000, v7;
	(pc) =	sbr.rel @p0 .LBB2_35-.Ltmp16, $4  }
0x42c: {  	[tilespmem:s0+$0x20] =	vst v8  }
0x42d: {  	s31 =	sshra.s32 s2, $0x2;
	[tilespmem:s0+$0x30] =	vst v7  }
0x42e: {  	v7 =	vld [tilespmem:s31+$0x2800]  }
0x42f: {  	s2 =	sadd.s32 $0x100, s2  }
0x430: {  	_ =	sdelay $0x2  }
0x431: {  	s0 =	sadd.s32 $0x80, s0;
	v8 =	vshll.u32 v7, $0x10  }
0x432: {  	v7 =	vand.u32 $0xFFFF0000, v7;
	[tilespmem:s0+$0xFFFFFFC0] =	vst v8  }
0x433: {  	[tilespmem:s0+$0xFFFFFFD0] =	vst v7  }
0x434: {  	v7 =	vld [tilespmem:s31+$0x2810];
	_ =	sdelay $0x4  }
0x435: {  	v8 =	vshll.u32 v7, $0x10  }
0x436: {  	v7 =	vand.u32 $0xFFFF0000, v7;
	[tilespmem:s0+$0xFFFFFFE0] =	vst v8  }
0x437: {  	[tilespmem:s0+$0xFFFFFFF0] =	vst v7  }
0x438: {  	v7 =	vld [tilespmem:s31+$0x2820];
	_ =	sdelay $0x4  }
0x439: {  	v8 =	vand.u32 $0xFFFF0000, v7  }
0x43a: {  	v7 =	vshll.u32 v7, $0x10;
	[tilespmem:s0+$0x10] =	vst v8  }
0x43b: {  	[tilespmem:s0+$0x0] =	vst v7  }
0x43c: {  	v7 =	vld [tilespmem:s31+$0x2830];
	_ =	sdelay $0x4  }
0x43d: {  	v8 =	vshll.u32 v7, $0x10  }
0x43e: {  	v7 =	vand.u32 $0xFFFF0000, v7;
	[tilespmem:s0+$0x20] =	vst v8  }
0x43f: {  	[tilespmem:s0+$0x30] =	vst v7  }
0x440: {  	_ =	swait.ge [sflag:s20], $0x1000  }
0x441: {  	[sflag:s20] =	ssyncset.done $0x0  }
0x442: {  	s2 =	simm.s32 $0x0;
	[sflag:s20] =	ssyncadd.s32 $0xFFFFF000  }
0x443: {  	v7 =	vld [tilespmem:s2+$0x800];
	_ =	sdelay $0x4  }
0x444: {  	s0 =	simm.s32 $0x5870;
	v8 =	vshll.u32 v7, $0x10  }
0x445: {  	v7 =	vand.u32 $0xFFFF0000, v7;
	[tilespmem:s0+$0xFFFFFF90] =	vst v8  }
0x446: {  	[tilespmem:s0+$0xFFFFFFA0] =	vst v7  }
0x447: {  	v7 =	vld [tilespmem:s2+$0x810];
	_ =	sdelay $0x4  }
0x448: {  	v8 =	vshll.u32 v7, $0x10  }
0x449: {  	v7 =	vand.u32 $0xFFFF0000, v7;
	[tilespmem:s0+$0xFFFFFFB0] =	vst v8  }
0x44a: {  	[tilespmem:s0+$0xFFFFFFC0] =	vst v7  }
0x44b: {  	v7 =	vld [tilespmem:s2+$0x820];
	_ =	sdelay $0x4  }
0x44c: {  	v8 =	vand.u32 $0xFFFF0000, v7  }
0x44d: {  	v7 =	vshll.u32 v7, $0x10;
	[tilespmem:s0+$0xFFFFFFE0] =	vst v8  }
0x44e: {  	[tilespmem:s0+$0xFFFFFFD0] =	vst v7  }
0x44f: {  	v7 =	vld [tilespmem:s2+$0x830];
	_ =	sdelay $0x4  }
0x450: {  	v8 =	vshll.u32 v7, $0x10  }
0x451: {  	v7 =	vand.u32 $0xFFFF0000, v7;
	[tilespmem:s0+$0xFFFFFFF0] =	vst v8  }
0x452: {  	s31 =	simm.s32 $0x40;
	[tilespmem:s0+$0x0] =	vst v7  }
0x453: {  	v7 =	vld [tilespmem:s31+$0x800]  }
0x454: {  	s2 =	simm.s32 $0x200  }
.LBB2_37:
0x455: {  	p0 =	sne.s32 s2, $0x3F00;
	_ =	sdelay $0x2  }
0x456: {  	s0 =	sadd.s32 $0x80, s0;
	v8 =	vshll.u32 v7, $0x10  }
0x457: {  	v7 =	vand.u32 $0xFFFF0000, v7;
	[tilespmem:s0+$0xFFFFFF90] =	vst v8  }
0x458: {  	[tilespmem:s0+$0xFFFFFFA0] =	vst v7  }
0x459: {  	v7 =	vld [tilespmem:s31+$0x810];
	_ =	sdelay $0x4  }
0x45a: {  	v8 =	vshll.u32 v7, $0x10  }
0x45b: {  	v7 =	vand.u32 $0xFFFF0000, v7;
	[tilespmem:s0+$0xFFFFFFB0] =	vst v8  }
0x45c: {  	[tilespmem:s0+$0xFFFFFFC0] =	vst v7  }
0x45d: {  	v7 =	vld [tilespmem:s31+$0x820];
	_ =	sdelay $0x4  }
0x45e: {  	v8 =	vshll.u32 v7, $0x10;
	v7 =	vand.u32 $0xFFFF0000, v7  }
0x45f: {  	[tilespmem:s0+$0xFFFFFFE0] =	vst v7  }
0x460: {  	[tilespmem:s0+$0xFFFFFFD0] =	vst v8  }
0x461: {  	v7 =	vld [tilespmem:s31+$0x830];
	_ =	sdelay $0x4  }
.Ltmp17:
0x462: {  	v8 =	vshll.u32 v7, $0x10;
	v7 =	vand.u32 $0xFFFF0000, v7;
	(pc) =	sbr.rel @p0 .LBB2_37-.Ltmp17, $4  }
0x463: {  	[tilespmem:s0+$0xFFFFFFF0] =	vst v8  }
0x464: {  	s31 =	sshra.s32 s2, $0x2;
	[tilespmem:s0+$0x0] =	vst v7  }
0x465: {  	v7 =	vld [tilespmem:s31+$0x800]  }
0x466: {  	s2 =	sadd.s32 $0x100, s2  }
0x467: {  	_ =	sdelay $0x2  }
0x468: {  	s0 =	sadd.s32 $0x80, s0;
	v8 =	vshll.u32 v7, $0x10  }
0x469: {  	v7 =	vand.u32 $0xFFFF0000, v7;
	[tilespmem:s0+$0xFFFFFF90] =	vst v8  }
0x46a: {  	[tilespmem:s0+$0xFFFFFFA0] =	vst v7  }
0x46b: {  	v7 =	vld [tilespmem:s31+$0x810];
	_ =	sdelay $0x4  }
0x46c: {  	v8 =	vshll.u32 v7, $0x10  }
0x46d: {  	v7 =	vand.u32 $0xFFFF0000, v7;
	[tilespmem:s0+$0xFFFFFFB0] =	vst v8  }
0x46e: {  	[tilespmem:s0+$0xFFFFFFC0] =	vst v7  }
0x46f: {  	v7 =	vld [tilespmem:s31+$0x820];
	_ =	sdelay $0x4  }
0x470: {  	v8 =	vand.u32 $0xFFFF0000, v7  }
0x471: {  	v7 =	vshll.u32 v7, $0x10;
	[tilespmem:s0+$0xFFFFFFE0] =	vst v8  }
0x472: {  	[tilespmem:s0+$0xFFFFFFD0] =	vst v7  }
0x473: {  	v7 =	vld [tilespmem:s31+$0x830];
	_ =	sdelay $0x4  }
0x474: {  	s30 =	sadd.s32 $0x1, s30;
	v8 =	vshll.u32 v7, $0x10  }
0x475: {  	p0 =	sne.s32 s30, $0xA;
	v7 =	vand.u32 $0xFFFF0000, v7;
	[tilespmem:s0+$0xFFFFFFF0] =	vst v8  }
.Ltmp18:
0x476: {  	[tilespmem:s0+$0x0] =	vst v7;
	(pc) =	sbr.rel @p0 .LBB2_4-.Ltmp18, $4  }
0x477: {  	[spmem:s3] =	stream.indirect.scatter.add.f32 [tilespmem:s24], [sflag:$0x2], $0x80, s28, s21, $0xb8;
	[tilespmem:$0x1E000] =	vst v63  }
0x478: {  	_ =	swait.ge [sflag:s14], $0x4000  }
0x479: {  	[sflag:s14] =	ssyncset.done $0x0  }
0x47a: {  	[sflag:s14] =	ssyncadd.s32 $0xFFFFC000  }
0x47b: {  	[bflag:$0x0] =	sbarrier.arrive $0xFFFF  }
0x47c: {  	s29 =	rddreg [dreg:$0x5]  }
0x47d: {  	s0 =	rddreg [dreg:$0x6]  }
0x47e: {  	s30 =	rddreg [dreg:$0x9]  }
0x47f: {  	[hbm:s0], [sflag:s29] =	dma.local [spmem:s30], $0x2800  }
0x480: {  	_ =	swait.ge [sflag:s14], $0x2800  }
0x481: {  	[sflag:s14] =	ssyncset.done $0x0  }
0x482: {  	s31 =	simm.s32 $0x0;
	s2 =	rddreg [dreg:$0x7];
	[sflag:s14] =	ssyncadd.s32 $0xFFFFD800  }
0x483: {  	[hbm4b:s2+s31] =	stream.linear.scatter [tilespmem:s16], [sflag:$0x2], $0x2800, $0x38;
	[tilespmem:$0x1E000] =	vst v63  }
0x484: {  	_ =	swait.ge [sflag:s14], $0x2800  }
0x485: {  	s0 =	rddreg [dreg:$0xa]  }
0x486: {  	s31 =	rddreg [dreg:$0x8];
	s2 =	sadd.s32 $0x1, s0  }
0x487: {  	p0 =	sne.s32 s2, s31  }
.Ltmp19:
0x488: {  	_ = 	snop;
	(pc) =	sbr.rel @p0 .LBB2_1-.Ltmp19, $3  }
0x489: {  	_ =	sdelay $0x1  }
0x48a: {  	[sflag:s14] =	ssyncset.done $0x0  }
0x48b: {  	[sflag:s14] =	ssyncadd.s32 $0xFFFFD800  }
0x48c: {  	_ =	sfence.sel $0x180000  }
0x48d: {  	[bflag:$0x0] =	sbarrier.arrive $0xFFFF  }
0x48e: {  	_ =	strace $0x90000047  }
0x48f: {  	s0 =	stileid.u32;
	[bflag:$0x2] =	sbarrier.arrive $0xFFFF  }
0x490: {  	p0 =	sne.s32 s0, $0x0;
	s0 =	rddreg [dreg:$0x3]  }
0x491: {  	s0 =	sadd.s32 @!p0 $0x100000, s0  }
0x492: {  	[sflag:s0] =	ssyncadd.tile.s32 @!p0 $0x1;
	_ =	shalt  }
.Lfunc_end2:
_tile_overlayer_lowered:
.L_overlay_start_2:
0x493: {  	(tag) =	ssettag $0x2  }
0x494: {  	s0 =	rddreg [dreg:$0x0];
	s2 =	stileid.u32  }
0x495: {  	s1 =	rddreg [dreg:$0x1];
	p0 =	sne.s32 s2, $0x0  }
0x496: {  	s3 =	rddreg [dreg:$0x2];
	[bflag:$0x3] =	sbarrier.arrive $0xFFFF;
	s2 =	simm.s32 @!p0 $0x1C02  }
0x497: {  	[timem:s3], [sflag:s2] =	dma.local @!p0 [hbm:s0], s1  }
0x498: {  	s0 =	simm.s32 @!p0 $0x2  }
0x499: {  	_ =	swait.ge @!p0 [sflag:s0], s1  }
0x49a: {  	s1 =	ssub.s32 @!p0 $0x0, s1;
	[sflag:s0] =	ssyncset.done @!p0 $0x0  }
0x49b: {  	[sflag:s0] =	ssyncadd.s32 @!p0 s1  }
0x49c: {  	[bflag:$0x3] =	sbarrier.arrive $0xFFFF  }
0x49d: {  	_ =	shalt  }

</sc_bundles>
